<compile_context>
chip_gen: v7x
topology: tpu7x:2x2x1
jax: 0.10.2.dev20260603
libtpu: 0.0.44.dev20260713+nightly
codegen_flags: <defaults>
</compile_context>

<pallas_src>
import functools

import jax
import jax.numpy as jnp
from jax import lax
from jax.experimental import pallas as pl
from jax.experimental.pallas import tpu as pltpu
from jax.experimental.pallas import tpu_sc as plsc

B = 16384
DIM = 32
CHUNK = 128
PACK = 128 // DIM


def kernel(users, items, user_latent, item_latent, user_bias, item_bias):
    info = plsc.get_sparse_core_info()
    nc, ns = info.num_cores, info.num_subcores
    nw = nc * ns
    bpw = B // nw
    nchunk = bpw // CHUNK

    mesh = plsc.VectorSubcoreMesh(core_axis_name="c", subcore_axis_name="s")

    @functools.partial(
        pl.kernel,
        out_type=jax.ShapeDtypeStruct((B,), jnp.float32),
        mesh=mesh,
        compiler_params=pltpu.CompilerParams(needs_layout_passes=False,
                                             use_tc_tiling_on_sc=False),
        scratch_types=[
            pltpu.VMEM((nchunk, CHUNK), jnp.int32),
            pltpu.VMEM((nchunk, CHUNK), jnp.int32),
            pltpu.VMEM((nchunk, CHUNK), jnp.int32),
            pltpu.VMEM((nchunk, CHUNK), jnp.int32),
            pltpu.VMEM((2, CHUNK, 128), jnp.float32),
            pltpu.VMEM((2, CHUNK, 128), jnp.float32),
            pltpu.VMEM((bpw,), jnp.float32),
            pltpu.VMEM((bpw,), jnp.float32),
            pltpu.VMEM((bpw,), jnp.float32),
            pltpu.SemaphoreType.DMA,
            pltpu.SemaphoreType.DMA,
            pltpu.SemaphoreType.DMA,
        ],
    )
    def mf_kernel(users_hbm, items_hbm, ulp_hbm, ilp_hbm, ub_hbm, ib_hbm,
                  out_hbm, uidx_v, iidx_v, upr_v, ipr_v, urows_v, irows_v,
                  ub_v, ib_v, out_v, sem_b, sem0, sem1):
        wid = lax.axis_index("s") * nc + lax.axis_index("c")
        base = wid * bpw

        for j in range(nchunk):
            pltpu.sync_copy(users_hbm.at[pl.ds(base + j * CHUNK, CHUNK)],
                            uidx_v.at[j])
            pltpu.sync_copy(items_hbm.at[pl.ds(base + j * CHUNK, CHUNK)],
                            iidx_v.at[j])

        bias_copies = []
        for j in range(nchunk):
            sl = pl.ds(j * CHUNK, CHUNK)
            bias_copies.append(pltpu.async_copy(ub_hbm.at[uidx_v.at[j]],
                                                ub_v.at[sl], sem_b))
            bias_copies.append(pltpu.async_copy(ib_hbm.at[iidx_v.at[j]],
                                                ib_v.at[sl], sem_b))

        def pbody(k, carry):
            for j in range(nchunk):
                sl = pl.ds(k * 16, 16)
                upr_v[j, sl] = lax.shift_right_logical(uidx_v[j, sl], 2)
                ipr_v[j, sl] = lax.shift_right_logical(iidx_v[j, sl], 2)
            return carry

        lax.fori_loop(0, CHUNK // 16, pbody, 0)

        sems = (sem0, sem1)

        def fire(j, buf):
            pltpu.async_copy(ulp_hbm.at[upr_v.at[j]], urows_v.at[buf],
                             sems[buf])
            pltpu.async_copy(ilp_hbm.at[ipr_v.at[j]], irows_v.at[buf],
                             sems[buf])

        def drain(j, buf):
            pltpu.make_async_copy(ulp_hbm.at[upr_v.at[j]], urows_v.at[buf],
                                  sems[buf]).wait()
            pltpu.make_async_copy(ilp_hbm.at[ipr_v.at[j]], irows_v.at[buf],
                                  sems[buf]).wait()

        fire(0, 0)
        for c in bias_copies:
            c.wait()

        lane16 = lax.iota(jnp.int32, 16)

        def make_cbody(j, buf):
            def cbody(g, carry):
                s = g * 16
                un = uidx_v[j, pl.ds(s, 16)]
                im = iidx_v[j, pl.ds(s, 16)]
                urow = s + lane16
                ucol = lax.shift_left(un & 3, 5)
                icol = lax.shift_left(im & 3, 5)
                acc = (ub_v[pl.ds(j * CHUNK + s, 16)]
                       + ib_v[pl.ds(j * CHUNK + s, 16)])
                for d in range(DIM):
                    acc = acc + (plsc.load_gather(urows_v.at[buf],
                                                  [urow, ucol + d])
                                 * plsc.load_gather(irows_v.at[buf],
                                                    [urow, icol + d]))
                out_v[pl.ds(j * CHUNK + s, 16)] = acc
                return carry
            return cbody

        for j in range(nchunk):
            buf = j % 2
            if j + 1 < nchunk:
                fire(j + 1, 1 - buf)
            drain(j, buf)
            lax.fori_loop(0, CHUNK // 16, make_cbody(j, buf), 0)

        pltpu.sync_copy(out_v, out_hbm.at[pl.ds(base, bpw)])

    ulp = user_latent.reshape(user_latent.shape[0] // PACK, 128)
    ilp = item_latent.reshape(item_latent.shape[0] // PACK, 128)
    return mf_kernel(users, items, ulp, ilp,
                     user_bias.T.reshape(-1), item_bias.T.reshape(-1))

# --- scband reference (transcript-rebuilt; emitter-appended) ---
"""Pipeline reference for scband-mf-ips-7224134992370 (READ-ONLY COPY).

The authoritative reference and input builder live on the scoring server;
editing this copy changes nothing except your own understanding.
"""

import jax, jax.numpy as jnp
import numpy as np

N_USER = 1000000
N_ITEM = 1000000
DIM = 32
BATCH = 16384


def setup_inputs(seed: int = 0) -> dict:
    key = jax.random.key(seed)
    k1, k2, k3, k4, k5, k6 = jax.random.split(key, 6)
    users = jax.random.randint(k1, (BATCH,), 0, N_USER, dtype=jnp.int64 if jax.config.jax_enable_x64 else jnp.int32)
    items = jax.random.randint(k2, (BATCH,), 0, N_ITEM, dtype=jnp.int64 if jax.config.jax_enable_x64 else jnp.int32)
    # kaiming_normal_(mode='fan_out') on [num_embeddings, dim] -> std = sqrt(2/dim)
    user_latent = jax.random.normal(k3, (N_USER, DIM), dtype=jnp.float32) * np.sqrt(2.0 / DIM)
    item_latent = jax.random.normal(k4, (N_ITEM, DIM), dtype=jnp.float32) * np.sqrt(2.0 / DIM)
    user_bias = jax.random.normal(k5, (N_USER, 1), dtype=jnp.float32) * np.sqrt(2.0 / 1.0)
    item_bias = jax.random.normal(k6, (N_ITEM, 1), dtype=jnp.float32) * np.sqrt(2.0 / 1.0)
    return {
        "users": users,
        "items": items,
        "user_latent": user_latent,
        "item_latent": item_latent,
        "user_bias": user_bias,
        "item_bias": item_bias,
    }


def reference(users, items, user_latent, item_latent, user_bias, item_bias):
    # dropout p=0 -> identity
    u_lat = jnp.take(user_latent, users, axis=0)
    i_lat = jnp.take(item_latent, items, axis=0)
    u_b = jnp.take(user_bias, users, axis=0)
    i_b = jnp.take(item_bias, items, axis=0)
    preds = jnp.sum(u_lat * i_lat, axis=1, keepdims=True) + u_b + i_b
    return jnp.squeeze(preds, axis=-1)

if __name__ == "__main__":
    import jax
    _d = setup_inputs()
    print(jax.jit(kernel)(*tuple(_d.values())))

</pallas_src>

<mosaic_0001>
#map = affine_map<(d0, d1) -> (0)>
#map1 = affine_map<(d0, d1) -> (0, 0)>
module attributes {stable_mosaic.version = 14 : i64} {
  func.func @mf_kernel(%arg0: i32, %arg1: i32, %arg2: memref<16384xi32, #tpu.memory_space<hbm>>, %arg3: memref<16384xi32, #tpu.memory_space<hbm>>, %arg4: memref<250000x128xf32, #tpu.memory_space<hbm>>, %arg5: memref<250000x128xf32, #tpu.memory_space<hbm>>, %arg6: memref<1000000xf32, #tpu.memory_space<hbm>>, %arg7: memref<1000000xf32, #tpu.memory_space<hbm>>, %arg8: memref<16384xf32, #tpu.memory_space<hbm>>, %arg9: memref<4x128xi32, #tpu.memory_space<vmem>>, %arg10: memref<4x128xi32, #tpu.memory_space<vmem>>, %arg11: memref<4x128xi32, #tpu.memory_space<vmem>>, %arg12: memref<4x128xi32, #tpu.memory_space<vmem>>, %arg13: memref<2x128x128xf32, #tpu.memory_space<vmem>>, %arg14: memref<2x128x128xf32, #tpu.memory_space<vmem>>, %arg15: memref<512xf32, #tpu.memory_space<vmem>>, %arg16: memref<512xf32, #tpu.memory_space<vmem>>, %arg17: memref<512xf32, #tpu.memory_space<vmem>>, %arg18: memref<!tpu.dma_semaphore, #tpu.memory_space<semaphore_mem>>, %arg19: memref<!tpu.dma_semaphore, #tpu.memory_space<semaphore_mem>>, %arg20: memref<!tpu.dma_semaphore, #tpu.memory_space<semaphore_mem>>) attributes {dimension_semantics = [#tpu.dimension_semantics<core_parallel>, #tpu.dimension_semantics<subcore_parallel>], iteration_bounds = array<i64: 2, 16>, scalar_prefetch = 0 : i64, scratch_operands = 12 : i64, tpu.core_type = #tpu.core_type<sc_vector_subcore>, window_params = [{transform_indices = #map}, {transform_indices = #map}, {transform_indices = #map1}, {transform_indices = #map1}, {transform_indices = #map}, {transform_indices = #map}, {transform_indices = #map}]} {
    %mul3A = arith.constant 2 : i32
    %mul3A_0 = arith.muli %arg1, %mul3A : i32
    %add3A = arith.addi %mul3A_0, %arg0 : i32
    %mul3A_1 = arith.constant 512 : i32
    %mul3A_2 = arith.muli %add3A, %mul3A_1 : i32
    %add3A_3 = arith.constant 0 : i32
    %add3A_4 = arith.addi %mul3A_2, %add3A_3 : i32
    %run_scoped3A = arith.constant 0 : i32
    "tpu.region"() ({
      %run_scoped3A_373 = tpu.sem_alloc : memref<!tpu.dma_semaphore, #tpu.memory_space<semaphore_mem>>
      %dma_start3A_374 = arith.constant 0 : i32
      %dma_start3A_375 = tpu.memref_slice %arg9[%run_scoped3A, %dma_start3A_374] : memref<4x128xi32, #tpu.memory_space<vmem>> -> memref<1x128xi32, #tpu.memory_space<vmem>>
      %dma_start3A_376 = tpu.memref_squeeze %dma_start3A_375 : memref<1x128xi32, #tpu.memory_space<vmem>> -> memref<128xi32, #tpu.memory_space<vmem>>
      %dma_start3A_377 = tpu.memref_slice %arg2[%add3A_4] : memref<16384xi32, #tpu.memory_space<hbm>> -> memref<128xi32, #tpu.memory_space<hbm>>
      %dma_start3A_378 = arith.constant 0 : i32
      %dma_start3A_379 = tpu.memref_slice %arg9[%run_scoped3A, %dma_start3A_378] : memref<4x128xi32, #tpu.memory_space<vmem>> -> memref<1x128xi32, #tpu.memory_space<vmem>>
      %dma_start3A_380 = tpu.memref_squeeze %dma_start3A_379 : memref<1x128xi32, #tpu.memory_space<vmem>> -> memref<128xi32, #tpu.memory_space<vmem>>
      %dma_start3A_381 = tpu.memref_slice %arg2[%add3A_4] : memref<16384xi32, #tpu.memory_space<hbm>> -> memref<128xi32, #tpu.memory_space<hbm>>
      tpu.enqueue_dma source(%dma_start3A_381 : memref<128xi32, #tpu.memory_space<hbm>>) target(%dma_start3A_380 : memref<128xi32, #tpu.memory_space<vmem>>) target_semaphore(%run_scoped3A_373 : memref<!tpu.dma_semaphore, #tpu.memory_space<semaphore_mem>>)
      %dma_wait3A_382 = arith.constant 0 : i32
      %dma_wait3A_383 = tpu.memref_slice %arg9[%run_scoped3A, %dma_wait3A_382] : memref<4x128xi32, #tpu.memory_space<vmem>> -> memref<1x128xi32, #tpu.memory_space<vmem>>
      %dma_wait3A_384 = tpu.memref_squeeze %dma_wait3A_383 : memref<1x128xi32, #tpu.memory_space<vmem>> -> memref<128xi32, #tpu.memory_space<vmem>>
      %dma_wait3A_385 = tpu.memref_slice %arg2[%add3A_4] : memref<16384xi32, #tpu.memory_space<hbm>> -> memref<128xi32, #tpu.memory_space<hbm>>
      %dma_wait3A_386 = arith.constant 0 : i32
      %dma_wait3A_387 = tpu.memref_slice %arg9[%run_scoped3A, %dma_wait3A_386] : memref<4x128xi32, #tpu.memory_space<vmem>> -> memref<1x128xi32, #tpu.memory_space<vmem>>
      %dma_wait3A_388 = tpu.memref_squeeze %dma_wait3A_387 : memref<1x128xi32, #tpu.memory_space<vmem>> -> memref<128xi32, #tpu.memory_space<vmem>>
      %dma_wait3A_389 = tpu.memref_slice %arg2[%add3A_4] : memref<16384xi32, #tpu.memory_space<hbm>> -> memref<128xi32, #tpu.memory_space<hbm>>
      tpu.wait_dma2 semaphore(%run_scoped3A_373 : memref<!tpu.dma_semaphore, #tpu.memory_space<semaphore_mem>>) src(%dma_wait3A_389 : memref<128xi32, #tpu.memory_space<hbm>>) dst(%dma_wait3A_388 : memref<128xi32, #tpu.memory_space<vmem>>)
      tpu.yield
    }) : () -> ()
    %add3A_5 = arith.constant 0 : i32
    %add3A_6 = arith.addi %mul3A_2, %add3A_5 : i32
    %run_scoped3A_7 = arith.constant 0 : i32
    "tpu.region"() ({
      %run_scoped3A_373 = tpu.sem_alloc : memref<!tpu.dma_semaphore, #tpu.memory_space<semaphore_mem>>
      %dma_start3A_374 = arith.constant 0 : i32
      %dma_start3A_375 = tpu.memref_slice %arg10[%run_scoped3A_7, %dma_start3A_374] : memref<4x128xi32, #tpu.memory_space<vmem>> -> memref<1x128xi32, #tpu.memory_space<vmem>>
      %dma_start3A_376 = tpu.memref_squeeze %dma_start3A_375 : memref<1x128xi32, #tpu.memory_space<vmem>> -> memref<128xi32, #tpu.memory_space<vmem>>
      %dma_start3A_377 = tpu.memref_slice %arg3[%add3A_6] : memref<16384xi32, #tpu.memory_space<hbm>> -> memref<128xi32, #tpu.memory_space<hbm>>
      %dma_start3A_378 = arith.constant 0 : i32
      %dma_start3A_379 = tpu.memref_slice %arg10[%run_scoped3A_7, %dma_start3A_378] : memref<4x128xi32, #tpu.memory_space<vmem>> -> memref<1x128xi32, #tpu.memory_space<vmem>>
      %dma_start3A_380 = tpu.memref_squeeze %dma_start3A_379 : memref<1x128xi32, #tpu.memory_space<vmem>> -> memref<128xi32, #tpu.memory_space<vmem>>
      %dma_start3A_381 = tpu.memref_slice %arg3[%add3A_6] : memref<16384xi32, #tpu.memory_space<hbm>> -> memref<128xi32, #tpu.memory_space<hbm>>
      tpu.enqueue_dma source(%dma_start3A_381 : memref<128xi32, #tpu.memory_space<hbm>>) target(%dma_start3A_380 : memref<128xi32, #tpu.memory_space<vmem>>) target_semaphore(%run_scoped3A_373 : memref<!tpu.dma_semaphore, #tpu.memory_space<semaphore_mem>>)
      %dma_wait3A_382 = arith.constant 0 : i32
      %dma_wait3A_383 = tpu.memref_slice %arg10[%run_scoped3A_7, %dma_wait3A_382] : memref<4x128xi32, #tpu.memory_space<vmem>> -> memref<1x128xi32, #tpu.memory_space<vmem>>
      %dma_wait3A_384 = tpu.memref_squeeze %dma_wait3A_383 : memref<1x128xi32, #tpu.memory_space<vmem>> -> memref<128xi32, #tpu.memory_space<vmem>>
      %dma_wait3A_385 = tpu.memref_slice %arg3[%add3A_6] : memref<16384xi32, #tpu.memory_space<hbm>> -> memref<128xi32, #tpu.memory_space<hbm>>
      %dma_wait3A_386 = arith.constant 0 : i32
      %dma_wait3A_387 = tpu.memref_slice %arg10[%run_scoped3A_7, %dma_wait3A_386] : memref<4x128xi32, #tpu.memory_space<vmem>> -> memref<1x128xi32, #tpu.memory_space<vmem>>
      %dma_wait3A_388 = tpu.memref_squeeze %dma_wait3A_387 : memref<1x128xi32, #tpu.memory_space<vmem>> -> memref<128xi32, #tpu.memory_space<vmem>>
      %dma_wait3A_389 = tpu.memref_slice %arg3[%add3A_6] : memref<16384xi32, #tpu.memory_space<hbm>> -> memref<128xi32, #tpu.memory_space<hbm>>
      tpu.wait_dma2 semaphore(%run_scoped3A_373 : memref<!tpu.dma_semaphore, #tpu.memory_space<semaphore_mem>>) src(%dma_wait3A_389 : memref<128xi32, #tpu.memory_space<hbm>>) dst(%dma_wait3A_388 : memref<128xi32, #tpu.memory_space<vmem>>)
      tpu.yield
    }) : () -> ()
    %add3A_8 = arith.constant 128 : i32
    %add3A_9 = arith.addi %mul3A_2, %add3A_8 : i32
    %run_scoped3A_10 = arith.constant 1 : i32
    "tpu.region"() ({
      %run_scoped3A_373 = tpu.sem_alloc : memref<!tpu.dma_semaphore, #tpu.memory_space<semaphore_mem>>
      %dma_start3A_374 = arith.constant 0 : i32
      %dma_start3A_375 = tpu.memref_slice %arg9[%run_scoped3A_10, %dma_start3A_374] : memref<4x128xi32, #tpu.memory_space<vmem>> -> memref<1x128xi32, #tpu.memory_space<vmem>>
      %dma_start3A_376 = tpu.memref_squeeze %dma_start3A_375 : memref<1x128xi32, #tpu.memory_space<vmem>> -> memref<128xi32, #tpu.memory_space<vmem>>
      %dma_start3A_377 = tpu.memref_slice %arg2[%add3A_9] : memref<16384xi32, #tpu.memory_space<hbm>> -> memref<128xi32, #tpu.memory_space<hbm>>
      %dma_start3A_378 = arith.constant 0 : i32
      %dma_start3A_379 = tpu.memref_slice %arg9[%run_scoped3A_10, %dma_start3A_378] : memref<4x128xi32, #tpu.memory_space<vmem>> -> memref<1x128xi32, #tpu.memory_space<vmem>>
      %dma_start3A_380 = tpu.memref_squeeze %dma_start3A_379 : memref<1x128xi32, #tpu.memory_space<vmem>> -> memref<128xi32, #tpu.memory_space<vmem>>
      %dma_start3A_381 = tpu.memref_slice %arg2[%add3A_9] : memref<16384xi32, #tpu.memory_space<hbm>> -> memref<128xi32, #tpu.memory_space<hbm>>
      tpu.enqueue_dma source(%dma_start3A_381 : memref<128xi32, #tpu.memory_space<hbm>>) target(%dma_start3A_380 : memref<128xi32, #tpu.memory_space<vmem>>) target_semaphore(%run_scoped3A_373 : memref<!tpu.dma_semaphore, #tpu.memory_space<semaphore_mem>>)
      %dma_wait3A_382 = arith.constant 0 : i32
      %dma_wait3A_383 = tpu.memref_slice %arg9[%run_scoped3A_10, %dma_wait3A_382] : memref<4x128xi32, #tpu.memory_space<vmem>> -> memref<1x128xi32, #tpu.memory_space<vmem>>
      %dma_wait3A_384 = tpu.memref_squeeze %dma_wait3A_383 : memref<1x128xi32, #tpu.memory_space<vmem>> -> memref<128xi32, #tpu.memory_space<vmem>>
      %dma_wait3A_385 = tpu.memref_slice %arg2[%add3A_9] : memref<16384xi32, #tpu.memory_space<hbm>> -> memref<128xi32, #tpu.memory_space<hbm>>
      %dma_wait3A_386 = arith.constant 0 : i32
      %dma_wait3A_387 = tpu.memref_slice %arg9[%run_scoped3A_10, %dma_wait3A_386] : memref<4x128xi32, #tpu.memory_space<vmem>> -> memref<1x128xi32, #tpu.memory_space<vmem>>
      %dma_wait3A_388 = tpu.memref_squeeze %dma_wait3A_387 : memref<1x128xi32, #tpu.memory_space<vmem>> -> memref<128xi32, #tpu.memory_space<vmem>>
      %dma_wait3A_389 = tpu.memref_slice %arg2[%add3A_9] : memref<16384xi32, #tpu.memory_space<hbm>> -> memref<128xi32, #tpu.memory_space<hbm>>
      tpu.wait_dma2 semaphore(%run_scoped3A_373 : memref<!tpu.dma_semaphore, #tpu.memory_space<semaphore_mem>>) src(%dma_wait3A_389 : memref<128xi32, #tpu.memory_space<hbm>>) dst(%dma_wait3A_388 : memref<128xi32, #tpu.memory_space<vmem>>)
      tpu.yield
    }) : () -> ()
    %add3A_11 = arith.constant 128 : i32
    %add3A_12 = arith.addi %mul3A_2, %add3A_11 : i32
    %run_scoped3A_13 = arith.constant 1 : i32
    "tpu.region"() ({
      %run_scoped3A_373 = tpu.sem_alloc : memref<!tpu.dma_semaphore, #tpu.memory_space<semaphore_mem>>
      %dma_start3A_374 = arith.constant 0 : i32
      %dma_start3A_375 = tpu.memref_slice %arg10[%run_scoped3A_13, %dma_start3A_374] : memref<4x128xi32, #tpu.memory_space<vmem>> -> memref<1x128xi32, #tpu.memory_space<vmem>>
      %dma_start3A_376 = tpu.memref_squeeze %dma_start3A_375 : memref<1x128xi32, #tpu.memory_space<vmem>> -> memref<128xi32, #tpu.memory_space<vmem>>
      %dma_start3A_377 = tpu.memref_slice %arg3[%add3A_12] : memref<16384xi32, #tpu.memory_space<hbm>> -> memref<128xi32, #tpu.memory_space<hbm>>
      %dma_start3A_378 = arith.constant 0 : i32
      %dma_start3A_379 = tpu.memref_slice %arg10[%run_scoped3A_13, %dma_start3A_378] : memref<4x128xi32, #tpu.memory_space<vmem>> -> memref<1x128xi32, #tpu.memory_space<vmem>>
      %dma_start3A_380 = tpu.memref_squeeze %dma_start3A_379 : memref<1x128xi32, #tpu.memory_space<vmem>> -> memref<128xi32, #tpu.memory_space<vmem>>
      %dma_start3A_381 = tpu.memref_slice %arg3[%add3A_12] : memref<16384xi32, #tpu.memory_space<hbm>> -> memref<128xi32, #tpu.memory_space<hbm>>
      tpu.enqueue_dma source(%dma_start3A_381 : memref<128xi32, #tpu.memory_space<hbm>>) target(%dma_start3A_380 : memref<128xi32, #tpu.memory_space<vmem>>) target_semaphore(%run_scoped3A_373 : memref<!tpu.dma_semaphore, #tpu.memory_space<semaphore_mem>>)
      %dma_wait3A_382 = arith.constant 0 : i32
      %dma_wait3A_383 = tpu.memref_slice %arg10[%run_scoped3A_13, %dma_wait3A_382] : memref<4x128xi32, #tpu.memory_space<vmem>> -> memref<1x128xi32, #tpu.memory_space<vmem>>
      %dma_wait3A_384 = tpu.memref_squeeze %dma_wait3A_383 : memref<1x128xi32, #tpu.memory_space<vmem>> -> memref<128xi32, #tpu.memory_space<vmem>>
      %dma_wait3A_385 = tpu.memref_slice %arg3[%add3A_12] : memref<16384xi32, #tpu.memory_space<hbm>> -> memref<128xi32, #tpu.memory_space<hbm>>
      %dma_wait3A_386 = arith.constant 0 : i32
      %dma_wait3A_387 = tpu.memref_slice %arg10[%run_scoped3A_13, %dma_wait3A_386] : memref<4x128xi32, #tpu.memory_space<vmem>> -> memref<1x128xi32, #tpu.memory_space<vmem>>
      %dma_wait3A_388 = tpu.memref_squeeze %dma_wait3A_387 : memref<1x128xi32, #tpu.memory_space<vmem>> -> memref<128xi32, #tpu.memory_space<vmem>>
      %dma_wait3A_389 = tpu.memref_slice %arg3[%add3A_12] : memref<16384xi32, #tpu.memory_space<hbm>> -> memref<128xi32, #tpu.memory_space<hbm>>
      tpu.wait_dma2 semaphore(%run_scoped3A_373 : memref<!tpu.dma_semaphore, #tpu.memory_space<semaphore_mem>>) src(%dma_wait3A_389 : memref<128xi32, #tpu.memory_space<hbm>>) dst(%dma_wait3A_388 : memref<128xi32, #tpu.memory_space<vmem>>)
      tpu.yield
    }) : () -> ()
    %add3A_14 = arith.constant 256 : i32
    %add3A_15 = arith.addi %mul3A_2, %add3A_14 : i32
    %run_scoped3A_16 = arith.constant 2 : i32
    "tpu.region"() ({
      %run_scoped3A_373 = tpu.sem_alloc : memref<!tpu.dma_semaphore, #tpu.memory_space<semaphore_mem>>
      %dma_start3A_374 = arith.constant 0 : i32
      %dma_start3A_375 = tpu.memref_slice %arg9[%run_scoped3A_16, %dma_start3A_374] : memref<4x128xi32, #tpu.memory_space<vmem>> -> memref<1x128xi32, #tpu.memory_space<vmem>>
      %dma_start3A_376 = tpu.memref_squeeze %dma_start3A_375 : memref<1x128xi32, #tpu.memory_space<vmem>> -> memref<128xi32, #tpu.memory_space<vmem>>
      %dma_start3A_377 = tpu.memref_slice %arg2[%add3A_15] : memref<16384xi32, #tpu.memory_space<hbm>> -> memref<128xi32, #tpu.memory_space<hbm>>
      %dma_start3A_378 = arith.constant 0 : i32
      %dma_start3A_379 = tpu.memref_slice %arg9[%run_scoped3A_16, %dma_start3A_378] : memref<4x128xi32, #tpu.memory_space<vmem>> -> memref<1x128xi32, #tpu.memory_space<vmem>>
      %dma_start3A_380 = tpu.memref_squeeze %dma_start3A_379 : memref<1x128xi32, #tpu.memory_space<vmem>> -> memref<128xi32, #tpu.memory_space<vmem>>
      %dma_start3A_381 = tpu.memref_slice %arg2[%add3A_15] : memref<16384xi32, #tpu.memory_space<hbm>> -> memref<128xi32, #tpu.memory_space<hbm>>
      tpu.enqueue_dma source(%dma_start3A_381 : memref<128xi32, #tpu.memory_space<hbm>>) target(%dma_start3A_380 : memref<128xi32, #tpu.memory_space<vmem>>) target_semaphore(%run_scoped3A_373 : memref<!tpu.dma_semaphore, #tpu.memory_space<semaphore_mem>>)
      %dma_wait3A_382 = arith.constant 0 : i32
      %dma_wait3A_383 = tpu.memref_slice %arg9[%run_scoped3A_16, %dma_wait3A_382] : memref<4x128xi32, #tpu.memory_space<vmem>> -> memref<1x128xi32, #tpu.memory_space<vmem>>
      %dma_wait3A_384 = tpu.memref_squeeze %dma_wait3A_383 : memref<1x128xi32, #tpu.memory_space<vmem>> -> memref<128xi32, #tpu.memory_space<vmem>>
      %dma_wait3A_385 = tpu.memref_slice %arg2[%add3A_15] : memref<16384xi32, #tpu.memory_space<hbm>> -> memref<128xi32, #tpu.memory_space<hbm>>
      %dma_wait3A_386 = arith.constant 0 : i32
      %dma_wait3A_387 = tpu.memref_slice %arg9[%run_scoped3A_16, %dma_wait3A_386] : memref<4x128xi32, #tpu.memory_space<vmem>> -> memref<1x128xi32, #tpu.memory_space<vmem>>
      %dma_wait3A_388 = tpu.memref_squeeze %dma_wait3A_387 : memref<1x128xi32, #tpu.memory_space<vmem>> -> memref<128xi32, #tpu.memory_space<vmem>>
      %dma_wait3A_389 = tpu.memref_slice %arg2[%add3A_15] : memref<16384xi32, #tpu.memory_space<hbm>> -> memref<128xi32, #tpu.memory_space<hbm>>
      tpu.wait_dma2 semaphore(%run_scoped3A_373 : memref<!tpu.dma_semaphore, #tpu.memory_space<semaphore_mem>>) src(%dma_wait3A_389 : memref<128xi32, #tpu.memory_space<hbm>>) dst(%dma_wait3A_388 : memref<128xi32, #tpu.memory_space<vmem>>)
      tpu.yield
    }) : () -> ()
    %add3A_17 = arith.constant 256 : i32
    %add3A_18 = arith.addi %mul3A_2, %add3A_17 : i32
    %run_scoped3A_19 = arith.constant 2 : i32
    "tpu.region"() ({
      %run_scoped3A_373 = tpu.sem_alloc : memref<!tpu.dma_semaphore, #tpu.memory_space<semaphore_mem>>
      %dma_start3A_374 = arith.constant 0 : i32
      %dma_start3A_375 = tpu.memref_slice %arg10[%run_scoped3A_19, %dma_start3A_374] : memref<4x128xi32, #tpu.memory_space<vmem>> -> memref<1x128xi32, #tpu.memory_space<vmem>>
      %dma_start3A_376 = tpu.memref_squeeze %dma_start3A_375 : memref<1x128xi32, #tpu.memory_space<vmem>> -> memref<128xi32, #tpu.memory_space<vmem>>
      %dma_start3A_377 = tpu.memref_slice %arg3[%add3A_18] : memref<16384xi32, #tpu.memory_space<hbm>> -> memref<128xi32, #tpu.memory_space<hbm>>
      %dma_start3A_378 = arith.constant 0 : i32
      %dma_start3A_379 = tpu.memref_slice %arg10[%run_scoped3A_19, %dma_start3A_378] : memref<4x128xi32, #tpu.memory_space<vmem>> -> memref<1x128xi32, #tpu.memory_space<vmem>>
      %dma_start3A_380 = tpu.memref_squeeze %dma_start3A_379 : memref<1x128xi32, #tpu.memory_space<vmem>> -> memref<128xi32, #tpu.memory_space<vmem>>
      %dma_start3A_381 = tpu.memref_slice %arg3[%add3A_18] : memref<16384xi32, #tpu.memory_space<hbm>> -> memref<128xi32, #tpu.memory_space<hbm>>
      tpu.enqueue_dma source(%dma_start3A_381 : memref<128xi32, #tpu.memory_space<hbm>>) target(%dma_start3A_380 : memref<128xi32, #tpu.memory_space<vmem>>) target_semaphore(%run_scoped3A_373 : memref<!tpu.dma_semaphore, #tpu.memory_space<semaphore_mem>>)
      %dma_wait3A_382 = arith.constant 0 : i32
      %dma_wait3A_383 = tpu.memref_slice %arg10[%run_scoped3A_19, %dma_wait3A_382] : memref<4x128xi32, #tpu.memory_space<vmem>> -> memref<1x128xi32, #tpu.memory_space<vmem>>
      %dma_wait3A_384 = tpu.memref_squeeze %dma_wait3A_383 : memref<1x128xi32, #tpu.memory_space<vmem>> -> memref<128xi32, #tpu.memory_space<vmem>>
      %dma_wait3A_385 = tpu.memref_slice %arg3[%add3A_18] : memref<16384xi32, #tpu.memory_space<hbm>> -> memref<128xi32, #tpu.memory_space<hbm>>
      %dma_wait3A_386 = arith.constant 0 : i32
      %dma_wait3A_387 = tpu.memref_slice %arg10[%run_scoped3A_19, %dma_wait3A_386] : memref<4x128xi32, #tpu.memory_space<vmem>> -> memref<1x128xi32, #tpu.memory_space<vmem>>
      %dma_wait3A_388 = tpu.memref_squeeze %dma_wait3A_387 : memref<1x128xi32, #tpu.memory_space<vmem>> -> memref<128xi32, #tpu.memory_space<vmem>>
      %dma_wait3A_389 = tpu.memref_slice %arg3[%add3A_18] : memref<16384xi32, #tpu.memory_space<hbm>> -> memref<128xi32, #tpu.memory_space<hbm>>
      tpu.wait_dma2 semaphore(%run_scoped3A_373 : memref<!tpu.dma_semaphore, #tpu.memory_space<semaphore_mem>>) src(%dma_wait3A_389 : memref<128xi32, #tpu.memory_space<hbm>>) dst(%dma_wait3A_388 : memref<128xi32, #tpu.memory_space<vmem>>)
      tpu.yield
    }) : () -> ()
    %add3A_20 = arith.constant 384 : i32
    %add3A_21 = arith.addi %mul3A_2, %add3A_20 : i32
    %run_scoped3A_22 = arith.constant 3 : i32
    "tpu.region"() ({
      %run_scoped3A_373 = tpu.sem_alloc : memref<!tpu.dma_semaphore, #tpu.memory_space<semaphore_mem>>
      %dma_start3A_374 = arith.constant 0 : i32
      %dma_start3A_375 = tpu.memref_slice %arg9[%run_scoped3A_22, %dma_start3A_374] : memref<4x128xi32, #tpu.memory_space<vmem>> -> memref<1x128xi32, #tpu.memory_space<vmem>>
      %dma_start3A_376 = tpu.memref_squeeze %dma_start3A_375 : memref<1x128xi32, #tpu.memory_space<vmem>> -> memref<128xi32, #tpu.memory_space<vmem>>
      %dma_start3A_377 = tpu.memref_slice %arg2[%add3A_21] : memref<16384xi32, #tpu.memory_space<hbm>> -> memref<128xi32, #tpu.memory_space<hbm>>
      %dma_start3A_378 = arith.constant 0 : i32
      %dma_start3A_379 = tpu.memref_slice %arg9[%run_scoped3A_22, %dma_start3A_378] : memref<4x128xi32, #tpu.memory_space<vmem>> -> memref<1x128xi32, #tpu.memory_space<vmem>>
      %dma_start3A_380 = tpu.memref_squeeze %dma_start3A_379 : memref<1x128xi32, #tpu.memory_space<vmem>> -> memref<128xi32, #tpu.memory_space<vmem>>
      %dma_start3A_381 = tpu.memref_slice %arg2[%add3A_21] : memref<16384xi32, #tpu.memory_space<hbm>> -> memref<128xi32, #tpu.memory_space<hbm>>
      tpu.enqueue_dma source(%dma_start3A_381 : memref<128xi32, #tpu.memory_space<hbm>>) target(%dma_start3A_380 : memref<128xi32, #tpu.memory_space<vmem>>) target_semaphore(%run_scoped3A_373 : memref<!tpu.dma_semaphore, #tpu.memory_space<semaphore_mem>>)
      %dma_wait3A_382 = arith.constant 0 : i32
      %dma_wait3A_383 = tpu.memref_slice %arg9[%run_scoped3A_22, %dma_wait3A_382] : memref<4x128xi32, #tpu.memory_space<vmem>> -> memref<1x128xi32, #tpu.memory_space<vmem>>
      %dma_wait3A_384 = tpu.memref_squeeze %dma_wait3A_383 : memref<1x128xi32, #tpu.memory_space<vmem>> -> memref<128xi32, #tpu.memory_space<vmem>>
      %dma_wait3A_385 = tpu.memref_slice %arg2[%add3A_21] : memref<16384xi32, #tpu.memory_space<hbm>> -> memref<128xi32, #tpu.memory_space<hbm>>
      %dma_wait3A_386 = arith.constant 0 : i32
      %dma_wait3A_387 = tpu.memref_slice %arg9[%run_scoped3A_22, %dma_wait3A_386] : memref<4x128xi32, #tpu.memory_space<vmem>> -> memref<1x128xi32, #tpu.memory_space<vmem>>
      %dma_wait3A_388 = tpu.memref_squeeze %dma_wait3A_387 : memref<1x128xi32, #tpu.memory_space<vmem>> -> memref<128xi32, #tpu.memory_space<vmem>>
      %dma_wait3A_389 = tpu.memref_slice %arg2[%add3A_21] : memref<16384xi32, #tpu.memory_space<hbm>> -> memref<128xi32, #tpu.memory_space<hbm>>
      tpu.wait_dma2 semaphore(%run_scoped3A_373 : memref<!tpu.dma_semaphore, #tpu.memory_space<semaphore_mem>>) src(%dma_wait3A_389 : memref<128xi32, #tpu.memory_space<hbm>>) dst(%dma_wait3A_388 : memref<128xi32, #tpu.memory_space<vmem>>)
      tpu.yield
    }) : () -> ()
    %add3A_23 = arith.constant 384 : i32
    %add3A_24 = arith.addi %mul3A_2, %add3A_23 : i32
    %run_scoped3A_25 = arith.constant 3 : i32
    "tpu.region"() ({
      %run_scoped3A_373 = tpu.sem_alloc : memref<!tpu.dma_semaphore, #tpu.memory_space<semaphore_mem>>
      %dma_start3A_374 = arith.constant 0 : i32
      %dma_start3A_375 = tpu.memref_slice %arg10[%run_scoped3A_25, %dma_start3A_374] : memref<4x128xi32, #tpu.memory_space<vmem>> -> memref<1x128xi32, #tpu.memory_space<vmem>>
      %dma_start3A_376 = tpu.memref_squeeze %dma_start3A_375 : memref<1x128xi32, #tpu.memory_space<vmem>> -> memref<128xi32, #tpu.memory_space<vmem>>
      %dma_start3A_377 = tpu.memref_slice %arg3[%add3A_24] : memref<16384xi32, #tpu.memory_space<hbm>> -> memref<128xi32, #tpu.memory_space<hbm>>
      %dma_start3A_378 = arith.constant 0 : i32
      %dma_start3A_379 = tpu.memref_slice %arg10[%run_scoped3A_25, %dma_start3A_378] : memref<4x128xi32, #tpu.memory_space<vmem>> -> memref<1x128xi32, #tpu.memory_space<vmem>>
      %dma_start3A_380 = tpu.memref_squeeze %dma_start3A_379 : memref<1x128xi32, #tpu.memory_space<vmem>> -> memref<128xi32, #tpu.memory_space<vmem>>
      %dma_start3A_381 = tpu.memref_slice %arg3[%add3A_24] : memref<16384xi32, #tpu.memory_space<hbm>> -> memref<128xi32, #tpu.memory_space<hbm>>
      tpu.enqueue_dma source(%dma_start3A_381 : memref<128xi32, #tpu.memory_space<hbm>>) target(%dma_start3A_380 : memref<128xi32, #tpu.memory_space<vmem>>) target_semaphore(%run_scoped3A_373 : memref<!tpu.dma_semaphore, #tpu.memory_space<semaphore_mem>>)
      %dma_wait3A_382 = arith.constant 0 : i32
      %dma_wait3A_383 = tpu.memref_slice %arg10[%run_scoped3A_25, %dma_wait3A_382] : memref<4x128xi32, #tpu.memory_space<vmem>> -> memref<1x128xi32, #tpu.memory_space<vmem>>
      %dma_wait3A_384 = tpu.memref_squeeze %dma_wait3A_383 : memref<1x128xi32, #tpu.memory_space<vmem>> -> memref<128xi32, #tpu.memory_space<vmem>>
      %dma_wait3A_385 = tpu.memref_slice %arg3[%add3A_24] : memref<16384xi32, #tpu.memory_space<hbm>> -> memref<128xi32, #tpu.memory_space<hbm>>
      %dma_wait3A_386 = arith.constant 0 : i32
      %dma_wait3A_387 = tpu.memref_slice %arg10[%run_scoped3A_25, %dma_wait3A_386] : memref<4x128xi32, #tpu.memory_space<vmem>> -> memref<1x128xi32, #tpu.memory_space<vmem>>
      %dma_wait3A_388 = tpu.memref_squeeze %dma_wait3A_387 : memref<1x128xi32, #tpu.memory_space<vmem>> -> memref<128xi32, #tpu.memory_space<vmem>>
      %dma_wait3A_389 = tpu.memref_slice %arg3[%add3A_24] : memref<16384xi32, #tpu.memory_space<hbm>> -> memref<128xi32, #tpu.memory_space<hbm>>
      tpu.wait_dma2 semaphore(%run_scoped3A_373 : memref<!tpu.dma_semaphore, #tpu.memory_space<semaphore_mem>>) src(%dma_wait3A_389 : memref<128xi32, #tpu.memory_space<hbm>>) dst(%dma_wait3A_388 : memref<128xi32, #tpu.memory_space<vmem>>)
      tpu.yield
    }) : () -> ()
    %dma_start3A = arith.constant 0 : i32
    %dma_start3A_26 = arith.constant 0 : i32
    %dma_start3A_27 = tpu.memref_slice %arg15[%dma_start3A_26] : memref<512xf32, #tpu.memory_space<vmem>> -> memref<128xf32, #tpu.memory_space<vmem>>
    %dma_start3A_28 = arith.constant 0 : i32
    %dma_start3A_29 = tpu.memref_slice %arg9[%dma_start3A, %dma_start3A_28] : memref<4x128xi32, #tpu.memory_space<vmem>> -> memref<1x128xi32, #tpu.memory_space<vmem>>
    %dma_start3A_30 = tpu.memref_squeeze %dma_start3A_29 : memref<1x128xi32, #tpu.memory_space<vmem>> -> memref<128xi32, #tpu.memory_space<vmem>>
    %dma_start3A_31 = arith.constant 0 : i32
    %dma_start3A_32 = tpu.memref_slice %arg6[%dma_start3A_31] : memref<1000000xf32, #tpu.memory_space<hbm>> -> memref<1000000xf32, #tpu.memory_space<hbm>>
    tpu.enqueue_indirect_dma source(%dma_start3A_32 : memref<1000000xf32, #tpu.memory_space<hbm>>) target(%dma_start3A_27 : memref<128xf32, #tpu.memory_space<vmem>>) offsets(%dma_start3A_30 : memref<128xi32, #tpu.memory_space<vmem>>) semaphore(%arg18 : memref<!tpu.dma_semaphore, #tpu.memory_space<semaphore_mem>>)
    %dma_start3A_33 = arith.constant 0 : i32
    %dma_start3A_34 = arith.constant 0 : i32
    %dma_start3A_35 = tpu.memref_slice %arg16[%dma_start3A_34] : memref<512xf32, #tpu.memory_space<vmem>> -> memref<128xf32, #tpu.memory_space<vmem>>
    %dma_start3A_36 = arith.constant 0 : i32
    %dma_start3A_37 = tpu.memref_slice %arg10[%dma_start3A_33, %dma_start3A_36] : memref<4x128xi32, #tpu.memory_space<vmem>> -> memref<1x128xi32, #tpu.memory_space<vmem>>
    %dma_start3A_38 = tpu.memref_squeeze %dma_start3A_37 : memref<1x128xi32, #tpu.memory_space<vmem>> -> memref<128xi32, #tpu.memory_space<vmem>>
    %dma_start3A_39 = arith.constant 0 : i32
    %dma_start3A_40 = tpu.memref_slice %arg7[%dma_start3A_39] : memref<1000000xf32, #tpu.memory_space<hbm>> -> memref<1000000xf32, #tpu.memory_space<hbm>>
    tpu.enqueue_indirect_dma source(%dma_start3A_40 : memref<1000000xf32, #tpu.memory_space<hbm>>) target(%dma_start3A_35 : memref<128xf32, #tpu.memory_space<vmem>>) offsets(%dma_start3A_38 : memref<128xi32, #tpu.memory_space<vmem>>) semaphore(%arg18 : memref<!tpu.dma_semaphore, #tpu.memory_space<semaphore_mem>>)
    %dma_start3A_41 = arith.constant 1 : i32
    %dma_start3A_42 = arith.constant 128 : i32
    %dma_start3A_43 = tpu.memref_slice %arg15[%dma_start3A_42] : memref<512xf32, #tpu.memory_space<vmem>> -> memref<128xf32, #tpu.memory_space<vmem>>
    %dma_start3A_44 = arith.constant 0 : i32
    %dma_start3A_45 = tpu.memref_slice %arg9[%dma_start3A_41, %dma_start3A_44] : memref<4x128xi32, #tpu.memory_space<vmem>> -> memref<1x128xi32, #tpu.memory_space<vmem>>
    %dma_start3A_46 = tpu.memref_squeeze %dma_start3A_45 : memref<1x128xi32, #tpu.memory_space<vmem>> -> memref<128xi32, #tpu.memory_space<vmem>>
    %dma_start3A_47 = arith.constant 0 : i32
    %dma_start3A_48 = tpu.memref_slice %arg6[%dma_start3A_47] : memref<1000000xf32, #tpu.memory_space<hbm>> -> memref<1000000xf32, #tpu.memory_space<hbm>>
    tpu.enqueue_indirect_dma source(%dma_start3A_48 : memref<1000000xf32, #tpu.memory_space<hbm>>) target(%dma_start3A_43 : memref<128xf32, #tpu.memory_space<vmem>>) offsets(%dma_start3A_46 : memref<128xi32, #tpu.memory_space<vmem>>) semaphore(%arg18 : memref<!tpu.dma_semaphore, #tpu.memory_space<semaphore_mem>>)
    %dma_start3A_49 = arith.constant 1 : i32
    %dma_start3A_50 = arith.constant 128 : i32
    %dma_start3A_51 = tpu.memref_slice %arg16[%dma_start3A_50] : memref<512xf32, #tpu.memory_space<vmem>> -> memref<128xf32, #tpu.memory_space<vmem>>
    %dma_start3A_52 = arith.constant 0 : i32
    %dma_start3A_53 = tpu.memref_slice %arg10[%dma_start3A_49, %dma_start3A_52] : memref<4x128xi32, #tpu.memory_space<vmem>> -> memref<1x128xi32, #tpu.memory_space<vmem>>
    %dma_start3A_54 = tpu.memref_squeeze %dma_start3A_53 : memref<1x128xi32, #tpu.memory_space<vmem>> -> memref<128xi32, #tpu.memory_space<vmem>>
    %dma_start3A_55 = arith.constant 0 : i32
    %dma_start3A_56 = tpu.memref_slice %arg7[%dma_start3A_55] : memref<1000000xf32, #tpu.memory_space<hbm>> -> memref<1000000xf32, #tpu.memory_space<hbm>>
    tpu.enqueue_indirect_dma source(%dma_start3A_56 : memref<1000000xf32, #tpu.memory_space<hbm>>) target(%dma_start3A_51 : memref<128xf32, #tpu.memory_space<vmem>>) offsets(%dma_start3A_54 : memref<128xi32, #tpu.memory_space<vmem>>) semaphore(%arg18 : memref<!tpu.dma_semaphore, #tpu.memory_space<semaphore_mem>>)
    %dma_start3A_57 = arith.constant 2 : i32
    %dma_start3A_58 = arith.constant 256 : i32
    %dma_start3A_59 = tpu.memref_slice %arg15[%dma_start3A_58] : memref<512xf32, #tpu.memory_space<vmem>> -> memref<128xf32, #tpu.memory_space<vmem>>
    %dma_start3A_60 = arith.constant 0 : i32
    %dma_start3A_61 = tpu.memref_slice %arg9[%dma_start3A_57, %dma_start3A_60] : memref<4x128xi32, #tpu.memory_space<vmem>> -> memref<1x128xi32, #tpu.memory_space<vmem>>
    %dma_start3A_62 = tpu.memref_squeeze %dma_start3A_61 : memref<1x128xi32, #tpu.memory_space<vmem>> -> memref<128xi32, #tpu.memory_space<vmem>>
    %dma_start3A_63 = arith.constant 0 : i32
    %dma_start3A_64 = tpu.memref_slice %arg6[%dma_start3A_63] : memref<1000000xf32, #tpu.memory_space<hbm>> -> memref<1000000xf32, #tpu.memory_space<hbm>>
    tpu.enqueue_indirect_dma source(%dma_start3A_64 : memref<1000000xf32, #tpu.memory_space<hbm>>) target(%dma_start3A_59 : memref<128xf32, #tpu.memory_space<vmem>>) offsets(%dma_start3A_62 : memref<128xi32, #tpu.memory_space<vmem>>) semaphore(%arg18 : memref<!tpu.dma_semaphore, #tpu.memory_space<semaphore_mem>>)
    %dma_start3A_65 = arith.constant 2 : i32
    %dma_start3A_66 = arith.constant 256 : i32
    %dma_start3A_67 = tpu.memref_slice %arg16[%dma_start3A_66] : memref<512xf32, #tpu.memory_space<vmem>> -> memref<128xf32, #tpu.memory_space<vmem>>
    %dma_start3A_68 = arith.constant 0 : i32
    %dma_start3A_69 = tpu.memref_slice %arg10[%dma_start3A_65, %dma_start3A_68] : memref<4x128xi32, #tpu.memory_space<vmem>> -> memref<1x128xi32, #tpu.memory_space<vmem>>
    %dma_start3A_70 = tpu.memref_squeeze %dma_start3A_69 : memref<1x128xi32, #tpu.memory_space<vmem>> -> memref<128xi32, #tpu.memory_space<vmem>>
    %dma_start3A_71 = arith.constant 0 : i32
    %dma_start3A_72 = tpu.memref_slice %arg7[%dma_start3A_71] : memref<1000000xf32, #tpu.memory_space<hbm>> -> memref<1000000xf32, #tpu.memory_space<hbm>>
    tpu.enqueue_indirect_dma source(%dma_start3A_72 : memref<1000000xf32, #tpu.memory_space<hbm>>) target(%dma_start3A_67 : memref<128xf32, #tpu.memory_space<vmem>>) offsets(%dma_start3A_70 : memref<128xi32, #tpu.memory_space<vmem>>) semaphore(%arg18 : memref<!tpu.dma_semaphore, #tpu.memory_space<semaphore_mem>>)
    %dma_start3A_73 = arith.constant 3 : i32
    %dma_start3A_74 = arith.constant 384 : i32
    %dma_start3A_75 = tpu.memref_slice %arg15[%dma_start3A_74] : memref<512xf32, #tpu.memory_space<vmem>> -> memref<128xf32, #tpu.memory_space<vmem>>
    %dma_start3A_76 = arith.constant 0 : i32
    %dma_start3A_77 = tpu.memref_slice %arg9[%dma_start3A_73, %dma_start3A_76] : memref<4x128xi32, #tpu.memory_space<vmem>> -> memref<1x128xi32, #tpu.memory_space<vmem>>
    %dma_start3A_78 = tpu.memref_squeeze %dma_start3A_77 : memref<1x128xi32, #tpu.memory_space<vmem>> -> memref<128xi32, #tpu.memory_space<vmem>>
    %dma_start3A_79 = arith.constant 0 : i32
    %dma_start3A_80 = tpu.memref_slice %arg6[%dma_start3A_79] : memref<1000000xf32, #tpu.memory_space<hbm>> -> memref<1000000xf32, #tpu.memory_space<hbm>>
    tpu.enqueue_indirect_dma source(%dma_start3A_80 : memref<1000000xf32, #tpu.memory_space<hbm>>) target(%dma_start3A_75 : memref<128xf32, #tpu.memory_space<vmem>>) offsets(%dma_start3A_78 : memref<128xi32, #tpu.memory_space<vmem>>) semaphore(%arg18 : memref<!tpu.dma_semaphore, #tpu.memory_space<semaphore_mem>>)
    %dma_start3A_81 = arith.constant 3 : i32
    %dma_start3A_82 = arith.constant 384 : i32
    %dma_start3A_83 = tpu.memref_slice %arg16[%dma_start3A_82] : memref<512xf32, #tpu.memory_space<vmem>> -> memref<128xf32, #tpu.memory_space<vmem>>
    %dma_start3A_84 = arith.constant 0 : i32
    %dma_start3A_85 = tpu.memref_slice %arg10[%dma_start3A_81, %dma_start3A_84] : memref<4x128xi32, #tpu.memory_space<vmem>> -> memref<1x128xi32, #tpu.memory_space<vmem>>
    %dma_start3A_86 = tpu.memref_squeeze %dma_start3A_85 : memref<1x128xi32, #tpu.memory_space<vmem>> -> memref<128xi32, #tpu.memory_space<vmem>>
    %dma_start3A_87 = arith.constant 0 : i32
    %dma_start3A_88 = tpu.memref_slice %arg7[%dma_start3A_87] : memref<1000000xf32, #tpu.memory_space<hbm>> -> memref<1000000xf32, #tpu.memory_space<hbm>>
    tpu.enqueue_indirect_dma source(%dma_start3A_88 : memref<1000000xf32, #tpu.memory_space<hbm>>) target(%dma_start3A_83 : memref<128xf32, #tpu.memory_space<vmem>>) offsets(%dma_start3A_86 : memref<128xi32, #tpu.memory_space<vmem>>) semaphore(%arg18 : memref<!tpu.dma_semaphore, #tpu.memory_space<semaphore_mem>>)
    %scan3A = arith.constant 0 : i32
    %scan3A_89 = arith.constant 0 : i32
    %scan3A_90 = arith.constant 8 : i32
    %scan3A_91 = arith.addi %scan3A_89, %scan3A_90 : i32
    %scan3A_92 = arith.constant 1 : i32
    scf.for %scan3A_373 = %scan3A_89 to %scan3A_91 step %scan3A_92  : i32 {
      %mul3A_374 = arith.constant 16 : i32
      %mul3A_375 = arith.muli %scan3A_373, %mul3A_374 : i32
      %get3A = arith.constant 0 : i32
      %get3A_376 = arith.index_cast %get3A : i32 to index
      %get3A_377 = arith.index_cast %mul3A_375 : i32 to index
      %get3A_378 = tpu.vector_load %arg9[%get3A_376, %get3A_377] {strides = array<i32>} : memref<4x128xi32, #tpu.memory_space<vmem>>, vector<16xi32>,
      %shift_right_logical3A = arith.constant 2 : i32
      %shift_right_logical3A_379 = vector.broadcast %shift_right_logical3A : i32 to vector<16xi32>
      %shift_right_logical3A_380 = arith.shrui %get3A_378, %shift_right_logical3A_379 : vector<16xi32>
      %swap3A = arith.constant 0 : i32
      %swap3A_381 = arith.index_cast %swap3A : i32 to index
      %swap3A_382 = arith.index_cast %mul3A_375 : i32 to index
      %swap3A_383 = tpu.vector_load %arg11[%swap3A_381, %swap3A_382] {strides = array<i32>} : memref<4x128xi32, #tpu.memory_space<vmem>>, vector<16xi32>,
      tpu.vector_store %arg11[%swap3A_381, %swap3A_382], %shift_right_logical3A_380 {strides = array<i32>} : memref<4x128xi32, #tpu.memory_space<vmem>>, vector<16xi32>,
      %get3A_384 = arith.constant 0 : i32
      %get3A_385 = arith.index_cast %get3A_384 : i32 to index
      %get3A_386 = arith.index_cast %mul3A_375 : i32 to index
      %get3A_387 = tpu.vector_load %arg10[%get3A_385, %get3A_386] {strides = array<i32>} : memref<4x128xi32, #tpu.memory_space<vmem>>, vector<16xi32>,
      %shift_right_logical3A_388 = arith.constant 2 : i32
      %shift_right_logical3A_389 = vector.broadcast %shift_right_logical3A_388 : i32 to vector<16xi32>
      %shift_right_logical3A_390 = arith.shrui %get3A_387, %shift_right_logical3A_389 : vector<16xi32>
      %swap3A_391 = arith.constant 0 : i32
      %swap3A_392 = arith.index_cast %swap3A_391 : i32 to index
      %swap3A_393 = arith.index_cast %mul3A_375 : i32 to index
      %swap3A_394 = tpu.vector_load %arg12[%swap3A_392, %swap3A_393] {strides = array<i32>} : memref<4x128xi32, #tpu.memory_space<vmem>>, vector<16xi32>,
      tpu.vector_store %arg12[%swap3A_392, %swap3A_393], %shift_right_logical3A_390 {strides = array<i32>} : memref<4x128xi32, #tpu.memory_space<vmem>>, vector<16xi32>,
      %mul3A_395 = arith.constant 16 : i32
      %mul3A_396 = arith.muli %scan3A_373, %mul3A_395 : i32
      %get3A_397 = arith.constant 1 : i32
      %get3A_398 = arith.index_cast %get3A_397 : i32 to index
      %get3A_399 = arith.index_cast %mul3A_396 : i32 to index
      %get3A_400 = tpu.vector_load %arg9[%get3A_398, %get3A_399] {strides = array<i32>} : memref<4x128xi32, #tpu.memory_space<vmem>>, vector<16xi32>,
      %shift_right_logical3A_401 = arith.constant 2 : i32
      %shift_right_logical3A_402 = vector.broadcast %shift_right_logical3A_401 : i32 to vector<16xi32>
      %shift_right_logical3A_403 = arith.shrui %get3A_400, %shift_right_logical3A_402 : vector<16xi32>
      %swap3A_404 = arith.constant 1 : i32
      %swap3A_405 = arith.index_cast %swap3A_404 : i32 to index
      %swap3A_406 = arith.index_cast %mul3A_396 : i32 to index
      %swap3A_407 = tpu.vector_load %arg11[%swap3A_405, %swap3A_406] {strides = array<i32>} : memref<4x128xi32, #tpu.memory_space<vmem>>, vector<16xi32>,
      tpu.vector_store %arg11[%swap3A_405, %swap3A_406], %shift_right_logical3A_403 {strides = array<i32>} : memref<4x128xi32, #tpu.memory_space<vmem>>, vector<16xi32>,
      %get3A_408 = arith.constant 1 : i32
      %get3A_409 = arith.index_cast %get3A_408 : i32 to index
      %get3A_410 = arith.index_cast %mul3A_396 : i32 to index
      %get3A_411 = tpu.vector_load %arg10[%get3A_409, %get3A_410] {strides = array<i32>} : memref<4x128xi32, #tpu.memory_space<vmem>>, vector<16xi32>,
      %shift_right_logical3A_412 = arith.constant 2 : i32
      %shift_right_logical3A_413 = vector.broadcast %shift_right_logical3A_412 : i32 to vector<16xi32>
      %shift_right_logical3A_414 = arith.shrui %get3A_411, %shift_right_logical3A_413 : vector<16xi32>
      %swap3A_415 = arith.constant 1 : i32
      %swap3A_416 = arith.index_cast %swap3A_415 : i32 to index
      %swap3A_417 = arith.index_cast %mul3A_396 : i32 to index
      %swap3A_418 = tpu.vector_load %arg12[%swap3A_416, %swap3A_417] {strides = array<i32>} : memref<4x128xi32, #tpu.memory_space<vmem>>, vector<16xi32>,
      tpu.vector_store %arg12[%swap3A_416, %swap3A_417], %shift_right_logical3A_414 {strides = array<i32>} : memref<4x128xi32, #tpu.memory_space<vmem>>, vector<16xi32>,
      %mul3A_419 = arith.constant 16 : i32
      %mul3A_420 = arith.muli %scan3A_373, %mul3A_419 : i32
      %get3A_421 = arith.constant 2 : i32
      %get3A_422 = arith.index_cast %get3A_421 : i32 to index
      %get3A_423 = arith.index_cast %mul3A_420 : i32 to index
      %get3A_424 = tpu.vector_load %arg9[%get3A_422, %get3A_423] {strides = array<i32>} : memref<4x128xi32, #tpu.memory_space<vmem>>, vector<16xi32>,
      %shift_right_logical3A_425 = arith.constant 2 : i32
      %shift_right_logical3A_426 = vector.broadcast %shift_right_logical3A_425 : i32 to vector<16xi32>
      %shift_right_logical3A_427 = arith.shrui %get3A_424, %shift_right_logical3A_426 : vector<16xi32>
      %swap3A_428 = arith.constant 2 : i32
      %swap3A_429 = arith.index_cast %swap3A_428 : i32 to index
      %swap3A_430 = arith.index_cast %mul3A_420 : i32 to index
      %swap3A_431 = tpu.vector_load %arg11[%swap3A_429, %swap3A_430] {strides = array<i32>} : memref<4x128xi32, #tpu.memory_space<vmem>>, vector<16xi32>,
      tpu.vector_store %arg11[%swap3A_429, %swap3A_430], %shift_right_logical3A_427 {strides = array<i32>} : memref<4x128xi32, #tpu.memory_space<vmem>>, vector<16xi32>,
      %get3A_432 = arith.constant 2 : i32
      %get3A_433 = arith.index_cast %get3A_432 : i32 to index
      %get3A_434 = arith.index_cast %mul3A_420 : i32 to index
      %get3A_435 = tpu.vector_load %arg10[%get3A_433, %get3A_434] {strides = array<i32>} : memref<4x128xi32, #tpu.memory_space<vmem>>, vector<16xi32>,
      %shift_right_logical3A_436 = arith.constant 2 : i32
      %shift_right_logical3A_437 = vector.broadcast %shift_right_logical3A_436 : i32 to vector<16xi32>
      %shift_right_logical3A_438 = arith.shrui %get3A_435, %shift_right_logical3A_437 : vector<16xi32>
      %swap3A_439 = arith.constant 2 : i32
      %swap3A_440 = arith.index_cast %swap3A_439 : i32 to index
      %swap3A_441 = arith.index_cast %mul3A_420 : i32 to index
      %swap3A_442 = tpu.vector_load %arg12[%swap3A_440, %swap3A_441] {strides = array<i32>} : memref<4x128xi32, #tpu.memory_space<vmem>>, vector<16xi32>,
      tpu.vector_store %arg12[%swap3A_440, %swap3A_441], %shift_right_logical3A_438 {strides = array<i32>} : memref<4x128xi32, #tpu.memory_space<vmem>>, vector<16xi32>,
      %mul3A_443 = arith.constant 16 : i32
      %mul3A_444 = arith.muli %scan3A_373, %mul3A_443 : i32
      %get3A_445 = arith.constant 3 : i32
      %get3A_446 = arith.index_cast %get3A_445 : i32 to index
      %get3A_447 = arith.index_cast %mul3A_444 : i32 to index
      %get3A_448 = tpu.vector_load %arg9[%get3A_446, %get3A_447] {strides = array<i32>} : memref<4x128xi32, #tpu.memory_space<vmem>>, vector<16xi32>,
      %shift_right_logical3A_449 = arith.constant 2 : i32
      %shift_right_logical3A_450 = vector.broadcast %shift_right_logical3A_449 : i32 to vector<16xi32>
      %shift_right_logical3A_451 = arith.shrui %get3A_448, %shift_right_logical3A_450 : vector<16xi32>
      %swap3A_452 = arith.constant 3 : i32
      %swap3A_453 = arith.index_cast %swap3A_452 : i32 to index
      %swap3A_454 = arith.index_cast %mul3A_444 : i32 to index
      %swap3A_455 = tpu.vector_load %arg11[%swap3A_453, %swap3A_454] {strides = array<i32>} : memref<4x128xi32, #tpu.memory_space<vmem>>, vector<16xi32>,
      tpu.vector_store %arg11[%swap3A_453, %swap3A_454], %shift_right_logical3A_451 {strides = array<i32>} : memref<4x128xi32, #tpu.memory_space<vmem>>, vector<16xi32>,
      %get3A_456 = arith.constant 3 : i32
      %get3A_457 = arith.index_cast %get3A_456 : i32 to index
      %get3A_458 = arith.index_cast %mul3A_444 : i32 to index
      %get3A_459 = tpu.vector_load %arg10[%get3A_457, %get3A_458] {strides = array<i32>} : memref<4x128xi32, #tpu.memory_space<vmem>>, vector<16xi32>,
      %shift_right_logical3A_460 = arith.constant 2 : i32
      %shift_right_logical3A_461 = vector.broadcast %shift_right_logical3A_460 : i32 to vector<16xi32>
      %shift_right_logical3A_462 = arith.shrui %get3A_459, %shift_right_logical3A_461 : vector<16xi32>
      %swap3A_463 = arith.constant 3 : i32
      %swap3A_464 = arith.index_cast %swap3A_463 : i32 to index
      %swap3A_465 = arith.index_cast %mul3A_444 : i32 to index
      %swap3A_466 = tpu.vector_load %arg12[%swap3A_464, %swap3A_465] {strides = array<i32>} : memref<4x128xi32, #tpu.memory_space<vmem>>, vector<16xi32>,
      tpu.vector_store %arg12[%swap3A_464, %swap3A_465], %shift_right_logical3A_462 {strides = array<i32>} : memref<4x128xi32, #tpu.memory_space<vmem>>, vector<16xi32>,
    }
    %scan3A_93 = arith.constant 8 : i32
    %dma_start3A_94 = arith.constant 0 : i32
    %dma_start3A_95 = arith.constant 0 : i32
    %dma_start3A_96 = arith.constant 0 : i32
    %dma_start3A_97 = arith.constant 0 : i32
    %dma_start3A_98 = tpu.memref_slice %arg13[%dma_start3A_95, %dma_start3A_96, %dma_start3A_97] : memref<2x128x128xf32, #tpu.memory_space<vmem>> -> memref<1x128x128xf32, #tpu.memory_space<vmem>>
    %dma_start3A_99 = tpu.memref_squeeze %dma_start3A_98 : memref<1x128x128xf32, #tpu.memory_space<vmem>> -> memref<128x128xf32, #tpu.memory_space<vmem>>
    %dma_start3A_100 = arith.constant 0 : i32
    %dma_start3A_101 = tpu.memref_slice %arg11[%dma_start3A_94, %dma_start3A_100] : memref<4x128xi32, #tpu.memory_space<vmem>> -> memref<1x128xi32, #tpu.memory_space<vmem>>
    %dma_start3A_102 = tpu.memref_squeeze %dma_start3A_101 : memref<1x128xi32, #tpu.memory_space<vmem>> -> memref<128xi32, #tpu.memory_space<vmem>>
    %dma_start3A_103 = arith.constant 0 : i32
    %dma_start3A_104 = arith.constant 0 : i32
    %dma_start3A_105 = tpu.memref_slice %arg4[%dma_start3A_103, %dma_start3A_104] : memref<250000x128xf32, #tpu.memory_space<hbm>> -> memref<250000x128xf32, #tpu.memory_space<hbm>>
    tpu.enqueue_indirect_dma source(%dma_start3A_105 : memref<250000x128xf32, #tpu.memory_space<hbm>>) target(%dma_start3A_99 : memref<128x128xf32, #tpu.memory_space<vmem>>) offsets(%dma_start3A_102 : memref<128xi32, #tpu.memory_space<vmem>>) semaphore(%arg19 : memref<!tpu.dma_semaphore, #tpu.memory_space<semaphore_mem>>)
    %dma_start3A_106 = arith.constant 0 : i32
    %dma_start3A_107 = arith.constant 0 : i32
    %dma_start3A_108 = arith.constant 0 : i32
    %dma_start3A_109 = arith.constant 0 : i32
    %dma_start3A_110 = tpu.memref_slice %arg14[%dma_start3A_107, %dma_start3A_108, %dma_start3A_109] : memref<2x128x128xf32, #tpu.memory_space<vmem>> -> memref<1x128x128xf32, #tpu.memory_space<vmem>>
    %dma_start3A_111 = tpu.memref_squeeze %dma_start3A_110 : memref<1x128x128xf32, #tpu.memory_space<vmem>> -> memref<128x128xf32, #tpu.memory_space<vmem>>
    %dma_start3A_112 = arith.constant 0 : i32
    %dma_start3A_113 = tpu.memref_slice %arg12[%dma_start3A_106, %dma_start3A_112] : memref<4x128xi32, #tpu.memory_space<vmem>> -> memref<1x128xi32, #tpu.memory_space<vmem>>
    %dma_start3A_114 = tpu.memref_squeeze %dma_start3A_113 : memref<1x128xi32, #tpu.memory_space<vmem>> -> memref<128xi32, #tpu.memory_space<vmem>>
    %dma_start3A_115 = arith.constant 0 : i32
    %dma_start3A_116 = arith.constant 0 : i32
    %dma_start3A_117 = tpu.memref_slice %arg5[%dma_start3A_115, %dma_start3A_116] : memref<250000x128xf32, #tpu.memory_space<hbm>> -> memref<250000x128xf32, #tpu.memory_space<hbm>>
    tpu.enqueue_indirect_dma source(%dma_start3A_117 : memref<250000x128xf32, #tpu.memory_space<hbm>>) target(%dma_start3A_111 : memref<128x128xf32, #tpu.memory_space<vmem>>) offsets(%dma_start3A_114 : memref<128xi32, #tpu.memory_space<vmem>>) semaphore(%arg19 : memref<!tpu.dma_semaphore, #tpu.memory_space<semaphore_mem>>)
    %dma_wait3A = arith.constant 0 : i32
    %dma_wait3A_118 = arith.constant 0 : i32
    %dma_wait3A_119 = tpu.memref_slice %arg15[%dma_wait3A_118] : memref<512xf32, #tpu.memory_space<vmem>> -> memref<128xf32, #tpu.memory_space<vmem>>
    %dma_wait3A_120 = arith.constant 0 : i32
    %dma_wait3A_121 = tpu.memref_slice %arg9[%dma_wait3A, %dma_wait3A_120] : memref<4x128xi32, #tpu.memory_space<vmem>> -> memref<1x128xi32, #tpu.memory_space<vmem>>
    %dma_wait3A_122 = tpu.memref_squeeze %dma_wait3A_121 : memref<1x128xi32, #tpu.memory_space<vmem>> -> memref<128xi32, #tpu.memory_space<vmem>>
    %dma_wait3A_123 = arith.constant 0 : i32
    %dma_wait3A_124 = tpu.memref_slice %arg6[%dma_wait3A_123] : memref<1000000xf32, #tpu.memory_space<hbm>> -> memref<1000000xf32, #tpu.memory_space<hbm>>
    tpu.wait_indirect_dma semaphore(%arg18 : memref<!tpu.dma_semaphore, #tpu.memory_space<semaphore_mem>>) src(%dma_wait3A_124 : memref<1000000xf32, #tpu.memory_space<hbm>>) dst(%dma_wait3A_119 : memref<128xf32, #tpu.memory_space<vmem>>)
    %dma_wait3A_125 = arith.constant 0 : i32
    %dma_wait3A_126 = arith.constant 0 : i32
    %dma_wait3A_127 = tpu.memref_slice %arg16[%dma_wait3A_126] : memref<512xf32, #tpu.memory_space<vmem>> -> memref<128xf32, #tpu.memory_space<vmem>>
    %dma_wait3A_128 = arith.constant 0 : i32
    %dma_wait3A_129 = tpu.memref_slice %arg10[%dma_wait3A_125, %dma_wait3A_128] : memref<4x128xi32, #tpu.memory_space<vmem>> -> memref<1x128xi32, #tpu.memory_space<vmem>>
    %dma_wait3A_130 = tpu.memref_squeeze %dma_wait3A_129 : memref<1x128xi32, #tpu.memory_space<vmem>> -> memref<128xi32, #tpu.memory_space<vmem>>
    %dma_wait3A_131 = arith.constant 0 : i32
    %dma_wait3A_132 = tpu.memref_slice %arg7[%dma_wait3A_131] : memref<1000000xf32, #tpu.memory_space<hbm>> -> memref<1000000xf32, #tpu.memory_space<hbm>>
    tpu.wait_indirect_dma semaphore(%arg18 : memref<!tpu.dma_semaphore, #tpu.memory_space<semaphore_mem>>) src(%dma_wait3A_132 : memref<1000000xf32, #tpu.memory_space<hbm>>) dst(%dma_wait3A_127 : memref<128xf32, #tpu.memory_space<vmem>>)
    %dma_wait3A_133 = arith.constant 1 : i32
    %dma_wait3A_134 = arith.constant 128 : i32
    %dma_wait3A_135 = tpu.memref_slice %arg15[%dma_wait3A_134] : memref<512xf32, #tpu.memory_space<vmem>> -> memref<128xf32, #tpu.memory_space<vmem>>
    %dma_wait3A_136 = arith.constant 0 : i32
    %dma_wait3A_137 = tpu.memref_slice %arg9[%dma_wait3A_133, %dma_wait3A_136] : memref<4x128xi32, #tpu.memory_space<vmem>> -> memref<1x128xi32, #tpu.memory_space<vmem>>
    %dma_wait3A_138 = tpu.memref_squeeze %dma_wait3A_137 : memref<1x128xi32, #tpu.memory_space<vmem>> -> memref<128xi32, #tpu.memory_space<vmem>>
    %dma_wait3A_139 = arith.constant 0 : i32
    %dma_wait3A_140 = tpu.memref_slice %arg6[%dma_wait3A_139] : memref<1000000xf32, #tpu.memory_space<hbm>> -> memref<1000000xf32, #tpu.memory_space<hbm>>
    tpu.wait_indirect_dma semaphore(%arg18 : memref<!tpu.dma_semaphore, #tpu.memory_space<semaphore_mem>>) src(%dma_wait3A_140 : memref<1000000xf32, #tpu.memory_space<hbm>>) dst(%dma_wait3A_135 : memref<128xf32, #tpu.memory_space<vmem>>)
    %dma_wait3A_141 = arith.constant 1 : i32
    %dma_wait3A_142 = arith.constant 128 : i32
    %dma_wait3A_143 = tpu.memref_slice %arg16[%dma_wait3A_142] : memref<512xf32, #tpu.memory_space<vmem>> -> memref<128xf32, #tpu.memory_space<vmem>>
    %dma_wait3A_144 = arith.constant 0 : i32
    %dma_wait3A_145 = tpu.memref_slice %arg10[%dma_wait3A_141, %dma_wait3A_144] : memref<4x128xi32, #tpu.memory_space<vmem>> -> memref<1x128xi32, #tpu.memory_space<vmem>>
    %dma_wait3A_146 = tpu.memref_squeeze %dma_wait3A_145 : memref<1x128xi32, #tpu.memory_space<vmem>> -> memref<128xi32, #tpu.memory_space<vmem>>
    %dma_wait3A_147 = arith.constant 0 : i32
    %dma_wait3A_148 = tpu.memref_slice %arg7[%dma_wait3A_147] : memref<1000000xf32, #tpu.memory_space<hbm>> -> memref<1000000xf32, #tpu.memory_space<hbm>>
    tpu.wait_indirect_dma semaphore(%arg18 : memref<!tpu.dma_semaphore, #tpu.memory_space<semaphore_mem>>) src(%dma_wait3A_148 : memref<1000000xf32, #tpu.memory_space<hbm>>) dst(%dma_wait3A_143 : memref<128xf32, #tpu.memory_space<vmem>>)
    %dma_wait3A_149 = arith.constant 2 : i32
    %dma_wait3A_150 = arith.constant 256 : i32
    %dma_wait3A_151 = tpu.memref_slice %arg15[%dma_wait3A_150] : memref<512xf32, #tpu.memory_space<vmem>> -> memref<128xf32, #tpu.memory_space<vmem>>
    %dma_wait3A_152 = arith.constant 0 : i32
    %dma_wait3A_153 = tpu.memref_slice %arg9[%dma_wait3A_149, %dma_wait3A_152] : memref<4x128xi32, #tpu.memory_space<vmem>> -> memref<1x128xi32, #tpu.memory_space<vmem>>
    %dma_wait3A_154 = tpu.memref_squeeze %dma_wait3A_153 : memref<1x128xi32, #tpu.memory_space<vmem>> -> memref<128xi32, #tpu.memory_space<vmem>>
    %dma_wait3A_155 = arith.constant 0 : i32
    %dma_wait3A_156 = tpu.memref_slice %arg6[%dma_wait3A_155] : memref<1000000xf32, #tpu.memory_space<hbm>> -> memref<1000000xf32, #tpu.memory_space<hbm>>
    tpu.wait_indirect_dma semaphore(%arg18 : memref<!tpu.dma_semaphore, #tpu.memory_space<semaphore_mem>>) src(%dma_wait3A_156 : memref<1000000xf32, #tpu.memory_space<hbm>>) dst(%dma_wait3A_151 : memref<128xf32, #tpu.memory_space<vmem>>)
    %dma_wait3A_157 = arith.constant 2 : i32
    %dma_wait3A_158 = arith.constant 256 : i32
    %dma_wait3A_159 = tpu.memref_slice %arg16[%dma_wait3A_158] : memref<512xf32, #tpu.memory_space<vmem>> -> memref<128xf32, #tpu.memory_space<vmem>>
    %dma_wait3A_160 = arith.constant 0 : i32
    %dma_wait3A_161 = tpu.memref_slice %arg10[%dma_wait3A_157, %dma_wait3A_160] : memref<4x128xi32, #tpu.memory_space<vmem>> -> memref<1x128xi32, #tpu.memory_space<vmem>>
    %dma_wait3A_162 = tpu.memref_squeeze %dma_wait3A_161 : memref<1x128xi32, #tpu.memory_space<vmem>> -> memref<128xi32, #tpu.memory_space<vmem>>
    %dma_wait3A_163 = arith.constant 0 : i32
    %dma_wait3A_164 = tpu.memref_slice %arg7[%dma_wait3A_163] : memref<1000000xf32, #tpu.memory_space<hbm>> -> memref<1000000xf32, #tpu.memory_space<hbm>>
    tpu.wait_indirect_dma semaphore(%arg18 : memref<!tpu.dma_semaphore, #tpu.memory_space<semaphore_mem>>) src(%dma_wait3A_164 : memref<1000000xf32, #tpu.memory_space<hbm>>) dst(%dma_wait3A_159 : memref<128xf32, #tpu.memory_space<vmem>>)
    %dma_wait3A_165 = arith.constant 3 : i32
    %dma_wait3A_166 = arith.constant 384 : i32
    %dma_wait3A_167 = tpu.memref_slice %arg15[%dma_wait3A_166] : memref<512xf32, #tpu.memory_space<vmem>> -> memref<128xf32, #tpu.memory_space<vmem>>
    %dma_wait3A_168 = arith.constant 0 : i32
    %dma_wait3A_169 = tpu.memref_slice %arg9[%dma_wait3A_165, %dma_wait3A_168] : memref<4x128xi32, #tpu.memory_space<vmem>> -> memref<1x128xi32, #tpu.memory_space<vmem>>
    %dma_wait3A_170 = tpu.memref_squeeze %dma_wait3A_169 : memref<1x128xi32, #tpu.memory_space<vmem>> -> memref<128xi32, #tpu.memory_space<vmem>>
    %dma_wait3A_171 = arith.constant 0 : i32
    %dma_wait3A_172 = tpu.memref_slice %arg6[%dma_wait3A_171] : memref<1000000xf32, #tpu.memory_space<hbm>> -> memref<1000000xf32, #tpu.memory_space<hbm>>
    tpu.wait_indirect_dma semaphore(%arg18 : memref<!tpu.dma_semaphore, #tpu.memory_space<semaphore_mem>>) src(%dma_wait3A_172 : memref<1000000xf32, #tpu.memory_space<hbm>>) dst(%dma_wait3A_167 : memref<128xf32, #tpu.memory_space<vmem>>)
    %dma_wait3A_173 = arith.constant 3 : i32
    %dma_wait3A_174 = arith.constant 384 : i32
    %dma_wait3A_175 = tpu.memref_slice %arg16[%dma_wait3A_174] : memref<512xf32, #tpu.memory_space<vmem>> -> memref<128xf32, #tpu.memory_space<vmem>>
    %dma_wait3A_176 = arith.constant 0 : i32
    %dma_wait3A_177 = tpu.memref_slice %arg10[%dma_wait3A_173, %dma_wait3A_176] : memref<4x128xi32, #tpu.memory_space<vmem>> -> memref<1x128xi32, #tpu.memory_space<vmem>>
    %dma_wait3A_178 = tpu.memref_squeeze %dma_wait3A_177 : memref<1x128xi32, #tpu.memory_space<vmem>> -> memref<128xi32, #tpu.memory_space<vmem>>
    %dma_wait3A_179 = arith.constant 0 : i32
    %dma_wait3A_180 = tpu.memref_slice %arg7[%dma_wait3A_179] : memref<1000000xf32, #tpu.memory_space<hbm>> -> memref<1000000xf32, #tpu.memory_space<hbm>>
    tpu.wait_indirect_dma semaphore(%arg18 : memref<!tpu.dma_semaphore, #tpu.memory_space<semaphore_mem>>) src(%dma_wait3A_180 : memref<1000000xf32, #tpu.memory_space<hbm>>) dst(%dma_wait3A_175 : memref<128xf32, #tpu.memory_space<vmem>>)
    %iota3A = tpu.iota {dimensions = array<i32: 0>} : vector<16xi32>
    %dma_start3A_181 = arith.constant 1 : i32
    %dma_start3A_182 = arith.constant 1 : i32
    %dma_start3A_183 = arith.constant 0 : i32
    %dma_start3A_184 = arith.constant 0 : i32
    %dma_start3A_185 = tpu.memref_slice %arg13[%dma_start3A_182, %dma_start3A_183, %dma_start3A_184] : memref<2x128x128xf32, #tpu.memory_space<vmem>> -> memref<1x128x128xf32, #tpu.memory_space<vmem>>
    %dma_start3A_186 = tpu.memref_squeeze %dma_start3A_185 : memref<1x128x128xf32, #tpu.memory_space<vmem>> -> memref<128x128xf32, #tpu.memory_space<vmem>>
    %dma_start3A_187 = arith.constant 0 : i32
    %dma_start3A_188 = tpu.memref_slice %arg11[%dma_start3A_181, %dma_start3A_187] : memref<4x128xi32, #tpu.memory_space<vmem>> -> memref<1x128xi32, #tpu.memory_space<vmem>>
    %dma_start3A_189 = tpu.memref_squeeze %dma_start3A_188 : memref<1x128xi32, #tpu.memory_space<vmem>> -> memref<128xi32, #tpu.memory_space<vmem>>
    %dma_start3A_190 = arith.constant 0 : i32
    %dma_start3A_191 = arith.constant 0 : i32
    %dma_start3A_192 = tpu.memref_slice %arg4[%dma_start3A_190, %dma_start3A_191] : memref<250000x128xf32, #tpu.memory_space<hbm>> -> memref<250000x128xf32, #tpu.memory_space<hbm>>
    tpu.enqueue_indirect_dma source(%dma_start3A_192 : memref<250000x128xf32, #tpu.memory_space<hbm>>) target(%dma_start3A_186 : memref<128x128xf32, #tpu.memory_space<vmem>>) offsets(%dma_start3A_189 : memref<128xi32, #tpu.memory_space<vmem>>) semaphore(%arg20 : memref<!tpu.dma_semaphore, #tpu.memory_space<semaphore_mem>>)
    %dma_start3A_193 = arith.constant 1 : i32
    %dma_start3A_194 = arith.constant 1 : i32
    %dma_start3A_195 = arith.constant 0 : i32
    %dma_start3A_196 = arith.constant 0 : i32
    %dma_start3A_197 = tpu.memref_slice %arg14[%dma_start3A_194, %dma_start3A_195, %dma_start3A_196] : memref<2x128x128xf32, #tpu.memory_space<vmem>> -> memref<1x128x128xf32, #tpu.memory_space<vmem>>
    %dma_start3A_198 = tpu.memref_squeeze %dma_start3A_197 : memref<1x128x128xf32, #tpu.memory_space<vmem>> -> memref<128x128xf32, #tpu.memory_space<vmem>>
    %dma_start3A_199 = arith.constant 0 : i32
    %dma_start3A_200 = tpu.memref_slice %arg12[%dma_start3A_193, %dma_start3A_199] : memref<4x128xi32, #tpu.memory_space<vmem>> -> memref<1x128xi32, #tpu.memory_space<vmem>>
    %dma_start3A_201 = tpu.memref_squeeze %dma_start3A_200 : memref<1x128xi32, #tpu.memory_space<vmem>> -> memref<128xi32, #tpu.memory_space<vmem>>
    %dma_start3A_202 = arith.constant 0 : i32
    %dma_start3A_203 = arith.constant 0 : i32
    %dma_start3A_204 = tpu.memref_slice %arg5[%dma_start3A_202, %dma_start3A_203] : memref<250000x128xf32, #tpu.memory_space<hbm>> -> memref<250000x128xf32, #tpu.memory_space<hbm>>
    tpu.enqueue_indirect_dma source(%dma_start3A_204 : memref<250000x128xf32, #tpu.memory_space<hbm>>) target(%dma_start3A_198 : memref<128x128xf32, #tpu.memory_space<vmem>>) offsets(%dma_start3A_201 : memref<128xi32, #tpu.memory_space<vmem>>) semaphore(%arg20 : memref<!tpu.dma_semaphore, #tpu.memory_space<semaphore_mem>>)
    %dma_wait3A_205 = arith.constant 0 : i32
    %dma_wait3A_206 = arith.constant 0 : i32
    %dma_wait3A_207 = arith.constant 0 : i32
    %dma_wait3A_208 = arith.constant 0 : i32
    %dma_wait3A_209 = tpu.memref_slice %arg13[%dma_wait3A_206, %dma_wait3A_207, %dma_wait3A_208] : memref<2x128x128xf32, #tpu.memory_space<vmem>> -> memref<1x128x128xf32, #tpu.memory_space<vmem>>
    %dma_wait3A_210 = tpu.memref_squeeze %dma_wait3A_209 : memref<1x128x128xf32, #tpu.memory_space<vmem>> -> memref<128x128xf32, #tpu.memory_space<vmem>>
    %dma_wait3A_211 = arith.constant 0 : i32
    %dma_wait3A_212 = tpu.memref_slice %arg11[%dma_wait3A_205, %dma_wait3A_211] : memref<4x128xi32, #tpu.memory_space<vmem>> -> memref<1x128xi32, #tpu.memory_space<vmem>>
    %dma_wait3A_213 = tpu.memref_squeeze %dma_wait3A_212 : memref<1x128xi32, #tpu.memory_space<vmem>> -> memref<128xi32, #tpu.memory_space<vmem>>
    %dma_wait3A_214 = arith.constant 0 : i32
    %dma_wait3A_215 = arith.constant 0 : i32
    %dma_wait3A_216 = tpu.memref_slice %arg4[%dma_wait3A_214, %dma_wait3A_215] : memref<250000x128xf32, #tpu.memory_space<hbm>> -> memref<250000x128xf32, #tpu.memory_space<hbm>>
    tpu.wait_indirect_dma semaphore(%arg19 : memref<!tpu.dma_semaphore, #tpu.memory_space<semaphore_mem>>) src(%dma_wait3A_216 : memref<250000x128xf32, #tpu.memory_space<hbm>>) dst(%dma_wait3A_210 : memref<128x128xf32, #tpu.memory_space<vmem>>)
    %dma_wait3A_217 = arith.constant 0 : i32
    %dma_wait3A_218 = arith.constant 0 : i32
    %dma_wait3A_219 = arith.constant 0 : i32
    %dma_wait3A_220 = arith.constant 0 : i32
    %dma_wait3A_221 = tpu.memref_slice %arg14[%dma_wait3A_218, %dma_wait3A_219, %dma_wait3A_220] : memref<2x128x128xf32, #tpu.memory_space<vmem>> -> memref<1x128x128xf32, #tpu.memory_space<vmem>>
    %dma_wait3A_222 = tpu.memref_squeeze %dma_wait3A_221 : memref<1x128x128xf32, #tpu.memory_space<vmem>> -> memref<128x128xf32, #tpu.memory_space<vmem>>
    %dma_wait3A_223 = arith.constant 0 : i32
    %dma_wait3A_224 = tpu.memref_slice %arg12[%dma_wait3A_217, %dma_wait3A_223] : memref<4x128xi32, #tpu.memory_space<vmem>> -> memref<1x128xi32, #tpu.memory_space<vmem>>
    %dma_wait3A_225 = tpu.memref_squeeze %dma_wait3A_224 : memref<1x128xi32, #tpu.memory_space<vmem>> -> memref<128xi32, #tpu.memory_space<vmem>>
    %dma_wait3A_226 = arith.constant 0 : i32
    %dma_wait3A_227 = arith.constant 0 : i32
    %dma_wait3A_228 = tpu.memref_slice %arg5[%dma_wait3A_226, %dma_wait3A_227] : memref<250000x128xf32, #tpu.memory_space<hbm>> -> memref<250000x128xf32, #tpu.memory_space<hbm>>
    tpu.wait_indirect_dma semaphore(%arg19 : memref<!tpu.dma_semaphore, #tpu.memory_space<semaphore_mem>>) src(%dma_wait3A_228 : memref<250000x128xf32, #tpu.memory_space<hbm>>) dst(%dma_wait3A_222 : memref<128x128xf32, #tpu.memory_space<vmem>>)
    %scan3A_229 = arith.constant 0 : i32
    %scan3A_230 = arith.constant 0 : i32
    %scan3A_231 = arith.constant 8 : i32
    %scan3A_232 = arith.addi %scan3A_230, %scan3A_231 : i32
    %scan3A_233 = arith.constant 1 : i32
    scf.for %scan3A_373 = %scan3A_230 to %scan3A_232 step %scan3A_233  : i32 {
      %mul3A_374 = arith.constant 16 : i32
      %mul3A_375 = arith.muli %scan3A_373, %mul3A_374 : i32
      %get3A = arith.constant 0 : i32
      %get3A_376 = arith.index_cast %get3A : i32 to index
      %get3A_377 = arith.index_cast %mul3A_375 : i32 to index
      %get3A_378 = tpu.vector_load %arg9[%get3A_376, %get3A_377] {strides = array<i32>} : memref<4x128xi32, #tpu.memory_space<vmem>>, vector<16xi32>,
      %get3A_379 = arith.constant 0 : i32
      %get3A_380 = arith.index_cast %get3A_379 : i32 to index
      %get3A_381 = arith.index_cast %mul3A_375 : i32 to index
      %get3A_382 = tpu.vector_load %arg10[%get3A_380, %get3A_381] {strides = array<i32>} : memref<4x128xi32, #tpu.memory_space<vmem>>, vector<16xi32>,
      %add3A_383 = vector.broadcast %mul3A_375 : i32 to vector<16xi32>
      %add3A_384 = arith.addi %add3A_383, %iota3A : vector<16xi32>
      %and3A = arith.constant 3 : i32
      %and3A_385 = vector.broadcast %and3A : i32 to vector<16xi32>
      %and3A_386 = arith.andi %get3A_378, %and3A_385 : vector<16xi32>
      %shift_left3A = arith.constant 5 : i32
      %shift_left3A_387 = vector.broadcast %shift_left3A : i32 to vector<16xi32>
      %shift_left3A_388 = arith.shli %and3A_386, %shift_left3A_387 : vector<16xi32>
      %and3A_389 = arith.constant 3 : i32
      %and3A_390 = vector.broadcast %and3A_389 : i32 to vector<16xi32>
      %and3A_391 = arith.andi %get3A_382, %and3A_390 : vector<16xi32>
      %shift_left3A_392 = arith.constant 5 : i32
      %shift_left3A_393 = vector.broadcast %shift_left3A_392 : i32 to vector<16xi32>
      %shift_left3A_394 = arith.shli %and3A_391, %shift_left3A_393 : vector<16xi32>
      %add3A_395 = arith.constant 0 : i32
      %add3A_396 = arith.addi %add3A_395, %mul3A_375 : i32
      %get3A_397 = arith.index_cast %add3A_396 : i32 to index
      %get3A_398 = tpu.vector_load %arg15[%get3A_397] {strides = array<i32>} : memref<512xf32, #tpu.memory_space<vmem>>, vector<16xf32>,
      %add3A_399 = arith.constant 0 : i32
      %add3A_400 = arith.addi %add3A_399, %mul3A_375 : i32
      %get3A_401 = arith.index_cast %add3A_400 : i32 to index
      %get3A_402 = tpu.vector_load %arg16[%get3A_401] {strides = array<i32>} : memref<512xf32, #tpu.memory_space<vmem>>, vector<16xf32>,
      %add3A_403 = arith.addf %get3A_398, %get3A_402 : vector<16xf32>
      %add3A_404 = arith.constant 0 : i32
      %add3A_405 = vector.broadcast %add3A_404 : i32 to vector<16xi32>
      %add3A_406 = arith.addi %shift_left3A_388, %add3A_405 : vector<16xi32>
      %gather3A = arith.constant 0 : i32
      %gather3A_407 = arith.constant 0 : i32
      %gather3A_408 = arith.constant 0 : i32
      %gather3A_409 = tpu.memref_slice %arg13[%gather3A, %gather3A_407, %gather3A_408] : memref<2x128x128xf32, #tpu.memory_space<vmem>> -> memref<1x128x128xf32, #tpu.memory_space<vmem>>
      %gather3A_410 = tpu.memref_squeeze %gather3A_409 : memref<1x128x128xf32, #tpu.memory_space<vmem>> -> memref<128x128xf32, #tpu.memory_space<vmem>>
      %gather3A_411 = tpu.vector_load_idx %gather3A_410[%add3A_384, %add3A_406] : memref<128x128xf32, #tpu.memory_space<vmem>>[vector<16xi32>, vector<16xi32>], vector<16xf32>,
      %add3A_412 = arith.constant 0 : i32
      %add3A_413 = vector.broadcast %add3A_412 : i32 to vector<16xi32>
      %add3A_414 = arith.addi %shift_left3A_394, %add3A_413 : vector<16xi32>
      %gather3A_415 = arith.constant 0 : i32
      %gather3A_416 = arith.constant 0 : i32
      %gather3A_417 = arith.constant 0 : i32
      %gather3A_418 = tpu.memref_slice %arg14[%gather3A_415, %gather3A_416, %gather3A_417] : memref<2x128x128xf32, #tpu.memory_space<vmem>> -> memref<1x128x128xf32, #tpu.memory_space<vmem>>
      %gather3A_419 = tpu.memref_squeeze %gather3A_418 : memref<1x128x128xf32, #tpu.memory_space<vmem>> -> memref<128x128xf32, #tpu.memory_space<vmem>>
      %gather3A_420 = tpu.vector_load_idx %gather3A_419[%add3A_384, %add3A_414] : memref<128x128xf32, #tpu.memory_space<vmem>>[vector<16xi32>, vector<16xi32>], vector<16xf32>,
      %mul3A_421 = arith.mulf %gather3A_411, %gather3A_420 : vector<16xf32>
      %add3A_422 = arith.addf %add3A_403, %mul3A_421 : vector<16xf32>
      %add3A_423 = arith.constant 1 : i32
      %add3A_424 = vector.broadcast %add3A_423 : i32 to vector<16xi32>
      %add3A_425 = arith.addi %shift_left3A_388, %add3A_424 : vector<16xi32>
      %gather3A_426 = arith.constant 0 : i32
      %gather3A_427 = arith.constant 0 : i32
      %gather3A_428 = arith.constant 0 : i32
      %gather3A_429 = tpu.memref_slice %arg13[%gather3A_426, %gather3A_427, %gather3A_428] : memref<2x128x128xf32, #tpu.memory_space<vmem>> -> memref<1x128x128xf32, #tpu.memory_space<vmem>>
      %gather3A_430 = tpu.memref_squeeze %gather3A_429 : memref<1x128x128xf32, #tpu.memory_space<vmem>> -> memref<128x128xf32, #tpu.memory_space<vmem>>
      %gather3A_431 = tpu.vector_load_idx %gather3A_430[%add3A_384, %add3A_425] : memref<128x128xf32, #tpu.memory_space<vmem>>[vector<16xi32>, vector<16xi32>], vector<16xf32>,
      %add3A_432 = arith.constant 1 : i32
      %add3A_433 = vector.broadcast %add3A_432 : i32 to vector<16xi32>
      %add3A_434 = arith.addi %shift_left3A_394, %add3A_433 : vector<16xi32>
      %gather3A_435 = arith.constant 0 : i32
      %gather3A_436 = arith.constant 0 : i32
      %gather3A_437 = arith.constant 0 : i32
      %gather3A_438 = tpu.memref_slice %arg14[%gather3A_435, %gather3A_436, %gather3A_437] : memref<2x128x128xf32, #tpu.memory_space<vmem>> -> memref<1x128x128xf32, #tpu.memory_space<vmem>>
      %gather3A_439 = tpu.memref_squeeze %gather3A_438 : memref<1x128x128xf32, #tpu.memory_space<vmem>> -> memref<128x128xf32, #tpu.memory_space<vmem>>
      %gather3A_440 = tpu.vector_load_idx %gather3A_439[%add3A_384, %add3A_434] : memref<128x128xf32, #tpu.memory_space<vmem>>[vector<16xi32>, vector<16xi32>], vector<16xf32>,
      %mul3A_441 = arith.mulf %gather3A_431, %gather3A_440 : vector<16xf32>
      %add3A_442 = arith.addf %add3A_422, %mul3A_441 : vector<16xf32>
      %add3A_443 = arith.constant 2 : i32
      %add3A_444 = vector.broadcast %add3A_443 : i32 to vector<16xi32>
      %add3A_445 = arith.addi %shift_left3A_388, %add3A_444 : vector<16xi32>
      %gather3A_446 = arith.constant 0 : i32
      %gather3A_447 = arith.constant 0 : i32
      %gather3A_448 = arith.constant 0 : i32
      %gather3A_449 = tpu.memref_slice %arg13[%gather3A_446, %gather3A_447, %gather3A_448] : memref<2x128x128xf32, #tpu.memory_space<vmem>> -> memref<1x128x128xf32, #tpu.memory_space<vmem>>
      %gather3A_450 = tpu.memref_squeeze %gather3A_449 : memref<1x128x128xf32, #tpu.memory_space<vmem>> -> memref<128x128xf32, #tpu.memory_space<vmem>>
      %gather3A_451 = tpu.vector_load_idx %gather3A_450[%add3A_384, %add3A_445] : memref<128x128xf32, #tpu.memory_space<vmem>>[vector<16xi32>, vector<16xi32>], vector<16xf32>,
      %add3A_452 = arith.constant 2 : i32
      %add3A_453 = vector.broadcast %add3A_452 : i32 to vector<16xi32>
      %add3A_454 = arith.addi %shift_left3A_394, %add3A_453 : vector<16xi32>
      %gather3A_455 = arith.constant 0 : i32
      %gather3A_456 = arith.constant 0 : i32
      %gather3A_457 = arith.constant 0 : i32
      %gather3A_458 = tpu.memref_slice %arg14[%gather3A_455, %gather3A_456, %gather3A_457] : memref<2x128x128xf32, #tpu.memory_space<vmem>> -> memref<1x128x128xf32, #tpu.memory_space<vmem>>
      %gather3A_459 = tpu.memref_squeeze %gather3A_458 : memref<1x128x128xf32, #tpu.memory_space<vmem>> -> memref<128x128xf32, #tpu.memory_space<vmem>>
      %gather3A_460 = tpu.vector_load_idx %gather3A_459[%add3A_384, %add3A_454] : memref<128x128xf32, #tpu.memory_space<vmem>>[vector<16xi32>, vector<16xi32>], vector<16xf32>,
      %mul3A_461 = arith.mulf %gather3A_451, %gather3A_460 : vector<16xf32>
      %add3A_462 = arith.addf %add3A_442, %mul3A_461 : vector<16xf32>
      %add3A_463 = arith.constant 3 : i32
      %add3A_464 = vector.broadcast %add3A_463 : i32 to vector<16xi32>
      %add3A_465 = arith.addi %shift_left3A_388, %add3A_464 : vector<16xi32>
      %gather3A_466 = arith.constant 0 : i32
      %gather3A_467 = arith.constant 0 : i32
      %gather3A_468 = arith.constant 0 : i32
      %gather3A_469 = tpu.memref_slice %arg13[%gather3A_466, %gather3A_467, %gather3A_468] : memref<2x128x128xf32, #tpu.memory_space<vmem>> -> memref<1x128x128xf32, #tpu.memory_space<vmem>>
      %gather3A_470 = tpu.memref_squeeze %gather3A_469 : memref<1x128x128xf32, #tpu.memory_space<vmem>> -> memref<128x128xf32, #tpu.memory_space<vmem>>
      %gather3A_471 = tpu.vector_load_idx %gather3A_470[%add3A_384, %add3A_465] : memref<128x128xf32, #tpu.memory_space<vmem>>[vector<16xi32>, vector<16xi32>], vector<16xf32>,
      %add3A_472 = arith.constant 3 : i32
      %add3A_473 = vector.broadcast %add3A_472 : i32 to vector<16xi32>
      %add3A_474 = arith.addi %shift_left3A_394, %add3A_473 : vector<16xi32>
      %gather3A_475 = arith.constant 0 : i32
      %gather3A_476 = arith.constant 0 : i32
      %gather3A_477 = arith.constant 0 : i32
      %gather3A_478 = tpu.memref_slice %arg14[%gather3A_475, %gather3A_476, %gather3A_477] : memref<2x128x128xf32, #tpu.memory_space<vmem>> -> memref<1x128x128xf32, #tpu.memory_space<vmem>>
      %gather3A_479 = tpu.memref_squeeze %gather3A_478 : memref<1x128x128xf32, #tpu.memory_space<vmem>> -> memref<128x128xf32, #tpu.memory_space<vmem>>
      %gather3A_480 = tpu.vector_load_idx %gather3A_479[%add3A_384, %add3A_474] : memref<128x128xf32, #tpu.memory_space<vmem>>[vector<16xi32>, vector<16xi32>], vector<16xf32>,
      %mul3A_481 = arith.mulf %gather3A_471, %gather3A_480 : vector<16xf32>
      %add3A_482 = arith.addf %add3A_462, %mul3A_481 : vector<16xf32>
      %add3A_483 = arith.constant 4 : i32
      %add3A_484 = vector.broadcast %add3A_483 : i32 to vector<16xi32>
      %add3A_485 = arith.addi %shift_left3A_388, %add3A_484 : vector<16xi32>
      %gather3A_486 = arith.constant 0 : i32
      %gather3A_487 = arith.constant 0 : i32
      %gather3A_488 = arith.constant 0 : i32
      %gather3A_489 = tpu.memref_slice %arg13[%gather3A_486, %gather3A_487, %gather3A_488] : memref<2x128x128xf32, #tpu.memory_space<vmem>> -> memref<1x128x128xf32, #tpu.memory_space<vmem>>
      %gather3A_490 = tpu.memref_squeeze %gather3A_489 : memref<1x128x128xf32, #tpu.memory_space<vmem>> -> memref<128x128xf32, #tpu.memory_space<vmem>>
      %gather3A_491 = tpu.vector_load_idx %gather3A_490[%add3A_384, %add3A_485] : memref<128x128xf32, #tpu.memory_space<vmem>>[vector<16xi32>, vector<16xi32>], vector<16xf32>,
      %add3A_492 = arith.constant 4 : i32
      %add3A_493 = vector.broadcast %add3A_492 : i32 to vector<16xi32>
      %add3A_494 = arith.addi %shift_left3A_394, %add3A_493 : vector<16xi32>
      %gather3A_495 = arith.constant 0 : i32
      %gather3A_496 = arith.constant 0 : i32
      %gather3A_497 = arith.constant 0 : i32
      %gather3A_498 = tpu.memref_slice %arg14[%gather3A_495, %gather3A_496, %gather3A_497] : memref<2x128x128xf32, #tpu.memory_space<vmem>> -> memref<1x128x128xf32, #tpu.memory_space<vmem>>
      %gather3A_499 = tpu.memref_squeeze %gather3A_498 : memref<1x128x128xf32, #tpu.memory_space<vmem>> -> memref<128x128xf32, #tpu.memory_space<vmem>>
      %gather3A_500 = tpu.vector_load_idx %gather3A_499[%add3A_384, %add3A_494] : memref<128x128xf32, #tpu.memory_space<vmem>>[vector<16xi32>, vector<16xi32>], vector<16xf32>,
      %mul3A_501 = arith.mulf %gather3A_491, %gather3A_500 : vector<16xf32>
      %add3A_502 = arith.addf %add3A_482, %mul3A_501 : vector<16xf32>
      %add3A_503 = arith.constant 5 : i32
      %add3A_504 = vector.broadcast %add3A_503 : i32 to vector<16xi32>
      %add3A_505 = arith.addi %shift_left3A_388, %add3A_504 : vector<16xi32>
      %gather3A_506 = arith.constant 0 : i32
      %gather3A_507 = arith.constant 0 : i32
      %gather3A_508 = arith.constant 0 : i32
      %gather3A_509 = tpu.memref_slice %arg13[%gather3A_506, %gather3A_507, %gather3A_508] : memref<2x128x128xf32, #tpu.memory_space<vmem>> -> memref<1x128x128xf32, #tpu.memory_space<vmem>>
      %gather3A_510 = tpu.memref_squeeze %gather3A_509 : memref<1x128x128xf32, #tpu.memory_space<vmem>> -> memref<128x128xf32, #tpu.memory_space<vmem>>
      %gather3A_511 = tpu.vector_load_idx %gather3A_510[%add3A_384, %add3A_505] : memref<128x128xf32, #tpu.memory_space<vmem>>[vector<16xi32>, vector<16xi32>], vector<16xf32>,
      %add3A_512 = arith.constant 5 : i32
      %add3A_513 = vector.broadcast %add3A_512 : i32 to vector<16xi32>
      %add3A_514 = arith.addi %shift_left3A_394, %add3A_513 : vector<16xi32>
      %gather3A_515 = arith.constant 0 : i32
      %gather3A_516 = arith.constant 0 : i32
      %gather3A_517 = arith.constant 0 : i32
      %gather3A_518 = tpu.memref_slice %arg14[%gather3A_515, %gather3A_516, %gather3A_517] : memref<2x128x128xf32, #tpu.memory_space<vmem>> -> memref<1x128x128xf32, #tpu.memory_space<vmem>>
      %gather3A_519 = tpu.memref_squeeze %gather3A_518 : memref<1x128x128xf32, #tpu.memory_space<vmem>> -> memref<128x128xf32, #tpu.memory_space<vmem>>
      %gather3A_520 = tpu.vector_load_idx %gather3A_519[%add3A_384, %add3A_514] : memref<128x128xf32, #tpu.memory_space<vmem>>[vector<16xi32>, vector<16xi32>], vector<16xf32>,
      %mul3A_521 = arith.mulf %gather3A_511, %gather3A_520 : vector<16xf32>
      %add3A_522 = arith.addf %add3A_502, %mul3A_521 : vector<16xf32>
      %add3A_523 = arith.constant 6 : i32
      %add3A_524 = vector.broadcast %add3A_523 : i32 to vector<16xi32>
      %add3A_525 = arith.addi %shift_left3A_388, %add3A_524 : vector<16xi32>
      %gather3A_526 = arith.constant 0 : i32
      %gather3A_527 = arith.constant 0 : i32
      %gather3A_528 = arith.constant 0 : i32
      %gather3A_529 = tpu.memref_slice %arg13[%gather3A_526, %gather3A_527, %gather3A_528] : memref<2x128x128xf32, #tpu.memory_space<vmem>> -> memref<1x128x128xf32, #tpu.memory_space<vmem>>
      %gather3A_530 = tpu.memref_squeeze %gather3A_529 : memref<1x128x128xf32, #tpu.memory_space<vmem>> -> memref<128x128xf32, #tpu.memory_space<vmem>>
      %gather3A_531 = tpu.vector_load_idx %gather3A_530[%add3A_384, %add3A_525] : memref<128x128xf32, #tpu.memory_space<vmem>>[vector<16xi32>, vector<16xi32>], vector<16xf32>,
      %add3A_532 = arith.constant 6 : i32
      %add3A_533 = vector.broadcast %add3A_532 : i32 to vector<16xi32>
      %add3A_534 = arith.addi %shift_left3A_394, %add3A_533 : vector<16xi32>
      %gather3A_535 = arith.constant 0 : i32
      %gather3A_536 = arith.constant 0 : i32
      %gather3A_537 = arith.constant 0 : i32
      %gather3A_538 = tpu.memref_slice %arg14[%gather3A_535, %gather3A_536, %gather3A_537] : memref<2x128x128xf32, #tpu.memory_space<vmem>> -> memref<1x128x128xf32, #tpu.memory_space<vmem>>
      %gather3A_539 = tpu.memref_squeeze %gather3A_538 : memref<1x128x128xf32, #tpu.memory_space<vmem>> -> memref<128x128xf32, #tpu.memory_space<vmem>>
      %gather3A_540 = tpu.vector_load_idx %gather3A_539[%add3A_384, %add3A_534] : memref<128x128xf32, #tpu.memory_space<vmem>>[vector<16xi32>, vector<16xi32>], vector<16xf32>,
      %mul3A_541 = arith.mulf %gather3A_531, %gather3A_540 : vector<16xf32>
      %add3A_542 = arith.addf %add3A_522, %mul3A_541 : vector<16xf32>
      %add3A_543 = arith.constant 7 : i32
      %add3A_544 = vector.broadcast %add3A_543 : i32 to vector<16xi32>
      %add3A_545 = arith.addi %shift_left3A_388, %add3A_544 : vector<16xi32>
      %gather3A_546 = arith.constant 0 : i32
      %gather3A_547 = arith.constant 0 : i32
      %gather3A_548 = arith.constant 0 : i32
      %gather3A_549 = tpu.memref_slice %arg13[%gather3A_546, %gather3A_547, %gather3A_548] : memref<2x128x128xf32, #tpu.memory_space<vmem>> -> memref<1x128x128xf32, #tpu.memory_space<vmem>>
      %gather3A_550 = tpu.memref_squeeze %gather3A_549 : memref<1x128x128xf32, #tpu.memory_space<vmem>> -> memref<128x128xf32, #tpu.memory_space<vmem>>
      %gather3A_551 = tpu.vector_load_idx %gather3A_550[%add3A_384, %add3A_545] : memref<128x128xf32, #tpu.memory_space<vmem>>[vector<16xi32>, vector<16xi32>], vector<16xf32>,
      %add3A_552 = arith.constant 7 : i32
      %add3A_553 = vector.broadcast %add3A_552 : i32 to vector<16xi32>
      %add3A_554 = arith.addi %shift_left3A_394, %add3A_553 : vector<16xi32>
      %gather3A_555 = arith.constant 0 : i32
      %gather3A_556 = arith.constant 0 : i32
      %gather3A_557 = arith.constant 0 : i32
      %gather3A_558 = tpu.memref_slice %arg14[%gather3A_555, %gather3A_556, %gather3A_557] : memref<2x128x128xf32, #tpu.memory_space<vmem>> -> memref<1x128x128xf32, #tpu.memory_space<vmem>>
      %gather3A_559 = tpu.memref_squeeze %gather3A_558 : memref<1x128x128xf32, #tpu.memory_space<vmem>> -> memref<128x128xf32, #tpu.memory_space<vmem>>
      %gather3A_560 = tpu.vector_load_idx %gather3A_559[%add3A_384, %add3A_554] : memref<128x128xf32, #tpu.memory_space<vmem>>[vector<16xi32>, vector<16xi32>], vector<16xf32>,
      %mul3A_561 = arith.mulf %gather3A_551, %gather3A_560 : vector<16xf32>
      %add3A_562 = arith.addf %add3A_542, %mul3A_561 : vector<16xf32>
      %add3A_563 = arith.constant 8 : i32
      %add3A_564 = vector.broadcast %add3A_563 : i32 to vector<16xi32>
      %add3A_565 = arith.addi %shift_left3A_388, %add3A_564 : vector<16xi32>
      %gather3A_566 = arith.constant 0 : i32
      %gather3A_567 = arith.constant 0 : i32
      %gather3A_568 = arith.constant 0 : i32
      %gather3A_569 = tpu.memref_slice %arg13[%gather3A_566, %gather3A_567, %gather3A_568] : memref<2x128x128xf32, #tpu.memory_space<vmem>> -> memref<1x128x128xf32, #tpu.memory_space<vmem>>
      %gather3A_570 = tpu.memref_squeeze %gather3A_569 : memref<1x128x128xf32, #tpu.memory_space<vmem>> -> memref<128x128xf32, #tpu.memory_space<vmem>>
      %gather3A_571 = tpu.vector_load_idx %gather3A_570[%add3A_384, %add3A_565] : memref<128x128xf32, #tpu.memory_space<vmem>>[vector<16xi32>, vector<16xi32>], vector<16xf32>,
      %add3A_572 = arith.constant 8 : i32
      %add3A_573 = vector.broadcast %add3A_572 : i32 to vector<16xi32>
      %add3A_574 = arith.addi %shift_left3A_394, %add3A_573 : vector<16xi32>
      %gather3A_575 = arith.constant 0 : i32
      %gather3A_576 = arith.constant 0 : i32
      %gather3A_577 = arith.constant 0 : i32
      %gather3A_578 = tpu.memref_slice %arg14[%gather3A_575, %gather3A_576, %gather3A_577] : memref<2x128x128xf32, #tpu.memory_space<vmem>> -> memref<1x128x128xf32, #tpu.memory_space<vmem>>
      %gather3A_579 = tpu.memref_squeeze %gather3A_578 : memref<1x128x128xf32, #tpu.memory_space<vmem>> -> memref<128x128xf32, #tpu.memory_space<vmem>>
      %gather3A_580 = tpu.vector_load_idx %gather3A_579[%add3A_384, %add3A_574] : memref<128x128xf32, #tpu.memory_space<vmem>>[vector<16xi32>, vector<16xi32>], vector<16xf32>,
      %mul3A_581 = arith.mulf %gather3A_571, %gather3A_580 : vector<16xf32>
      %add3A_582 = arith.addf %add3A_562, %mul3A_581 : vector<16xf32>
      %add3A_583 = arith.constant 9 : i32
      %add3A_584 = vector.broadcast %add3A_583 : i32 to vector<16xi32>
      %add3A_585 = arith.addi %shift_left3A_388, %add3A_584 : vector<16xi32>
      %gather3A_586 = arith.constant 0 : i32
      %gather3A_587 = arith.constant 0 : i32
      %gather3A_588 = arith.constant 0 : i32
      %gather3A_589 = tpu.memref_slice %arg13[%gather3A_586, %gather3A_587, %gather3A_588] : memref<2x128x128xf32, #tpu.memory_space<vmem>> -> memref<1x128x128xf32, #tpu.memory_space<vmem>>
      %gather3A_590 = tpu.memref_squeeze %gather3A_589 : memref<1x128x128xf32, #tpu.memory_space<vmem>> -> memref<128x128xf32, #tpu.memory_space<vmem>>
      %gather3A_591 = tpu.vector_load_idx %gather3A_590[%add3A_384, %add3A_585] : memref<128x128xf32, #tpu.memory_space<vmem>>[vector<16xi32>, vector<16xi32>], vector<16xf32>,
      %add3A_592 = arith.constant 9 : i32
      %add3A_593 = vector.broadcast %add3A_592 : i32 to vector<16xi32>
      %add3A_594 = arith.addi %shift_left3A_394, %add3A_593 : vector<16xi32>
      %gather3A_595 = arith.constant 0 : i32
      %gather3A_596 = arith.constant 0 : i32
      %gather3A_597 = arith.constant 0 : i32
      %gather3A_598 = tpu.memref_slice %arg14[%gather3A_595, %gather3A_596, %gather3A_597] : memref<2x128x128xf32, #tpu.memory_space<vmem>> -> memref<1x128x128xf32, #tpu.memory_space<vmem>>
      %gather3A_599 = tpu.memref_squeeze %gather3A_598 : memref<1x128x128xf32, #tpu.memory_space<vmem>> -> memref<128x128xf32, #tpu.memory_space<vmem>>
      %gather3A_600 = tpu.vector_load_idx %gather3A_599[%add3A_384, %add3A_594] : memref<128x128xf32, #tpu.memory_space<vmem>>[vector<16xi32>, vector<16xi32>], vector<16xf32>,
      %mul3A_601 = arith.mulf %gather3A_591, %gather3A_600 : vector<16xf32>
      %add3A_602 = arith.addf %add3A_582, %mul3A_601 : vector<16xf32>
      %add3A_603 = arith.constant 10 : i32
      %add3A_604 = vector.broadcast %add3A_603 : i32 to vector<16xi32>
      %add3A_605 = arith.addi %shift_left3A_388, %add3A_604 : vector<16xi32>
      %gather3A_606 = arith.constant 0 : i32
      %gather3A_607 = arith.constant 0 : i32
      %gather3A_608 = arith.constant 0 : i32
      %gather3A_609 = tpu.memref_slice %arg13[%gather3A_606, %gather3A_607, %gather3A_608] : memref<2x128x128xf32, #tpu.memory_space<vmem>> -> memref<1x128x128xf32, #tpu.memory_space<vmem>>
      %gather3A_610 = tpu.memref_squeeze %gather3A_609 : memref<1x128x128xf32, #tpu.memory_space<vmem>> -> memref<128x128xf32, #tpu.memory_space<vmem>>
      %gather3A_611 = tpu.vector_load_idx %gather3A_610[%add3A_384, %add3A_605] : memref<128x128xf32, #tpu.memory_space<vmem>>[vector<16xi32>, vector<16xi32>], vector<16xf32>,
      %add3A_612 = arith.constant 10 : i32
      %add3A_613 = vector.broadcast %add3A_612 : i32 to vector<16xi32>
      %add3A_614 = arith.addi %shift_left3A_394, %add3A_613 : vector<16xi32>
      %gather3A_615 = arith.constant 0 : i32
      %gather3A_616 = arith.constant 0 : i32
      %gather3A_617 = arith.constant 0 : i32
      %gather3A_618 = tpu.memref_slice %arg14[%gather3A_615, %gather3A_616, %gather3A_617] : memref<2x128x128xf32, #tpu.memory_space<vmem>> -> memref<1x128x128xf32, #tpu.memory_space<vmem>>
      %gather3A_619 = tpu.memref_squeeze %gather3A_618 : memref<1x128x128xf32, #tpu.memory_space<vmem>> -> memref<128x128xf32, #tpu.memory_space<vmem>>
      %gather3A_620 = tpu.vector_load_idx %gather3A_619[%add3A_384, %add3A_614] : memref<128x128xf32, #tpu.memory_space<vmem>>[vector<16xi32>, vector<16xi32>], vector<16xf32>,
      %mul3A_621 = arith.mulf %gather3A_611, %gather3A_620 : vector<16xf32>
      %add3A_622 = arith.addf %add3A_602, %mul3A_621 : vector<16xf32>
      %add3A_623 = arith.constant 11 : i32
      %add3A_624 = vector.broadcast %add3A_623 : i32 to vector<16xi32>
      %add3A_625 = arith.addi %shift_left3A_388, %add3A_624 : vector<16xi32>
      %gather3A_626 = arith.constant 0 : i32
      %gather3A_627 = arith.constant 0 : i32
      %gather3A_628 = arith.constant 0 : i32
      %gather3A_629 = tpu.memref_slice %arg13[%gather3A_626, %gather3A_627, %gather3A_628] : memref<2x128x128xf32, #tpu.memory_space<vmem>> -> memref<1x128x128xf32, #tpu.memory_space<vmem>>
      %gather3A_630 = tpu.memref_squeeze %gather3A_629 : memref<1x128x128xf32, #tpu.memory_space<vmem>> -> memref<128x128xf32, #tpu.memory_space<vmem>>
      %gather3A_631 = tpu.vector_load_idx %gather3A_630[%add3A_384, %add3A_625] : memref<128x128xf32, #tpu.memory_space<vmem>>[vector<16xi32>, vector<16xi32>], vector<16xf32>,
      %add3A_632 = arith.constant 11 : i32
      %add3A_633 = vector.broadcast %add3A_632 : i32 to vector<16xi32>
      %add3A_634 = arith.addi %shift_left3A_394, %add3A_633 : vector<16xi32>
      %gather3A_635 = arith.constant 0 : i32
      %gather3A_636 = arith.constant 0 : i32
      %gather3A_637 = arith.constant 0 : i32
      %gather3A_638 = tpu.memref_slice %arg14[%gather3A_635, %gather3A_636, %gather3A_637] : memref<2x128x128xf32, #tpu.memory_space<vmem>> -> memref<1x128x128xf32, #tpu.memory_space<vmem>>
      %gather3A_639 = tpu.memref_squeeze %gather3A_638 : memref<1x128x128xf32, #tpu.memory_space<vmem>> -> memref<128x128xf32, #tpu.memory_space<vmem>>
      %gather3A_640 = tpu.vector_load_idx %gather3A_639[%add3A_384, %add3A_634] : memref<128x128xf32, #tpu.memory_space<vmem>>[vector<16xi32>, vector<16xi32>], vector<16xf32>,
      %mul3A_641 = arith.mulf %gather3A_631, %gather3A_640 : vector<16xf32>
      %add3A_642 = arith.addf %add3A_622, %mul3A_641 : vector<16xf32>
      %add3A_643 = arith.constant 12 : i32
      %add3A_644 = vector.broadcast %add3A_643 : i32 to vector<16xi32>
      %add3A_645 = arith.addi %shift_left3A_388, %add3A_644 : vector<16xi32>
      %gather3A_646 = arith.constant 0 : i32
      %gather3A_647 = arith.constant 0 : i32
      %gather3A_648 = arith.constant 0 : i32
      %gather3A_649 = tpu.memref_slice %arg13[%gather3A_646, %gather3A_647, %gather3A_648] : memref<2x128x128xf32, #tpu.memory_space<vmem>> -> memref<1x128x128xf32, #tpu.memory_space<vmem>>
      %gather3A_650 = tpu.memref_squeeze %gather3A_649 : memref<1x128x128xf32, #tpu.memory_space<vmem>> -> memref<128x128xf32, #tpu.memory_space<vmem>>
      %gather3A_651 = tpu.vector_load_idx %gather3A_650[%add3A_384, %add3A_645] : memref<128x128xf32, #tpu.memory_space<vmem>>[vector<16xi32>, vector<16xi32>], vector<16xf32>,
      %add3A_652 = arith.constant 12 : i32
      %add3A_653 = vector.broadcast %add3A_652 : i32 to vector<16xi32>
      %add3A_654 = arith.addi %shift_left3A_394, %add3A_653 : vector<16xi32>
      %gather3A_655 = arith.constant 0 : i32
      %gather3A_656 = arith.constant 0 : i32
      %gather3A_657 = arith.constant 0 : i32
      %gather3A_658 = tpu.memref_slice %arg14[%gather3A_655, %gather3A_656, %gather3A_657] : memref<2x128x128xf32, #tpu.memory_space<vmem>> -> memref<1x128x128xf32, #tpu.memory_space<vmem>>
      %gather3A_659 = tpu.memref_squeeze %gather3A_658 : memref<1x128x128xf32, #tpu.memory_space<vmem>> -> memref<128x128xf32, #tpu.memory_space<vmem>>
      %gather3A_660 = tpu.vector_load_idx %gather3A_659[%add3A_384, %add3A_654] : memref<128x128xf32, #tpu.memory_space<vmem>>[vector<16xi32>, vector<16xi32>], vector<16xf32>,
      %mul3A_661 = arith.mulf %gather3A_651, %gather3A_660 : vector<16xf32>
      %add3A_662 = arith.addf %add3A_642, %mul3A_661 : vector<16xf32>
      %add3A_663 = arith.constant 13 : i32
      %add3A_664 = vector.broadcast %add3A_663 : i32 to vector<16xi32>
      %add3A_665 = arith.addi %shift_left3A_388, %add3A_664 : vector<16xi32>
      %gather3A_666 = arith.constant 0 : i32
      %gather3A_667 = arith.constant 0 : i32
      %gather3A_668 = arith.constant 0 : i32
      %gather3A_669 = tpu.memref_slice %arg13[%gather3A_666, %gather3A_667, %gather3A_668] : memref<2x128x128xf32, #tpu.memory_space<vmem>> -> memref<1x128x128xf32, #tpu.memory_space<vmem>>
      %gather3A_670 = tpu.memref_squeeze %gather3A_669 : memref<1x128x128xf32, #tpu.memory_space<vmem>> -> memref<128x128xf32, #tpu.memory_space<vmem>>
      %gather3A_671 = tpu.vector_load_idx %gather3A_670[%add3A_384, %add3A_665] : memref<128x128xf32, #tpu.memory_space<vmem>>[vector<16xi32>, vector<16xi32>], vector<16xf32>,
      %add3A_672 = arith.constant 13 : i32
      %add3A_673 = vector.broadcast %add3A_672 : i32 to vector<16xi32>
      %add3A_674 = arith.addi %shift_left3A_394, %add3A_673 : vector<16xi32>
      %gather3A_675 = arith.constant 0 : i32
      %gather3A_676 = arith.constant 0 : i32
      %gather3A_677 = arith.constant 0 : i32
      %gather3A_678 = tpu.memref_slice %arg14[%gather3A_675, %gather3A_676, %gather3A_677] : memref<2x128x128xf32, #tpu.memory_space<vmem>> -> memref<1x128x128xf32, #tpu.memory_space<vmem>>
      %gather3A_679 = tpu.memref_squeeze %gather3A_678 : memref<1x128x128xf32, #tpu.memory_space<vmem>> -> memref<128x128xf32, #tpu.memory_space<vmem>>
      %gather3A_680 = tpu.vector_load_idx %gather3A_679[%add3A_384, %add3A_674] : memref<128x128xf32, #tpu.memory_space<vmem>>[vector<16xi32>, vector<16xi32>], vector<16xf32>,
      %mul3A_681 = arith.mulf %gather3A_671, %gather3A_680 : vector<16xf32>
      %add3A_682 = arith.addf %add3A_662, %mul3A_681 : vector<16xf32>
      %add3A_683 = arith.constant 14 : i32
      %add3A_684 = vector.broadcast %add3A_683 : i32 to vector<16xi32>
      %add3A_685 = arith.addi %shift_left3A_388, %add3A_684 : vector<16xi32>
      %gather3A_686 = arith.constant 0 : i32
      %gather3A_687 = arith.constant 0 : i32
      %gather3A_688 = arith.constant 0 : i32
      %gather3A_689 = tpu.memref_slice %arg13[%gather3A_686, %gather3A_687, %gather3A_688] : memref<2x128x128xf32, #tpu.memory_space<vmem>> -> memref<1x128x128xf32, #tpu.memory_space<vmem>>
      %gather3A_690 = tpu.memref_squeeze %gather3A_689 : memref<1x128x128xf32, #tpu.memory_space<vmem>> -> memref<128x128xf32, #tpu.memory_space<vmem>>
      %gather3A_691 = tpu.vector_load_idx %gather3A_690[%add3A_384, %add3A_685] : memref<128x128xf32, #tpu.memory_space<vmem>>[vector<16xi32>, vector<16xi32>], vector<16xf32>,
      %add3A_692 = arith.constant 14 : i32
      %add3A_693 = vector.broadcast %add3A_692 : i32 to vector<16xi32>
      %add3A_694 = arith.addi %shift_left3A_394, %add3A_693 : vector<16xi32>
      %gather3A_695 = arith.constant 0 : i32
      %gather3A_696 = arith.constant 0 : i32
      %gather3A_697 = arith.constant 0 : i32
      %gather3A_698 = tpu.memref_slice %arg14[%gather3A_695, %gather3A_696, %gather3A_697] : memref<2x128x128xf32, #tpu.memory_space<vmem>> -> memref<1x128x128xf32, #tpu.memory_space<vmem>>
      %gather3A_699 = tpu.memref_squeeze %gather3A_698 : memref<1x128x128xf32, #tpu.memory_space<vmem>> -> memref<128x128xf32, #tpu.memory_space<vmem>>
      %gather3A_700 = tpu.vector_load_idx %gather3A_699[%add3A_384, %add3A_694] : memref<128x128xf32, #tpu.memory_space<vmem>>[vector<16xi32>, vector<16xi32>], vector<16xf32>,
      %mul3A_701 = arith.mulf %gather3A_691, %gather3A_700 : vector<16xf32>
      %add3A_702 = arith.addf %add3A_682, %mul3A_701 : vector<16xf32>
      %add3A_703 = arith.constant 15 : i32
      %add3A_704 = vector.broadcast %add3A_703 : i32 to vector<16xi32>
      %add3A_705 = arith.addi %shift_left3A_388, %add3A_704 : vector<16xi32>
      %gather3A_706 = arith.constant 0 : i32
      %gather3A_707 = arith.constant 0 : i32
      %gather3A_708 = arith.constant 0 : i32
      %gather3A_709 = tpu.memref_slice %arg13[%gather3A_706, %gather3A_707, %gather3A_708] : memref<2x128x128xf32, #tpu.memory_space<vmem>> -> memref<1x128x128xf32, #tpu.memory_space<vmem>>
      %gather3A_710 = tpu.memref_squeeze %gather3A_709 : memref<1x128x128xf32, #tpu.memory_space<vmem>> -> memref<128x128xf32, #tpu.memory_space<vmem>>
      %gather3A_711 = tpu.vector_load_idx %gather3A_710[%add3A_384, %add3A_705] : memref<128x128xf32, #tpu.memory_space<vmem>>[vector<16xi32>, vector<16xi32>], vector<16xf32>,
      %add3A_712 = arith.constant 15 : i32
      %add3A_713 = vector.broadcast %add3A_712 : i32 to vector<16xi32>
      %add3A_714 = arith.addi %shift_left3A_394, %add3A_713 : vector<16xi32>
      %gather3A_715 = arith.constant 0 : i32
      %gather3A_716 = arith.constant 0 : i32
      %gather3A_717 = arith.constant 0 : i32
      %gather3A_718 = tpu.memref_slice %arg14[%gather3A_715, %gather3A_716, %gather3A_717] : memref<2x128x128xf32, #tpu.memory_space<vmem>> -> memref<1x128x128xf32, #tpu.memory_space<vmem>>
      %gather3A_719 = tpu.memref_squeeze %gather3A_718 : memref<1x128x128xf32, #tpu.memory_space<vmem>> -> memref<128x128xf32, #tpu.memory_space<vmem>>
      %gather3A_720 = tpu.vector_load_idx %gather3A_719[%add3A_384, %add3A_714] : memref<128x128xf32, #tpu.memory_space<vmem>>[vector<16xi32>, vector<16xi32>], vector<16xf32>,
      %mul3A_721 = arith.mulf %gather3A_711, %gather3A_720 : vector<16xf32>
      %add3A_722 = arith.addf %add3A_702, %mul3A_721 : vector<16xf32>
      %add3A_723 = arith.constant 16 : i32
      %add3A_724 = vector.broadcast %add3A_723 : i32 to vector<16xi32>
      %add3A_725 = arith.addi %shift_left3A_388, %add3A_724 : vector<16xi32>
      %gather3A_726 = arith.constant 0 : i32
      %gather3A_727 = arith.constant 0 : i32
      %gather3A_728 = arith.constant 0 : i32
      %gather3A_729 = tpu.memref_slice %arg13[%gather3A_726, %gather3A_727, %gather3A_728] : memref<2x128x128xf32, #tpu.memory_space<vmem>> -> memref<1x128x128xf32, #tpu.memory_space<vmem>>
      %gather3A_730 = tpu.memref_squeeze %gather3A_729 : memref<1x128x128xf32, #tpu.memory_space<vmem>> -> memref<128x128xf32, #tpu.memory_space<vmem>>
      %gather3A_731 = tpu.vector_load_idx %gather3A_730[%add3A_384, %add3A_725] : memref<128x128xf32, #tpu.memory_space<vmem>>[vector<16xi32>, vector<16xi32>], vector<16xf32>,
      %add3A_732 = arith.constant 16 : i32
      %add3A_733 = vector.broadcast %add3A_732 : i32 to vector<16xi32>
      %add3A_734 = arith.addi %shift_left3A_394, %add3A_733 : vector<16xi32>
      %gather3A_735 = arith.constant 0 : i32
      %gather3A_736 = arith.constant 0 : i32
      %gather3A_737 = arith.constant 0 : i32
      %gather3A_738 = tpu.memref_slice %arg14[%gather3A_735, %gather3A_736, %gather3A_737] : memref<2x128x128xf32, #tpu.memory_space<vmem>> -> memref<1x128x128xf32, #tpu.memory_space<vmem>>
      %gather3A_739 = tpu.memref_squeeze %gather3A_738 : memref<1x128x128xf32, #tpu.memory_space<vmem>> -> memref<128x128xf32, #tpu.memory_space<vmem>>
      %gather3A_740 = tpu.vector_load_idx %gather3A_739[%add3A_384, %add3A_734] : memref<128x128xf32, #tpu.memory_space<vmem>>[vector<16xi32>, vector<16xi32>], vector<16xf32>,
      %mul3A_741 = arith.mulf %gather3A_731, %gather3A_740 : vector<16xf32>
      %add3A_742 = arith.addf %add3A_722, %mul3A_741 : vector<16xf32>
      %add3A_743 = arith.constant 17 : i32
      %add3A_744 = vector.broadcast %add3A_743 : i32 to vector<16xi32>
      %add3A_745 = arith.addi %shift_left3A_388, %add3A_744 : vector<16xi32>
      %gather3A_746 = arith.constant 0 : i32
      %gather3A_747 = arith.constant 0 : i32
      %gather3A_748 = arith.constant 0 : i32
      %gather3A_749 = tpu.memref_slice %arg13[%gather3A_746, %gather3A_747, %gather3A_748] : memref<2x128x128xf32, #tpu.memory_space<vmem>> -> memref<1x128x128xf32, #tpu.memory_space<vmem>>
      %gather3A_750 = tpu.memref_squeeze %gather3A_749 : memref<1x128x128xf32, #tpu.memory_space<vmem>> -> memref<128x128xf32, #tpu.memory_space<vmem>>
      %gather3A_751 = tpu.vector_load_idx %gather3A_750[%add3A_384, %add3A_745] : memref<128x128xf32, #tpu.memory_space<vmem>>[vector<16xi32>, vector<16xi32>], vector<16xf32>,
      %add3A_752 = arith.constant 17 : i32
      %add3A_753 = vector.broadcast %add3A_752 : i32 to vector<16xi32>
      %add3A_754 = arith.addi %shift_left3A_394, %add3A_753 : vector<16xi32>
      %gather3A_755 = arith.constant 0 : i32
      %gather3A_756 = arith.constant 0 : i32
      %gather3A_757 = arith.constant 0 : i32
      %gather3A_758 = tpu.memref_slice %arg14[%gather3A_755, %gather3A_756, %gather3A_757] : memref<2x128x128xf32, #tpu.memory_space<vmem>> -> memref<1x128x128xf32, #tpu.memory_space<vmem>>
      %gather3A_759 = tpu.memref_squeeze %gather3A_758 : memref<1x128x128xf32, #tpu.memory_space<vmem>> -> memref<128x128xf32, #tpu.memory_space<vmem>>
      %gather3A_760 = tpu.vector_load_idx %gather3A_759[%add3A_384, %add3A_754] : memref<128x128xf32, #tpu.memory_space<vmem>>[vector<16xi32>, vector<16xi32>], vector<16xf32>,
      %mul3A_761 = arith.mulf %gather3A_751, %gather3A_760 : vector<16xf32>
      %add3A_762 = arith.addf %add3A_742, %mul3A_761 : vector<16xf32>
      %add3A_763 = arith.constant 18 : i32
      %add3A_764 = vector.broadcast %add3A_763 : i32 to vector<16xi32>
      %add3A_765 = arith.addi %shift_left3A_388, %add3A_764 : vector<16xi32>
      %gather3A_766 = arith.constant 0 : i32
      %gather3A_767 = arith.constant 0 : i32
      %gather3A_768 = arith.constant 0 : i32
      %gather3A_769 = tpu.memref_slice %arg13[%gather3A_766, %gather3A_767, %gather3A_768] : memref<2x128x128xf32, #tpu.memory_space<vmem>> -> memref<1x128x128xf32, #tpu.memory_space<vmem>>
      %gather3A_770 = tpu.memref_squeeze %gather3A_769 : memref<1x128x128xf32, #tpu.memory_space<vmem>> -> memref<128x128xf32, #tpu.memory_space<vmem>>
      %gather3A_771 = tpu.vector_load_idx %gather3A_770[%add3A_384, %add3A_765] : memref<128x128xf32, #tpu.memory_space<vmem>>[vector<16xi32>, vector<16xi32>], vector<16xf32>,
      %add3A_772 = arith.constant 18 : i32
      %add3A_773 = vector.broadcast %add3A_772 : i32 to vector<16xi32>
      %add3A_774 = arith.addi %shift_left3A_394, %add3A_773 : vector<16xi32>
      %gather3A_775 = arith.constant 0 : i32
      %gather3A_776 = arith.constant 0 : i32
      %gather3A_777 = arith.constant 0 : i32
      %gather3A_778 = tpu.memref_slice %arg14[%gather3A_775, %gather3A_776, %gather3A_777] : memref<2x128x128xf32, #tpu.memory_space<vmem>> -> memref<1x128x128xf32, #tpu.memory_space<vmem>>
      %gather3A_779 = tpu.memref_squeeze %gather3A_778 : memref<1x128x128xf32, #tpu.memory_space<vmem>> -> memref<128x128xf32, #tpu.memory_space<vmem>>
      %gather3A_780 = tpu.vector_load_idx %gather3A_779[%add3A_384, %add3A_774] : memref<128x128xf32, #tpu.memory_space<vmem>>[vector<16xi32>, vector<16xi32>], vector<16xf32>,
      %mul3A_781 = arith.mulf %gather3A_771, %gather3A_780 : vector<16xf32>
      %add3A_782 = arith.addf %add3A_762, %mul3A_781 : vector<16xf32>
      %add3A_783 = arith.constant 19 : i32
      %add3A_784 = vector.broadcast %add3A_783 : i32 to vector<16xi32>
      %add3A_785 = arith.addi %shift_left3A_388, %add3A_784 : vector<16xi32>
      %gather3A_786 = arith.constant 0 : i32
      %gather3A_787 = arith.constant 0 : i32
      %gather3A_788 = arith.constant 0 : i32
      %gather3A_789 = tpu.memref_slice %arg13[%gather3A_786, %gather3A_787, %gather3A_788] : memref<2x128x128xf32, #tpu.memory_space<vmem>> -> memref<1x128x128xf32, #tpu.memory_space<vmem>>
      %gather3A_790 = tpu.memref_squeeze %gather3A_789 : memref<1x128x128xf32, #tpu.memory_space<vmem>> -> memref<128x128xf32, #tpu.memory_space<vmem>>
      %gather3A_791 = tpu.vector_load_idx %gather3A_790[%add3A_384, %add3A_785] : memref<128x128xf32, #tpu.memory_space<vmem>>[vector<16xi32>, vector<16xi32>], vector<16xf32>,
      %add3A_792 = arith.constant 19 : i32
      %add3A_793 = vector.broadcast %add3A_792 : i32 to vector<16xi32>
      %add3A_794 = arith.addi %shift_left3A_394, %add3A_793 : vector<16xi32>
      %gather3A_795 = arith.constant 0 : i32
      %gather3A_796 = arith.constant 0 : i32
      %gather3A_797 = arith.constant 0 : i32
      %gather3A_798 = tpu.memref_slice %arg14[%gather3A_795, %gather3A_796, %gather3A_797] : memref<2x128x128xf32, #tpu.memory_space<vmem>> -> memref<1x128x128xf32, #tpu.memory_space<vmem>>
      %gather3A_799 = tpu.memref_squeeze %gather3A_798 : memref<1x128x128xf32, #tpu.memory_space<vmem>> -> memref<128x128xf32, #tpu.memory_space<vmem>>
      %gather3A_800 = tpu.vector_load_idx %gather3A_799[%add3A_384, %add3A_794] : memref<128x128xf32, #tpu.memory_space<vmem>>[vector<16xi32>, vector<16xi32>], vector<16xf32>,
      %mul3A_801 = arith.mulf %gather3A_791, %gather3A_800 : vector<16xf32>
      %add3A_802 = arith.addf %add3A_782, %mul3A_801 : vector<16xf32>
      %add3A_803 = arith.constant 20 : i32
      %add3A_804 = vector.broadcast %add3A_803 : i32 to vector<16xi32>
      %add3A_805 = arith.addi %shift_left3A_388, %add3A_804 : vector<16xi32>
      %gather3A_806 = arith.constant 0 : i32
      %gather3A_807 = arith.constant 0 : i32
      %gather3A_808 = arith.constant 0 : i32
      %gather3A_809 = tpu.memref_slice %arg13[%gather3A_806, %gather3A_807, %gather3A_808] : memref<2x128x128xf32, #tpu.memory_space<vmem>> -> memref<1x128x128xf32, #tpu.memory_space<vmem>>
      %gather3A_810 = tpu.memref_squeeze %gather3A_809 : memref<1x128x128xf32, #tpu.memory_space<vmem>> -> memref<128x128xf32, #tpu.memory_space<vmem>>
      %gather3A_811 = tpu.vector_load_idx %gather3A_810[%add3A_384, %add3A_805] : memref<128x128xf32, #tpu.memory_space<vmem>>[vector<16xi32>, vector<16xi32>], vector<16xf32>,
      %add3A_812 = arith.constant 20 : i32
      %add3A_813 = vector.broadcast %add3A_812 : i32 to vector<16xi32>
      %add3A_814 = arith.addi %shift_left3A_394, %add3A_813 : vector<16xi32>
      %gather3A_815 = arith.constant 0 : i32
      %gather3A_816 = arith.constant 0 : i32
      %gather3A_817 = arith.constant 0 : i32
      %gather3A_818 = tpu.memref_slice %arg14[%gather3A_815, %gather3A_816, %gather3A_817] : memref<2x128x128xf32, #tpu.memory_space<vmem>> -> memref<1x128x128xf32, #tpu.memory_space<vmem>>
      %gather3A_819 = tpu.memref_squeeze %gather3A_818 : memref<1x128x128xf32, #tpu.memory_space<vmem>> -> memref<128x128xf32, #tpu.memory_space<vmem>>
      %gather3A_820 = tpu.vector_load_idx %gather3A_819[%add3A_384, %add3A_814] : memref<128x128xf32, #tpu.memory_space<vmem>>[vector<16xi32>, vector<16xi32>], vector<16xf32>,
      %mul3A_821 = arith.mulf %gather3A_811, %gather3A_820 : vector<16xf32>
      %add3A_822 = arith.addf %add3A_802, %mul3A_821 : vector<16xf32>
      %add3A_823 = arith.constant 21 : i32
      %add3A_824 = vector.broadcast %add3A_823 : i32 to vector<16xi32>
      %add3A_825 = arith.addi %shift_left3A_388, %add3A_824 : vector<16xi32>
      %gather3A_826 = arith.constant 0 : i32
      %gather3A_827 = arith.constant 0 : i32
      %gather3A_828 = arith.constant 0 : i32
      %gather3A_829 = tpu.memref_slice %arg13[%gather3A_826, %gather3A_827, %gather3A_828] : memref<2x128x128xf32, #tpu.memory_space<vmem>> -> memref<1x128x128xf32, #tpu.memory_space<vmem>>
      %gather3A_830 = tpu.memref_squeeze %gather3A_829 : memref<1x128x128xf32, #tpu.memory_space<vmem>> -> memref<128x128xf32, #tpu.memory_space<vmem>>
      %gather3A_831 = tpu.vector_load_idx %gather3A_830[%add3A_384, %add3A_825] : memref<128x128xf32, #tpu.memory_space<vmem>>[vector<16xi32>, vector<16xi32>], vector<16xf32>,
      %add3A_832 = arith.constant 21 : i32
      %add3A_833 = vector.broadcast %add3A_832 : i32 to vector<16xi32>
      %add3A_834 = arith.addi %shift_left3A_394, %add3A_833 : vector<16xi32>
      %gather3A_835 = arith.constant 0 : i32
      %gather3A_836 = arith.constant 0 : i32
      %gather3A_837 = arith.constant 0 : i32
      %gather3A_838 = tpu.memref_slice %arg14[%gather3A_835, %gather3A_836, %gather3A_837] : memref<2x128x128xf32, #tpu.memory_space<vmem>> -> memref<1x128x128xf32, #tpu.memory_space<vmem>>
      %gather3A_839 = tpu.memref_squeeze %gather3A_838 : memref<1x128x128xf32, #tpu.memory_space<vmem>> -> memref<128x128xf32, #tpu.memory_space<vmem>>
      %gather3A_840 = tpu.vector_load_idx %gather3A_839[%add3A_384, %add3A_834] : memref<128x128xf32, #tpu.memory_space<vmem>>[vector<16xi32>, vector<16xi32>], vector<16xf32>,
      %mul3A_841 = arith.mulf %gather3A_831, %gather3A_840 : vector<16xf32>
      %add3A_842 = arith.addf %add3A_822, %mul3A_841 : vector<16xf32>
      %add3A_843 = arith.constant 22 : i32
      %add3A_844 = vector.broadcast %add3A_843 : i32 to vector<16xi32>
      %add3A_845 = arith.addi %shift_left3A_388, %add3A_844 : vector<16xi32>
      %gather3A_846 = arith.constant 0 : i32
      %gather3A_847 = arith.constant 0 : i32
      %gather3A_848 = arith.constant 0 : i32
      %gather3A_849 = tpu.memref_slice %arg13[%gather3A_846, %gather3A_847, %gather3A_848] : memref<2x128x128xf32, #tpu.memory_space<vmem>> -> memref<1x128x128xf32, #tpu.memory_space<vmem>>
      %gather3A_850 = tpu.memref_squeeze %gather3A_849 : memref<1x128x128xf32, #tpu.memory_space<vmem>> -> memref<128x128xf32, #tpu.memory_space<vmem>>
      %gather3A_851 = tpu.vector_load_idx %gather3A_850[%add3A_384, %add3A_845] : memref<128x128xf32, #tpu.memory_space<vmem>>[vector<16xi32>, vector<16xi32>], vector<16xf32>,
      %add3A_852 = arith.constant 22 : i32
      %add3A_853 = vector.broadcast %add3A_852 : i32 to vector<16xi32>
      %add3A_854 = arith.addi %shift_left3A_394, %add3A_853 : vector<16xi32>
      %gather3A_855 = arith.constant 0 : i32
      %gather3A_856 = arith.constant 0 : i32
      %gather3A_857 = arith.constant 0 : i32
      %gather3A_858 = tpu.memref_slice %arg14[%gather3A_855, %gather3A_856, %gather3A_857] : memref<2x128x128xf32, #tpu.memory_space<vmem>> -> memref<1x128x128xf32, #tpu.memory_space<vmem>>
      %gather3A_859 = tpu.memref_squeeze %gather3A_858 : memref<1x128x128xf32, #tpu.memory_space<vmem>> -> memref<128x128xf32, #tpu.memory_space<vmem>>
      %gather3A_860 = tpu.vector_load_idx %gather3A_859[%add3A_384, %add3A_854] : memref<128x128xf32, #tpu.memory_space<vmem>>[vector<16xi32>, vector<16xi32>], vector<16xf32>,
      %mul3A_861 = arith.mulf %gather3A_851, %gather3A_860 : vector<16xf32>
      %add3A_862 = arith.addf %add3A_842, %mul3A_861 : vector<16xf32>
      %add3A_863 = arith.constant 23 : i32
      %add3A_864 = vector.broadcast %add3A_863 : i32 to vector<16xi32>
      %add3A_865 = arith.addi %shift_left3A_388, %add3A_864 : vector<16xi32>
      %gather3A_866 = arith.constant 0 : i32
      %gather3A_867 = arith.constant 0 : i32
      %gather3A_868 = arith.constant 0 : i32
      %gather3A_869 = tpu.memref_slice %arg13[%gather3A_866, %gather3A_867, %gather3A_868] : memref<2x128x128xf32, #tpu.memory_space<vmem>> -> memref<1x128x128xf32, #tpu.memory_space<vmem>>
      %gather3A_870 = tpu.memref_squeeze %gather3A_869 : memref<1x128x128xf32, #tpu.memory_space<vmem>> -> memref<128x128xf32, #tpu.memory_space<vmem>>
      %gather3A_871 = tpu.vector_load_idx %gather3A_870[%add3A_384, %add3A_865] : memref<128x128xf32, #tpu.memory_space<vmem>>[vector<16xi32>, vector<16xi32>], vector<16xf32>,
      %add3A_872 = arith.constant 23 : i32
      %add3A_873 = vector.broadcast %add3A_872 : i32 to vector<16xi32>
      %add3A_874 = arith.addi %shift_left3A_394, %add3A_873 : vector<16xi32>
      %gather3A_875 = arith.constant 0 : i32
      %gather3A_876 = arith.constant 0 : i32
      %gather3A_877 = arith.constant 0 : i32
      %gather3A_878 = tpu.memref_slice %arg14[%gather3A_875, %gather3A_876, %gather3A_877] : memref<2x128x128xf32, #tpu.memory_space<vmem>> -> memref<1x128x128xf32, #tpu.memory_space<vmem>>
      %gather3A_879 = tpu.memref_squeeze %gather3A_878 : memref<1x128x128xf32, #tpu.memory_space<vmem>> -> memref<128x128xf32, #tpu.memory_space<vmem>>
      %gather3A_880 = tpu.vector_load_idx %gather3A_879[%add3A_384, %add3A_874] : memref<128x128xf32, #tpu.memory_space<vmem>>[vector<16xi32>, vector<16xi32>], vector<16xf32>,
      %mul3A_881 = arith.mulf %gather3A_871, %gather3A_880 : vector<16xf32>
      %add3A_882 = arith.addf %add3A_862, %mul3A_881 : vector<16xf32>
      %add3A_883 = arith.constant 24 : i32
      %add3A_884 = vector.broadcast %add3A_883 : i32 to vector<16xi32>
      %add3A_885 = arith.addi %shift_left3A_388, %add3A_884 : vector<16xi32>
      %gather3A_886 = arith.constant 0 : i32
      %gather3A_887 = arith.constant 0 : i32
      %gather3A_888 = arith.constant 0 : i32
      %gather3A_889 = tpu.memref_slice %arg13[%gather3A_886, %gather3A_887, %gather3A_888] : memref<2x128x128xf32, #tpu.memory_space<vmem>> -> memref<1x128x128xf32, #tpu.memory_space<vmem>>
      %gather3A_890 = tpu.memref_squeeze %gather3A_889 : memref<1x128x128xf32, #tpu.memory_space<vmem>> -> memref<128x128xf32, #tpu.memory_space<vmem>>
      %gather3A_891 = tpu.vector_load_idx %gather3A_890[%add3A_384, %add3A_885] : memref<128x128xf32, #tpu.memory_space<vmem>>[vector<16xi32>, vector<16xi32>], vector<16xf32>,
      %add3A_892 = arith.constant 24 : i32
      %add3A_893 = vector.broadcast %add3A_892 : i32 to vector<16xi32>
      %add3A_894 = arith.addi %shift_left3A_394, %add3A_893 : vector<16xi32>
      %gather3A_895 = arith.constant 0 : i32
      %gather3A_896 = arith.constant 0 : i32
      %gather3A_897 = arith.constant 0 : i32
      %gather3A_898 = tpu.memref_slice %arg14[%gather3A_895, %gather3A_896, %gather3A_897] : memref<2x128x128xf32, #tpu.memory_space<vmem>> -> memref<1x128x128xf32, #tpu.memory_space<vmem>>
      %gather3A_899 = tpu.memref_squeeze %gather3A_898 : memref<1x128x128xf32, #tpu.memory_space<vmem>> -> memref<128x128xf32, #tpu.memory_space<vmem>>
      %gather3A_900 = tpu.vector_load_idx %gather3A_899[%add3A_384, %add3A_894] : memref<128x128xf32, #tpu.memory_space<vmem>>[vector<16xi32>, vector<16xi32>], vector<16xf32>,
      %mul3A_901 = arith.mulf %gather3A_891, %gather3A_900 : vector<16xf32>
      %add3A_902 = arith.addf %add3A_882, %mul3A_901 : vector<16xf32>
      %add3A_903 = arith.constant 25 : i32
      %add3A_904 = vector.broadcast %add3A_903 : i32 to vector<16xi32>
      %add3A_905 = arith.addi %shift_left3A_388, %add3A_904 : vector<16xi32>
      %gather3A_906 = arith.constant 0 : i32
      %gather3A_907 = arith.constant 0 : i32
      %gather3A_908 = arith.constant 0 : i32
      %gather3A_909 = tpu.memref_slice %arg13[%gather3A_906, %gather3A_907, %gather3A_908] : memref<2x128x128xf32, #tpu.memory_space<vmem>> -> memref<1x128x128xf32, #tpu.memory_space<vmem>>
      %gather3A_910 = tpu.memref_squeeze %gather3A_909 : memref<1x128x128xf32, #tpu.memory_space<vmem>> -> memref<128x128xf32, #tpu.memory_space<vmem>>
      %gather3A_911 = tpu.vector_load_idx %gather3A_910[%add3A_384, %add3A_905] : memref<128x128xf32, #tpu.memory_space<vmem>>[vector<16xi32>, vector<16xi32>], vector<16xf32>,
      %add3A_912 = arith.constant 25 : i32
      %add3A_913 = vector.broadcast %add3A_912 : i32 to vector<16xi32>
      %add3A_914 = arith.addi %shift_left3A_394, %add3A_913 : vector<16xi32>
      %gather3A_915 = arith.constant 0 : i32
      %gather3A_916 = arith.constant 0 : i32
      %gather3A_917 = arith.constant 0 : i32
      %gather3A_918 = tpu.memref_slice %arg14[%gather3A_915, %gather3A_916, %gather3A_917] : memref<2x128x128xf32, #tpu.memory_space<vmem>> -> memref<1x128x128xf32, #tpu.memory_space<vmem>>
      %gather3A_919 = tpu.memref_squeeze %gather3A_918 : memref<1x128x128xf32, #tpu.memory_space<vmem>> -> memref<128x128xf32, #tpu.memory_space<vmem>>
      %gather3A_920 = tpu.vector_load_idx %gather3A_919[%add3A_384, %add3A_914] : memref<128x128xf32, #tpu.memory_space<vmem>>[vector<16xi32>, vector<16xi32>], vector<16xf32>,
      %mul3A_921 = arith.mulf %gather3A_911, %gather3A_920 : vector<16xf32>
      %add3A_922 = arith.addf %add3A_902, %mul3A_921 : vector<16xf32>
      %add3A_923 = arith.constant 26 : i32
      %add3A_924 = vector.broadcast %add3A_923 : i32 to vector<16xi32>
      %add3A_925 = arith.addi %shift_left3A_388, %add3A_924 : vector<16xi32>
      %gather3A_926 = arith.constant 0 : i32
      %gather3A_927 = arith.constant 0 : i32
      %gather3A_928 = arith.constant 0 : i32
      %gather3A_929 = tpu.memref_slice %arg13[%gather3A_926, %gather3A_927, %gather3A_928] : memref<2x128x128xf32, #tpu.memory_space<vmem>> -> memref<1x128x128xf32, #tpu.memory_space<vmem>>
      %gather3A_930 = tpu.memref_squeeze %gather3A_929 : memref<1x128x128xf32, #tpu.memory_space<vmem>> -> memref<128x128xf32, #tpu.memory_space<vmem>>
      %gather3A_931 = tpu.vector_load_idx %gather3A_930[%add3A_384, %add3A_925] : memref<128x128xf32, #tpu.memory_space<vmem>>[vector<16xi32>, vector<16xi32>], vector<16xf32>,
      %add3A_932 = arith.constant 26 : i32
      %add3A_933 = vector.broadcast %add3A_932 : i32 to vector<16xi32>
      %add3A_934 = arith.addi %shift_left3A_394, %add3A_933 : vector<16xi32>
      %gather3A_935 = arith.constant 0 : i32
      %gather3A_936 = arith.constant 0 : i32
      %gather3A_937 = arith.constant 0 : i32
      %gather3A_938 = tpu.memref_slice %arg14[%gather3A_935, %gather3A_936, %gather3A_937] : memref<2x128x128xf32, #tpu.memory_space<vmem>> -> memref<1x128x128xf32, #tpu.memory_space<vmem>>
      %gather3A_939 = tpu.memref_squeeze %gather3A_938 : memref<1x128x128xf32, #tpu.memory_space<vmem>> -> memref<128x128xf32, #tpu.memory_space<vmem>>
      %gather3A_940 = tpu.vector_load_idx %gather3A_939[%add3A_384, %add3A_934] : memref<128x128xf32, #tpu.memory_space<vmem>>[vector<16xi32>, vector<16xi32>], vector<16xf32>,
      %mul3A_941 = arith.mulf %gather3A_931, %gather3A_940 : vector<16xf32>
      %add3A_942 = arith.addf %add3A_922, %mul3A_941 : vector<16xf32>
      %add3A_943 = arith.constant 27 : i32
      %add3A_944 = vector.broadcast %add3A_943 : i32 to vector<16xi32>
      %add3A_945 = arith.addi %shift_left3A_388, %add3A_944 : vector<16xi32>
      %gather3A_946 = arith.constant 0 : i32
      %gather3A_947 = arith.constant 0 : i32
      %gather3A_948 = arith.constant 0 : i32
      %gather3A_949 = tpu.memref_slice %arg13[%gather3A_946, %gather3A_947, %gather3A_948] : memref<2x128x128xf32, #tpu.memory_space<vmem>> -> memref<1x128x128xf32, #tpu.memory_space<vmem>>
      %gather3A_950 = tpu.memref_squeeze %gather3A_949 : memref<1x128x128xf32, #tpu.memory_space<vmem>> -> memref<128x128xf32, #tpu.memory_space<vmem>>
      %gather3A_951 = tpu.vector_load_idx %gather3A_950[%add3A_384, %add3A_945] : memref<128x128xf32, #tpu.memory_space<vmem>>[vector<16xi32>, vector<16xi32>], vector<16xf32>,
      %add3A_952 = arith.constant 27 : i32
      %add3A_953 = vector.broadcast %add3A_952 : i32 to vector<16xi32>
      %add3A_954 = arith.addi %shift_left3A_394, %add3A_953 : vector<16xi32>
      %gather3A_955 = arith.constant 0 : i32
      %gather3A_956 = arith.constant 0 : i32
      %gather3A_957 = arith.constant 0 : i32
      %gather3A_958 = tpu.memref_slice %arg14[%gather3A_955, %gather3A_956, %gather3A_957] : memref<2x128x128xf32, #tpu.memory_space<vmem>> -> memref<1x128x128xf32, #tpu.memory_space<vmem>>
      %gather3A_959 = tpu.memref_squeeze %gather3A_958 : memref<1x128x128xf32, #tpu.memory_space<vmem>> -> memref<128x128xf32, #tpu.memory_space<vmem>>
      %gather3A_960 = tpu.vector_load_idx %gather3A_959[%add3A_384, %add3A_954] : memref<128x128xf32, #tpu.memory_space<vmem>>[vector<16xi32>, vector<16xi32>], vector<16xf32>,
      %mul3A_961 = arith.mulf %gather3A_951, %gather3A_960 : vector<16xf32>
      %add3A_962 = arith.addf %add3A_942, %mul3A_961 : vector<16xf32>
      %add3A_963 = arith.constant 28 : i32
      %add3A_964 = vector.broadcast %add3A_963 : i32 to vector<16xi32>
      %add3A_965 = arith.addi %shift_left3A_388, %add3A_964 : vector<16xi32>
      %gather3A_966 = arith.constant 0 : i32
      %gather3A_967 = arith.constant 0 : i32
      %gather3A_968 = arith.constant 0 : i32
      %gather3A_969 = tpu.memref_slice %arg13[%gather3A_966, %gather3A_967, %gather3A_968] : memref<2x128x128xf32, #tpu.memory_space<vmem>> -> memref<1x128x128xf32, #tpu.memory_space<vmem>>
      %gather3A_970 = tpu.memref_squeeze %gather3A_969 : memref<1x128x128xf32, #tpu.memory_space<vmem>> -> memref<128x128xf32, #tpu.memory_space<vmem>>
      %gather3A_971 = tpu.vector_load_idx %gather3A_970[%add3A_384, %add3A_965] : memref<128x128xf32, #tpu.memory_space<vmem>>[vector<16xi32>, vector<16xi32>], vector<16xf32>,
      %add3A_972 = arith.constant 28 : i32
      %add3A_973 = vector.broadcast %add3A_972 : i32 to vector<16xi32>
      %add3A_974 = arith.addi %shift_left3A_394, %add3A_973 : vector<16xi32>
      %gather3A_975 = arith.constant 0 : i32
      %gather3A_976 = arith.constant 0 : i32
      %gather3A_977 = arith.constant 0 : i32
      %gather3A_978 = tpu.memref_slice %arg14[%gather3A_975, %gather3A_976, %gather3A_977] : memref<2x128x128xf32, #tpu.memory_space<vmem>> -> memref<1x128x128xf32, #tpu.memory_space<vmem>>
      %gather3A_979 = tpu.memref_squeeze %gather3A_978 : memref<1x128x128xf32, #tpu.memory_space<vmem>> -> memref<128x128xf32, #tpu.memory_space<vmem>>
      %gather3A_980 = tpu.vector_load_idx %gather3A_979[%add3A_384, %add3A_974] : memref<128x128xf32, #tpu.memory_space<vmem>>[vector<16xi32>, vector<16xi32>], vector<16xf32>,
      %mul3A_981 = arith.mulf %gather3A_971, %gather3A_980 : vector<16xf32>
      %add3A_982 = arith.addf %add3A_962, %mul3A_981 : vector<16xf32>
      %add3A_983 = arith.constant 29 : i32
      %add3A_984 = vector.broadcast %add3A_983 : i32 to vector<16xi32>
      %add3A_985 = arith.addi %shift_left3A_388, %add3A_984 : vector<16xi32>
      %gather3A_986 = arith.constant 0 : i32
      %gather3A_987 = arith.constant 0 : i32
      %gather3A_988 = arith.constant 0 : i32
      %gather3A_989 = tpu.memref_slice %arg13[%gather3A_986, %gather3A_987, %gather3A_988] : memref<2x128x128xf32, #tpu.memory_space<vmem>> -> memref<1x128x128xf32, #tpu.memory_space<vmem>>
      %gather3A_990 = tpu.memref_squeeze %gather3A_989 : memref<1x128x128xf32, #tpu.memory_space<vmem>> -> memref<128x128xf32, #tpu.memory_space<vmem>>
      %gather3A_991 = tpu.vector_load_idx %gather3A_990[%add3A_384, %add3A_985] : memref<128x128xf32, #tpu.memory_space<vmem>>[vector<16xi32>, vector<16xi32>], vector<16xf32>,
      %add3A_992 = arith.constant 29 : i32
      %add3A_993 = vector.broadcast %add3A_992 : i32 to vector<16xi32>
      %add3A_994 = arith.addi %shift_left3A_394, %add3A_993 : vector<16xi32>
      %gather3A_995 = arith.constant 0 : i32
      %gather3A_996 = arith.constant 0 : i32
      %gather3A_997 = arith.constant 0 : i32
      %gather3A_998 = tpu.memref_slice %arg14[%gather3A_995, %gather3A_996, %gather3A_997] : memref<2x128x128xf32, #tpu.memory_space<vmem>> -> memref<1x128x128xf32, #tpu.memory_space<vmem>>
      %gather3A_999 = tpu.memref_squeeze %gather3A_998 : memref<1x128x128xf32, #tpu.memory_space<vmem>> -> memref<128x128xf32, #tpu.memory_space<vmem>>
      %gather3A_1000 = tpu.vector_load_idx %gather3A_999[%add3A_384, %add3A_994] : memref<128x128xf32, #tpu.memory_space<vmem>>[vector<16xi32>, vector<16xi32>], vector<16xf32>,
      %mul3A_1001 = arith.mulf %gather3A_991, %gather3A_1000 : vector<16xf32>
      %add3A_1002 = arith.addf %add3A_982, %mul3A_1001 : vector<16xf32>
      %add3A_1003 = arith.constant 30 : i32
      %add3A_1004 = vector.broadcast %add3A_1003 : i32 to vector<16xi32>
      %add3A_1005 = arith.addi %shift_left3A_388, %add3A_1004 : vector<16xi32>
      %gather3A_1006 = arith.constant 0 : i32
      %gather3A_1007 = arith.constant 0 : i32
      %gather3A_1008 = arith.constant 0 : i32
      %gather3A_1009 = tpu.memref_slice %arg13[%gather3A_1006, %gather3A_1007, %gather3A_1008] : memref<2x128x128xf32, #tpu.memory_space<vmem>> -> memref<1x128x128xf32, #tpu.memory_space<vmem>>
      %gather3A_1010 = tpu.memref_squeeze %gather3A_1009 : memref<1x128x128xf32, #tpu.memory_space<vmem>> -> memref<128x128xf32, #tpu.memory_space<vmem>>
      %gather3A_1011 = tpu.vector_load_idx %gather3A_1010[%add3A_384, %add3A_1005] : memref<128x128xf32, #tpu.memory_space<vmem>>[vector<16xi32>, vector<16xi32>], vector<16xf32>,
      %add3A_1012 = arith.constant 30 : i32
      %add3A_1013 = vector.broadcast %add3A_1012 : i32 to vector<16xi32>
      %add3A_1014 = arith.addi %shift_left3A_394, %add3A_1013 : vector<16xi32>
      %gather3A_1015 = arith.constant 0 : i32
      %gather3A_1016 = arith.constant 0 : i32
      %gather3A_1017 = arith.constant 0 : i32
      %gather3A_1018 = tpu.memref_slice %arg14[%gather3A_1015, %gather3A_1016, %gather3A_1017] : memref<2x128x128xf32, #tpu.memory_space<vmem>> -> memref<1x128x128xf32, #tpu.memory_space<vmem>>
      %gather3A_1019 = tpu.memref_squeeze %gather3A_1018 : memref<1x128x128xf32, #tpu.memory_space<vmem>> -> memref<128x128xf32, #tpu.memory_space<vmem>>
      %gather3A_1020 = tpu.vector_load_idx %gather3A_1019[%add3A_384, %add3A_1014] : memref<128x128xf32, #tpu.memory_space<vmem>>[vector<16xi32>, vector<16xi32>], vector<16xf32>,
      %mul3A_1021 = arith.mulf %gather3A_1011, %gather3A_1020 : vector<16xf32>
      %add3A_1022 = arith.addf %add3A_1002, %mul3A_1021 : vector<16xf32>
      %add3A_1023 = arith.constant 31 : i32
      %add3A_1024 = vector.broadcast %add3A_1023 : i32 to vector<16xi32>
      %add3A_1025 = arith.addi %shift_left3A_388, %add3A_1024 : vector<16xi32>
      %gather3A_1026 = arith.constant 0 : i32
      %gather3A_1027 = arith.constant 0 : i32
      %gather3A_1028 = arith.constant 0 : i32
      %gather3A_1029 = tpu.memref_slice %arg13[%gather3A_1026, %gather3A_1027, %gather3A_1028] : memref<2x128x128xf32, #tpu.memory_space<vmem>> -> memref<1x128x128xf32, #tpu.memory_space<vmem>>
      %gather3A_1030 = tpu.memref_squeeze %gather3A_1029 : memref<1x128x128xf32, #tpu.memory_space<vmem>> -> memref<128x128xf32, #tpu.memory_space<vmem>>
      %gather3A_1031 = tpu.vector_load_idx %gather3A_1030[%add3A_384, %add3A_1025] : memref<128x128xf32, #tpu.memory_space<vmem>>[vector<16xi32>, vector<16xi32>], vector<16xf32>,
      %add3A_1032 = arith.constant 31 : i32
      %add3A_1033 = vector.broadcast %add3A_1032 : i32 to vector<16xi32>
      %add3A_1034 = arith.addi %shift_left3A_394, %add3A_1033 : vector<16xi32>
      %gather3A_1035 = arith.constant 0 : i32
      %gather3A_1036 = arith.constant 0 : i32
      %gather3A_1037 = arith.constant 0 : i32
      %gather3A_1038 = tpu.memref_slice %arg14[%gather3A_1035, %gather3A_1036, %gather3A_1037] : memref<2x128x128xf32, #tpu.memory_space<vmem>> -> memref<1x128x128xf32, #tpu.memory_space<vmem>>
      %gather3A_1039 = tpu.memref_squeeze %gather3A_1038 : memref<1x128x128xf32, #tpu.memory_space<vmem>> -> memref<128x128xf32, #tpu.memory_space<vmem>>
      %gather3A_1040 = tpu.vector_load_idx %gather3A_1039[%add3A_384, %add3A_1034] : memref<128x128xf32, #tpu.memory_space<vmem>>[vector<16xi32>, vector<16xi32>], vector<16xf32>,
      %mul3A_1041 = arith.mulf %gather3A_1031, %gather3A_1040 : vector<16xf32>
      %add3A_1042 = arith.addf %add3A_1022, %mul3A_1041 : vector<16xf32>
      %add3A_1043 = arith.constant 0 : i32
      %add3A_1044 = arith.addi %add3A_1043, %mul3A_375 : i32
      %swap3A = arith.index_cast %add3A_1044 : i32 to index
      %swap3A_1045 = tpu.vector_load %arg17[%swap3A] {strides = array<i32>} : memref<512xf32, #tpu.memory_space<vmem>>, vector<16xf32>,
      tpu.vector_store %arg17[%swap3A], %add3A_1042 {strides = array<i32>} : memref<512xf32, #tpu.memory_space<vmem>>, vector<16xf32>,
    }
    %scan3A_234 = arith.constant 8 : i32
    %dma_start3A_235 = arith.constant 2 : i32
    %dma_start3A_236 = arith.constant 0 : i32
    %dma_start3A_237 = arith.constant 0 : i32
    %dma_start3A_238 = arith.constant 0 : i32
    %dma_start3A_239 = tpu.memref_slice %arg13[%dma_start3A_236, %dma_start3A_237, %dma_start3A_238] : memref<2x128x128xf32, #tpu.memory_space<vmem>> -> memref<1x128x128xf32, #tpu.memory_space<vmem>>
    %dma_start3A_240 = tpu.memref_squeeze %dma_start3A_239 : memref<1x128x128xf32, #tpu.memory_space<vmem>> -> memref<128x128xf32, #tpu.memory_space<vmem>>
    %dma_start3A_241 = arith.constant 0 : i32
    %dma_start3A_242 = tpu.memref_slice %arg11[%dma_start3A_235, %dma_start3A_241] : memref<4x128xi32, #tpu.memory_space<vmem>> -> memref<1x128xi32, #tpu.memory_space<vmem>>
    %dma_start3A_243 = tpu.memref_squeeze %dma_start3A_242 : memref<1x128xi32, #tpu.memory_space<vmem>> -> memref<128xi32, #tpu.memory_space<vmem>>
    %dma_start3A_244 = arith.constant 0 : i32
    %dma_start3A_245 = arith.constant 0 : i32
    %dma_start3A_246 = tpu.memref_slice %arg4[%dma_start3A_244, %dma_start3A_245] : memref<250000x128xf32, #tpu.memory_space<hbm>> -> memref<250000x128xf32, #tpu.memory_space<hbm>>
    tpu.enqueue_indirect_dma source(%dma_start3A_246 : memref<250000x128xf32, #tpu.memory_space<hbm>>) target(%dma_start3A_240 : memref<128x128xf32, #tpu.memory_space<vmem>>) offsets(%dma_start3A_243 : memref<128xi32, #tpu.memory_space<vmem>>) semaphore(%arg19 : memref<!tpu.dma_semaphore, #tpu.memory_space<semaphore_mem>>)
    %dma_start3A_247 = arith.constant 2 : i32
    %dma_start3A_248 = arith.constant 0 : i32
    %dma_start3A_249 = arith.constant 0 : i32
    %dma_start3A_250 = arith.constant 0 : i32
    %dma_start3A_251 = tpu.memref_slice %arg14[%dma_start3A_248, %dma_start3A_249, %dma_start3A_250] : memref<2x128x128xf32, #tpu.memory_space<vmem>> -> memref<1x128x128xf32, #tpu.memory_space<vmem>>
    %dma_start3A_252 = tpu.memref_squeeze %dma_start3A_251 : memref<1x128x128xf32, #tpu.memory_space<vmem>> -> memref<128x128xf32, #tpu.memory_space<vmem>>
    %dma_start3A_253 = arith.constant 0 : i32
    %dma_start3A_254 = tpu.memref_slice %arg12[%dma_start3A_247, %dma_start3A_253] : memref<4x128xi32, #tpu.memory_space<vmem>> -> memref<1x128xi32, #tpu.memory_space<vmem>>
    %dma_start3A_255 = tpu.memref_squeeze %dma_start3A_254 : memref<1x128xi32, #tpu.memory_space<vmem>> -> memref<128xi32, #tpu.memory_space<vmem>>
    %dma_start3A_256 = arith.constant 0 : i32
    %dma_start3A_257 = arith.constant 0 : i32
    %dma_start3A_258 = tpu.memref_slice %arg5[%dma_start3A_256, %dma_start3A_257] : memref<250000x128xf32, #tpu.memory_space<hbm>> -> memref<250000x128xf32, #tpu.memory_space<hbm>>
    tpu.enqueue_indirect_dma source(%dma_start3A_258 : memref<250000x128xf32, #tpu.memory_space<hbm>>) target(%dma_start3A_252 : memref<128x128xf32, #tpu.memory_space<vmem>>) offsets(%dma_start3A_255 : memref<128xi32, #tpu.memory_space<vmem>>) semaphore(%arg19 : memref<!tpu.dma_semaphore, #tpu.memory_space<semaphore_mem>>)
    %dma_wait3A_259 = arith.constant 1 : i32
    %dma_wait3A_260 = arith.constant 1 : i32
    %dma_wait3A_261 = arith.constant 0 : i32
    %dma_wait3A_262 = arith.constant 0 : i32
    %dma_wait3A_263 = tpu.memref_slice %arg13[%dma_wait3A_260, %dma_wait3A_261, %dma_wait3A_262] : memref<2x128x128xf32, #tpu.memory_space<vmem>> -> memref<1x128x128xf32, #tpu.memory_space<vmem>>
    %dma_wait3A_264 = tpu.memref_squeeze %dma_wait3A_263 : memref<1x128x128xf32, #tpu.memory_space<vmem>> -> memref<128x128xf32, #tpu.memory_space<vmem>>
    %dma_wait3A_265 = arith.constant 0 : i32
    %dma_wait3A_266 = tpu.memref_slice %arg11[%dma_wait3A_259, %dma_wait3A_265] : memref<4x128xi32, #tpu.memory_space<vmem>> -> memref<1x128xi32, #tpu.memory_space<vmem>>
    %dma_wait3A_267 = tpu.memref_squeeze %dma_wait3A_266 : memref<1x128xi32, #tpu.memory_space<vmem>> -> memref<128xi32, #tpu.memory_space<vmem>>
    %dma_wait3A_268 = arith.constant 0 : i32
    %dma_wait3A_269 = arith.constant 0 : i32
    %dma_wait3A_270 = tpu.memref_slice %arg4[%dma_wait3A_268, %dma_wait3A_269] : memref<250000x128xf32, #tpu.memory_space<hbm>> -> memref<250000x128xf32, #tpu.memory_space<hbm>>
    tpu.wait_indirect_dma semaphore(%arg20 : memref<!tpu.dma_semaphore, #tpu.memory_space<semaphore_mem>>) src(%dma_wait3A_270 : memref<250000x128xf32, #tpu.memory_space<hbm>>) dst(%dma_wait3A_264 : memref<128x128xf32, #tpu.memory_space<vmem>>)
    %dma_wait3A_271 = arith.constant 1 : i32
    %dma_wait3A_272 = arith.constant 1 : i32
    %dma_wait3A_273 = arith.constant 0 : i32
    %dma_wait3A_274 = arith.constant 0 : i32
    %dma_wait3A_275 = tpu.memref_slice %arg14[%dma_wait3A_272, %dma_wait3A_273, %dma_wait3A_274] : memref<2x128x128xf32, #tpu.memory_space<vmem>> -> memref<1x128x128xf32, #tpu.memory_space<vmem>>
    %dma_wait3A_276 = tpu.memref_squeeze %dma_wait3A_275 : memref<1x128x128xf32, #tpu.memory_space<vmem>> -> memref<128x128xf32, #tpu.memory_space<vmem>>
    %dma_wait3A_277 = arith.constant 0 : i32
    %dma_wait3A_278 = tpu.memref_slice %arg12[%dma_wait3A_271, %dma_wait3A_277] : memref<4x128xi32, #tpu.memory_space<vmem>> -> memref<1x128xi32, #tpu.memory_space<vmem>>
    %dma_wait3A_279 = tpu.memref_squeeze %dma_wait3A_278 : memref<1x128xi32, #tpu.memory_space<vmem>> -> memref<128xi32, #tpu.memory_space<vmem>>
    %dma_wait3A_280 = arith.constant 0 : i32
    %dma_wait3A_281 = arith.constant 0 : i32
    %dma_wait3A_282 = tpu.memref_slice %arg5[%dma_wait3A_280, %dma_wait3A_281] : memref<250000x128xf32, #tpu.memory_space<hbm>> -> memref<250000x128xf32, #tpu.memory_space<hbm>>
    tpu.wait_indirect_dma semaphore(%arg20 : memref<!tpu.dma_semaphore, #tpu.memory_space<semaphore_mem>>) src(%dma_wait3A_282 : memref<250000x128xf32, #tpu.memory_space<hbm>>) dst(%dma_wait3A_276 : memref<128x128xf32, #tpu.memory_space<vmem>>)
    %scan3A_283 = arith.constant 0 : i32
    %scan3A_284 = arith.constant 0 : i32
    %scan3A_285 = arith.constant 8 : i32
    %scan3A_286 = arith.addi %scan3A_284, %scan3A_285 : i32
    %scan3A_287 = arith.constant 1 : i32
    scf.for %scan3A_373 = %scan3A_284 to %scan3A_286 step %scan3A_287  : i32 {
      %mul3A_374 = arith.constant 16 : i32
      %mul3A_375 = arith.muli %scan3A_373, %mul3A_374 : i32
      %get3A = arith.constant 1 : i32
      %get3A_376 = arith.index_cast %get3A : i32 to index
      %get3A_377 = arith.index_cast %mul3A_375 : i32 to index
      %get3A_378 = tpu.vector_load %arg9[%get3A_376, %get3A_377] {strides = array<i32>} : memref<4x128xi32, #tpu.memory_space<vmem>>, vector<16xi32>,
      %get3A_379 = arith.constant 1 : i32
      %get3A_380 = arith.index_cast %get3A_379 : i32 to index
      %get3A_381 = arith.index_cast %mul3A_375 : i32 to index
      %get3A_382 = tpu.vector_load %arg10[%get3A_380, %get3A_381] {strides = array<i32>} : memref<4x128xi32, #tpu.memory_space<vmem>>, vector<16xi32>,
      %add3A_383 = vector.broadcast %mul3A_375 : i32 to vector<16xi32>
      %add3A_384 = arith.addi %add3A_383, %iota3A : vector<16xi32>
      %and3A = arith.constant 3 : i32
      %and3A_385 = vector.broadcast %and3A : i32 to vector<16xi32>
      %and3A_386 = arith.andi %get3A_378, %and3A_385 : vector<16xi32>
      %shift_left3A = arith.constant 5 : i32
      %shift_left3A_387 = vector.broadcast %shift_left3A : i32 to vector<16xi32>
      %shift_left3A_388 = arith.shli %and3A_386, %shift_left3A_387 : vector<16xi32>
      %and3A_389 = arith.constant 3 : i32
      %and3A_390 = vector.broadcast %and3A_389 : i32 to vector<16xi32>
      %and3A_391 = arith.andi %get3A_382, %and3A_390 : vector<16xi32>
      %shift_left3A_392 = arith.constant 5 : i32
      %shift_left3A_393 = vector.broadcast %shift_left3A_392 : i32 to vector<16xi32>
      %shift_left3A_394 = arith.shli %and3A_391, %shift_left3A_393 : vector<16xi32>
      %add3A_395 = arith.constant 128 : i32
      %add3A_396 = arith.addi %add3A_395, %mul3A_375 : i32
      %get3A_397 = arith.index_cast %add3A_396 : i32 to index
      %get3A_398 = tpu.vector_load %arg15[%get3A_397] {strides = array<i32>} : memref<512xf32, #tpu.memory_space<vmem>>, vector<16xf32>,
      %add3A_399 = arith.constant 128 : i32
      %add3A_400 = arith.addi %add3A_399, %mul3A_375 : i32
      %get3A_401 = arith.index_cast %add3A_400 : i32 to index
      %get3A_402 = tpu.vector_load %arg16[%get3A_401] {strides = array<i32>} : memref<512xf32, #tpu.memory_space<vmem>>, vector<16xf32>,
      %add3A_403 = arith.addf %get3A_398, %get3A_402 : vector<16xf32>
      %add3A_404 = arith.constant 0 : i32
      %add3A_405 = vector.broadcast %add3A_404 : i32 to vector<16xi32>
      %add3A_406 = arith.addi %shift_left3A_388, %add3A_405 : vector<16xi32>
      %gather3A = arith.constant 1 : i32
      %gather3A_407 = arith.constant 0 : i32
      %gather3A_408 = arith.constant 0 : i32
      %gather3A_409 = tpu.memref_slice %arg13[%gather3A, %gather3A_407, %gather3A_408] : memref<2x128x128xf32, #tpu.memory_space<vmem>> -> memref<1x128x128xf32, #tpu.memory_space<vmem>>
      %gather3A_410 = tpu.memref_squeeze %gather3A_409 : memref<1x128x128xf32, #tpu.memory_space<vmem>> -> memref<128x128xf32, #tpu.memory_space<vmem>>
      %gather3A_411 = tpu.vector_load_idx %gather3A_410[%add3A_384, %add3A_406] : memref<128x128xf32, #tpu.memory_space<vmem>>[vector<16xi32>, vector<16xi32>], vector<16xf32>,
      %add3A_412 = arith.constant 0 : i32
      %add3A_413 = vector.broadcast %add3A_412 : i32 to vector<16xi32>
      %add3A_414 = arith.addi %shift_left3A_394, %add3A_413 : vector<16xi32>
      %gather3A_415 = arith.constant 1 : i32
      %gather3A_416 = arith.constant 0 : i32
      %gather3A_417 = arith.constant 0 : i32
      %gather3A_418 = tpu.memref_slice %arg14[%gather3A_415, %gather3A_416, %gather3A_417] : memref<2x128x128xf32, #tpu.memory_space<vmem>> -> memref<1x128x128xf32, #tpu.memory_space<vmem>>
      %gather3A_419 = tpu.memref_squeeze %gather3A_418 : memref<1x128x128xf32, #tpu.memory_space<vmem>> -> memref<128x128xf32, #tpu.memory_space<vmem>>
      %gather3A_420 = tpu.vector_load_idx %gather3A_419[%add3A_384, %add3A_414] : memref<128x128xf32, #tpu.memory_space<vmem>>[vector<16xi32>, vector<16xi32>], vector<16xf32>,
      %mul3A_421 = arith.mulf %gather3A_411, %gather3A_420 : vector<16xf32>
      %add3A_422 = arith.addf %add3A_403, %mul3A_421 : vector<16xf32>
      %add3A_423 = arith.constant 1 : i32
      %add3A_424 = vector.broadcast %add3A_423 : i32 to vector<16xi32>
      %add3A_425 = arith.addi %shift_left3A_388, %add3A_424 : vector<16xi32>
      %gather3A_426 = arith.constant 1 : i32
      %gather3A_427 = arith.constant 0 : i32
      %gather3A_428 = arith.constant 0 : i32
      %gather3A_429 = tpu.memref_slice %arg13[%gather3A_426, %gather3A_427, %gather3A_428] : memref<2x128x128xf32, #tpu.memory_space<vmem>> -> memref<1x128x128xf32, #tpu.memory_space<vmem>>
      %gather3A_430 = tpu.memref_squeeze %gather3A_429 : memref<1x128x128xf32, #tpu.memory_space<vmem>> -> memref<128x128xf32, #tpu.memory_space<vmem>>
      %gather3A_431 = tpu.vector_load_idx %gather3A_430[%add3A_384, %add3A_425] : memref<128x128xf32, #tpu.memory_space<vmem>>[vector<16xi32>, vector<16xi32>], vector<16xf32>,
      %add3A_432 = arith.constant 1 : i32
      %add3A_433 = vector.broadcast %add3A_432 : i32 to vector<16xi32>
      %add3A_434 = arith.addi %shift_left3A_394, %add3A_433 : vector<16xi32>
      %gather3A_435 = arith.constant 1 : i32
      %gather3A_436 = arith.constant 0 : i32
      %gather3A_437 = arith.constant 0 : i32
      %gather3A_438 = tpu.memref_slice %arg14[%gather3A_435, %gather3A_436, %gather3A_437] : memref<2x128x128xf32, #tpu.memory_space<vmem>> -> memref<1x128x128xf32, #tpu.memory_space<vmem>>
      %gather3A_439 = tpu.memref_squeeze %gather3A_438 : memref<1x128x128xf32, #tpu.memory_space<vmem>> -> memref<128x128xf32, #tpu.memory_space<vmem>>
      %gather3A_440 = tpu.vector_load_idx %gather3A_439[%add3A_384, %add3A_434] : memref<128x128xf32, #tpu.memory_space<vmem>>[vector<16xi32>, vector<16xi32>], vector<16xf32>,
      %mul3A_441 = arith.mulf %gather3A_431, %gather3A_440 : vector<16xf32>
      %add3A_442 = arith.addf %add3A_422, %mul3A_441 : vector<16xf32>
      %add3A_443 = arith.constant 2 : i32
      %add3A_444 = vector.broadcast %add3A_443 : i32 to vector<16xi32>
      %add3A_445 = arith.addi %shift_left3A_388, %add3A_444 : vector<16xi32>
      %gather3A_446 = arith.constant 1 : i32
      %gather3A_447 = arith.constant 0 : i32
      %gather3A_448 = arith.constant 0 : i32
      %gather3A_449 = tpu.memref_slice %arg13[%gather3A_446, %gather3A_447, %gather3A_448] : memref<2x128x128xf32, #tpu.memory_space<vmem>> -> memref<1x128x128xf32, #tpu.memory_space<vmem>>
      %gather3A_450 = tpu.memref_squeeze %gather3A_449 : memref<1x128x128xf32, #tpu.memory_space<vmem>> -> memref<128x128xf32, #tpu.memory_space<vmem>>
      %gather3A_451 = tpu.vector_load_idx %gather3A_450[%add3A_384, %add3A_445] : memref<128x128xf32, #tpu.memory_space<vmem>>[vector<16xi32>, vector<16xi32>], vector<16xf32>,
      %add3A_452 = arith.constant 2 : i32
      %add3A_453 = vector.broadcast %add3A_452 : i32 to vector<16xi32>
      %add3A_454 = arith.addi %shift_left3A_394, %add3A_453 : vector<16xi32>
      %gather3A_455 = arith.constant 1 : i32
      %gather3A_456 = arith.constant 0 : i32
      %gather3A_457 = arith.constant 0 : i32
      %gather3A_458 = tpu.memref_slice %arg14[%gather3A_455, %gather3A_456, %gather3A_457] : memref<2x128x128xf32, #tpu.memory_space<vmem>> -> memref<1x128x128xf32, #tpu.memory_space<vmem>>
      %gather3A_459 = tpu.memref_squeeze %gather3A_458 : memref<1x128x128xf32, #tpu.memory_space<vmem>> -> memref<128x128xf32, #tpu.memory_space<vmem>>
      %gather3A_460 = tpu.vector_load_idx %gather3A_459[%add3A_384, %add3A_454] : memref<128x128xf32, #tpu.memory_space<vmem>>[vector<16xi32>, vector<16xi32>], vector<16xf32>,
      %mul3A_461 = arith.mulf %gather3A_451, %gather3A_460 : vector<16xf32>
      %add3A_462 = arith.addf %add3A_442, %mul3A_461 : vector<16xf32>
      %add3A_463 = arith.constant 3 : i32
      %add3A_464 = vector.broadcast %add3A_463 : i32 to vector<16xi32>
      %add3A_465 = arith.addi %shift_left3A_388, %add3A_464 : vector<16xi32>
      %gather3A_466 = arith.constant 1 : i32
      %gather3A_467 = arith.constant 0 : i32
      %gather3A_468 = arith.constant 0 : i32
      %gather3A_469 = tpu.memref_slice %arg13[%gather3A_466, %gather3A_467, %gather3A_468] : memref<2x128x128xf32, #tpu.memory_space<vmem>> -> memref<1x128x128xf32, #tpu.memory_space<vmem>>
      %gather3A_470 = tpu.memref_squeeze %gather3A_469 : memref<1x128x128xf32, #tpu.memory_space<vmem>> -> memref<128x128xf32, #tpu.memory_space<vmem>>
      %gather3A_471 = tpu.vector_load_idx %gather3A_470[%add3A_384, %add3A_465] : memref<128x128xf32, #tpu.memory_space<vmem>>[vector<16xi32>, vector<16xi32>], vector<16xf32>,
      %add3A_472 = arith.constant 3 : i32
      %add3A_473 = vector.broadcast %add3A_472 : i32 to vector<16xi32>
      %add3A_474 = arith.addi %shift_left3A_394, %add3A_473 : vector<16xi32>
      %gather3A_475 = arith.constant 1 : i32
      %gather3A_476 = arith.constant 0 : i32
      %gather3A_477 = arith.constant 0 : i32
      %gather3A_478 = tpu.memref_slice %arg14[%gather3A_475, %gather3A_476, %gather3A_477] : memref<2x128x128xf32, #tpu.memory_space<vmem>> -> memref<1x128x128xf32, #tpu.memory_space<vmem>>
      %gather3A_479 = tpu.memref_squeeze %gather3A_478 : memref<1x128x128xf32, #tpu.memory_space<vmem>> -> memref<128x128xf32, #tpu.memory_space<vmem>>
      %gather3A_480 = tpu.vector_load_idx %gather3A_479[%add3A_384, %add3A_474] : memref<128x128xf32, #tpu.memory_space<vmem>>[vector<16xi32>, vector<16xi32>], vector<16xf32>,
      %mul3A_481 = arith.mulf %gather3A_471, %gather3A_480 : vector<16xf32>
      %add3A_482 = arith.addf %add3A_462, %mul3A_481 : vector<16xf32>
      %add3A_483 = arith.constant 4 : i32
      %add3A_484 = vector.broadcast %add3A_483 : i32 to vector<16xi32>
      %add3A_485 = arith.addi %shift_left3A_388, %add3A_484 : vector<16xi32>
      %gather3A_486 = arith.constant 1 : i32
      %gather3A_487 = arith.constant 0 : i32
      %gather3A_488 = arith.constant 0 : i32
      %gather3A_489 = tpu.memref_slice %arg13[%gather3A_486, %gather3A_487, %gather3A_488] : memref<2x128x128xf32, #tpu.memory_space<vmem>> -> memref<1x128x128xf32, #tpu.memory_space<vmem>>
      %gather3A_490 = tpu.memref_squeeze %gather3A_489 : memref<1x128x128xf32, #tpu.memory_space<vmem>> -> memref<128x128xf32, #tpu.memory_space<vmem>>
      %gather3A_491 = tpu.vector_load_idx %gather3A_490[%add3A_384, %add3A_485] : memref<128x128xf32, #tpu.memory_space<vmem>>[vector<16xi32>, vector<16xi32>], vector<16xf32>,
      %add3A_492 = arith.constant 4 : i32
      %add3A_493 = vector.broadcast %add3A_492 : i32 to vector<16xi32>
      %add3A_494 = arith.addi %shift_left3A_394, %add3A_493 : vector<16xi32>
      %gather3A_495 = arith.constant 1 : i32
      %gather3A_496 = arith.constant 0 : i32
      %gather3A_497 = arith.constant 0 : i32
      %gather3A_498 = tpu.memref_slice %arg14[%gather3A_495, %gather3A_496, %gather3A_497] : memref<2x128x128xf32, #tpu.memory_space<vmem>> -> memref<1x128x128xf32, #tpu.memory_space<vmem>>
      %gather3A_499 = tpu.memref_squeeze %gather3A_498 : memref<1x128x128xf32, #tpu.memory_space<vmem>> -> memref<128x128xf32, #tpu.memory_space<vmem>>
      %gather3A_500 = tpu.vector_load_idx %gather3A_499[%add3A_384, %add3A_494] : memref<128x128xf32, #tpu.memory_space<vmem>>[vector<16xi32>, vector<16xi32>], vector<16xf32>,
      %mul3A_501 = arith.mulf %gather3A_491, %gather3A_500 : vector<16xf32>
      %add3A_502 = arith.addf %add3A_482, %mul3A_501 : vector<16xf32>
      %add3A_503 = arith.constant 5 : i32
      %add3A_504 = vector.broadcast %add3A_503 : i32 to vector<16xi32>
      %add3A_505 = arith.addi %shift_left3A_388, %add3A_504 : vector<16xi32>
      %gather3A_506 = arith.constant 1 : i32
      %gather3A_507 = arith.constant 0 : i32
      %gather3A_508 = arith.constant 0 : i32
      %gather3A_509 = tpu.memref_slice %arg13[%gather3A_506, %gather3A_507, %gather3A_508] : memref<2x128x128xf32, #tpu.memory_space<vmem>> -> memref<1x128x128xf32, #tpu.memory_space<vmem>>
      %gather3A_510 = tpu.memref_squeeze %gather3A_509 : memref<1x128x128xf32, #tpu.memory_space<vmem>> -> memref<128x128xf32, #tpu.memory_space<vmem>>
      %gather3A_511 = tpu.vector_load_idx %gather3A_510[%add3A_384, %add3A_505] : memref<128x128xf32, #tpu.memory_space<vmem>>[vector<16xi32>, vector<16xi32>], vector<16xf32>,
      %add3A_512 = arith.constant 5 : i32
      %add3A_513 = vector.broadcast %add3A_512 : i32 to vector<16xi32>
      %add3A_514 = arith.addi %shift_left3A_394, %add3A_513 : vector<16xi32>
      %gather3A_515 = arith.constant 1 : i32
      %gather3A_516 = arith.constant 0 : i32
      %gather3A_517 = arith.constant 0 : i32
      %gather3A_518 = tpu.memref_slice %arg14[%gather3A_515, %gather3A_516, %gather3A_517] : memref<2x128x128xf32, #tpu.memory_space<vmem>> -> memref<1x128x128xf32, #tpu.memory_space<vmem>>
      %gather3A_519 = tpu.memref_squeeze %gather3A_518 : memref<1x128x128xf32, #tpu.memory_space<vmem>> -> memref<128x128xf32, #tpu.memory_space<vmem>>
      %gather3A_520 = tpu.vector_load_idx %gather3A_519[%add3A_384, %add3A_514] : memref<128x128xf32, #tpu.memory_space<vmem>>[vector<16xi32>, vector<16xi32>], vector<16xf32>,
      %mul3A_521 = arith.mulf %gather3A_511, %gather3A_520 : vector<16xf32>
      %add3A_522 = arith.addf %add3A_502, %mul3A_521 : vector<16xf32>
      %add3A_523 = arith.constant 6 : i32
      %add3A_524 = vector.broadcast %add3A_523 : i32 to vector<16xi32>
      %add3A_525 = arith.addi %shift_left3A_388, %add3A_524 : vector<16xi32>
      %gather3A_526 = arith.constant 1 : i32
      %gather3A_527 = arith.constant 0 : i32
      %gather3A_528 = arith.constant 0 : i32
      %gather3A_529 = tpu.memref_slice %arg13[%gather3A_526, %gather3A_527, %gather3A_528] : memref<2x128x128xf32, #tpu.memory_space<vmem>> -> memref<1x128x128xf32, #tpu.memory_space<vmem>>
      %gather3A_530 = tpu.memref_squeeze %gather3A_529 : memref<1x128x128xf32, #tpu.memory_space<vmem>> -> memref<128x128xf32, #tpu.memory_space<vmem>>
      %gather3A_531 = tpu.vector_load_idx %gather3A_530[%add3A_384, %add3A_525] : memref<128x128xf32, #tpu.memory_space<vmem>>[vector<16xi32>, vector<16xi32>], vector<16xf32>,
      %add3A_532 = arith.constant 6 : i32
      %add3A_533 = vector.broadcast %add3A_532 : i32 to vector<16xi32>
      %add3A_534 = arith.addi %shift_left3A_394, %add3A_533 : vector<16xi32>
      %gather3A_535 = arith.constant 1 : i32
      %gather3A_536 = arith.constant 0 : i32
      %gather3A_537 = arith.constant 0 : i32
      %gather3A_538 = tpu.memref_slice %arg14[%gather3A_535, %gather3A_536, %gather3A_537] : memref<2x128x128xf32, #tpu.memory_space<vmem>> -> memref<1x128x128xf32, #tpu.memory_space<vmem>>
      %gather3A_539 = tpu.memref_squeeze %gather3A_538 : memref<1x128x128xf32, #tpu.memory_space<vmem>> -> memref<128x128xf32, #tpu.memory_space<vmem>>
      %gather3A_540 = tpu.vector_load_idx %gather3A_539[%add3A_384, %add3A_534] : memref<128x128xf32, #tpu.memory_space<vmem>>[vector<16xi32>, vector<16xi32>], vector<16xf32>,
      %mul3A_541 = arith.mulf %gather3A_531, %gather3A_540 : vector<16xf32>
      %add3A_542 = arith.addf %add3A_522, %mul3A_541 : vector<16xf32>
      %add3A_543 = arith.constant 7 : i32
      %add3A_544 = vector.broadcast %add3A_543 : i32 to vector<16xi32>
      %add3A_545 = arith.addi %shift_left3A_388, %add3A_544 : vector<16xi32>
      %gather3A_546 = arith.constant 1 : i32
      %gather3A_547 = arith.constant 0 : i32
      %gather3A_548 = arith.constant 0 : i32
      %gather3A_549 = tpu.memref_slice %arg13[%gather3A_546, %gather3A_547, %gather3A_548] : memref<2x128x128xf32, #tpu.memory_space<vmem>> -> memref<1x128x128xf32, #tpu.memory_space<vmem>>
      %gather3A_550 = tpu.memref_squeeze %gather3A_549 : memref<1x128x128xf32, #tpu.memory_space<vmem>> -> memref<128x128xf32, #tpu.memory_space<vmem>>
      %gather3A_551 = tpu.vector_load_idx %gather3A_550[%add3A_384, %add3A_545] : memref<128x128xf32, #tpu.memory_space<vmem>>[vector<16xi32>, vector<16xi32>], vector<16xf32>,
      %add3A_552 = arith.constant 7 : i32
      %add3A_553 = vector.broadcast %add3A_552 : i32 to vector<16xi32>
      %add3A_554 = arith.addi %shift_left3A_394, %add3A_553 : vector<16xi32>
      %gather3A_555 = arith.constant 1 : i32
      %gather3A_556 = arith.constant 0 : i32
      %gather3A_557 = arith.constant 0 : i32
      %gather3A_558 = tpu.memref_slice %arg14[%gather3A_555, %gather3A_556, %gather3A_557] : memref<2x128x128xf32, #tpu.memory_space<vmem>> -> memref<1x128x128xf32, #tpu.memory_space<vmem>>
      %gather3A_559 = tpu.memref_squeeze %gather3A_558 : memref<1x128x128xf32, #tpu.memory_space<vmem>> -> memref<128x128xf32, #tpu.memory_space<vmem>>
      %gather3A_560 = tpu.vector_load_idx %gather3A_559[%add3A_384, %add3A_554] : memref<128x128xf32, #tpu.memory_space<vmem>>[vector<16xi32>, vector<16xi32>], vector<16xf32>,
      %mul3A_561 = arith.mulf %gather3A_551, %gather3A_560 : vector<16xf32>
      %add3A_562 = arith.addf %add3A_542, %mul3A_561 : vector<16xf32>
      %add3A_563 = arith.constant 8 : i32
      %add3A_564 = vector.broadcast %add3A_563 : i32 to vector<16xi32>
      %add3A_565 = arith.addi %shift_left3A_388, %add3A_564 : vector<16xi32>
      %gather3A_566 = arith.constant 1 : i32
      %gather3A_567 = arith.constant 0 : i32
      %gather3A_568 = arith.constant 0 : i32
      %gather3A_569 = tpu.memref_slice %arg13[%gather3A_566, %gather3A_567, %gather3A_568] : memref<2x128x128xf32, #tpu.memory_space<vmem>> -> memref<1x128x128xf32, #tpu.memory_space<vmem>>
      %gather3A_570 = tpu.memref_squeeze %gather3A_569 : memref<1x128x128xf32, #tpu.memory_space<vmem>> -> memref<128x128xf32, #tpu.memory_space<vmem>>
      %gather3A_571 = tpu.vector_load_idx %gather3A_570[%add3A_384, %add3A_565] : memref<128x128xf32, #tpu.memory_space<vmem>>[vector<16xi32>, vector<16xi32>], vector<16xf32>,
      %add3A_572 = arith.constant 8 : i32
      %add3A_573 = vector.broadcast %add3A_572 : i32 to vector<16xi32>
      %add3A_574 = arith.addi %shift_left3A_394, %add3A_573 : vector<16xi32>
      %gather3A_575 = arith.constant 1 : i32
      %gather3A_576 = arith.constant 0 : i32
      %gather3A_577 = arith.constant 0 : i32
      %gather3A_578 = tpu.memref_slice %arg14[%gather3A_575, %gather3A_576, %gather3A_577] : memref<2x128x128xf32, #tpu.memory_space<vmem>> -> memref<1x128x128xf32, #tpu.memory_space<vmem>>
      %gather3A_579 = tpu.memref_squeeze %gather3A_578 : memref<1x128x128xf32, #tpu.memory_space<vmem>> -> memref<128x128xf32, #tpu.memory_space<vmem>>
      %gather3A_580 = tpu.vector_load_idx %gather3A_579[%add3A_384, %add3A_574] : memref<128x128xf32, #tpu.memory_space<vmem>>[vector<16xi32>, vector<16xi32>], vector<16xf32>,
      %mul3A_581 = arith.mulf %gather3A_571, %gather3A_580 : vector<16xf32>
      %add3A_582 = arith.addf %add3A_562, %mul3A_581 : vector<16xf32>
      %add3A_583 = arith.constant 9 : i32
      %add3A_584 = vector.broadcast %add3A_583 : i32 to vector<16xi32>
      %add3A_585 = arith.addi %shift_left3A_388, %add3A_584 : vector<16xi32>
      %gather3A_586 = arith.constant 1 : i32
      %gather3A_587 = arith.constant 0 : i32
      %gather3A_588 = arith.constant 0 : i32
      %gather3A_589 = tpu.memref_slice %arg13[%gather3A_586, %gather3A_587, %gather3A_588] : memref<2x128x128xf32, #tpu.memory_space<vmem>> -> memref<1x128x128xf32, #tpu.memory_space<vmem>>
      %gather3A_590 = tpu.memref_squeeze %gather3A_589 : memref<1x128x128xf32, #tpu.memory_space<vmem>> -> memref<128x128xf32, #tpu.memory_space<vmem>>
      %gather3A_591 = tpu.vector_load_idx %gather3A_590[%add3A_384, %add3A_585] : memref<128x128xf32, #tpu.memory_space<vmem>>[vector<16xi32>, vector<16xi32>], vector<16xf32>,
      %add3A_592 = arith.constant 9 : i32
      %add3A_593 = vector.broadcast %add3A_592 : i32 to vector<16xi32>
      %add3A_594 = arith.addi %shift_left3A_394, %add3A_593 : vector<16xi32>
      %gather3A_595 = arith.constant 1 : i32
      %gather3A_596 = arith.constant 0 : i32
      %gather3A_597 = arith.constant 0 : i32
      %gather3A_598 = tpu.memref_slice %arg14[%gather3A_595, %gather3A_596, %gather3A_597] : memref<2x128x128xf32, #tpu.memory_space<vmem>> -> memref<1x128x128xf32, #tpu.memory_space<vmem>>
      %gather3A_599 = tpu.memref_squeeze %gather3A_598 : memref<1x128x128xf32, #tpu.memory_space<vmem>> -> memref<128x128xf32, #tpu.memory_space<vmem>>
      %gather3A_600 = tpu.vector_load_idx %gather3A_599[%add3A_384, %add3A_594] : memref<128x128xf32, #tpu.memory_space<vmem>>[vector<16xi32>, vector<16xi32>], vector<16xf32>,
      %mul3A_601 = arith.mulf %gather3A_591, %gather3A_600 : vector<16xf32>
      %add3A_602 = arith.addf %add3A_582, %mul3A_601 : vector<16xf32>
      %add3A_603 = arith.constant 10 : i32
      %add3A_604 = vector.broadcast %add3A_603 : i32 to vector<16xi32>
      %add3A_605 = arith.addi %shift_left3A_388, %add3A_604 : vector<16xi32>
      %gather3A_606 = arith.constant 1 : i32
      %gather3A_607 = arith.constant 0 : i32
      %gather3A_608 = arith.constant 0 : i32
      %gather3A_609 = tpu.memref_slice %arg13[%gather3A_606, %gather3A_607, %gather3A_608] : memref<2x128x128xf32, #tpu.memory_space<vmem>> -> memref<1x128x128xf32, #tpu.memory_space<vmem>>
      %gather3A_610 = tpu.memref_squeeze %gather3A_609 : memref<1x128x128xf32, #tpu.memory_space<vmem>> -> memref<128x128xf32, #tpu.memory_space<vmem>>
      %gather3A_611 = tpu.vector_load_idx %gather3A_610[%add3A_384, %add3A_605] : memref<128x128xf32, #tpu.memory_space<vmem>>[vector<16xi32>, vector<16xi32>], vector<16xf32>,
      %add3A_612 = arith.constant 10 : i32
      %add3A_613 = vector.broadcast %add3A_612 : i32 to vector<16xi32>
      %add3A_614 = arith.addi %shift_left3A_394, %add3A_613 : vector<16xi32>
      %gather3A_615 = arith.constant 1 : i32
      %gather3A_616 = arith.constant 0 : i32
      %gather3A_617 = arith.constant 0 : i32
      %gather3A_618 = tpu.memref_slice %arg14[%gather3A_615, %gather3A_616, %gather3A_617] : memref<2x128x128xf32, #tpu.memory_space<vmem>> -> memref<1x128x128xf32, #tpu.memory_space<vmem>>
      %gather3A_619 = tpu.memref_squeeze %gather3A_618 : memref<1x128x128xf32, #tpu.memory_space<vmem>> -> memref<128x128xf32, #tpu.memory_space<vmem>>
      %gather3A_620 = tpu.vector_load_idx %gather3A_619[%add3A_384, %add3A_614] : memref<128x128xf32, #tpu.memory_space<vmem>>[vector<16xi32>, vector<16xi32>], vector<16xf32>,
      %mul3A_621 = arith.mulf %gather3A_611, %gather3A_620 : vector<16xf32>
      %add3A_622 = arith.addf %add3A_602, %mul3A_621 : vector<16xf32>
      %add3A_623 = arith.constant 11 : i32
      %add3A_624 = vector.broadcast %add3A_623 : i32 to vector<16xi32>
      %add3A_625 = arith.addi %shift_left3A_388, %add3A_624 : vector<16xi32>
      %gather3A_626 = arith.constant 1 : i32
      %gather3A_627 = arith.constant 0 : i32
      %gather3A_628 = arith.constant 0 : i32
      %gather3A_629 = tpu.memref_slice %arg13[%gather3A_626, %gather3A_627, %gather3A_628] : memref<2x128x128xf32, #tpu.memory_space<vmem>> -> memref<1x128x128xf32, #tpu.memory_space<vmem>>
      %gather3A_630 = tpu.memref_squeeze %gather3A_629 : memref<1x128x128xf32, #tpu.memory_space<vmem>> -> memref<128x128xf32, #tpu.memory_space<vmem>>
      %gather3A_631 = tpu.vector_load_idx %gather3A_630[%add3A_384, %add3A_625] : memref<128x128xf32, #tpu.memory_space<vmem>>[vector<16xi32>, vector<16xi32>], vector<16xf32>,
      %add3A_632 = arith.constant 11 : i32
      %add3A_633 = vector.broadcast %add3A_632 : i32 to vector<16xi32>
      %add3A_634 = arith.addi %shift_left3A_394, %add3A_633 : vector<16xi32>
      %gather3A_635 = arith.constant 1 : i32
      %gather3A_636 = arith.constant 0 : i32
      %gather3A_637 = arith.constant 0 : i32
      %gather3A_638 = tpu.memref_slice %arg14[%gather3A_635, %gather3A_636, %gather3A_637] : memref<2x128x128xf32, #tpu.memory_space<vmem>> -> memref<1x128x128xf32, #tpu.memory_space<vmem>>
      %gather3A_639 = tpu.memref_squeeze %gather3A_638 : memref<1x128x128xf32, #tpu.memory_space<vmem>> -> memref<128x128xf32, #tpu.memory_space<vmem>>
      %gather3A_640 = tpu.vector_load_idx %gather3A_639[%add3A_384, %add3A_634] : memref<128x128xf32, #tpu.memory_space<vmem>>[vector<16xi32>, vector<16xi32>], vector<16xf32>,
      %mul3A_641 = arith.mulf %gather3A_631, %gather3A_640 : vector<16xf32>
      %add3A_642 = arith.addf %add3A_622, %mul3A_641 : vector<16xf32>
      %add3A_643 = arith.constant 12 : i32
      %add3A_644 = vector.broadcast %add3A_643 : i32 to vector<16xi32>
      %add3A_645 = arith.addi %shift_left3A_388, %add3A_644 : vector<16xi32>
      %gather3A_646 = arith.constant 1 : i32
      %gather3A_647 = arith.constant 0 : i32
      %gather3A_648 = arith.constant 0 : i32
      %gather3A_649 = tpu.memref_slice %arg13[%gather3A_646, %gather3A_647, %gather3A_648] : memref<2x128x128xf32, #tpu.memory_space<vmem>> -> memref<1x128x128xf32, #tpu.memory_space<vmem>>
      %gather3A_650 = tpu.memref_squeeze %gather3A_649 : memref<1x128x128xf32, #tpu.memory_space<vmem>> -> memref<128x128xf32, #tpu.memory_space<vmem>>
      %gather3A_651 = tpu.vector_load_idx %gather3A_650[%add3A_384, %add3A_645] : memref<128x128xf32, #tpu.memory_space<vmem>>[vector<16xi32>, vector<16xi32>], vector<16xf32>,
      %add3A_652 = arith.constant 12 : i32
      %add3A_653 = vector.broadcast %add3A_652 : i32 to vector<16xi32>
      %add3A_654 = arith.addi %shift_left3A_394, %add3A_653 : vector<16xi32>
      %gather3A_655 = arith.constant 1 : i32
      %gather3A_656 = arith.constant 0 : i32
      %gather3A_657 = arith.constant 0 : i32
      %gather3A_658 = tpu.memref_slice %arg14[%gather3A_655, %gather3A_656, %gather3A_657] : memref<2x128x128xf32, #tpu.memory_space<vmem>> -> memref<1x128x128xf32, #tpu.memory_space<vmem>>
      %gather3A_659 = tpu.memref_squeeze %gather3A_658 : memref<1x128x128xf32, #tpu.memory_space<vmem>> -> memref<128x128xf32, #tpu.memory_space<vmem>>
      %gather3A_660 = tpu.vector_load_idx %gather3A_659[%add3A_384, %add3A_654] : memref<128x128xf32, #tpu.memory_space<vmem>>[vector<16xi32>, vector<16xi32>], vector<16xf32>,
      %mul3A_661 = arith.mulf %gather3A_651, %gather3A_660 : vector<16xf32>
      %add3A_662 = arith.addf %add3A_642, %mul3A_661 : vector<16xf32>
      %add3A_663 = arith.constant 13 : i32
      %add3A_664 = vector.broadcast %add3A_663 : i32 to vector<16xi32>
      %add3A_665 = arith.addi %shift_left3A_388, %add3A_664 : vector<16xi32>
      %gather3A_666 = arith.constant 1 : i32
      %gather3A_667 = arith.constant 0 : i32
      %gather3A_668 = arith.constant 0 : i32
      %gather3A_669 = tpu.memref_slice %arg13[%gather3A_666, %gather3A_667, %gather3A_668] : memref<2x128x128xf32, #tpu.memory_space<vmem>> -> memref<1x128x128xf32, #tpu.memory_space<vmem>>
      %gather3A_670 = tpu.memref_squeeze %gather3A_669 : memref<1x128x128xf32, #tpu.memory_space<vmem>> -> memref<128x128xf32, #tpu.memory_space<vmem>>
      %gather3A_671 = tpu.vector_load_idx %gather3A_670[%add3A_384, %add3A_665] : memref<128x128xf32, #tpu.memory_space<vmem>>[vector<16xi32>, vector<16xi32>], vector<16xf32>,
      %add3A_672 = arith.constant 13 : i32
      %add3A_673 = vector.broadcast %add3A_672 : i32 to vector<16xi32>
      %add3A_674 = arith.addi %shift_left3A_394, %add3A_673 : vector<16xi32>
      %gather3A_675 = arith.constant 1 : i32
      %gather3A_676 = arith.constant 0 : i32
      %gather3A_677 = arith.constant 0 : i32
      %gather3A_678 = tpu.memref_slice %arg14[%gather3A_675, %gather3A_676, %gather3A_677] : memref<2x128x128xf32, #tpu.memory_space<vmem>> -> memref<1x128x128xf32, #tpu.memory_space<vmem>>
      %gather3A_679 = tpu.memref_squeeze %gather3A_678 : memref<1x128x128xf32, #tpu.memory_space<vmem>> -> memref<128x128xf32, #tpu.memory_space<vmem>>
      %gather3A_680 = tpu.vector_load_idx %gather3A_679[%add3A_384, %add3A_674] : memref<128x128xf32, #tpu.memory_space<vmem>>[vector<16xi32>, vector<16xi32>], vector<16xf32>,
      %mul3A_681 = arith.mulf %gather3A_671, %gather3A_680 : vector<16xf32>
      %add3A_682 = arith.addf %add3A_662, %mul3A_681 : vector<16xf32>
      %add3A_683 = arith.constant 14 : i32
      %add3A_684 = vector.broadcast %add3A_683 : i32 to vector<16xi32>
      %add3A_685 = arith.addi %shift_left3A_388, %add3A_684 : vector<16xi32>
      %gather3A_686 = arith.constant 1 : i32
      %gather3A_687 = arith.constant 0 : i32
      %gather3A_688 = arith.constant 0 : i32
      %gather3A_689 = tpu.memref_slice %arg13[%gather3A_686, %gather3A_687, %gather3A_688] : memref<2x128x128xf32, #tpu.memory_space<vmem>> -> memref<1x128x128xf32, #tpu.memory_space<vmem>>
      %gather3A_690 = tpu.memref_squeeze %gather3A_689 : memref<1x128x128xf32, #tpu.memory_space<vmem>> -> memref<128x128xf32, #tpu.memory_space<vmem>>
      %gather3A_691 = tpu.vector_load_idx %gather3A_690[%add3A_384, %add3A_685] : memref<128x128xf32, #tpu.memory_space<vmem>>[vector<16xi32>, vector<16xi32>], vector<16xf32>,
      %add3A_692 = arith.constant 14 : i32
      %add3A_693 = vector.broadcast %add3A_692 : i32 to vector<16xi32>
      %add3A_694 = arith.addi %shift_left3A_394, %add3A_693 : vector<16xi32>
      %gather3A_695 = arith.constant 1 : i32
      %gather3A_696 = arith.constant 0 : i32
      %gather3A_697 = arith.constant 0 : i32
      %gather3A_698 = tpu.memref_slice %arg14[%gather3A_695, %gather3A_696, %gather3A_697] : memref<2x128x128xf32, #tpu.memory_space<vmem>> -> memref<1x128x128xf32, #tpu.memory_space<vmem>>
      %gather3A_699 = tpu.memref_squeeze %gather3A_698 : memref<1x128x128xf32, #tpu.memory_space<vmem>> -> memref<128x128xf32, #tpu.memory_space<vmem>>
      %gather3A_700 = tpu.vector_load_idx %gather3A_699[%add3A_384, %add3A_694] : memref<128x128xf32, #tpu.memory_space<vmem>>[vector<16xi32>, vector<16xi32>], vector<16xf32>,
      %mul3A_701 = arith.mulf %gather3A_691, %gather3A_700 : vector<16xf32>
      %add3A_702 = arith.addf %add3A_682, %mul3A_701 : vector<16xf32>
      %add3A_703 = arith.constant 15 : i32
      %add3A_704 = vector.broadcast %add3A_703 : i32 to vector<16xi32>
      %add3A_705 = arith.addi %shift_left3A_388, %add3A_704 : vector<16xi32>
      %gather3A_706 = arith.constant 1 : i32
      %gather3A_707 = arith.constant 0 : i32
      %gather3A_708 = arith.constant 0 : i32
      %gather3A_709 = tpu.memref_slice %arg13[%gather3A_706, %gather3A_707, %gather3A_708] : memref<2x128x128xf32, #tpu.memory_space<vmem>> -> memref<1x128x128xf32, #tpu.memory_space<vmem>>
      %gather3A_710 = tpu.memref_squeeze %gather3A_709 : memref<1x128x128xf32, #tpu.memory_space<vmem>> -> memref<128x128xf32, #tpu.memory_space<vmem>>
      %gather3A_711 = tpu.vector_load_idx %gather3A_710[%add3A_384, %add3A_705] : memref<128x128xf32, #tpu.memory_space<vmem>>[vector<16xi32>, vector<16xi32>], vector<16xf32>,
      %add3A_712 = arith.constant 15 : i32
      %add3A_713 = vector.broadcast %add3A_712 : i32 to vector<16xi32>
      %add3A_714 = arith.addi %shift_left3A_394, %add3A_713 : vector<16xi32>
      %gather3A_715 = arith.constant 1 : i32
      %gather3A_716 = arith.constant 0 : i32
      %gather3A_717 = arith.constant 0 : i32
      %gather3A_718 = tpu.memref_slice %arg14[%gather3A_715, %gather3A_716, %gather3A_717] : memref<2x128x128xf32, #tpu.memory_space<vmem>> -> memref<1x128x128xf32, #tpu.memory_space<vmem>>
      %gather3A_719 = tpu.memref_squeeze %gather3A_718 : memref<1x128x128xf32, #tpu.memory_space<vmem>> -> memref<128x128xf32, #tpu.memory_space<vmem>>
      %gather3A_720 = tpu.vector_load_idx %gather3A_719[%add3A_384, %add3A_714] : memref<128x128xf32, #tpu.memory_space<vmem>>[vector<16xi32>, vector<16xi32>], vector<16xf32>,
      %mul3A_721 = arith.mulf %gather3A_711, %gather3A_720 : vector<16xf32>
      %add3A_722 = arith.addf %add3A_702, %mul3A_721 : vector<16xf32>
      %add3A_723 = arith.constant 16 : i32
      %add3A_724 = vector.broadcast %add3A_723 : i32 to vector<16xi32>
      %add3A_725 = arith.addi %shift_left3A_388, %add3A_724 : vector<16xi32>
      %gather3A_726 = arith.constant 1 : i32
      %gather3A_727 = arith.constant 0 : i32
      %gather3A_728 = arith.constant 0 : i32
      %gather3A_729 = tpu.memref_slice %arg13[%gather3A_726, %gather3A_727, %gather3A_728] : memref<2x128x128xf32, #tpu.memory_space<vmem>> -> memref<1x128x128xf32, #tpu.memory_space<vmem>>
      %gather3A_730 = tpu.memref_squeeze %gather3A_729 : memref<1x128x128xf32, #tpu.memory_space<vmem>> -> memref<128x128xf32, #tpu.memory_space<vmem>>
      %gather3A_731 = tpu.vector_load_idx %gather3A_730[%add3A_384, %add3A_725] : memref<128x128xf32, #tpu.memory_space<vmem>>[vector<16xi32>, vector<16xi32>], vector<16xf32>,
      %add3A_732 = arith.constant 16 : i32
      %add3A_733 = vector.broadcast %add3A_732 : i32 to vector<16xi32>
      %add3A_734 = arith.addi %shift_left3A_394, %add3A_733 : vector<16xi32>
      %gather3A_735 = arith.constant 1 : i32
      %gather3A_736 = arith.constant 0 : i32
      %gather3A_737 = arith.constant 0 : i32
      %gather3A_738 = tpu.memref_slice %arg14[%gather3A_735, %gather3A_736, %gather3A_737] : memref<2x128x128xf32, #tpu.memory_space<vmem>> -> memref<1x128x128xf32, #tpu.memory_space<vmem>>
      %gather3A_739 = tpu.memref_squeeze %gather3A_738 : memref<1x128x128xf32, #tpu.memory_space<vmem>> -> memref<128x128xf32, #tpu.memory_space<vmem>>
      %gather3A_740 = tpu.vector_load_idx %gather3A_739[%add3A_384, %add3A_734] : memref<128x128xf32, #tpu.memory_space<vmem>>[vector<16xi32>, vector<16xi32>], vector<16xf32>,
      %mul3A_741 = arith.mulf %gather3A_731, %gather3A_740 : vector<16xf32>
      %add3A_742 = arith.addf %add3A_722, %mul3A_741 : vector<16xf32>
      %add3A_743 = arith.constant 17 : i32
      %add3A_744 = vector.broadcast %add3A_743 : i32 to vector<16xi32>
      %add3A_745 = arith.addi %shift_left3A_388, %add3A_744 : vector<16xi32>
      %gather3A_746 = arith.constant 1 : i32
      %gather3A_747 = arith.constant 0 : i32
      %gather3A_748 = arith.constant 0 : i32
      %gather3A_749 = tpu.memref_slice %arg13[%gather3A_746, %gather3A_747, %gather3A_748] : memref<2x128x128xf32, #tpu.memory_space<vmem>> -> memref<1x128x128xf32, #tpu.memory_space<vmem>>
      %gather3A_750 = tpu.memref_squeeze %gather3A_749 : memref<1x128x128xf32, #tpu.memory_space<vmem>> -> memref<128x128xf32, #tpu.memory_space<vmem>>
      %gather3A_751 = tpu.vector_load_idx %gather3A_750[%add3A_384, %add3A_745] : memref<128x128xf32, #tpu.memory_space<vmem>>[vector<16xi32>, vector<16xi32>], vector<16xf32>,
      %add3A_752 = arith.constant 17 : i32
      %add3A_753 = vector.broadcast %add3A_752 : i32 to vector<16xi32>
      %add3A_754 = arith.addi %shift_left3A_394, %add3A_753 : vector<16xi32>
      %gather3A_755 = arith.constant 1 : i32
      %gather3A_756 = arith.constant 0 : i32
      %gather3A_757 = arith.constant 0 : i32
      %gather3A_758 = tpu.memref_slice %arg14[%gather3A_755, %gather3A_756, %gather3A_757] : memref<2x128x128xf32, #tpu.memory_space<vmem>> -> memref<1x128x128xf32, #tpu.memory_space<vmem>>
      %gather3A_759 = tpu.memref_squeeze %gather3A_758 : memref<1x128x128xf32, #tpu.memory_space<vmem>> -> memref<128x128xf32, #tpu.memory_space<vmem>>
      %gather3A_760 = tpu.vector_load_idx %gather3A_759[%add3A_384, %add3A_754] : memref<128x128xf32, #tpu.memory_space<vmem>>[vector<16xi32>, vector<16xi32>], vector<16xf32>,
      %mul3A_761 = arith.mulf %gather3A_751, %gather3A_760 : vector<16xf32>
      %add3A_762 = arith.addf %add3A_742, %mul3A_761 : vector<16xf32>
      %add3A_763 = arith.constant 18 : i32
      %add3A_764 = vector.broadcast %add3A_763 : i32 to vector<16xi32>
      %add3A_765 = arith.addi %shift_left3A_388, %add3A_764 : vector<16xi32>
      %gather3A_766 = arith.constant 1 : i32
      %gather3A_767 = arith.constant 0 : i32
      %gather3A_768 = arith.constant 0 : i32
      %gather3A_769 = tpu.memref_slice %arg13[%gather3A_766, %gather3A_767, %gather3A_768] : memref<2x128x128xf32, #tpu.memory_space<vmem>> -> memref<1x128x128xf32, #tpu.memory_space<vmem>>
      %gather3A_770 = tpu.memref_squeeze %gather3A_769 : memref<1x128x128xf32, #tpu.memory_space<vmem>> -> memref<128x128xf32, #tpu.memory_space<vmem>>
      %gather3A_771 = tpu.vector_load_idx %gather3A_770[%add3A_384, %add3A_765] : memref<128x128xf32, #tpu.memory_space<vmem>>[vector<16xi32>, vector<16xi32>], vector<16xf32>,
      %add3A_772 = arith.constant 18 : i32
      %add3A_773 = vector.broadcast %add3A_772 : i32 to vector<16xi32>
      %add3A_774 = arith.addi %shift_left3A_394, %add3A_773 : vector<16xi32>
      %gather3A_775 = arith.constant 1 : i32
      %gather3A_776 = arith.constant 0 : i32
      %gather3A_777 = arith.constant 0 : i32
      %gather3A_778 = tpu.memref_slice %arg14[%gather3A_775, %gather3A_776, %gather3A_777] : memref<2x128x128xf32, #tpu.memory_space<vmem>> -> memref<1x128x128xf32, #tpu.memory_space<vmem>>
      %gather3A_779 = tpu.memref_squeeze %gather3A_778 : memref<1x128x128xf32, #tpu.memory_space<vmem>> -> memref<128x128xf32, #tpu.memory_space<vmem>>
      %gather3A_780 = tpu.vector_load_idx %gather3A_779[%add3A_384, %add3A_774] : memref<128x128xf32, #tpu.memory_space<vmem>>[vector<16xi32>, vector<16xi32>], vector<16xf32>,
      %mul3A_781 = arith.mulf %gather3A_771, %gather3A_780 : vector<16xf32>
      %add3A_782 = arith.addf %add3A_762, %mul3A_781 : vector<16xf32>
      %add3A_783 = arith.constant 19 : i32
      %add3A_784 = vector.broadcast %add3A_783 : i32 to vector<16xi32>
      %add3A_785 = arith.addi %shift_left3A_388, %add3A_784 : vector<16xi32>
      %gather3A_786 = arith.constant 1 : i32
      %gather3A_787 = arith.constant 0 : i32
      %gather3A_788 = arith.constant 0 : i32
      %gather3A_789 = tpu.memref_slice %arg13[%gather3A_786, %gather3A_787, %gather3A_788] : memref<2x128x128xf32, #tpu.memory_space<vmem>> -> memref<1x128x128xf32, #tpu.memory_space<vmem>>
      %gather3A_790 = tpu.memref_squeeze %gather3A_789 : memref<1x128x128xf32, #tpu.memory_space<vmem>> -> memref<128x128xf32, #tpu.memory_space<vmem>>
      %gather3A_791 = tpu.vector_load_idx %gather3A_790[%add3A_384, %add3A_785] : memref<128x128xf32, #tpu.memory_space<vmem>>[vector<16xi32>, vector<16xi32>], vector<16xf32>,
      %add3A_792 = arith.constant 19 : i32
      %add3A_793 = vector.broadcast %add3A_792 : i32 to vector<16xi32>
      %add3A_794 = arith.addi %shift_left3A_394, %add3A_793 : vector<16xi32>
      %gather3A_795 = arith.constant 1 : i32
      %gather3A_796 = arith.constant 0 : i32
      %gather3A_797 = arith.constant 0 : i32
      %gather3A_798 = tpu.memref_slice %arg14[%gather3A_795, %gather3A_796, %gather3A_797] : memref<2x128x128xf32, #tpu.memory_space<vmem>> -> memref<1x128x128xf32, #tpu.memory_space<vmem>>
      %gather3A_799 = tpu.memref_squeeze %gather3A_798 : memref<1x128x128xf32, #tpu.memory_space<vmem>> -> memref<128x128xf32, #tpu.memory_space<vmem>>
      %gather3A_800 = tpu.vector_load_idx %gather3A_799[%add3A_384, %add3A_794] : memref<128x128xf32, #tpu.memory_space<vmem>>[vector<16xi32>, vector<16xi32>], vector<16xf32>,
      %mul3A_801 = arith.mulf %gather3A_791, %gather3A_800 : vector<16xf32>
      %add3A_802 = arith.addf %add3A_782, %mul3A_801 : vector<16xf32>
      %add3A_803 = arith.constant 20 : i32
      %add3A_804 = vector.broadcast %add3A_803 : i32 to vector<16xi32>
      %add3A_805 = arith.addi %shift_left3A_388, %add3A_804 : vector<16xi32>
      %gather3A_806 = arith.constant 1 : i32
      %gather3A_807 = arith.constant 0 : i32
      %gather3A_808 = arith.constant 0 : i32
      %gather3A_809 = tpu.memref_slice %arg13[%gather3A_806, %gather3A_807, %gather3A_808] : memref<2x128x128xf32, #tpu.memory_space<vmem>> -> memref<1x128x128xf32, #tpu.memory_space<vmem>>
      %gather3A_810 = tpu.memref_squeeze %gather3A_809 : memref<1x128x128xf32, #tpu.memory_space<vmem>> -> memref<128x128xf32, #tpu.memory_space<vmem>>
      %gather3A_811 = tpu.vector_load_idx %gather3A_810[%add3A_384, %add3A_805] : memref<128x128xf32, #tpu.memory_space<vmem>>[vector<16xi32>, vector<16xi32>], vector<16xf32>,
      %add3A_812 = arith.constant 20 : i32
      %add3A_813 = vector.broadcast %add3A_812 : i32 to vector<16xi32>
      %add3A_814 = arith.addi %shift_left3A_394, %add3A_813 : vector<16xi32>
      %gather3A_815 = arith.constant 1 : i32
      %gather3A_816 = arith.constant 0 : i32
      %gather3A_817 = arith.constant 0 : i32
      %gather3A_818 = tpu.memref_slice %arg14[%gather3A_815, %gather3A_816, %gather3A_817] : memref<2x128x128xf32, #tpu.memory_space<vmem>> -> memref<1x128x128xf32, #tpu.memory_space<vmem>>
      %gather3A_819 = tpu.memref_squeeze %gather3A_818 : memref<1x128x128xf32, #tpu.memory_space<vmem>> -> memref<128x128xf32, #tpu.memory_space<vmem>>
      %gather3A_820 = tpu.vector_load_idx %gather3A_819[%add3A_384, %add3A_814] : memref<128x128xf32, #tpu.memory_space<vmem>>[vector<16xi32>, vector<16xi32>], vector<16xf32>,
      %mul3A_821 = arith.mulf %gather3A_811, %gather3A_820 : vector<16xf32>
      %add3A_822 = arith.addf %add3A_802, %mul3A_821 : vector<16xf32>
      %add3A_823 = arith.constant 21 : i32
      %add3A_824 = vector.broadcast %add3A_823 : i32 to vector<16xi32>
      %add3A_825 = arith.addi %shift_left3A_388, %add3A_824 : vector<16xi32>
      %gather3A_826 = arith.constant 1 : i32
      %gather3A_827 = arith.constant 0 : i32
      %gather3A_828 = arith.constant 0 : i32
      %gather3A_829 = tpu.memref_slice %arg13[%gather3A_826, %gather3A_827, %gather3A_828] : memref<2x128x128xf32, #tpu.memory_space<vmem>> -> memref<1x128x128xf32, #tpu.memory_space<vmem>>
      %gather3A_830 = tpu.memref_squeeze %gather3A_829 : memref<1x128x128xf32, #tpu.memory_space<vmem>> -> memref<128x128xf32, #tpu.memory_space<vmem>>
      %gather3A_831 = tpu.vector_load_idx %gather3A_830[%add3A_384, %add3A_825] : memref<128x128xf32, #tpu.memory_space<vmem>>[vector<16xi32>, vector<16xi32>], vector<16xf32>,
      %add3A_832 = arith.constant 21 : i32
      %add3A_833 = vector.broadcast %add3A_832 : i32 to vector<16xi32>
      %add3A_834 = arith.addi %shift_left3A_394, %add3A_833 : vector<16xi32>
      %gather3A_835 = arith.constant 1 : i32
      %gather3A_836 = arith.constant 0 : i32
      %gather3A_837 = arith.constant 0 : i32
      %gather3A_838 = tpu.memref_slice %arg14[%gather3A_835, %gather3A_836, %gather3A_837] : memref<2x128x128xf32, #tpu.memory_space<vmem>> -> memref<1x128x128xf32, #tpu.memory_space<vmem>>
      %gather3A_839 = tpu.memref_squeeze %gather3A_838 : memref<1x128x128xf32, #tpu.memory_space<vmem>> -> memref<128x128xf32, #tpu.memory_space<vmem>>
      %gather3A_840 = tpu.vector_load_idx %gather3A_839[%add3A_384, %add3A_834] : memref<128x128xf32, #tpu.memory_space<vmem>>[vector<16xi32>, vector<16xi32>], vector<16xf32>,
      %mul3A_841 = arith.mulf %gather3A_831, %gather3A_840 : vector<16xf32>
      %add3A_842 = arith.addf %add3A_822, %mul3A_841 : vector<16xf32>
      %add3A_843 = arith.constant 22 : i32
      %add3A_844 = vector.broadcast %add3A_843 : i32 to vector<16xi32>
      %add3A_845 = arith.addi %shift_left3A_388, %add3A_844 : vector<16xi32>
      %gather3A_846 = arith.constant 1 : i32
      %gather3A_847 = arith.constant 0 : i32
      %gather3A_848 = arith.constant 0 : i32
      %gather3A_849 = tpu.memref_slice %arg13[%gather3A_846, %gather3A_847, %gather3A_848] : memref<2x128x128xf32, #tpu.memory_space<vmem>> -> memref<1x128x128xf32, #tpu.memory_space<vmem>>
      %gather3A_850 = tpu.memref_squeeze %gather3A_849 : memref<1x128x128xf32, #tpu.memory_space<vmem>> -> memref<128x128xf32, #tpu.memory_space<vmem>>
      %gather3A_851 = tpu.vector_load_idx %gather3A_850[%add3A_384, %add3A_845] : memref<128x128xf32, #tpu.memory_space<vmem>>[vector<16xi32>, vector<16xi32>], vector<16xf32>,
      %add3A_852 = arith.constant 22 : i32
      %add3A_853 = vector.broadcast %add3A_852 : i32 to vector<16xi32>
      %add3A_854 = arith.addi %shift_left3A_394, %add3A_853 : vector<16xi32>
      %gather3A_855 = arith.constant 1 : i32
      %gather3A_856 = arith.constant 0 : i32
      %gather3A_857 = arith.constant 0 : i32
      %gather3A_858 = tpu.memref_slice %arg14[%gather3A_855, %gather3A_856, %gather3A_857] : memref<2x128x128xf32, #tpu.memory_space<vmem>> -> memref<1x128x128xf32, #tpu.memory_space<vmem>>
      %gather3A_859 = tpu.memref_squeeze %gather3A_858 : memref<1x128x128xf32, #tpu.memory_space<vmem>> -> memref<128x128xf32, #tpu.memory_space<vmem>>
      %gather3A_860 = tpu.vector_load_idx %gather3A_859[%add3A_384, %add3A_854] : memref<128x128xf32, #tpu.memory_space<vmem>>[vector<16xi32>, vector<16xi32>], vector<16xf32>,
      %mul3A_861 = arith.mulf %gather3A_851, %gather3A_860 : vector<16xf32>
      %add3A_862 = arith.addf %add3A_842, %mul3A_861 : vector<16xf32>
      %add3A_863 = arith.constant 23 : i32
      %add3A_864 = vector.broadcast %add3A_863 : i32 to vector<16xi32>
      %add3A_865 = arith.addi %shift_left3A_388, %add3A_864 : vector<16xi32>
      %gather3A_866 = arith.constant 1 : i32
      %gather3A_867 = arith.constant 0 : i32
      %gather3A_868 = arith.constant 0 : i32
      %gather3A_869 = tpu.memref_slice %arg13[%gather3A_866, %gather3A_867, %gather3A_868] : memref<2x128x128xf32, #tpu.memory_space<vmem>> -> memref<1x128x128xf32, #tpu.memory_space<vmem>>
      %gather3A_870 = tpu.memref_squeeze %gather3A_869 : memref<1x128x128xf32, #tpu.memory_space<vmem>> -> memref<128x128xf32, #tpu.memory_space<vmem>>
      %gather3A_871 = tpu.vector_load_idx %gather3A_870[%add3A_384, %add3A_865] : memref<128x128xf32, #tpu.memory_space<vmem>>[vector<16xi32>, vector<16xi32>], vector<16xf32>,
      %add3A_872 = arith.constant 23 : i32
      %add3A_873 = vector.broadcast %add3A_872 : i32 to vector<16xi32>
      %add3A_874 = arith.addi %shift_left3A_394, %add3A_873 : vector<16xi32>
      %gather3A_875 = arith.constant 1 : i32
      %gather3A_876 = arith.constant 0 : i32
      %gather3A_877 = arith.constant 0 : i32
      %gather3A_878 = tpu.memref_slice %arg14[%gather3A_875, %gather3A_876, %gather3A_877] : memref<2x128x128xf32, #tpu.memory_space<vmem>> -> memref<1x128x128xf32, #tpu.memory_space<vmem>>
      %gather3A_879 = tpu.memref_squeeze %gather3A_878 : memref<1x128x128xf32, #tpu.memory_space<vmem>> -> memref<128x128xf32, #tpu.memory_space<vmem>>
      %gather3A_880 = tpu.vector_load_idx %gather3A_879[%add3A_384, %add3A_874] : memref<128x128xf32, #tpu.memory_space<vmem>>[vector<16xi32>, vector<16xi32>], vector<16xf32>,
      %mul3A_881 = arith.mulf %gather3A_871, %gather3A_880 : vector<16xf32>
      %add3A_882 = arith.addf %add3A_862, %mul3A_881 : vector<16xf32>
      %add3A_883 = arith.constant 24 : i32
      %add3A_884 = vector.broadcast %add3A_883 : i32 to vector<16xi32>
      %add3A_885 = arith.addi %shift_left3A_388, %add3A_884 : vector<16xi32>
      %gather3A_886 = arith.constant 1 : i32
      %gather3A_887 = arith.constant 0 : i32
      %gather3A_888 = arith.constant 0 : i32
      %gather3A_889 = tpu.memref_slice %arg13[%gather3A_886, %gather3A_887, %gather3A_888] : memref<2x128x128xf32, #tpu.memory_space<vmem>> -> memref<1x128x128xf32, #tpu.memory_space<vmem>>
      %gather3A_890 = tpu.memref_squeeze %gather3A_889 : memref<1x128x128xf32, #tpu.memory_space<vmem>> -> memref<128x128xf32, #tpu.memory_space<vmem>>
      %gather3A_891 = tpu.vector_load_idx %gather3A_890[%add3A_384, %add3A_885] : memref<128x128xf32, #tpu.memory_space<vmem>>[vector<16xi32>, vector<16xi32>], vector<16xf32>,
      %add3A_892 = arith.constant 24 : i32
      %add3A_893 = vector.broadcast %add3A_892 : i32 to vector<16xi32>
      %add3A_894 = arith.addi %shift_left3A_394, %add3A_893 : vector<16xi32>
      %gather3A_895 = arith.constant 1 : i32
      %gather3A_896 = arith.constant 0 : i32
      %gather3A_897 = arith.constant 0 : i32
      %gather3A_898 = tpu.memref_slice %arg14[%gather3A_895, %gather3A_896, %gather3A_897] : memref<2x128x128xf32, #tpu.memory_space<vmem>> -> memref<1x128x128xf32, #tpu.memory_space<vmem>>
      %gather3A_899 = tpu.memref_squeeze %gather3A_898 : memref<1x128x128xf32, #tpu.memory_space<vmem>> -> memref<128x128xf32, #tpu.memory_space<vmem>>
      %gather3A_900 = tpu.vector_load_idx %gather3A_899[%add3A_384, %add3A_894] : memref<128x128xf32, #tpu.memory_space<vmem>>[vector<16xi32>, vector<16xi32>], vector<16xf32>,
      %mul3A_901 = arith.mulf %gather3A_891, %gather3A_900 : vector<16xf32>
      %add3A_902 = arith.addf %add3A_882, %mul3A_901 : vector<16xf32>
      %add3A_903 = arith.constant 25 : i32
      %add3A_904 = vector.broadcast %add3A_903 : i32 to vector<16xi32>
      %add3A_905 = arith.addi %shift_left3A_388, %add3A_904 : vector<16xi32>
      %gather3A_906 = arith.constant 1 : i32
      %gather3A_907 = arith.constant 0 : i32
      %gather3A_908 = arith.constant 0 : i32
      %gather3A_909 = tpu.memref_slice %arg13[%gather3A_906, %gather3A_907, %gather3A_908] : memref<2x128x128xf32, #tpu.memory_space<vmem>> -> memref<1x128x128xf32, #tpu.memory_space<vmem>>
      %gather3A_910 = tpu.memref_squeeze %gather3A_909 : memref<1x128x128xf32, #tpu.memory_space<vmem>> -> memref<128x128xf32, #tpu.memory_space<vmem>>
      %gather3A_911 = tpu.vector_load_idx %gather3A_910[%add3A_384, %add3A_905] : memref<128x128xf32, #tpu.memory_space<vmem>>[vector<16xi32>, vector<16xi32>], vector<16xf32>,
      %add3A_912 = arith.constant 25 : i32
      %add3A_913 = vector.broadcast %add3A_912 : i32 to vector<16xi32>
      %add3A_914 = arith.addi %shift_left3A_394, %add3A_913 : vector<16xi32>
      %gather3A_915 = arith.constant 1 : i32
      %gather3A_916 = arith.constant 0 : i32
      %gather3A_917 = arith.constant 0 : i32
      %gather3A_918 = tpu.memref_slice %arg14[%gather3A_915, %gather3A_916, %gather3A_917] : memref<2x128x128xf32, #tpu.memory_space<vmem>> -> memref<1x128x128xf32, #tpu.memory_space<vmem>>
      %gather3A_919 = tpu.memref_squeeze %gather3A_918 : memref<1x128x128xf32, #tpu.memory_space<vmem>> -> memref<128x128xf32, #tpu.memory_space<vmem>>
      %gather3A_920 = tpu.vector_load_idx %gather3A_919[%add3A_384, %add3A_914] : memref<128x128xf32, #tpu.memory_space<vmem>>[vector<16xi32>, vector<16xi32>], vector<16xf32>,
      %mul3A_921 = arith.mulf %gather3A_911, %gather3A_920 : vector<16xf32>
      %add3A_922 = arith.addf %add3A_902, %mul3A_921 : vector<16xf32>
      %add3A_923 = arith.constant 26 : i32
      %add3A_924 = vector.broadcast %add3A_923 : i32 to vector<16xi32>
      %add3A_925 = arith.addi %shift_left3A_388, %add3A_924 : vector<16xi32>
      %gather3A_926 = arith.constant 1 : i32
      %gather3A_927 = arith.constant 0 : i32
      %gather3A_928 = arith.constant 0 : i32
      %gather3A_929 = tpu.memref_slice %arg13[%gather3A_926, %gather3A_927, %gather3A_928] : memref<2x128x128xf32, #tpu.memory_space<vmem>> -> memref<1x128x128xf32, #tpu.memory_space<vmem>>
      %gather3A_930 = tpu.memref_squeeze %gather3A_929 : memref<1x128x128xf32, #tpu.memory_space<vmem>> -> memref<128x128xf32, #tpu.memory_space<vmem>>
      %gather3A_931 = tpu.vector_load_idx %gather3A_930[%add3A_384, %add3A_925] : memref<128x128xf32, #tpu.memory_space<vmem>>[vector<16xi32>, vector<16xi32>], vector<16xf32>,
      %add3A_932 = arith.constant 26 : i32
      %add3A_933 = vector.broadcast %add3A_932 : i32 to vector<16xi32>
      %add3A_934 = arith.addi %shift_left3A_394, %add3A_933 : vector<16xi32>
      %gather3A_935 = arith.constant 1 : i32
      %gather3A_936 = arith.constant 0 : i32
      %gather3A_937 = arith.constant 0 : i32
      %gather3A_938 = tpu.memref_slice %arg14[%gather3A_935, %gather3A_936, %gather3A_937] : memref<2x128x128xf32, #tpu.memory_space<vmem>> -> memref<1x128x128xf32, #tpu.memory_space<vmem>>
      %gather3A_939 = tpu.memref_squeeze %gather3A_938 : memref<1x128x128xf32, #tpu.memory_space<vmem>> -> memref<128x128xf32, #tpu.memory_space<vmem>>
      %gather3A_940 = tpu.vector_load_idx %gather3A_939[%add3A_384, %add3A_934] : memref<128x128xf32, #tpu.memory_space<vmem>>[vector<16xi32>, vector<16xi32>], vector<16xf32>,
      %mul3A_941 = arith.mulf %gather3A_931, %gather3A_940 : vector<16xf32>
      %add3A_942 = arith.addf %add3A_922, %mul3A_941 : vector<16xf32>
      %add3A_943 = arith.constant 27 : i32
      %add3A_944 = vector.broadcast %add3A_943 : i32 to vector<16xi32>
      %add3A_945 = arith.addi %shift_left3A_388, %add3A_944 : vector<16xi32>
      %gather3A_946 = arith.constant 1 : i32
      %gather3A_947 = arith.constant 0 : i32
      %gather3A_948 = arith.constant 0 : i32
      %gather3A_949 = tpu.memref_slice %arg13[%gather3A_946, %gather3A_947, %gather3A_948] : memref<2x128x128xf32, #tpu.memory_space<vmem>> -> memref<1x128x128xf32, #tpu.memory_space<vmem>>
      %gather3A_950 = tpu.memref_squeeze %gather3A_949 : memref<1x128x128xf32, #tpu.memory_space<vmem>> -> memref<128x128xf32, #tpu.memory_space<vmem>>
      %gather3A_951 = tpu.vector_load_idx %gather3A_950[%add3A_384, %add3A_945] : memref<128x128xf32, #tpu.memory_space<vmem>>[vector<16xi32>, vector<16xi32>], vector<16xf32>,
      %add3A_952 = arith.constant 27 : i32
      %add3A_953 = vector.broadcast %add3A_952 : i32 to vector<16xi32>
      %add3A_954 = arith.addi %shift_left3A_394, %add3A_953 : vector<16xi32>
      %gather3A_955 = arith.constant 1 : i32
      %gather3A_956 = arith.constant 0 : i32
      %gather3A_957 = arith.constant 0 : i32
      %gather3A_958 = tpu.memref_slice %arg14[%gather3A_955, %gather3A_956, %gather3A_957] : memref<2x128x128xf32, #tpu.memory_space<vmem>> -> memref<1x128x128xf32, #tpu.memory_space<vmem>>
      %gather3A_959 = tpu.memref_squeeze %gather3A_958 : memref<1x128x128xf32, #tpu.memory_space<vmem>> -> memref<128x128xf32, #tpu.memory_space<vmem>>
      %gather3A_960 = tpu.vector_load_idx %gather3A_959[%add3A_384, %add3A_954] : memref<128x128xf32, #tpu.memory_space<vmem>>[vector<16xi32>, vector<16xi32>], vector<16xf32>,
      %mul3A_961 = arith.mulf %gather3A_951, %gather3A_960 : vector<16xf32>
      %add3A_962 = arith.addf %add3A_942, %mul3A_961 : vector<16xf32>
      %add3A_963 = arith.constant 28 : i32
      %add3A_964 = vector.broadcast %add3A_963 : i32 to vector<16xi32>
      %add3A_965 = arith.addi %shift_left3A_388, %add3A_964 : vector<16xi32>
      %gather3A_966 = arith.constant 1 : i32
      %gather3A_967 = arith.constant 0 : i32
      %gather3A_968 = arith.constant 0 : i32
      %gather3A_969 = tpu.memref_slice %arg13[%gather3A_966, %gather3A_967, %gather3A_968] : memref<2x128x128xf32, #tpu.memory_space<vmem>> -> memref<1x128x128xf32, #tpu.memory_space<vmem>>
      %gather3A_970 = tpu.memref_squeeze %gather3A_969 : memref<1x128x128xf32, #tpu.memory_space<vmem>> -> memref<128x128xf32, #tpu.memory_space<vmem>>
      %gather3A_971 = tpu.vector_load_idx %gather3A_970[%add3A_384, %add3A_965] : memref<128x128xf32, #tpu.memory_space<vmem>>[vector<16xi32>, vector<16xi32>], vector<16xf32>,
      %add3A_972 = arith.constant 28 : i32
      %add3A_973 = vector.broadcast %add3A_972 : i32 to vector<16xi32>
      %add3A_974 = arith.addi %shift_left3A_394, %add3A_973 : vector<16xi32>
      %gather3A_975 = arith.constant 1 : i32
      %gather3A_976 = arith.constant 0 : i32
      %gather3A_977 = arith.constant 0 : i32
      %gather3A_978 = tpu.memref_slice %arg14[%gather3A_975, %gather3A_976, %gather3A_977] : memref<2x128x128xf32, #tpu.memory_space<vmem>> -> memref<1x128x128xf32, #tpu.memory_space<vmem>>
      %gather3A_979 = tpu.memref_squeeze %gather3A_978 : memref<1x128x128xf32, #tpu.memory_space<vmem>> -> memref<128x128xf32, #tpu.memory_space<vmem>>
      %gather3A_980 = tpu.vector_load_idx %gather3A_979[%add3A_384, %add3A_974] : memref<128x128xf32, #tpu.memory_space<vmem>>[vector<16xi32>, vector<16xi32>], vector<16xf32>,
      %mul3A_981 = arith.mulf %gather3A_971, %gather3A_980 : vector<16xf32>
      %add3A_982 = arith.addf %add3A_962, %mul3A_981 : vector<16xf32>
      %add3A_983 = arith.constant 29 : i32
      %add3A_984 = vector.broadcast %add3A_983 : i32 to vector<16xi32>
      %add3A_985 = arith.addi %shift_left3A_388, %add3A_984 : vector<16xi32>
      %gather3A_986 = arith.constant 1 : i32
      %gather3A_987 = arith.constant 0 : i32
      %gather3A_988 = arith.constant 0 : i32
      %gather3A_989 = tpu.memref_slice %arg13[%gather3A_986, %gather3A_987, %gather3A_988] : memref<2x128x128xf32, #tpu.memory_space<vmem>> -> memref<1x128x128xf32, #tpu.memory_space<vmem>>
      %gather3A_990 = tpu.memref_squeeze %gather3A_989 : memref<1x128x128xf32, #tpu.memory_space<vmem>> -> memref<128x128xf32, #tpu.memory_space<vmem>>
      %gather3A_991 = tpu.vector_load_idx %gather3A_990[%add3A_384, %add3A_985] : memref<128x128xf32, #tpu.memory_space<vmem>>[vector<16xi32>, vector<16xi32>], vector<16xf32>,
      %add3A_992 = arith.constant 29 : i32
      %add3A_993 = vector.broadcast %add3A_992 : i32 to vector<16xi32>
      %add3A_994 = arith.addi %shift_left3A_394, %add3A_993 : vector<16xi32>
      %gather3A_995 = arith.constant 1 : i32
      %gather3A_996 = arith.constant 0 : i32
      %gather3A_997 = arith.constant 0 : i32
      %gather3A_998 = tpu.memref_slice %arg14[%gather3A_995, %gather3A_996, %gather3A_997] : memref<2x128x128xf32, #tpu.memory_space<vmem>> -> memref<1x128x128xf32, #tpu.memory_space<vmem>>
      %gather3A_999 = tpu.memref_squeeze %gather3A_998 : memref<1x128x128xf32, #tpu.memory_space<vmem>> -> memref<128x128xf32, #tpu.memory_space<vmem>>
      %gather3A_1000 = tpu.vector_load_idx %gather3A_999[%add3A_384, %add3A_994] : memref<128x128xf32, #tpu.memory_space<vmem>>[vector<16xi32>, vector<16xi32>], vector<16xf32>,
      %mul3A_1001 = arith.mulf %gather3A_991, %gather3A_1000 : vector<16xf32>
      %add3A_1002 = arith.addf %add3A_982, %mul3A_1001 : vector<16xf32>
      %add3A_1003 = arith.constant 30 : i32
      %add3A_1004 = vector.broadcast %add3A_1003 : i32 to vector<16xi32>
      %add3A_1005 = arith.addi %shift_left3A_388, %add3A_1004 : vector<16xi32>
      %gather3A_1006 = arith.constant 1 : i32
      %gather3A_1007 = arith.constant 0 : i32
      %gather3A_1008 = arith.constant 0 : i32
      %gather3A_1009 = tpu.memref_slice %arg13[%gather3A_1006, %gather3A_1007, %gather3A_1008] : memref<2x128x128xf32, #tpu.memory_space<vmem>> -> memref<1x128x128xf32, #tpu.memory_space<vmem>>
      %gather3A_1010 = tpu.memref_squeeze %gather3A_1009 : memref<1x128x128xf32, #tpu.memory_space<vmem>> -> memref<128x128xf32, #tpu.memory_space<vmem>>
      %gather3A_1011 = tpu.vector_load_idx %gather3A_1010[%add3A_384, %add3A_1005] : memref<128x128xf32, #tpu.memory_space<vmem>>[vector<16xi32>, vector<16xi32>], vector<16xf32>,
      %add3A_1012 = arith.constant 30 : i32
      %add3A_1013 = vector.broadcast %add3A_1012 : i32 to vector<16xi32>
      %add3A_1014 = arith.addi %shift_left3A_394, %add3A_1013 : vector<16xi32>
      %gather3A_1015 = arith.constant 1 : i32
      %gather3A_1016 = arith.constant 0 : i32
      %gather3A_1017 = arith.constant 0 : i32
      %gather3A_1018 = tpu.memref_slice %arg14[%gather3A_1015, %gather3A_1016, %gather3A_1017] : memref<2x128x128xf32, #tpu.memory_space<vmem>> -> memref<1x128x128xf32, #tpu.memory_space<vmem>>
      %gather3A_1019 = tpu.memref_squeeze %gather3A_1018 : memref<1x128x128xf32, #tpu.memory_space<vmem>> -> memref<128x128xf32, #tpu.memory_space<vmem>>
      %gather3A_1020 = tpu.vector_load_idx %gather3A_1019[%add3A_384, %add3A_1014] : memref<128x128xf32, #tpu.memory_space<vmem>>[vector<16xi32>, vector<16xi32>], vector<16xf32>,
      %mul3A_1021 = arith.mulf %gather3A_1011, %gather3A_1020 : vector<16xf32>
      %add3A_1022 = arith.addf %add3A_1002, %mul3A_1021 : vector<16xf32>
      %add3A_1023 = arith.constant 31 : i32
      %add3A_1024 = vector.broadcast %add3A_1023 : i32 to vector<16xi32>
      %add3A_1025 = arith.addi %shift_left3A_388, %add3A_1024 : vector<16xi32>
      %gather3A_1026 = arith.constant 1 : i32
      %gather3A_1027 = arith.constant 0 : i32
      %gather3A_1028 = arith.constant 0 : i32
      %gather3A_1029 = tpu.memref_slice %arg13[%gather3A_1026, %gather3A_1027, %gather3A_1028] : memref<2x128x128xf32, #tpu.memory_space<vmem>> -> memref<1x128x128xf32, #tpu.memory_space<vmem>>
      %gather3A_1030 = tpu.memref_squeeze %gather3A_1029 : memref<1x128x128xf32, #tpu.memory_space<vmem>> -> memref<128x128xf32, #tpu.memory_space<vmem>>
      %gather3A_1031 = tpu.vector_load_idx %gather3A_1030[%add3A_384, %add3A_1025] : memref<128x128xf32, #tpu.memory_space<vmem>>[vector<16xi32>, vector<16xi32>], vector<16xf32>,
      %add3A_1032 = arith.constant 31 : i32
      %add3A_1033 = vector.broadcast %add3A_1032 : i32 to vector<16xi32>
      %add3A_1034 = arith.addi %shift_left3A_394, %add3A_1033 : vector<16xi32>
      %gather3A_1035 = arith.constant 1 : i32
      %gather3A_1036 = arith.constant 0 : i32
      %gather3A_1037 = arith.constant 0 : i32
      %gather3A_1038 = tpu.memref_slice %arg14[%gather3A_1035, %gather3A_1036, %gather3A_1037] : memref<2x128x128xf32, #tpu.memory_space<vmem>> -> memref<1x128x128xf32, #tpu.memory_space<vmem>>
      %gather3A_1039 = tpu.memref_squeeze %gather3A_1038 : memref<1x128x128xf32, #tpu.memory_space<vmem>> -> memref<128x128xf32, #tpu.memory_space<vmem>>
      %gather3A_1040 = tpu.vector_load_idx %gather3A_1039[%add3A_384, %add3A_1034] : memref<128x128xf32, #tpu.memory_space<vmem>>[vector<16xi32>, vector<16xi32>], vector<16xf32>,
      %mul3A_1041 = arith.mulf %gather3A_1031, %gather3A_1040 : vector<16xf32>
      %add3A_1042 = arith.addf %add3A_1022, %mul3A_1041 : vector<16xf32>
      %add3A_1043 = arith.constant 128 : i32
      %add3A_1044 = arith.addi %add3A_1043, %mul3A_375 : i32
      %swap3A = arith.index_cast %add3A_1044 : i32 to index
      %swap3A_1045 = tpu.vector_load %arg17[%swap3A] {strides = array<i32>} : memref<512xf32, #tpu.memory_space<vmem>>, vector<16xf32>,
      tpu.vector_store %arg17[%swap3A], %add3A_1042 {strides = array<i32>} : memref<512xf32, #tpu.memory_space<vmem>>, vector<16xf32>,
    }
    %scan3A_288 = arith.constant 8 : i32
    %dma_start3A_289 = arith.constant 3 : i32
    %dma_start3A_290 = arith.constant 1 : i32
    %dma_start3A_291 = arith.constant 0 : i32
    %dma_start3A_292 = arith.constant 0 : i32
    %dma_start3A_293 = tpu.memref_slice %arg13[%dma_start3A_290, %dma_start3A_291, %dma_start3A_292] : memref<2x128x128xf32, #tpu.memory_space<vmem>> -> memref<1x128x128xf32, #tpu.memory_space<vmem>>
    %dma_start3A_294 = tpu.memref_squeeze %dma_start3A_293 : memref<1x128x128xf32, #tpu.memory_space<vmem>> -> memref<128x128xf32, #tpu.memory_space<vmem>>
    %dma_start3A_295 = arith.constant 0 : i32
    %dma_start3A_296 = tpu.memref_slice %arg11[%dma_start3A_289, %dma_start3A_295] : memref<4x128xi32, #tpu.memory_space<vmem>> -> memref<1x128xi32, #tpu.memory_space<vmem>>
    %dma_start3A_297 = tpu.memref_squeeze %dma_start3A_296 : memref<1x128xi32, #tpu.memory_space<vmem>> -> memref<128xi32, #tpu.memory_space<vmem>>
    %dma_start3A_298 = arith.constant 0 : i32
    %dma_start3A_299 = arith.constant 0 : i32
    %dma_start3A_300 = tpu.memref_slice %arg4[%dma_start3A_298, %dma_start3A_299] : memref<250000x128xf32, #tpu.memory_space<hbm>> -> memref<250000x128xf32, #tpu.memory_space<hbm>>
    tpu.enqueue_indirect_dma source(%dma_start3A_300 : memref<250000x128xf32, #tpu.memory_space<hbm>>) target(%dma_start3A_294 : memref<128x128xf32, #tpu.memory_space<vmem>>) offsets(%dma_start3A_297 : memref<128xi32, #tpu.memory_space<vmem>>) semaphore(%arg20 : memref<!tpu.dma_semaphore, #tpu.memory_space<semaphore_mem>>)
    %dma_start3A_301 = arith.constant 3 : i32
    %dma_start3A_302 = arith.constant 1 : i32
    %dma_start3A_303 = arith.constant 0 : i32
    %dma_start3A_304 = arith.constant 0 : i32
    %dma_start3A_305 = tpu.memref_slice %arg14[%dma_start3A_302, %dma_start3A_303, %dma_start3A_304] : memref<2x128x128xf32, #tpu.memory_space<vmem>> -> memref<1x128x128xf32, #tpu.memory_space<vmem>>
    %dma_start3A_306 = tpu.memref_squeeze %dma_start3A_305 : memref<1x128x128xf32, #tpu.memory_space<vmem>> -> memref<128x128xf32, #tpu.memory_space<vmem>>
    %dma_start3A_307 = arith.constant 0 : i32
    %dma_start3A_308 = tpu.memref_slice %arg12[%dma_start3A_301, %dma_start3A_307] : memref<4x128xi32, #tpu.memory_space<vmem>> -> memref<1x128xi32, #tpu.memory_space<vmem>>
    %dma_start3A_309 = tpu.memref_squeeze %dma_start3A_308 : memref<1x128xi32, #tpu.memory_space<vmem>> -> memref<128xi32, #tpu.memory_space<vmem>>
    %dma_start3A_310 = arith.constant 0 : i32
    %dma_start3A_311 = arith.constant 0 : i32
    %dma_start3A_312 = tpu.memref_slice %arg5[%dma_start3A_310, %dma_start3A_311] : memref<250000x128xf32, #tpu.memory_space<hbm>> -> memref<250000x128xf32, #tpu.memory_space<hbm>>
    tpu.enqueue_indirect_dma source(%dma_start3A_312 : memref<250000x128xf32, #tpu.memory_space<hbm>>) target(%dma_start3A_306 : memref<128x128xf32, #tpu.memory_space<vmem>>) offsets(%dma_start3A_309 : memref<128xi32, #tpu.memory_space<vmem>>) semaphore(%arg20 : memref<!tpu.dma_semaphore, #tpu.memory_space<semaphore_mem>>)
    %dma_wait3A_313 = arith.constant 2 : i32
    %dma_wait3A_314 = arith.constant 0 : i32
    %dma_wait3A_315 = arith.constant 0 : i32
    %dma_wait3A_316 = arith.constant 0 : i32
    %dma_wait3A_317 = tpu.memref_slice %arg13[%dma_wait3A_314, %dma_wait3A_315, %dma_wait3A_316] : memref<2x128x128xf32, #tpu.memory_space<vmem>> -> memref<1x128x128xf32, #tpu.memory_space<vmem>>
    %dma_wait3A_318 = tpu.memref_squeeze %dma_wait3A_317 : memref<1x128x128xf32, #tpu.memory_space<vmem>> -> memref<128x128xf32, #tpu.memory_space<vmem>>
    %dma_wait3A_319 = arith.constant 0 : i32
    %dma_wait3A_320 = tpu.memref_slice %arg11[%dma_wait3A_313, %dma_wait3A_319] : memref<4x128xi32, #tpu.memory_space<vmem>> -> memref<1x128xi32, #tpu.memory_space<vmem>>
    %dma_wait3A_321 = tpu.memref_squeeze %dma_wait3A_320 : memref<1x128xi32, #tpu.memory_space<vmem>> -> memref<128xi32, #tpu.memory_space<vmem>>
    %dma_wait3A_322 = arith.constant 0 : i32
    %dma_wait3A_323 = arith.constant 0 : i32
    %dma_wait3A_324 = tpu.memref_slice %arg4[%dma_wait3A_322, %dma_wait3A_323] : memref<250000x128xf32, #tpu.memory_space<hbm>> -> memref<250000x128xf32, #tpu.memory_space<hbm>>
    tpu.wait_indirect_dma semaphore(%arg19 : memref<!tpu.dma_semaphore, #tpu.memory_space<semaphore_mem>>) src(%dma_wait3A_324 : memref<250000x128xf32, #tpu.memory_space<hbm>>) dst(%dma_wait3A_318 : memref<128x128xf32, #tpu.memory_space<vmem>>)
    %dma_wait3A_325 = arith.constant 2 : i32
    %dma_wait3A_326 = arith.constant 0 : i32
    %dma_wait3A_327 = arith.constant 0 : i32
    %dma_wait3A_328 = arith.constant 0 : i32
    %dma_wait3A_329 = tpu.memref_slice %arg14[%dma_wait3A_326, %dma_wait3A_327, %dma_wait3A_328] : memref<2x128x128xf32, #tpu.memory_space<vmem>> -> memref<1x128x128xf32, #tpu.memory_space<vmem>>
    %dma_wait3A_330 = tpu.memref_squeeze %dma_wait3A_329 : memref<1x128x128xf32, #tpu.memory_space<vmem>> -> memref<128x128xf32, #tpu.memory_space<vmem>>
    %dma_wait3A_331 = arith.constant 0 : i32
    %dma_wait3A_332 = tpu.memref_slice %arg12[%dma_wait3A_325, %dma_wait3A_331] : memref<4x128xi32, #tpu.memory_space<vmem>> -> memref<1x128xi32, #tpu.memory_space<vmem>>
    %dma_wait3A_333 = tpu.memref_squeeze %dma_wait3A_332 : memref<1x128xi32, #tpu.memory_space<vmem>> -> memref<128xi32, #tpu.memory_space<vmem>>
    %dma_wait3A_334 = arith.constant 0 : i32
    %dma_wait3A_335 = arith.constant 0 : i32
    %dma_wait3A_336 = tpu.memref_slice %arg5[%dma_wait3A_334, %dma_wait3A_335] : memref<250000x128xf32, #tpu.memory_space<hbm>> -> memref<250000x128xf32, #tpu.memory_space<hbm>>
    tpu.wait_indirect_dma semaphore(%arg19 : memref<!tpu.dma_semaphore, #tpu.memory_space<semaphore_mem>>) src(%dma_wait3A_336 : memref<250000x128xf32, #tpu.memory_space<hbm>>) dst(%dma_wait3A_330 : memref<128x128xf32, #tpu.memory_space<vmem>>)
    %scan3A_337 = arith.constant 0 : i32
    %scan3A_338 = arith.constant 0 : i32
    %scan3A_339 = arith.constant 8 : i32
    %scan3A_340 = arith.addi %scan3A_338, %scan3A_339 : i32
    %scan3A_341 = arith.constant 1 : i32
    scf.for %scan3A_373 = %scan3A_338 to %scan3A_340 step %scan3A_341  : i32 {
      %mul3A_374 = arith.constant 16 : i32
      %mul3A_375 = arith.muli %scan3A_373, %mul3A_374 : i32
      %get3A = arith.constant 2 : i32
      %get3A_376 = arith.index_cast %get3A : i32 to index
      %get3A_377 = arith.index_cast %mul3A_375 : i32 to index
      %get3A_378 = tpu.vector_load %arg9[%get3A_376, %get3A_377] {strides = array<i32>} : memref<4x128xi32, #tpu.memory_space<vmem>>, vector<16xi32>,
      %get3A_379 = arith.constant 2 : i32
      %get3A_380 = arith.index_cast %get3A_379 : i32 to index
      %get3A_381 = arith.index_cast %mul3A_375 : i32 to index
      %get3A_382 = tpu.vector_load %arg10[%get3A_380, %get3A_381] {strides = array<i32>} : memref<4x128xi32, #tpu.memory_space<vmem>>, vector<16xi32>,
      %add3A_383 = vector.broadcast %mul3A_375 : i32 to vector<16xi32>
      %add3A_384 = arith.addi %add3A_383, %iota3A : vector<16xi32>
      %and3A = arith.constant 3 : i32
      %and3A_385 = vector.broadcast %and3A : i32 to vector<16xi32>
      %and3A_386 = arith.andi %get3A_378, %and3A_385 : vector<16xi32>
      %shift_left3A = arith.constant 5 : i32
      %shift_left3A_387 = vector.broadcast %shift_left3A : i32 to vector<16xi32>
      %shift_left3A_388 = arith.shli %and3A_386, %shift_left3A_387 : vector<16xi32>
      %and3A_389 = arith.constant 3 : i32
      %and3A_390 = vector.broadcast %and3A_389 : i32 to vector<16xi32>
      %and3A_391 = arith.andi %get3A_382, %and3A_390 : vector<16xi32>
      %shift_left3A_392 = arith.constant 5 : i32
      %shift_left3A_393 = vector.broadcast %shift_left3A_392 : i32 to vector<16xi32>
      %shift_left3A_394 = arith.shli %and3A_391, %shift_left3A_393 : vector<16xi32>
      %add3A_395 = arith.constant 256 : i32
      %add3A_396 = arith.addi %add3A_395, %mul3A_375 : i32
      %get3A_397 = arith.index_cast %add3A_396 : i32 to index
      %get3A_398 = tpu.vector_load %arg15[%get3A_397] {strides = array<i32>} : memref<512xf32, #tpu.memory_space<vmem>>, vector<16xf32>,
      %add3A_399 = arith.constant 256 : i32
      %add3A_400 = arith.addi %add3A_399, %mul3A_375 : i32
      %get3A_401 = arith.index_cast %add3A_400 : i32 to index
      %get3A_402 = tpu.vector_load %arg16[%get3A_401] {strides = array<i32>} : memref<512xf32, #tpu.memory_space<vmem>>, vector<16xf32>,
      %add3A_403 = arith.addf %get3A_398, %get3A_402 : vector<16xf32>
      %add3A_404 = arith.constant 0 : i32
      %add3A_405 = vector.broadcast %add3A_404 : i32 to vector<16xi32>
      %add3A_406 = arith.addi %shift_left3A_388, %add3A_405 : vector<16xi32>
      %gather3A = arith.constant 0 : i32
      %gather3A_407 = arith.constant 0 : i32
      %gather3A_408 = arith.constant 0 : i32
      %gather3A_409 = tpu.memref_slice %arg13[%gather3A, %gather3A_407, %gather3A_408] : memref<2x128x128xf32, #tpu.memory_space<vmem>> -> memref<1x128x128xf32, #tpu.memory_space<vmem>>
      %gather3A_410 = tpu.memref_squeeze %gather3A_409 : memref<1x128x128xf32, #tpu.memory_space<vmem>> -> memref<128x128xf32, #tpu.memory_space<vmem>>
      %gather3A_411 = tpu.vector_load_idx %gather3A_410[%add3A_384, %add3A_406] : memref<128x128xf32, #tpu.memory_space<vmem>>[vector<16xi32>, vector<16xi32>], vector<16xf32>,
      %add3A_412 = arith.constant 0 : i32
      %add3A_413 = vector.broadcast %add3A_412 : i32 to vector<16xi32>
      %add3A_414 = arith.addi %shift_left3A_394, %add3A_413 : vector<16xi32>
      %gather3A_415 = arith.constant 0 : i32
      %gather3A_416 = arith.constant 0 : i32
      %gather3A_417 = arith.constant 0 : i32
      %gather3A_418 = tpu.memref_slice %arg14[%gather3A_415, %gather3A_416, %gather3A_417] : memref<2x128x128xf32, #tpu.memory_space<vmem>> -> memref<1x128x128xf32, #tpu.memory_space<vmem>>
      %gather3A_419 = tpu.memref_squeeze %gather3A_418 : memref<1x128x128xf32, #tpu.memory_space<vmem>> -> memref<128x128xf32, #tpu.memory_space<vmem>>
      %gather3A_420 = tpu.vector_load_idx %gather3A_419[%add3A_384, %add3A_414] : memref<128x128xf32, #tpu.memory_space<vmem>>[vector<16xi32>, vector<16xi32>], vector<16xf32>,
      %mul3A_421 = arith.mulf %gather3A_411, %gather3A_420 : vector<16xf32>
      %add3A_422 = arith.addf %add3A_403, %mul3A_421 : vector<16xf32>
      %add3A_423 = arith.constant 1 : i32
      %add3A_424 = vector.broadcast %add3A_423 : i32 to vector<16xi32>
      %add3A_425 = arith.addi %shift_left3A_388, %add3A_424 : vector<16xi32>
      %gather3A_426 = arith.constant 0 : i32
      %gather3A_427 = arith.constant 0 : i32
      %gather3A_428 = arith.constant 0 : i32
      %gather3A_429 = tpu.memref_slice %arg13[%gather3A_426, %gather3A_427, %gather3A_428] : memref<2x128x128xf32, #tpu.memory_space<vmem>> -> memref<1x128x128xf32, #tpu.memory_space<vmem>>
      %gather3A_430 = tpu.memref_squeeze %gather3A_429 : memref<1x128x128xf32, #tpu.memory_space<vmem>> -> memref<128x128xf32, #tpu.memory_space<vmem>>
      %gather3A_431 = tpu.vector_load_idx %gather3A_430[%add3A_384, %add3A_425] : memref<128x128xf32, #tpu.memory_space<vmem>>[vector<16xi32>, vector<16xi32>], vector<16xf32>,
      %add3A_432 = arith.constant 1 : i32
      %add3A_433 = vector.broadcast %add3A_432 : i32 to vector<16xi32>
      %add3A_434 = arith.addi %shift_left3A_394, %add3A_433 : vector<16xi32>
      %gather3A_435 = arith.constant 0 : i32
      %gather3A_436 = arith.constant 0 : i32
      %gather3A_437 = arith.constant 0 : i32
      %gather3A_438 = tpu.memref_slice %arg14[%gather3A_435, %gather3A_436, %gather3A_437] : memref<2x128x128xf32, #tpu.memory_space<vmem>> -> memref<1x128x128xf32, #tpu.memory_space<vmem>>
      %gather3A_439 = tpu.memref_squeeze %gather3A_438 : memref<1x128x128xf32, #tpu.memory_space<vmem>> -> memref<128x128xf32, #tpu.memory_space<vmem>>
      %gather3A_440 = tpu.vector_load_idx %gather3A_439[%add3A_384, %add3A_434] : memref<128x128xf32, #tpu.memory_space<vmem>>[vector<16xi32>, vector<16xi32>], vector<16xf32>,
      %mul3A_441 = arith.mulf %gather3A_431, %gather3A_440 : vector<16xf32>
      %add3A_442 = arith.addf %add3A_422, %mul3A_441 : vector<16xf32>
      %add3A_443 = arith.constant 2 : i32
      %add3A_444 = vector.broadcast %add3A_443 : i32 to vector<16xi32>
      %add3A_445 = arith.addi %shift_left3A_388, %add3A_444 : vector<16xi32>
      %gather3A_446 = arith.constant 0 : i32
      %gather3A_447 = arith.constant 0 : i32
      %gather3A_448 = arith.constant 0 : i32
      %gather3A_449 = tpu.memref_slice %arg13[%gather3A_446, %gather3A_447, %gather3A_448] : memref<2x128x128xf32, #tpu.memory_space<vmem>> -> memref<1x128x128xf32, #tpu.memory_space<vmem>>
      %gather3A_450 = tpu.memref_squeeze %gather3A_449 : memref<1x128x128xf32, #tpu.memory_space<vmem>> -> memref<128x128xf32, #tpu.memory_space<vmem>>
      %gather3A_451 = tpu.vector_load_idx %gather3A_450[%add3A_384, %add3A_445] : memref<128x128xf32, #tpu.memory_space<vmem>>[vector<16xi32>, vector<16xi32>], vector<16xf32>,
      %add3A_452 = arith.constant 2 : i32
      %add3A_453 = vector.broadcast %add3A_452 : i32 to vector<16xi32>
      %add3A_454 = arith.addi %shift_left3A_394, %add3A_453 : vector<16xi32>
      %gather3A_455 = arith.constant 0 : i32
      %gather3A_456 = arith.constant 0 : i32
      %gather3A_457 = arith.constant 0 : i32
      %gather3A_458 = tpu.memref_slice %arg14[%gather3A_455, %gather3A_456, %gather3A_457] : memref<2x128x128xf32, #tpu.memory_space<vmem>> -> memref<1x128x128xf32, #tpu.memory_space<vmem>>
      %gather3A_459 = tpu.memref_squeeze %gather3A_458 : memref<1x128x128xf32, #tpu.memory_space<vmem>> -> memref<128x128xf32, #tpu.memory_space<vmem>>
      %gather3A_460 = tpu.vector_load_idx %gather3A_459[%add3A_384, %add3A_454] : memref<128x128xf32, #tpu.memory_space<vmem>>[vector<16xi32>, vector<16xi32>], vector<16xf32>,
      %mul3A_461 = arith.mulf %gather3A_451, %gather3A_460 : vector<16xf32>
      %add3A_462 = arith.addf %add3A_442, %mul3A_461 : vector<16xf32>
      %add3A_463 = arith.constant 3 : i32
      %add3A_464 = vector.broadcast %add3A_463 : i32 to vector<16xi32>
      %add3A_465 = arith.addi %shift_left3A_388, %add3A_464 : vector<16xi32>
      %gather3A_466 = arith.constant 0 : i32
      %gather3A_467 = arith.constant 0 : i32
      %gather3A_468 = arith.constant 0 : i32
      %gather3A_469 = tpu.memref_slice %arg13[%gather3A_466, %gather3A_467, %gather3A_468] : memref<2x128x128xf32, #tpu.memory_space<vmem>> -> memref<1x128x128xf32, #tpu.memory_space<vmem>>
      %gather3A_470 = tpu.memref_squeeze %gather3A_469 : memref<1x128x128xf32, #tpu.memory_space<vmem>> -> memref<128x128xf32, #tpu.memory_space<vmem>>
      %gather3A_471 = tpu.vector_load_idx %gather3A_470[%add3A_384, %add3A_465] : memref<128x128xf32, #tpu.memory_space<vmem>>[vector<16xi32>, vector<16xi32>], vector<16xf32>,
      %add3A_472 = arith.constant 3 : i32
      %add3A_473 = vector.broadcast %add3A_472 : i32 to vector<16xi32>
      %add3A_474 = arith.addi %shift_left3A_394, %add3A_473 : vector<16xi32>
      %gather3A_475 = arith.constant 0 : i32
      %gather3A_476 = arith.constant 0 : i32
      %gather3A_477 = arith.constant 0 : i32
      %gather3A_478 = tpu.memref_slice %arg14[%gather3A_475, %gather3A_476, %gather3A_477] : memref<2x128x128xf32, #tpu.memory_space<vmem>> -> memref<1x128x128xf32, #tpu.memory_space<vmem>>
      %gather3A_479 = tpu.memref_squeeze %gather3A_478 : memref<1x128x128xf32, #tpu.memory_space<vmem>> -> memref<128x128xf32, #tpu.memory_space<vmem>>
      %gather3A_480 = tpu.vector_load_idx %gather3A_479[%add3A_384, %add3A_474] : memref<128x128xf32, #tpu.memory_space<vmem>>[vector<16xi32>, vector<16xi32>], vector<16xf32>,
      %mul3A_481 = arith.mulf %gather3A_471, %gather3A_480 : vector<16xf32>
      %add3A_482 = arith.addf %add3A_462, %mul3A_481 : vector<16xf32>
      %add3A_483 = arith.constant 4 : i32
      %add3A_484 = vector.broadcast %add3A_483 : i32 to vector<16xi32>
      %add3A_485 = arith.addi %shift_left3A_388, %add3A_484 : vector<16xi32>
      %gather3A_486 = arith.constant 0 : i32
      %gather3A_487 = arith.constant 0 : i32
      %gather3A_488 = arith.constant 0 : i32
      %gather3A_489 = tpu.memref_slice %arg13[%gather3A_486, %gather3A_487, %gather3A_488] : memref<2x128x128xf32, #tpu.memory_space<vmem>> -> memref<1x128x128xf32, #tpu.memory_space<vmem>>
      %gather3A_490 = tpu.memref_squeeze %gather3A_489 : memref<1x128x128xf32, #tpu.memory_space<vmem>> -> memref<128x128xf32, #tpu.memory_space<vmem>>
      %gather3A_491 = tpu.vector_load_idx %gather3A_490[%add3A_384, %add3A_485] : memref<128x128xf32, #tpu.memory_space<vmem>>[vector<16xi32>, vector<16xi32>], vector<16xf32>,
      %add3A_492 = arith.constant 4 : i32
      %add3A_493 = vector.broadcast %add3A_492 : i32 to vector<16xi32>
      %add3A_494 = arith.addi %shift_left3A_394, %add3A_493 : vector<16xi32>
      %gather3A_495 = arith.constant 0 : i32
      %gather3A_496 = arith.constant 0 : i32
      %gather3A_497 = arith.constant 0 : i32
      %gather3A_498 = tpu.memref_slice %arg14[%gather3A_495, %gather3A_496, %gather3A_497] : memref<2x128x128xf32, #tpu.memory_space<vmem>> -> memref<1x128x128xf32, #tpu.memory_space<vmem>>
      %gather3A_499 = tpu.memref_squeeze %gather3A_498 : memref<1x128x128xf32, #tpu.memory_space<vmem>> -> memref<128x128xf32, #tpu.memory_space<vmem>>
      %gather3A_500 = tpu.vector_load_idx %gather3A_499[%add3A_384, %add3A_494] : memref<128x128xf32, #tpu.memory_space<vmem>>[vector<16xi32>, vector<16xi32>], vector<16xf32>,
      %mul3A_501 = arith.mulf %gather3A_491, %gather3A_500 : vector<16xf32>
      %add3A_502 = arith.addf %add3A_482, %mul3A_501 : vector<16xf32>
      %add3A_503 = arith.constant 5 : i32
      %add3A_504 = vector.broadcast %add3A_503 : i32 to vector<16xi32>
      %add3A_505 = arith.addi %shift_left3A_388, %add3A_504 : vector<16xi32>
      %gather3A_506 = arith.constant 0 : i32
      %gather3A_507 = arith.constant 0 : i32
      %gather3A_508 = arith.constant 0 : i32
      %gather3A_509 = tpu.memref_slice %arg13[%gather3A_506, %gather3A_507, %gather3A_508] : memref<2x128x128xf32, #tpu.memory_space<vmem>> -> memref<1x128x128xf32, #tpu.memory_space<vmem>>
      %gather3A_510 = tpu.memref_squeeze %gather3A_509 : memref<1x128x128xf32, #tpu.memory_space<vmem>> -> memref<128x128xf32, #tpu.memory_space<vmem>>
      %gather3A_511 = tpu.vector_load_idx %gather3A_510[%add3A_384, %add3A_505] : memref<128x128xf32, #tpu.memory_space<vmem>>[vector<16xi32>, vector<16xi32>], vector<16xf32>,
      %add3A_512 = arith.constant 5 : i32
      %add3A_513 = vector.broadcast %add3A_512 : i32 to vector<16xi32>
      %add3A_514 = arith.addi %shift_left3A_394, %add3A_513 : vector<16xi32>
      %gather3A_515 = arith.constant 0 : i32
      %gather3A_516 = arith.constant 0 : i32
      %gather3A_517 = arith.constant 0 : i32
      %gather3A_518 = tpu.memref_slice %arg14[%gather3A_515, %gather3A_516, %gather3A_517] : memref<2x128x128xf32, #tpu.memory_space<vmem>> -> memref<1x128x128xf32, #tpu.memory_space<vmem>>
      %gather3A_519 = tpu.memref_squeeze %gather3A_518 : memref<1x128x128xf32, #tpu.memory_space<vmem>> -> memref<128x128xf32, #tpu.memory_space<vmem>>
      %gather3A_520 = tpu.vector_load_idx %gather3A_519[%add3A_384, %add3A_514] : memref<128x128xf32, #tpu.memory_space<vmem>>[vector<16xi32>, vector<16xi32>], vector<16xf32>,
      %mul3A_521 = arith.mulf %gather3A_511, %gather3A_520 : vector<16xf32>
      %add3A_522 = arith.addf %add3A_502, %mul3A_521 : vector<16xf32>
      %add3A_523 = arith.constant 6 : i32
      %add3A_524 = vector.broadcast %add3A_523 : i32 to vector<16xi32>
      %add3A_525 = arith.addi %shift_left3A_388, %add3A_524 : vector<16xi32>
      %gather3A_526 = arith.constant 0 : i32
      %gather3A_527 = arith.constant 0 : i32
      %gather3A_528 = arith.constant 0 : i32
      %gather3A_529 = tpu.memref_slice %arg13[%gather3A_526, %gather3A_527, %gather3A_528] : memref<2x128x128xf32, #tpu.memory_space<vmem>> -> memref<1x128x128xf32, #tpu.memory_space<vmem>>
      %gather3A_530 = tpu.memref_squeeze %gather3A_529 : memref<1x128x128xf32, #tpu.memory_space<vmem>> -> memref<128x128xf32, #tpu.memory_space<vmem>>
      %gather3A_531 = tpu.vector_load_idx %gather3A_530[%add3A_384, %add3A_525] : memref<128x128xf32, #tpu.memory_space<vmem>>[vector<16xi32>, vector<16xi32>], vector<16xf32>,
      %add3A_532 = arith.constant 6 : i32
      %add3A_533 = vector.broadcast %add3A_532 : i32 to vector<16xi32>
      %add3A_534 = arith.addi %shift_left3A_394, %add3A_533 : vector<16xi32>
      %gather3A_535 = arith.constant 0 : i32
      %gather3A_536 = arith.constant 0 : i32
      %gather3A_537 = arith.constant 0 : i32
      %gather3A_538 = tpu.memref_slice %arg14[%gather3A_535, %gather3A_536, %gather3A_537] : memref<2x128x128xf32, #tpu.memory_space<vmem>> -> memref<1x128x128xf32, #tpu.memory_space<vmem>>
      %gather3A_539 = tpu.memref_squeeze %gather3A_538 : memref<1x128x128xf32, #tpu.memory_space<vmem>> -> memref<128x128xf32, #tpu.memory_space<vmem>>
      %gather3A_540 = tpu.vector_load_idx %gather3A_539[%add3A_384, %add3A_534] : memref<128x128xf32, #tpu.memory_space<vmem>>[vector<16xi32>, vector<16xi32>], vector<16xf32>,
      %mul3A_541 = arith.mulf %gather3A_531, %gather3A_540 : vector<16xf32>
      %add3A_542 = arith.addf %add3A_522, %mul3A_541 : vector<16xf32>
      %add3A_543 = arith.constant 7 : i32
      %add3A_544 = vector.broadcast %add3A_543 : i32 to vector<16xi32>
      %add3A_545 = arith.addi %shift_left3A_388, %add3A_544 : vector<16xi32>
      %gather3A_546 = arith.constant 0 : i32
      %gather3A_547 = arith.constant 0 : i32
      %gather3A_548 = arith.constant 0 : i32
      %gather3A_549 = tpu.memref_slice %arg13[%gather3A_546, %gather3A_547, %gather3A_548] : memref<2x128x128xf32, #tpu.memory_space<vmem>> -> memref<1x128x128xf32, #tpu.memory_space<vmem>>
      %gather3A_550 = tpu.memref_squeeze %gather3A_549 : memref<1x128x128xf32, #tpu.memory_space<vmem>> -> memref<128x128xf32, #tpu.memory_space<vmem>>
      %gather3A_551 = tpu.vector_load_idx %gather3A_550[%add3A_384, %add3A_545] : memref<128x128xf32, #tpu.memory_space<vmem>>[vector<16xi32>, vector<16xi32>], vector<16xf32>,
      %add3A_552 = arith.constant 7 : i32
      %add3A_553 = vector.broadcast %add3A_552 : i32 to vector<16xi32>
      %add3A_554 = arith.addi %shift_left3A_394, %add3A_553 : vector<16xi32>
      %gather3A_555 = arith.constant 0 : i32
      %gather3A_556 = arith.constant 0 : i32
      %gather3A_557 = arith.constant 0 : i32
      %gather3A_558 = tpu.memref_slice %arg14[%gather3A_555, %gather3A_556, %gather3A_557] : memref<2x128x128xf32, #tpu.memory_space<vmem>> -> memref<1x128x128xf32, #tpu.memory_space<vmem>>
      %gather3A_559 = tpu.memref_squeeze %gather3A_558 : memref<1x128x128xf32, #tpu.memory_space<vmem>> -> memref<128x128xf32, #tpu.memory_space<vmem>>
      %gather3A_560 = tpu.vector_load_idx %gather3A_559[%add3A_384, %add3A_554] : memref<128x128xf32, #tpu.memory_space<vmem>>[vector<16xi32>, vector<16xi32>], vector<16xf32>,
      %mul3A_561 = arith.mulf %gather3A_551, %gather3A_560 : vector<16xf32>
      %add3A_562 = arith.addf %add3A_542, %mul3A_561 : vector<16xf32>
      %add3A_563 = arith.constant 8 : i32
      %add3A_564 = vector.broadcast %add3A_563 : i32 to vector<16xi32>
      %add3A_565 = arith.addi %shift_left3A_388, %add3A_564 : vector<16xi32>
      %gather3A_566 = arith.constant 0 : i32
      %gather3A_567 = arith.constant 0 : i32
      %gather3A_568 = arith.constant 0 : i32
      %gather3A_569 = tpu.memref_slice %arg13[%gather3A_566, %gather3A_567, %gather3A_568] : memref<2x128x128xf32, #tpu.memory_space<vmem>> -> memref<1x128x128xf32, #tpu.memory_space<vmem>>
      %gather3A_570 = tpu.memref_squeeze %gather3A_569 : memref<1x128x128xf32, #tpu.memory_space<vmem>> -> memref<128x128xf32, #tpu.memory_space<vmem>>
      %gather3A_571 = tpu.vector_load_idx %gather3A_570[%add3A_384, %add3A_565] : memref<128x128xf32, #tpu.memory_space<vmem>>[vector<16xi32>, vector<16xi32>], vector<16xf32>,
      %add3A_572 = arith.constant 8 : i32
      %add3A_573 = vector.broadcast %add3A_572 : i32 to vector<16xi32>
      %add3A_574 = arith.addi %shift_left3A_394, %add3A_573 : vector<16xi32>
      %gather3A_575 = arith.constant 0 : i32
      %gather3A_576 = arith.constant 0 : i32
      %gather3A_577 = arith.constant 0 : i32
      %gather3A_578 = tpu.memref_slice %arg14[%gather3A_575, %gather3A_576, %gather3A_577] : memref<2x128x128xf32, #tpu.memory_space<vmem>> -> memref<1x128x128xf32, #tpu.memory_space<vmem>>
      %gather3A_579 = tpu.memref_squeeze %gather3A_578 : memref<1x128x128xf32, #tpu.memory_space<vmem>> -> memref<128x128xf32, #tpu.memory_space<vmem>>
      %gather3A_580 = tpu.vector_load_idx %gather3A_579[%add3A_384, %add3A_574] : memref<128x128xf32, #tpu.memory_space<vmem>>[vector<16xi32>, vector<16xi32>], vector<16xf32>,
      %mul3A_581 = arith.mulf %gather3A_571, %gather3A_580 : vector<16xf32>
      %add3A_582 = arith.addf %add3A_562, %mul3A_581 : vector<16xf32>
      %add3A_583 = arith.constant 9 : i32
      %add3A_584 = vector.broadcast %add3A_583 : i32 to vector<16xi32>
      %add3A_585 = arith.addi %shift_left3A_388, %add3A_584 : vector<16xi32>
      %gather3A_586 = arith.constant 0 : i32
      %gather3A_587 = arith.constant 0 : i32
      %gather3A_588 = arith.constant 0 : i32
      %gather3A_589 = tpu.memref_slice %arg13[%gather3A_586, %gather3A_587, %gather3A_588] : memref<2x128x128xf32, #tpu.memory_space<vmem>> -> memref<1x128x128xf32, #tpu.memory_space<vmem>>
      %gather3A_590 = tpu.memref_squeeze %gather3A_589 : memref<1x128x128xf32, #tpu.memory_space<vmem>> -> memref<128x128xf32, #tpu.memory_space<vmem>>
      %gather3A_591 = tpu.vector_load_idx %gather3A_590[%add3A_384, %add3A_585] : memref<128x128xf32, #tpu.memory_space<vmem>>[vector<16xi32>, vector<16xi32>], vector<16xf32>,
      %add3A_592 = arith.constant 9 : i32
      %add3A_593 = vector.broadcast %add3A_592 : i32 to vector<16xi32>
      %add3A_594 = arith.addi %shift_left3A_394, %add3A_593 : vector<16xi32>
      %gather3A_595 = arith.constant 0 : i32
      %gather3A_596 = arith.constant 0 : i32
      %gather3A_597 = arith.constant 0 : i32
      %gather3A_598 = tpu.memref_slice %arg14[%gather3A_595, %gather3A_596, %gather3A_597] : memref<2x128x128xf32, #tpu.memory_space<vmem>> -> memref<1x128x128xf32, #tpu.memory_space<vmem>>
      %gather3A_599 = tpu.memref_squeeze %gather3A_598 : memref<1x128x128xf32, #tpu.memory_space<vmem>> -> memref<128x128xf32, #tpu.memory_space<vmem>>
      %gather3A_600 = tpu.vector_load_idx %gather3A_599[%add3A_384, %add3A_594] : memref<128x128xf32, #tpu.memory_space<vmem>>[vector<16xi32>, vector<16xi32>], vector<16xf32>,
      %mul3A_601 = arith.mulf %gather3A_591, %gather3A_600 : vector<16xf32>
      %add3A_602 = arith.addf %add3A_582, %mul3A_601 : vector<16xf32>
      %add3A_603 = arith.constant 10 : i32
      %add3A_604 = vector.broadcast %add3A_603 : i32 to vector<16xi32>
      %add3A_605 = arith.addi %shift_left3A_388, %add3A_604 : vector<16xi32>
      %gather3A_606 = arith.constant 0 : i32
      %gather3A_607 = arith.constant 0 : i32
      %gather3A_608 = arith.constant 0 : i32
      %gather3A_609 = tpu.memref_slice %arg13[%gather3A_606, %gather3A_607, %gather3A_608] : memref<2x128x128xf32, #tpu.memory_space<vmem>> -> memref<1x128x128xf32, #tpu.memory_space<vmem>>
      %gather3A_610 = tpu.memref_squeeze %gather3A_609 : memref<1x128x128xf32, #tpu.memory_space<vmem>> -> memref<128x128xf32, #tpu.memory_space<vmem>>
      %gather3A_611 = tpu.vector_load_idx %gather3A_610[%add3A_384, %add3A_605] : memref<128x128xf32, #tpu.memory_space<vmem>>[vector<16xi32>, vector<16xi32>], vector<16xf32>,
      %add3A_612 = arith.constant 10 : i32
      %add3A_613 = vector.broadcast %add3A_612 : i32 to vector<16xi32>
      %add3A_614 = arith.addi %shift_left3A_394, %add3A_613 : vector<16xi32>
      %gather3A_615 = arith.constant 0 : i32
      %gather3A_616 = arith.constant 0 : i32
      %gather3A_617 = arith.constant 0 : i32
      %gather3A_618 = tpu.memref_slice %arg14[%gather3A_615, %gather3A_616, %gather3A_617] : memref<2x128x128xf32, #tpu.memory_space<vmem>> -> memref<1x128x128xf32, #tpu.memory_space<vmem>>
      %gather3A_619 = tpu.memref_squeeze %gather3A_618 : memref<1x128x128xf32, #tpu.memory_space<vmem>> -> memref<128x128xf32, #tpu.memory_space<vmem>>
      %gather3A_620 = tpu.vector_load_idx %gather3A_619[%add3A_384, %add3A_614] : memref<128x128xf32, #tpu.memory_space<vmem>>[vector<16xi32>, vector<16xi32>], vector<16xf32>,
      %mul3A_621 = arith.mulf %gather3A_611, %gather3A_620 : vector<16xf32>
      %add3A_622 = arith.addf %add3A_602, %mul3A_621 : vector<16xf32>
      %add3A_623 = arith.constant 11 : i32
      %add3A_624 = vector.broadcast %add3A_623 : i32 to vector<16xi32>
      %add3A_625 = arith.addi %shift_left3A_388, %add3A_624 : vector<16xi32>
      %gather3A_626 = arith.constant 0 : i32
      %gather3A_627 = arith.constant 0 : i32
      %gather3A_628 = arith.constant 0 : i32
      %gather3A_629 = tpu.memref_slice %arg13[%gather3A_626, %gather3A_627, %gather3A_628] : memref<2x128x128xf32, #tpu.memory_space<vmem>> -> memref<1x128x128xf32, #tpu.memory_space<vmem>>
      %gather3A_630 = tpu.memref_squeeze %gather3A_629 : memref<1x128x128xf32, #tpu.memory_space<vmem>> -> memref<128x128xf32, #tpu.memory_space<vmem>>
      %gather3A_631 = tpu.vector_load_idx %gather3A_630[%add3A_384, %add3A_625] : memref<128x128xf32, #tpu.memory_space<vmem>>[vector<16xi32>, vector<16xi32>], vector<16xf32>,
      %add3A_632 = arith.constant 11 : i32
      %add3A_633 = vector.broadcast %add3A_632 : i32 to vector<16xi32>
      %add3A_634 = arith.addi %shift_left3A_394, %add3A_633 : vector<16xi32>
      %gather3A_635 = arith.constant 0 : i32
      %gather3A_636 = arith.constant 0 : i32
      %gather3A_637 = arith.constant 0 : i32
      %gather3A_638 = tpu.memref_slice %arg14[%gather3A_635, %gather3A_636, %gather3A_637] : memref<2x128x128xf32, #tpu.memory_space<vmem>> -> memref<1x128x128xf32, #tpu.memory_space<vmem>>
      %gather3A_639 = tpu.memref_squeeze %gather3A_638 : memref<1x128x128xf32, #tpu.memory_space<vmem>> -> memref<128x128xf32, #tpu.memory_space<vmem>>
      %gather3A_640 = tpu.vector_load_idx %gather3A_639[%add3A_384, %add3A_634] : memref<128x128xf32, #tpu.memory_space<vmem>>[vector<16xi32>, vector<16xi32>], vector<16xf32>,
      %mul3A_641 = arith.mulf %gather3A_631, %gather3A_640 : vector<16xf32>
      %add3A_642 = arith.addf %add3A_622, %mul3A_641 : vector<16xf32>
      %add3A_643 = arith.constant 12 : i32
      %add3A_644 = vector.broadcast %add3A_643 : i32 to vector<16xi32>
      %add3A_645 = arith.addi %shift_left3A_388, %add3A_644 : vector<16xi32>
      %gather3A_646 = arith.constant 0 : i32
      %gather3A_647 = arith.constant 0 : i32
      %gather3A_648 = arith.constant 0 : i32
      %gather3A_649 = tpu.memref_slice %arg13[%gather3A_646, %gather3A_647, %gather3A_648] : memref<2x128x128xf32, #tpu.memory_space<vmem>> -> memref<1x128x128xf32, #tpu.memory_space<vmem>>
      %gather3A_650 = tpu.memref_squeeze %gather3A_649 : memref<1x128x128xf32, #tpu.memory_space<vmem>> -> memref<128x128xf32, #tpu.memory_space<vmem>>
      %gather3A_651 = tpu.vector_load_idx %gather3A_650[%add3A_384, %add3A_645] : memref<128x128xf32, #tpu.memory_space<vmem>>[vector<16xi32>, vector<16xi32>], vector<16xf32>,
      %add3A_652 = arith.constant 12 : i32
      %add3A_653 = vector.broadcast %add3A_652 : i32 to vector<16xi32>
      %add3A_654 = arith.addi %shift_left3A_394, %add3A_653 : vector<16xi32>
      %gather3A_655 = arith.constant 0 : i32
      %gather3A_656 = arith.constant 0 : i32
      %gather3A_657 = arith.constant 0 : i32
      %gather3A_658 = tpu.memref_slice %arg14[%gather3A_655, %gather3A_656, %gather3A_657] : memref<2x128x128xf32, #tpu.memory_space<vmem>> -> memref<1x128x128xf32, #tpu.memory_space<vmem>>
      %gather3A_659 = tpu.memref_squeeze %gather3A_658 : memref<1x128x128xf32, #tpu.memory_space<vmem>> -> memref<128x128xf32, #tpu.memory_space<vmem>>
      %gather3A_660 = tpu.vector_load_idx %gather3A_659[%add3A_384, %add3A_654] : memref<128x128xf32, #tpu.memory_space<vmem>>[vector<16xi32>, vector<16xi32>], vector<16xf32>,
      %mul3A_661 = arith.mulf %gather3A_651, %gather3A_660 : vector<16xf32>
      %add3A_662 = arith.addf %add3A_642, %mul3A_661 : vector<16xf32>
      %add3A_663 = arith.constant 13 : i32
      %add3A_664 = vector.broadcast %add3A_663 : i32 to vector<16xi32>
      %add3A_665 = arith.addi %shift_left3A_388, %add3A_664 : vector<16xi32>
      %gather3A_666 = arith.constant 0 : i32
      %gather3A_667 = arith.constant 0 : i32
      %gather3A_668 = arith.constant 0 : i32
      %gather3A_669 = tpu.memref_slice %arg13[%gather3A_666, %gather3A_667, %gather3A_668] : memref<2x128x128xf32, #tpu.memory_space<vmem>> -> memref<1x128x128xf32, #tpu.memory_space<vmem>>
      %gather3A_670 = tpu.memref_squeeze %gather3A_669 : memref<1x128x128xf32, #tpu.memory_space<vmem>> -> memref<128x128xf32, #tpu.memory_space<vmem>>
      %gather3A_671 = tpu.vector_load_idx %gather3A_670[%add3A_384, %add3A_665] : memref<128x128xf32, #tpu.memory_space<vmem>>[vector<16xi32>, vector<16xi32>], vector<16xf32>,
      %add3A_672 = arith.constant 13 : i32
      %add3A_673 = vector.broadcast %add3A_672 : i32 to vector<16xi32>
      %add3A_674 = arith.addi %shift_left3A_394, %add3A_673 : vector<16xi32>
      %gather3A_675 = arith.constant 0 : i32
      %gather3A_676 = arith.constant 0 : i32
      %gather3A_677 = arith.constant 0 : i32
      %gather3A_678 = tpu.memref_slice %arg14[%gather3A_675, %gather3A_676, %gather3A_677] : memref<2x128x128xf32, #tpu.memory_space<vmem>> -> memref<1x128x128xf32, #tpu.memory_space<vmem>>
      %gather3A_679 = tpu.memref_squeeze %gather3A_678 : memref<1x128x128xf32, #tpu.memory_space<vmem>> -> memref<128x128xf32, #tpu.memory_space<vmem>>
      %gather3A_680 = tpu.vector_load_idx %gather3A_679[%add3A_384, %add3A_674] : memref<128x128xf32, #tpu.memory_space<vmem>>[vector<16xi32>, vector<16xi32>], vector<16xf32>,
      %mul3A_681 = arith.mulf %gather3A_671, %gather3A_680 : vector<16xf32>
      %add3A_682 = arith.addf %add3A_662, %mul3A_681 : vector<16xf32>
      %add3A_683 = arith.constant 14 : i32
      %add3A_684 = vector.broadcast %add3A_683 : i32 to vector<16xi32>
      %add3A_685 = arith.addi %shift_left3A_388, %add3A_684 : vector<16xi32>
      %gather3A_686 = arith.constant 0 : i32
      %gather3A_687 = arith.constant 0 : i32
      %gather3A_688 = arith.constant 0 : i32
      %gather3A_689 = tpu.memref_slice %arg13[%gather3A_686, %gather3A_687, %gather3A_688] : memref<2x128x128xf32, #tpu.memory_space<vmem>> -> memref<1x128x128xf32, #tpu.memory_space<vmem>>
      %gather3A_690 = tpu.memref_squeeze %gather3A_689 : memref<1x128x128xf32, #tpu.memory_space<vmem>> -> memref<128x128xf32, #tpu.memory_space<vmem>>
      %gather3A_691 = tpu.vector_load_idx %gather3A_690[%add3A_384, %add3A_685] : memref<128x128xf32, #tpu.memory_space<vmem>>[vector<16xi32>, vector<16xi32>], vector<16xf32>,
      %add3A_692 = arith.constant 14 : i32
      %add3A_693 = vector.broadcast %add3A_692 : i32 to vector<16xi32>
      %add3A_694 = arith.addi %shift_left3A_394, %add3A_693 : vector<16xi32>
      %gather3A_695 = arith.constant 0 : i32
      %gather3A_696 = arith.constant 0 : i32
      %gather3A_697 = arith.constant 0 : i32
      %gather3A_698 = tpu.memref_slice %arg14[%gather3A_695, %gather3A_696, %gather3A_697] : memref<2x128x128xf32, #tpu.memory_space<vmem>> -> memref<1x128x128xf32, #tpu.memory_space<vmem>>
      %gather3A_699 = tpu.memref_squeeze %gather3A_698 : memref<1x128x128xf32, #tpu.memory_space<vmem>> -> memref<128x128xf32, #tpu.memory_space<vmem>>
      %gather3A_700 = tpu.vector_load_idx %gather3A_699[%add3A_384, %add3A_694] : memref<128x128xf32, #tpu.memory_space<vmem>>[vector<16xi32>, vector<16xi32>], vector<16xf32>,
      %mul3A_701 = arith.mulf %gather3A_691, %gather3A_700 : vector<16xf32>
      %add3A_702 = arith.addf %add3A_682, %mul3A_701 : vector<16xf32>
      %add3A_703 = arith.constant 15 : i32
      %add3A_704 = vector.broadcast %add3A_703 : i32 to vector<16xi32>
      %add3A_705 = arith.addi %shift_left3A_388, %add3A_704 : vector<16xi32>
      %gather3A_706 = arith.constant 0 : i32
      %gather3A_707 = arith.constant 0 : i32
      %gather3A_708 = arith.constant 0 : i32
      %gather3A_709 = tpu.memref_slice %arg13[%gather3A_706, %gather3A_707, %gather3A_708] : memref<2x128x128xf32, #tpu.memory_space<vmem>> -> memref<1x128x128xf32, #tpu.memory_space<vmem>>
      %gather3A_710 = tpu.memref_squeeze %gather3A_709 : memref<1x128x128xf32, #tpu.memory_space<vmem>> -> memref<128x128xf32, #tpu.memory_space<vmem>>
      %gather3A_711 = tpu.vector_load_idx %gather3A_710[%add3A_384, %add3A_705] : memref<128x128xf32, #tpu.memory_space<vmem>>[vector<16xi32>, vector<16xi32>], vector<16xf32>,
      %add3A_712 = arith.constant 15 : i32
      %add3A_713 = vector.broadcast %add3A_712 : i32 to vector<16xi32>
      %add3A_714 = arith.addi %shift_left3A_394, %add3A_713 : vector<16xi32>
      %gather3A_715 = arith.constant 0 : i32
      %gather3A_716 = arith.constant 0 : i32
      %gather3A_717 = arith.constant 0 : i32
      %gather3A_718 = tpu.memref_slice %arg14[%gather3A_715, %gather3A_716, %gather3A_717] : memref<2x128x128xf32, #tpu.memory_space<vmem>> -> memref<1x128x128xf32, #tpu.memory_space<vmem>>
      %gather3A_719 = tpu.memref_squeeze %gather3A_718 : memref<1x128x128xf32, #tpu.memory_space<vmem>> -> memref<128x128xf32, #tpu.memory_space<vmem>>
      %gather3A_720 = tpu.vector_load_idx %gather3A_719[%add3A_384, %add3A_714] : memref<128x128xf32, #tpu.memory_space<vmem>>[vector<16xi32>, vector<16xi32>], vector<16xf32>,
      %mul3A_721 = arith.mulf %gather3A_711, %gather3A_720 : vector<16xf32>
      %add3A_722 = arith.addf %add3A_702, %mul3A_721 : vector<16xf32>
      %add3A_723 = arith.constant 16 : i32
      %add3A_724 = vector.broadcast %add3A_723 : i32 to vector<16xi32>
      %add3A_725 = arith.addi %shift_left3A_388, %add3A_724 : vector<16xi32>
      %gather3A_726 = arith.constant 0 : i32
      %gather3A_727 = arith.constant 0 : i32
      %gather3A_728 = arith.constant 0 : i32
      %gather3A_729 = tpu.memref_slice %arg13[%gather3A_726, %gather3A_727, %gather3A_728] : memref<2x128x128xf32, #tpu.memory_space<vmem>> -> memref<1x128x128xf32, #tpu.memory_space<vmem>>
      %gather3A_730 = tpu.memref_squeeze %gather3A_729 : memref<1x128x128xf32, #tpu.memory_space<vmem>> -> memref<128x128xf32, #tpu.memory_space<vmem>>
      %gather3A_731 = tpu.vector_load_idx %gather3A_730[%add3A_384, %add3A_725] : memref<128x128xf32, #tpu.memory_space<vmem>>[vector<16xi32>, vector<16xi32>], vector<16xf32>,
      %add3A_732 = arith.constant 16 : i32
      %add3A_733 = vector.broadcast %add3A_732 : i32 to vector<16xi32>
      %add3A_734 = arith.addi %shift_left3A_394, %add3A_733 : vector<16xi32>
      %gather3A_735 = arith.constant 0 : i32
      %gather3A_736 = arith.constant 0 : i32
      %gather3A_737 = arith.constant 0 : i32
      %gather3A_738 = tpu.memref_slice %arg14[%gather3A_735, %gather3A_736, %gather3A_737] : memref<2x128x128xf32, #tpu.memory_space<vmem>> -> memref<1x128x128xf32, #tpu.memory_space<vmem>>
      %gather3A_739 = tpu.memref_squeeze %gather3A_738 : memref<1x128x128xf32, #tpu.memory_space<vmem>> -> memref<128x128xf32, #tpu.memory_space<vmem>>
      %gather3A_740 = tpu.vector_load_idx %gather3A_739[%add3A_384, %add3A_734] : memref<128x128xf32, #tpu.memory_space<vmem>>[vector<16xi32>, vector<16xi32>], vector<16xf32>,
      %mul3A_741 = arith.mulf %gather3A_731, %gather3A_740 : vector<16xf32>
      %add3A_742 = arith.addf %add3A_722, %mul3A_741 : vector<16xf32>
      %add3A_743 = arith.constant 17 : i32
      %add3A_744 = vector.broadcast %add3A_743 : i32 to vector<16xi32>
      %add3A_745 = arith.addi %shift_left3A_388, %add3A_744 : vector<16xi32>
      %gather3A_746 = arith.constant 0 : i32
      %gather3A_747 = arith.constant 0 : i32
      %gather3A_748 = arith.constant 0 : i32
      %gather3A_749 = tpu.memref_slice %arg13[%gather3A_746, %gather3A_747, %gather3A_748] : memref<2x128x128xf32, #tpu.memory_space<vmem>> -> memref<1x128x128xf32, #tpu.memory_space<vmem>>
      %gather3A_750 = tpu.memref_squeeze %gather3A_749 : memref<1x128x128xf32, #tpu.memory_space<vmem>> -> memref<128x128xf32, #tpu.memory_space<vmem>>
      %gather3A_751 = tpu.vector_load_idx %gather3A_750[%add3A_384, %add3A_745] : memref<128x128xf32, #tpu.memory_space<vmem>>[vector<16xi32>, vector<16xi32>], vector<16xf32>,
      %add3A_752 = arith.constant 17 : i32
      %add3A_753 = vector.broadcast %add3A_752 : i32 to vector<16xi32>
      %add3A_754 = arith.addi %shift_left3A_394, %add3A_753 : vector<16xi32>
      %gather3A_755 = arith.constant 0 : i32
      %gather3A_756 = arith.constant 0 : i32
      %gather3A_757 = arith.constant 0 : i32
      %gather3A_758 = tpu.memref_slice %arg14[%gather3A_755, %gather3A_756, %gather3A_757] : memref<2x128x128xf32, #tpu.memory_space<vmem>> -> memref<1x128x128xf32, #tpu.memory_space<vmem>>
      %gather3A_759 = tpu.memref_squeeze %gather3A_758 : memref<1x128x128xf32, #tpu.memory_space<vmem>> -> memref<128x128xf32, #tpu.memory_space<vmem>>
      %gather3A_760 = tpu.vector_load_idx %gather3A_759[%add3A_384, %add3A_754] : memref<128x128xf32, #tpu.memory_space<vmem>>[vector<16xi32>, vector<16xi32>], vector<16xf32>,
      %mul3A_761 = arith.mulf %gather3A_751, %gather3A_760 : vector<16xf32>
      %add3A_762 = arith.addf %add3A_742, %mul3A_761 : vector<16xf32>
      %add3A_763 = arith.constant 18 : i32
      %add3A_764 = vector.broadcast %add3A_763 : i32 to vector<16xi32>
      %add3A_765 = arith.addi %shift_left3A_388, %add3A_764 : vector<16xi32>
      %gather3A_766 = arith.constant 0 : i32
      %gather3A_767 = arith.constant 0 : i32
      %gather3A_768 = arith.constant 0 : i32
      %gather3A_769 = tpu.memref_slice %arg13[%gather3A_766, %gather3A_767, %gather3A_768] : memref<2x128x128xf32, #tpu.memory_space<vmem>> -> memref<1x128x128xf32, #tpu.memory_space<vmem>>
      %gather3A_770 = tpu.memref_squeeze %gather3A_769 : memref<1x128x128xf32, #tpu.memory_space<vmem>> -> memref<128x128xf32, #tpu.memory_space<vmem>>
      %gather3A_771 = tpu.vector_load_idx %gather3A_770[%add3A_384, %add3A_765] : memref<128x128xf32, #tpu.memory_space<vmem>>[vector<16xi32>, vector<16xi32>], vector<16xf32>,
      %add3A_772 = arith.constant 18 : i32
      %add3A_773 = vector.broadcast %add3A_772 : i32 to vector<16xi32>
      %add3A_774 = arith.addi %shift_left3A_394, %add3A_773 : vector<16xi32>
      %gather3A_775 = arith.constant 0 : i32
      %gather3A_776 = arith.constant 0 : i32
      %gather3A_777 = arith.constant 0 : i32
      %gather3A_778 = tpu.memref_slice %arg14[%gather3A_775, %gather3A_776, %gather3A_777] : memref<2x128x128xf32, #tpu.memory_space<vmem>> -> memref<1x128x128xf32, #tpu.memory_space<vmem>>
      %gather3A_779 = tpu.memref_squeeze %gather3A_778 : memref<1x128x128xf32, #tpu.memory_space<vmem>> -> memref<128x128xf32, #tpu.memory_space<vmem>>
      %gather3A_780 = tpu.vector_load_idx %gather3A_779[%add3A_384, %add3A_774] : memref<128x128xf32, #tpu.memory_space<vmem>>[vector<16xi32>, vector<16xi32>], vector<16xf32>,
      %mul3A_781 = arith.mulf %gather3A_771, %gather3A_780 : vector<16xf32>
      %add3A_782 = arith.addf %add3A_762, %mul3A_781 : vector<16xf32>
      %add3A_783 = arith.constant 19 : i32
      %add3A_784 = vector.broadcast %add3A_783 : i32 to vector<16xi32>
      %add3A_785 = arith.addi %shift_left3A_388, %add3A_784 : vector<16xi32>
      %gather3A_786 = arith.constant 0 : i32
      %gather3A_787 = arith.constant 0 : i32
      %gather3A_788 = arith.constant 0 : i32
      %gather3A_789 = tpu.memref_slice %arg13[%gather3A_786, %gather3A_787, %gather3A_788] : memref<2x128x128xf32, #tpu.memory_space<vmem>> -> memref<1x128x128xf32, #tpu.memory_space<vmem>>
      %gather3A_790 = tpu.memref_squeeze %gather3A_789 : memref<1x128x128xf32, #tpu.memory_space<vmem>> -> memref<128x128xf32, #tpu.memory_space<vmem>>
      %gather3A_791 = tpu.vector_load_idx %gather3A_790[%add3A_384, %add3A_785] : memref<128x128xf32, #tpu.memory_space<vmem>>[vector<16xi32>, vector<16xi32>], vector<16xf32>,
      %add3A_792 = arith.constant 19 : i32
      %add3A_793 = vector.broadcast %add3A_792 : i32 to vector<16xi32>
      %add3A_794 = arith.addi %shift_left3A_394, %add3A_793 : vector<16xi32>
      %gather3A_795 = arith.constant 0 : i32
      %gather3A_796 = arith.constant 0 : i32
      %gather3A_797 = arith.constant 0 : i32
      %gather3A_798 = tpu.memref_slice %arg14[%gather3A_795, %gather3A_796, %gather3A_797] : memref<2x128x128xf32, #tpu.memory_space<vmem>> -> memref<1x128x128xf32, #tpu.memory_space<vmem>>
      %gather3A_799 = tpu.memref_squeeze %gather3A_798 : memref<1x128x128xf32, #tpu.memory_space<vmem>> -> memref<128x128xf32, #tpu.memory_space<vmem>>
      %gather3A_800 = tpu.vector_load_idx %gather3A_799[%add3A_384, %add3A_794] : memref<128x128xf32, #tpu.memory_space<vmem>>[vector<16xi32>, vector<16xi32>], vector<16xf32>,
      %mul3A_801 = arith.mulf %gather3A_791, %gather3A_800 : vector<16xf32>
      %add3A_802 = arith.addf %add3A_782, %mul3A_801 : vector<16xf32>
      %add3A_803 = arith.constant 20 : i32
      %add3A_804 = vector.broadcast %add3A_803 : i32 to vector<16xi32>
      %add3A_805 = arith.addi %shift_left3A_388, %add3A_804 : vector<16xi32>
      %gather3A_806 = arith.constant 0 : i32
      %gather3A_807 = arith.constant 0 : i32
      %gather3A_808 = arith.constant 0 : i32
      %gather3A_809 = tpu.memref_slice %arg13[%gather3A_806, %gather3A_807, %gather3A_808] : memref<2x128x128xf32, #tpu.memory_space<vmem>> -> memref<1x128x128xf32, #tpu.memory_space<vmem>>
      %gather3A_810 = tpu.memref_squeeze %gather3A_809 : memref<1x128x128xf32, #tpu.memory_space<vmem>> -> memref<128x128xf32, #tpu.memory_space<vmem>>
      %gather3A_811 = tpu.vector_load_idx %gather3A_810[%add3A_384, %add3A_805] : memref<128x128xf32, #tpu.memory_space<vmem>>[vector<16xi32>, vector<16xi32>], vector<16xf32>,
      %add3A_812 = arith.constant 20 : i32
      %add3A_813 = vector.broadcast %add3A_812 : i32 to vector<16xi32>
      %add3A_814 = arith.addi %shift_left3A_394, %add3A_813 : vector<16xi32>
      %gather3A_815 = arith.constant 0 : i32
      %gather3A_816 = arith.constant 0 : i32
      %gather3A_817 = arith.constant 0 : i32
      %gather3A_818 = tpu.memref_slice %arg14[%gather3A_815, %gather3A_816, %gather3A_817] : memref<2x128x128xf32, #tpu.memory_space<vmem>> -> memref<1x128x128xf32, #tpu.memory_space<vmem>>
      %gather3A_819 = tpu.memref_squeeze %gather3A_818 : memref<1x128x128xf32, #tpu.memory_space<vmem>> -> memref<128x128xf32, #tpu.memory_space<vmem>>
      %gather3A_820 = tpu.vector_load_idx %gather3A_819[%add3A_384, %add3A_814] : memref<128x128xf32, #tpu.memory_space<vmem>>[vector<16xi32>, vector<16xi32>], vector<16xf32>,
      %mul3A_821 = arith.mulf %gather3A_811, %gather3A_820 : vector<16xf32>
      %add3A_822 = arith.addf %add3A_802, %mul3A_821 : vector<16xf32>
      %add3A_823 = arith.constant 21 : i32
      %add3A_824 = vector.broadcast %add3A_823 : i32 to vector<16xi32>
      %add3A_825 = arith.addi %shift_left3A_388, %add3A_824 : vector<16xi32>
      %gather3A_826 = arith.constant 0 : i32
      %gather3A_827 = arith.constant 0 : i32
      %gather3A_828 = arith.constant 0 : i32
      %gather3A_829 = tpu.memref_slice %arg13[%gather3A_826, %gather3A_827, %gather3A_828] : memref<2x128x128xf32, #tpu.memory_space<vmem>> -> memref<1x128x128xf32, #tpu.memory_space<vmem>>
      %gather3A_830 = tpu.memref_squeeze %gather3A_829 : memref<1x128x128xf32, #tpu.memory_space<vmem>> -> memref<128x128xf32, #tpu.memory_space<vmem>>
      %gather3A_831 = tpu.vector_load_idx %gather3A_830[%add3A_384, %add3A_825] : memref<128x128xf32, #tpu.memory_space<vmem>>[vector<16xi32>, vector<16xi32>], vector<16xf32>,
      %add3A_832 = arith.constant 21 : i32
      %add3A_833 = vector.broadcast %add3A_832 : i32 to vector<16xi32>
      %add3A_834 = arith.addi %shift_left3A_394, %add3A_833 : vector<16xi32>
      %gather3A_835 = arith.constant 0 : i32
      %gather3A_836 = arith.constant 0 : i32
      %gather3A_837 = arith.constant 0 : i32
      %gather3A_838 = tpu.memref_slice %arg14[%gather3A_835, %gather3A_836, %gather3A_837] : memref<2x128x128xf32, #tpu.memory_space<vmem>> -> memref<1x128x128xf32, #tpu.memory_space<vmem>>
      %gather3A_839 = tpu.memref_squeeze %gather3A_838 : memref<1x128x128xf32, #tpu.memory_space<vmem>> -> memref<128x128xf32, #tpu.memory_space<vmem>>
      %gather3A_840 = tpu.vector_load_idx %gather3A_839[%add3A_384, %add3A_834] : memref<128x128xf32, #tpu.memory_space<vmem>>[vector<16xi32>, vector<16xi32>], vector<16xf32>,
      %mul3A_841 = arith.mulf %gather3A_831, %gather3A_840 : vector<16xf32>
      %add3A_842 = arith.addf %add3A_822, %mul3A_841 : vector<16xf32>
      %add3A_843 = arith.constant 22 : i32
      %add3A_844 = vector.broadcast %add3A_843 : i32 to vector<16xi32>
      %add3A_845 = arith.addi %shift_left3A_388, %add3A_844 : vector<16xi32>
      %gather3A_846 = arith.constant 0 : i32
      %gather3A_847 = arith.constant 0 : i32
      %gather3A_848 = arith.constant 0 : i32
      %gather3A_849 = tpu.memref_slice %arg13[%gather3A_846, %gather3A_847, %gather3A_848] : memref<2x128x128xf32, #tpu.memory_space<vmem>> -> memref<1x128x128xf32, #tpu.memory_space<vmem>>
      %gather3A_850 = tpu.memref_squeeze %gather3A_849 : memref<1x128x128xf32, #tpu.memory_space<vmem>> -> memref<128x128xf32, #tpu.memory_space<vmem>>
      %gather3A_851 = tpu.vector_load_idx %gather3A_850[%add3A_384, %add3A_845] : memref<128x128xf32, #tpu.memory_space<vmem>>[vector<16xi32>, vector<16xi32>], vector<16xf32>,
      %add3A_852 = arith.constant 22 : i32
      %add3A_853 = vector.broadcast %add3A_852 : i32 to vector<16xi32>
      %add3A_854 = arith.addi %shift_left3A_394, %add3A_853 : vector<16xi32>
      %gather3A_855 = arith.constant 0 : i32
      %gather3A_856 = arith.constant 0 : i32
      %gather3A_857 = arith.constant 0 : i32
      %gather3A_858 = tpu.memref_slice %arg14[%gather3A_855, %gather3A_856, %gather3A_857] : memref<2x128x128xf32, #tpu.memory_space<vmem>> -> memref<1x128x128xf32, #tpu.memory_space<vmem>>
      %gather3A_859 = tpu.memref_squeeze %gather3A_858 : memref<1x128x128xf32, #tpu.memory_space<vmem>> -> memref<128x128xf32, #tpu.memory_space<vmem>>
      %gather3A_860 = tpu.vector_load_idx %gather3A_859[%add3A_384, %add3A_854] : memref<128x128xf32, #tpu.memory_space<vmem>>[vector<16xi32>, vector<16xi32>], vector<16xf32>,
      %mul3A_861 = arith.mulf %gather3A_851, %gather3A_860 : vector<16xf32>
      %add3A_862 = arith.addf %add3A_842, %mul3A_861 : vector<16xf32>
      %add3A_863 = arith.constant 23 : i32
      %add3A_864 = vector.broadcast %add3A_863 : i32 to vector<16xi32>
      %add3A_865 = arith.addi %shift_left3A_388, %add3A_864 : vector<16xi32>
      %gather3A_866 = arith.constant 0 : i32
      %gather3A_867 = arith.constant 0 : i32
      %gather3A_868 = arith.constant 0 : i32
      %gather3A_869 = tpu.memref_slice %arg13[%gather3A_866, %gather3A_867, %gather3A_868] : memref<2x128x128xf32, #tpu.memory_space<vmem>> -> memref<1x128x128xf32, #tpu.memory_space<vmem>>
      %gather3A_870 = tpu.memref_squeeze %gather3A_869 : memref<1x128x128xf32, #tpu.memory_space<vmem>> -> memref<128x128xf32, #tpu.memory_space<vmem>>
      %gather3A_871 = tpu.vector_load_idx %gather3A_870[%add3A_384, %add3A_865] : memref<128x128xf32, #tpu.memory_space<vmem>>[vector<16xi32>, vector<16xi32>], vector<16xf32>,
      %add3A_872 = arith.constant 23 : i32
      %add3A_873 = vector.broadcast %add3A_872 : i32 to vector<16xi32>
      %add3A_874 = arith.addi %shift_left3A_394, %add3A_873 : vector<16xi32>
      %gather3A_875 = arith.constant 0 : i32
      %gather3A_876 = arith.constant 0 : i32
      %gather3A_877 = arith.constant 0 : i32
      %gather3A_878 = tpu.memref_slice %arg14[%gather3A_875, %gather3A_876, %gather3A_877] : memref<2x128x128xf32, #tpu.memory_space<vmem>> -> memref<1x128x128xf32, #tpu.memory_space<vmem>>
      %gather3A_879 = tpu.memref_squeeze %gather3A_878 : memref<1x128x128xf32, #tpu.memory_space<vmem>> -> memref<128x128xf32, #tpu.memory_space<vmem>>
      %gather3A_880 = tpu.vector_load_idx %gather3A_879[%add3A_384, %add3A_874] : memref<128x128xf32, #tpu.memory_space<vmem>>[vector<16xi32>, vector<16xi32>], vector<16xf32>,
      %mul3A_881 = arith.mulf %gather3A_871, %gather3A_880 : vector<16xf32>
      %add3A_882 = arith.addf %add3A_862, %mul3A_881 : vector<16xf32>
      %add3A_883 = arith.constant 24 : i32
      %add3A_884 = vector.broadcast %add3A_883 : i32 to vector<16xi32>
      %add3A_885 = arith.addi %shift_left3A_388, %add3A_884 : vector<16xi32>
      %gather3A_886 = arith.constant 0 : i32
      %gather3A_887 = arith.constant 0 : i32
      %gather3A_888 = arith.constant 0 : i32
      %gather3A_889 = tpu.memref_slice %arg13[%gather3A_886, %gather3A_887, %gather3A_888] : memref<2x128x128xf32, #tpu.memory_space<vmem>> -> memref<1x128x128xf32, #tpu.memory_space<vmem>>
      %gather3A_890 = tpu.memref_squeeze %gather3A_889 : memref<1x128x128xf32, #tpu.memory_space<vmem>> -> memref<128x128xf32, #tpu.memory_space<vmem>>
      %gather3A_891 = tpu.vector_load_idx %gather3A_890[%add3A_384, %add3A_885] : memref<128x128xf32, #tpu.memory_space<vmem>>[vector<16xi32>, vector<16xi32>], vector<16xf32>,
      %add3A_892 = arith.constant 24 : i32
      %add3A_893 = vector.broadcast %add3A_892 : i32 to vector<16xi32>
      %add3A_894 = arith.addi %shift_left3A_394, %add3A_893 : vector<16xi32>
      %gather3A_895 = arith.constant 0 : i32
      %gather3A_896 = arith.constant 0 : i32
      %gather3A_897 = arith.constant 0 : i32
      %gather3A_898 = tpu.memref_slice %arg14[%gather3A_895, %gather3A_896, %gather3A_897] : memref<2x128x128xf32, #tpu.memory_space<vmem>> -> memref<1x128x128xf32, #tpu.memory_space<vmem>>
      %gather3A_899 = tpu.memref_squeeze %gather3A_898 : memref<1x128x128xf32, #tpu.memory_space<vmem>> -> memref<128x128xf32, #tpu.memory_space<vmem>>
      %gather3A_900 = tpu.vector_load_idx %gather3A_899[%add3A_384, %add3A_894] : memref<128x128xf32, #tpu.memory_space<vmem>>[vector<16xi32>, vector<16xi32>], vector<16xf32>,
      %mul3A_901 = arith.mulf %gather3A_891, %gather3A_900 : vector<16xf32>
      %add3A_902 = arith.addf %add3A_882, %mul3A_901 : vector<16xf32>
      %add3A_903 = arith.constant 25 : i32
      %add3A_904 = vector.broadcast %add3A_903 : i32 to vector<16xi32>
      %add3A_905 = arith.addi %shift_left3A_388, %add3A_904 : vector<16xi32>
      %gather3A_906 = arith.constant 0 : i32
      %gather3A_907 = arith.constant 0 : i32
      %gather3A_908 = arith.constant 0 : i32
      %gather3A_909 = tpu.memref_slice %arg13[%gather3A_906, %gather3A_907, %gather3A_908] : memref<2x128x128xf32, #tpu.memory_space<vmem>> -> memref<1x128x128xf32, #tpu.memory_space<vmem>>
      %gather3A_910 = tpu.memref_squeeze %gather3A_909 : memref<1x128x128xf32, #tpu.memory_space<vmem>> -> memref<128x128xf32, #tpu.memory_space<vmem>>
      %gather3A_911 = tpu.vector_load_idx %gather3A_910[%add3A_384, %add3A_905] : memref<128x128xf32, #tpu.memory_space<vmem>>[vector<16xi32>, vector<16xi32>], vector<16xf32>,
      %add3A_912 = arith.constant 25 : i32
      %add3A_913 = vector.broadcast %add3A_912 : i32 to vector<16xi32>
      %add3A_914 = arith.addi %shift_left3A_394, %add3A_913 : vector<16xi32>
      %gather3A_915 = arith.constant 0 : i32
      %gather3A_916 = arith.constant 0 : i32
      %gather3A_917 = arith.constant 0 : i32
      %gather3A_918 = tpu.memref_slice %arg14[%gather3A_915, %gather3A_916, %gather3A_917] : memref<2x128x128xf32, #tpu.memory_space<vmem>> -> memref<1x128x128xf32, #tpu.memory_space<vmem>>
      %gather3A_919 = tpu.memref_squeeze %gather3A_918 : memref<1x128x128xf32, #tpu.memory_space<vmem>> -> memref<128x128xf32, #tpu.memory_space<vmem>>
      %gather3A_920 = tpu.vector_load_idx %gather3A_919[%add3A_384, %add3A_914] : memref<128x128xf32, #tpu.memory_space<vmem>>[vector<16xi32>, vector<16xi32>], vector<16xf32>,
      %mul3A_921 = arith.mulf %gather3A_911, %gather3A_920 : vector<16xf32>
      %add3A_922 = arith.addf %add3A_902, %mul3A_921 : vector<16xf32>
      %add3A_923 = arith.constant 26 : i32
      %add3A_924 = vector.broadcast %add3A_923 : i32 to vector<16xi32>
      %add3A_925 = arith.addi %shift_left3A_388, %add3A_924 : vector<16xi32>
      %gather3A_926 = arith.constant 0 : i32
      %gather3A_927 = arith.constant 0 : i32
      %gather3A_928 = arith.constant 0 : i32
      %gather3A_929 = tpu.memref_slice %arg13[%gather3A_926, %gather3A_927, %gather3A_928] : memref<2x128x128xf32, #tpu.memory_space<vmem>> -> memref<1x128x128xf32, #tpu.memory_space<vmem>>
      %gather3A_930 = tpu.memref_squeeze %gather3A_929 : memref<1x128x128xf32, #tpu.memory_space<vmem>> -> memref<128x128xf32, #tpu.memory_space<vmem>>
      %gather3A_931 = tpu.vector_load_idx %gather3A_930[%add3A_384, %add3A_925] : memref<128x128xf32, #tpu.memory_space<vmem>>[vector<16xi32>, vector<16xi32>], vector<16xf32>,
      %add3A_932 = arith.constant 26 : i32
      %add3A_933 = vector.broadcast %add3A_932 : i32 to vector<16xi32>
      %add3A_934 = arith.addi %shift_left3A_394, %add3A_933 : vector<16xi32>
      %gather3A_935 = arith.constant 0 : i32
      %gather3A_936 = arith.constant 0 : i32
      %gather3A_937 = arith.constant 0 : i32
      %gather3A_938 = tpu.memref_slice %arg14[%gather3A_935, %gather3A_936, %gather3A_937] : memref<2x128x128xf32, #tpu.memory_space<vmem>> -> memref<1x128x128xf32, #tpu.memory_space<vmem>>
      %gather3A_939 = tpu.memref_squeeze %gather3A_938 : memref<1x128x128xf32, #tpu.memory_space<vmem>> -> memref<128x128xf32, #tpu.memory_space<vmem>>
      %gather3A_940 = tpu.vector_load_idx %gather3A_939[%add3A_384, %add3A_934] : memref<128x128xf32, #tpu.memory_space<vmem>>[vector<16xi32>, vector<16xi32>], vector<16xf32>,
      %mul3A_941 = arith.mulf %gather3A_931, %gather3A_940 : vector<16xf32>
      %add3A_942 = arith.addf %add3A_922, %mul3A_941 : vector<16xf32>
      %add3A_943 = arith.constant 27 : i32
      %add3A_944 = vector.broadcast %add3A_943 : i32 to vector<16xi32>
      %add3A_945 = arith.addi %shift_left3A_388, %add3A_944 : vector<16xi32>
      %gather3A_946 = arith.constant 0 : i32
      %gather3A_947 = arith.constant 0 : i32
      %gather3A_948 = arith.constant 0 : i32
      %gather3A_949 = tpu.memref_slice %arg13[%gather3A_946, %gather3A_947, %gather3A_948] : memref<2x128x128xf32, #tpu.memory_space<vmem>> -> memref<1x128x128xf32, #tpu.memory_space<vmem>>
      %gather3A_950 = tpu.memref_squeeze %gather3A_949 : memref<1x128x128xf32, #tpu.memory_space<vmem>> -> memref<128x128xf32, #tpu.memory_space<vmem>>
      %gather3A_951 = tpu.vector_load_idx %gather3A_950[%add3A_384, %add3A_945] : memref<128x128xf32, #tpu.memory_space<vmem>>[vector<16xi32>, vector<16xi32>], vector<16xf32>,
      %add3A_952 = arith.constant 27 : i32
      %add3A_953 = vector.broadcast %add3A_952 : i32 to vector<16xi32>
      %add3A_954 = arith.addi %shift_left3A_394, %add3A_953 : vector<16xi32>
      %gather3A_955 = arith.constant 0 : i32
      %gather3A_956 = arith.constant 0 : i32
      %gather3A_957 = arith.constant 0 : i32
      %gather3A_958 = tpu.memref_slice %arg14[%gather3A_955, %gather3A_956, %gather3A_957] : memref<2x128x128xf32, #tpu.memory_space<vmem>> -> memref<1x128x128xf32, #tpu.memory_space<vmem>>
      %gather3A_959 = tpu.memref_squeeze %gather3A_958 : memref<1x128x128xf32, #tpu.memory_space<vmem>> -> memref<128x128xf32, #tpu.memory_space<vmem>>
      %gather3A_960 = tpu.vector_load_idx %gather3A_959[%add3A_384, %add3A_954] : memref<128x128xf32, #tpu.memory_space<vmem>>[vector<16xi32>, vector<16xi32>], vector<16xf32>,
      %mul3A_961 = arith.mulf %gather3A_951, %gather3A_960 : vector<16xf32>
      %add3A_962 = arith.addf %add3A_942, %mul3A_961 : vector<16xf32>
      %add3A_963 = arith.constant 28 : i32
      %add3A_964 = vector.broadcast %add3A_963 : i32 to vector<16xi32>
      %add3A_965 = arith.addi %shift_left3A_388, %add3A_964 : vector<16xi32>
      %gather3A_966 = arith.constant 0 : i32
      %gather3A_967 = arith.constant 0 : i32
      %gather3A_968 = arith.constant 0 : i32
      %gather3A_969 = tpu.memref_slice %arg13[%gather3A_966, %gather3A_967, %gather3A_968] : memref<2x128x128xf32, #tpu.memory_space<vmem>> -> memref<1x128x128xf32, #tpu.memory_space<vmem>>
      %gather3A_970 = tpu.memref_squeeze %gather3A_969 : memref<1x128x128xf32, #tpu.memory_space<vmem>> -> memref<128x128xf32, #tpu.memory_space<vmem>>
      %gather3A_971 = tpu.vector_load_idx %gather3A_970[%add3A_384, %add3A_965] : memref<128x128xf32, #tpu.memory_space<vmem>>[vector<16xi32>, vector<16xi32>], vector<16xf32>,
      %add3A_972 = arith.constant 28 : i32
      %add3A_973 = vector.broadcast %add3A_972 : i32 to vector<16xi32>
      %add3A_974 = arith.addi %shift_left3A_394, %add3A_973 : vector<16xi32>
      %gather3A_975 = arith.constant 0 : i32
      %gather3A_976 = arith.constant 0 : i32
      %gather3A_977 = arith.constant 0 : i32
      %gather3A_978 = tpu.memref_slice %arg14[%gather3A_975, %gather3A_976, %gather3A_977] : memref<2x128x128xf32, #tpu.memory_space<vmem>> -> memref<1x128x128xf32, #tpu.memory_space<vmem>>
      %gather3A_979 = tpu.memref_squeeze %gather3A_978 : memref<1x128x128xf32, #tpu.memory_space<vmem>> -> memref<128x128xf32, #tpu.memory_space<vmem>>
      %gather3A_980 = tpu.vector_load_idx %gather3A_979[%add3A_384, %add3A_974] : memref<128x128xf32, #tpu.memory_space<vmem>>[vector<16xi32>, vector<16xi32>], vector<16xf32>,
      %mul3A_981 = arith.mulf %gather3A_971, %gather3A_980 : vector<16xf32>
      %add3A_982 = arith.addf %add3A_962, %mul3A_981 : vector<16xf32>
      %add3A_983 = arith.constant 29 : i32
      %add3A_984 = vector.broadcast %add3A_983 : i32 to vector<16xi32>
      %add3A_985 = arith.addi %shift_left3A_388, %add3A_984 : vector<16xi32>
      %gather3A_986 = arith.constant 0 : i32
      %gather3A_987 = arith.constant 0 : i32
      %gather3A_988 = arith.constant 0 : i32
      %gather3A_989 = tpu.memref_slice %arg13[%gather3A_986, %gather3A_987, %gather3A_988] : memref<2x128x128xf32, #tpu.memory_space<vmem>> -> memref<1x128x128xf32, #tpu.memory_space<vmem>>
      %gather3A_990 = tpu.memref_squeeze %gather3A_989 : memref<1x128x128xf32, #tpu.memory_space<vmem>> -> memref<128x128xf32, #tpu.memory_space<vmem>>
      %gather3A_991 = tpu.vector_load_idx %gather3A_990[%add3A_384, %add3A_985] : memref<128x128xf32, #tpu.memory_space<vmem>>[vector<16xi32>, vector<16xi32>], vector<16xf32>,
      %add3A_992 = arith.constant 29 : i32
      %add3A_993 = vector.broadcast %add3A_992 : i32 to vector<16xi32>
      %add3A_994 = arith.addi %shift_left3A_394, %add3A_993 : vector<16xi32>
      %gather3A_995 = arith.constant 0 : i32
      %gather3A_996 = arith.constant 0 : i32
      %gather3A_997 = arith.constant 0 : i32
      %gather3A_998 = tpu.memref_slice %arg14[%gather3A_995, %gather3A_996, %gather3A_997] : memref<2x128x128xf32, #tpu.memory_space<vmem>> -> memref<1x128x128xf32, #tpu.memory_space<vmem>>
      %gather3A_999 = tpu.memref_squeeze %gather3A_998 : memref<1x128x128xf32, #tpu.memory_space<vmem>> -> memref<128x128xf32, #tpu.memory_space<vmem>>
      %gather3A_1000 = tpu.vector_load_idx %gather3A_999[%add3A_384, %add3A_994] : memref<128x128xf32, #tpu.memory_space<vmem>>[vector<16xi32>, vector<16xi32>], vector<16xf32>,
      %mul3A_1001 = arith.mulf %gather3A_991, %gather3A_1000 : vector<16xf32>
      %add3A_1002 = arith.addf %add3A_982, %mul3A_1001 : vector<16xf32>
      %add3A_1003 = arith.constant 30 : i32
      %add3A_1004 = vector.broadcast %add3A_1003 : i32 to vector<16xi32>
      %add3A_1005 = arith.addi %shift_left3A_388, %add3A_1004 : vector<16xi32>
      %gather3A_1006 = arith.constant 0 : i32
      %gather3A_1007 = arith.constant 0 : i32
      %gather3A_1008 = arith.constant 0 : i32
      %gather3A_1009 = tpu.memref_slice %arg13[%gather3A_1006, %gather3A_1007, %gather3A_1008] : memref<2x128x128xf32, #tpu.memory_space<vmem>> -> memref<1x128x128xf32, #tpu.memory_space<vmem>>
      %gather3A_1010 = tpu.memref_squeeze %gather3A_1009 : memref<1x128x128xf32, #tpu.memory_space<vmem>> -> memref<128x128xf32, #tpu.memory_space<vmem>>
      %gather3A_1011 = tpu.vector_load_idx %gather3A_1010[%add3A_384, %add3A_1005] : memref<128x128xf32, #tpu.memory_space<vmem>>[vector<16xi32>, vector<16xi32>], vector<16xf32>,
      %add3A_1012 = arith.constant 30 : i32
      %add3A_1013 = vector.broadcast %add3A_1012 : i32 to vector<16xi32>
      %add3A_1014 = arith.addi %shift_left3A_394, %add3A_1013 : vector<16xi32>
      %gather3A_1015 = arith.constant 0 : i32
      %gather3A_1016 = arith.constant 0 : i32
      %gather3A_1017 = arith.constant 0 : i32
      %gather3A_1018 = tpu.memref_slice %arg14[%gather3A_1015, %gather3A_1016, %gather3A_1017] : memref<2x128x128xf32, #tpu.memory_space<vmem>> -> memref<1x128x128xf32, #tpu.memory_space<vmem>>
      %gather3A_1019 = tpu.memref_squeeze %gather3A_1018 : memref<1x128x128xf32, #tpu.memory_space<vmem>> -> memref<128x128xf32, #tpu.memory_space<vmem>>
      %gather3A_1020 = tpu.vector_load_idx %gather3A_1019[%add3A_384, %add3A_1014] : memref<128x128xf32, #tpu.memory_space<vmem>>[vector<16xi32>, vector<16xi32>], vector<16xf32>,
      %mul3A_1021 = arith.mulf %gather3A_1011, %gather3A_1020 : vector<16xf32>
      %add3A_1022 = arith.addf %add3A_1002, %mul3A_1021 : vector<16xf32>
      %add3A_1023 = arith.constant 31 : i32
      %add3A_1024 = vector.broadcast %add3A_1023 : i32 to vector<16xi32>
      %add3A_1025 = arith.addi %shift_left3A_388, %add3A_1024 : vector<16xi32>
      %gather3A_1026 = arith.constant 0 : i32
      %gather3A_1027 = arith.constant 0 : i32
      %gather3A_1028 = arith.constant 0 : i32
      %gather3A_1029 = tpu.memref_slice %arg13[%gather3A_1026, %gather3A_1027, %gather3A_1028] : memref<2x128x128xf32, #tpu.memory_space<vmem>> -> memref<1x128x128xf32, #tpu.memory_space<vmem>>
      %gather3A_1030 = tpu.memref_squeeze %gather3A_1029 : memref<1x128x128xf32, #tpu.memory_space<vmem>> -> memref<128x128xf32, #tpu.memory_space<vmem>>
      %gather3A_1031 = tpu.vector_load_idx %gather3A_1030[%add3A_384, %add3A_1025] : memref<128x128xf32, #tpu.memory_space<vmem>>[vector<16xi32>, vector<16xi32>], vector<16xf32>,
      %add3A_1032 = arith.constant 31 : i32
      %add3A_1033 = vector.broadcast %add3A_1032 : i32 to vector<16xi32>
      %add3A_1034 = arith.addi %shift_left3A_394, %add3A_1033 : vector<16xi32>
      %gather3A_1035 = arith.constant 0 : i32
      %gather3A_1036 = arith.constant 0 : i32
      %gather3A_1037 = arith.constant 0 : i32
      %gather3A_1038 = tpu.memref_slice %arg14[%gather3A_1035, %gather3A_1036, %gather3A_1037] : memref<2x128x128xf32, #tpu.memory_space<vmem>> -> memref<1x128x128xf32, #tpu.memory_space<vmem>>
      %gather3A_1039 = tpu.memref_squeeze %gather3A_1038 : memref<1x128x128xf32, #tpu.memory_space<vmem>> -> memref<128x128xf32, #tpu.memory_space<vmem>>
      %gather3A_1040 = tpu.vector_load_idx %gather3A_1039[%add3A_384, %add3A_1034] : memref<128x128xf32, #tpu.memory_space<vmem>>[vector<16xi32>, vector<16xi32>], vector<16xf32>,
      %mul3A_1041 = arith.mulf %gather3A_1031, %gather3A_1040 : vector<16xf32>
      %add3A_1042 = arith.addf %add3A_1022, %mul3A_1041 : vector<16xf32>
      %add3A_1043 = arith.constant 256 : i32
      %add3A_1044 = arith.addi %add3A_1043, %mul3A_375 : i32
      %swap3A = arith.index_cast %add3A_1044 : i32 to index
      %swap3A_1045 = tpu.vector_load %arg17[%swap3A] {strides = array<i32>} : memref<512xf32, #tpu.memory_space<vmem>>, vector<16xf32>,
      tpu.vector_store %arg17[%swap3A], %add3A_1042 {strides = array<i32>} : memref<512xf32, #tpu.memory_space<vmem>>, vector<16xf32>,
    }
    %scan3A_342 = arith.constant 8 : i32
    %dma_wait3A_343 = arith.constant 3 : i32
    %dma_wait3A_344 = arith.constant 1 : i32
    %dma_wait3A_345 = arith.constant 0 : i32
    %dma_wait3A_346 = arith.constant 0 : i32
    %dma_wait3A_347 = tpu.memref_slice %arg13[%dma_wait3A_344, %dma_wait3A_345, %dma_wait3A_346] : memref<2x128x128xf32, #tpu.memory_space<vmem>> -> memref<1x128x128xf32, #tpu.memory_space<vmem>>
    %dma_wait3A_348 = tpu.memref_squeeze %dma_wait3A_347 : memref<1x128x128xf32, #tpu.memory_space<vmem>> -> memref<128x128xf32, #tpu.memory_space<vmem>>
    %dma_wait3A_349 = arith.constant 0 : i32
    %dma_wait3A_350 = tpu.memref_slice %arg11[%dma_wait3A_343, %dma_wait3A_349] : memref<4x128xi32, #tpu.memory_space<vmem>> -> memref<1x128xi32, #tpu.memory_space<vmem>>
    %dma_wait3A_351 = tpu.memref_squeeze %dma_wait3A_350 : memref<1x128xi32, #tpu.memory_space<vmem>> -> memref<128xi32, #tpu.memory_space<vmem>>
    %dma_wait3A_352 = arith.constant 0 : i32
    %dma_wait3A_353 = arith.constant 0 : i32
    %dma_wait3A_354 = tpu.memref_slice %arg4[%dma_wait3A_352, %dma_wait3A_353] : memref<250000x128xf32, #tpu.memory_space<hbm>> -> memref<250000x128xf32, #tpu.memory_space<hbm>>
    tpu.wait_indirect_dma semaphore(%arg20 : memref<!tpu.dma_semaphore, #tpu.memory_space<semaphore_mem>>) src(%dma_wait3A_354 : memref<250000x128xf32, #tpu.memory_space<hbm>>) dst(%dma_wait3A_348 : memref<128x128xf32, #tpu.memory_space<vmem>>)
    %dma_wait3A_355 = arith.constant 3 : i32
    %dma_wait3A_356 = arith.constant 1 : i32
    %dma_wait3A_357 = arith.constant 0 : i32
    %dma_wait3A_358 = arith.constant 0 : i32
    %dma_wait3A_359 = tpu.memref_slice %arg14[%dma_wait3A_356, %dma_wait3A_357, %dma_wait3A_358] : memref<2x128x128xf32, #tpu.memory_space<vmem>> -> memref<1x128x128xf32, #tpu.memory_space<vmem>>
    %dma_wait3A_360 = tpu.memref_squeeze %dma_wait3A_359 : memref<1x128x128xf32, #tpu.memory_space<vmem>> -> memref<128x128xf32, #tpu.memory_space<vmem>>
    %dma_wait3A_361 = arith.constant 0 : i32
    %dma_wait3A_362 = tpu.memref_slice %arg12[%dma_wait3A_355, %dma_wait3A_361] : memref<4x128xi32, #tpu.memory_space<vmem>> -> memref<1x128xi32, #tpu.memory_space<vmem>>
    %dma_wait3A_363 = tpu.memref_squeeze %dma_wait3A_362 : memref<1x128xi32, #tpu.memory_space<vmem>> -> memref<128xi32, #tpu.memory_space<vmem>>
    %dma_wait3A_364 = arith.constant 0 : i32
    %dma_wait3A_365 = arith.constant 0 : i32
    %dma_wait3A_366 = tpu.memref_slice %arg5[%dma_wait3A_364, %dma_wait3A_365] : memref<250000x128xf32, #tpu.memory_space<hbm>> -> memref<250000x128xf32, #tpu.memory_space<hbm>>
    tpu.wait_indirect_dma semaphore(%arg20 : memref<!tpu.dma_semaphore, #tpu.memory_space<semaphore_mem>>) src(%dma_wait3A_366 : memref<250000x128xf32, #tpu.memory_space<hbm>>) dst(%dma_wait3A_360 : memref<128x128xf32, #tpu.memory_space<vmem>>)
    %scan3A_367 = arith.constant 0 : i32
    %scan3A_368 = arith.constant 0 : i32
    %scan3A_369 = arith.constant 8 : i32
    %scan3A_370 = arith.addi %scan3A_368, %scan3A_369 : i32
    %scan3A_371 = arith.constant 1 : i32
    scf.for %scan3A_373 = %scan3A_368 to %scan3A_370 step %scan3A_371  : i32 {
      %mul3A_374 = arith.constant 16 : i32
      %mul3A_375 = arith.muli %scan3A_373, %mul3A_374 : i32
      %get3A = arith.constant 3 : i32
      %get3A_376 = arith.index_cast %get3A : i32 to index
      %get3A_377 = arith.index_cast %mul3A_375 : i32 to index
      %get3A_378 = tpu.vector_load %arg9[%get3A_376, %get3A_377] {strides = array<i32>} : memref<4x128xi32, #tpu.memory_space<vmem>>, vector<16xi32>,
      %get3A_379 = arith.constant 3 : i32
      %get3A_380 = arith.index_cast %get3A_379 : i32 to index
      %get3A_381 = arith.index_cast %mul3A_375 : i32 to index
      %get3A_382 = tpu.vector_load %arg10[%get3A_380, %get3A_381] {strides = array<i32>} : memref<4x128xi32, #tpu.memory_space<vmem>>, vector<16xi32>,
      %add3A_383 = vector.broadcast %mul3A_375 : i32 to vector<16xi32>
      %add3A_384 = arith.addi %add3A_383, %iota3A : vector<16xi32>
      %and3A = arith.constant 3 : i32
      %and3A_385 = vector.broadcast %and3A : i32 to vector<16xi32>
      %and3A_386 = arith.andi %get3A_378, %and3A_385 : vector<16xi32>
      %shift_left3A = arith.constant 5 : i32
      %shift_left3A_387 = vector.broadcast %shift_left3A : i32 to vector<16xi32>
      %shift_left3A_388 = arith.shli %and3A_386, %shift_left3A_387 : vector<16xi32>
      %and3A_389 = arith.constant 3 : i32
      %and3A_390 = vector.broadcast %and3A_389 : i32 to vector<16xi32>
      %and3A_391 = arith.andi %get3A_382, %and3A_390 : vector<16xi32>
      %shift_left3A_392 = arith.constant 5 : i32
      %shift_left3A_393 = vector.broadcast %shift_left3A_392 : i32 to vector<16xi32>
      %shift_left3A_394 = arith.shli %and3A_391, %shift_left3A_393 : vector<16xi32>
      %add3A_395 = arith.constant 384 : i32
      %add3A_396 = arith.addi %add3A_395, %mul3A_375 : i32
      %get3A_397 = arith.index_cast %add3A_396 : i32 to index
      %get3A_398 = tpu.vector_load %arg15[%get3A_397] {strides = array<i32>} : memref<512xf32, #tpu.memory_space<vmem>>, vector<16xf32>,
      %add3A_399 = arith.constant 384 : i32
      %add3A_400 = arith.addi %add3A_399, %mul3A_375 : i32
      %get3A_401 = arith.index_cast %add3A_400 : i32 to index
      %get3A_402 = tpu.vector_load %arg16[%get3A_401] {strides = array<i32>} : memref<512xf32, #tpu.memory_space<vmem>>, vector<16xf32>,
      %add3A_403 = arith.addf %get3A_398, %get3A_402 : vector<16xf32>
      %add3A_404 = arith.constant 0 : i32
      %add3A_405 = vector.broadcast %add3A_404 : i32 to vector<16xi32>
      %add3A_406 = arith.addi %shift_left3A_388, %add3A_405 : vector<16xi32>
      %gather3A = arith.constant 1 : i32
      %gather3A_407 = arith.constant 0 : i32
      %gather3A_408 = arith.constant 0 : i32
      %gather3A_409 = tpu.memref_slice %arg13[%gather3A, %gather3A_407, %gather3A_408] : memref<2x128x128xf32, #tpu.memory_space<vmem>> -> memref<1x128x128xf32, #tpu.memory_space<vmem>>
      %gather3A_410 = tpu.memref_squeeze %gather3A_409 : memref<1x128x128xf32, #tpu.memory_space<vmem>> -> memref<128x128xf32, #tpu.memory_space<vmem>>
      %gather3A_411 = tpu.vector_load_idx %gather3A_410[%add3A_384, %add3A_406] : memref<128x128xf32, #tpu.memory_space<vmem>>[vector<16xi32>, vector<16xi32>], vector<16xf32>,
      %add3A_412 = arith.constant 0 : i32
      %add3A_413 = vector.broadcast %add3A_412 : i32 to vector<16xi32>
      %add3A_414 = arith.addi %shift_left3A_394, %add3A_413 : vector<16xi32>
      %gather3A_415 = arith.constant 1 : i32
      %gather3A_416 = arith.constant 0 : i32
      %gather3A_417 = arith.constant 0 : i32
      %gather3A_418 = tpu.memref_slice %arg14[%gather3A_415, %gather3A_416, %gather3A_417] : memref<2x128x128xf32, #tpu.memory_space<vmem>> -> memref<1x128x128xf32, #tpu.memory_space<vmem>>
      %gather3A_419 = tpu.memref_squeeze %gather3A_418 : memref<1x128x128xf32, #tpu.memory_space<vmem>> -> memref<128x128xf32, #tpu.memory_space<vmem>>
      %gather3A_420 = tpu.vector_load_idx %gather3A_419[%add3A_384, %add3A_414] : memref<128x128xf32, #tpu.memory_space<vmem>>[vector<16xi32>, vector<16xi32>], vector<16xf32>,
      %mul3A_421 = arith.mulf %gather3A_411, %gather3A_420 : vector<16xf32>
      %add3A_422 = arith.addf %add3A_403, %mul3A_421 : vector<16xf32>
      %add3A_423 = arith.constant 1 : i32
      %add3A_424 = vector.broadcast %add3A_423 : i32 to vector<16xi32>
      %add3A_425 = arith.addi %shift_left3A_388, %add3A_424 : vector<16xi32>
      %gather3A_426 = arith.constant 1 : i32
      %gather3A_427 = arith.constant 0 : i32
      %gather3A_428 = arith.constant 0 : i32
      %gather3A_429 = tpu.memref_slice %arg13[%gather3A_426, %gather3A_427, %gather3A_428] : memref<2x128x128xf32, #tpu.memory_space<vmem>> -> memref<1x128x128xf32, #tpu.memory_space<vmem>>
      %gather3A_430 = tpu.memref_squeeze %gather3A_429 : memref<1x128x128xf32, #tpu.memory_space<vmem>> -> memref<128x128xf32, #tpu.memory_space<vmem>>
      %gather3A_431 = tpu.vector_load_idx %gather3A_430[%add3A_384, %add3A_425] : memref<128x128xf32, #tpu.memory_space<vmem>>[vector<16xi32>, vector<16xi32>], vector<16xf32>,
      %add3A_432 = arith.constant 1 : i32
      %add3A_433 = vector.broadcast %add3A_432 : i32 to vector<16xi32>
      %add3A_434 = arith.addi %shift_left3A_394, %add3A_433 : vector<16xi32>
      %gather3A_435 = arith.constant 1 : i32
      %gather3A_436 = arith.constant 0 : i32
      %gather3A_437 = arith.constant 0 : i32
      %gather3A_438 = tpu.memref_slice %arg14[%gather3A_435, %gather3A_436, %gather3A_437] : memref<2x128x128xf32, #tpu.memory_space<vmem>> -> memref<1x128x128xf32, #tpu.memory_space<vmem>>
      %gather3A_439 = tpu.memref_squeeze %gather3A_438 : memref<1x128x128xf32, #tpu.memory_space<vmem>> -> memref<128x128xf32, #tpu.memory_space<vmem>>
      %gather3A_440 = tpu.vector_load_idx %gather3A_439[%add3A_384, %add3A_434] : memref<128x128xf32, #tpu.memory_space<vmem>>[vector<16xi32>, vector<16xi32>], vector<16xf32>,
      %mul3A_441 = arith.mulf %gather3A_431, %gather3A_440 : vector<16xf32>
      %add3A_442 = arith.addf %add3A_422, %mul3A_441 : vector<16xf32>
      %add3A_443 = arith.constant 2 : i32
      %add3A_444 = vector.broadcast %add3A_443 : i32 to vector<16xi32>
      %add3A_445 = arith.addi %shift_left3A_388, %add3A_444 : vector<16xi32>
      %gather3A_446 = arith.constant 1 : i32
      %gather3A_447 = arith.constant 0 : i32
      %gather3A_448 = arith.constant 0 : i32
      %gather3A_449 = tpu.memref_slice %arg13[%gather3A_446, %gather3A_447, %gather3A_448] : memref<2x128x128xf32, #tpu.memory_space<vmem>> -> memref<1x128x128xf32, #tpu.memory_space<vmem>>
      %gather3A_450 = tpu.memref_squeeze %gather3A_449 : memref<1x128x128xf32, #tpu.memory_space<vmem>> -> memref<128x128xf32, #tpu.memory_space<vmem>>
      %gather3A_451 = tpu.vector_load_idx %gather3A_450[%add3A_384, %add3A_445] : memref<128x128xf32, #tpu.memory_space<vmem>>[vector<16xi32>, vector<16xi32>], vector<16xf32>,
      %add3A_452 = arith.constant 2 : i32
      %add3A_453 = vector.broadcast %add3A_452 : i32 to vector<16xi32>
      %add3A_454 = arith.addi %shift_left3A_394, %add3A_453 : vector<16xi32>
      %gather3A_455 = arith.constant 1 : i32
      %gather3A_456 = arith.constant 0 : i32
      %gather3A_457 = arith.constant 0 : i32
      %gather3A_458 = tpu.memref_slice %arg14[%gather3A_455, %gather3A_456, %gather3A_457] : memref<2x128x128xf32, #tpu.memory_space<vmem>> -> memref<1x128x128xf32, #tpu.memory_space<vmem>>
      %gather3A_459 = tpu.memref_squeeze %gather3A_458 : memref<1x128x128xf32, #tpu.memory_space<vmem>> -> memref<128x128xf32, #tpu.memory_space<vmem>>
      %gather3A_460 = tpu.vector_load_idx %gather3A_459[%add3A_384, %add3A_454] : memref<128x128xf32, #tpu.memory_space<vmem>>[vector<16xi32>, vector<16xi32>], vector<16xf32>,
      %mul3A_461 = arith.mulf %gather3A_451, %gather3A_460 : vector<16xf32>
      %add3A_462 = arith.addf %add3A_442, %mul3A_461 : vector<16xf32>
      %add3A_463 = arith.constant 3 : i32
      %add3A_464 = vector.broadcast %add3A_463 : i32 to vector<16xi32>
      %add3A_465 = arith.addi %shift_left3A_388, %add3A_464 : vector<16xi32>
      %gather3A_466 = arith.constant 1 : i32
      %gather3A_467 = arith.constant 0 : i32
      %gather3A_468 = arith.constant 0 : i32
      %gather3A_469 = tpu.memref_slice %arg13[%gather3A_466, %gather3A_467, %gather3A_468] : memref<2x128x128xf32, #tpu.memory_space<vmem>> -> memref<1x128x128xf32, #tpu.memory_space<vmem>>
      %gather3A_470 = tpu.memref_squeeze %gather3A_469 : memref<1x128x128xf32, #tpu.memory_space<vmem>> -> memref<128x128xf32, #tpu.memory_space<vmem>>
      %gather3A_471 = tpu.vector_load_idx %gather3A_470[%add3A_384, %add3A_465] : memref<128x128xf32, #tpu.memory_space<vmem>>[vector<16xi32>, vector<16xi32>], vector<16xf32>,
      %add3A_472 = arith.constant 3 : i32
      %add3A_473 = vector.broadcast %add3A_472 : i32 to vector<16xi32>
      %add3A_474 = arith.addi %shift_left3A_394, %add3A_473 : vector<16xi32>
      %gather3A_475 = arith.constant 1 : i32
      %gather3A_476 = arith.constant 0 : i32
      %gather3A_477 = arith.constant 0 : i32
      %gather3A_478 = tpu.memref_slice %arg14[%gather3A_475, %gather3A_476, %gather3A_477] : memref<2x128x128xf32, #tpu.memory_space<vmem>> -> memref<1x128x128xf32, #tpu.memory_space<vmem>>
      %gather3A_479 = tpu.memref_squeeze %gather3A_478 : memref<1x128x128xf32, #tpu.memory_space<vmem>> -> memref<128x128xf32, #tpu.memory_space<vmem>>
      %gather3A_480 = tpu.vector_load_idx %gather3A_479[%add3A_384, %add3A_474] : memref<128x128xf32, #tpu.memory_space<vmem>>[vector<16xi32>, vector<16xi32>], vector<16xf32>,
      %mul3A_481 = arith.mulf %gather3A_471, %gather3A_480 : vector<16xf32>
      %add3A_482 = arith.addf %add3A_462, %mul3A_481 : vector<16xf32>
      %add3A_483 = arith.constant 4 : i32
      %add3A_484 = vector.broadcast %add3A_483 : i32 to vector<16xi32>
      %add3A_485 = arith.addi %shift_left3A_388, %add3A_484 : vector<16xi32>
      %gather3A_486 = arith.constant 1 : i32
      %gather3A_487 = arith.constant 0 : i32
      %gather3A_488 = arith.constant 0 : i32
      %gather3A_489 = tpu.memref_slice %arg13[%gather3A_486, %gather3A_487, %gather3A_488] : memref<2x128x128xf32, #tpu.memory_space<vmem>> -> memref<1x128x128xf32, #tpu.memory_space<vmem>>
      %gather3A_490 = tpu.memref_squeeze %gather3A_489 : memref<1x128x128xf32, #tpu.memory_space<vmem>> -> memref<128x128xf32, #tpu.memory_space<vmem>>
      %gather3A_491 = tpu.vector_load_idx %gather3A_490[%add3A_384, %add3A_485] : memref<128x128xf32, #tpu.memory_space<vmem>>[vector<16xi32>, vector<16xi32>], vector<16xf32>,
      %add3A_492 = arith.constant 4 : i32
      %add3A_493 = vector.broadcast %add3A_492 : i32 to vector<16xi32>
      %add3A_494 = arith.addi %shift_left3A_394, %add3A_493 : vector<16xi32>
      %gather3A_495 = arith.constant 1 : i32
      %gather3A_496 = arith.constant 0 : i32
      %gather3A_497 = arith.constant 0 : i32
      %gather3A_498 = tpu.memref_slice %arg14[%gather3A_495, %gather3A_496, %gather3A_497] : memref<2x128x128xf32, #tpu.memory_space<vmem>> -> memref<1x128x128xf32, #tpu.memory_space<vmem>>
      %gather3A_499 = tpu.memref_squeeze %gather3A_498 : memref<1x128x128xf32, #tpu.memory_space<vmem>> -> memref<128x128xf32, #tpu.memory_space<vmem>>
      %gather3A_500 = tpu.vector_load_idx %gather3A_499[%add3A_384, %add3A_494] : memref<128x128xf32, #tpu.memory_space<vmem>>[vector<16xi32>, vector<16xi32>], vector<16xf32>,
      %mul3A_501 = arith.mulf %gather3A_491, %gather3A_500 : vector<16xf32>
      %add3A_502 = arith.addf %add3A_482, %mul3A_501 : vector<16xf32>
      %add3A_503 = arith.constant 5 : i32
      %add3A_504 = vector.broadcast %add3A_503 : i32 to vector<16xi32>
      %add3A_505 = arith.addi %shift_left3A_388, %add3A_504 : vector<16xi32>
      %gather3A_506 = arith.constant 1 : i32
      %gather3A_507 = arith.constant 0 : i32
      %gather3A_508 = arith.constant 0 : i32
      %gather3A_509 = tpu.memref_slice %arg13[%gather3A_506, %gather3A_507, %gather3A_508] : memref<2x128x128xf32, #tpu.memory_space<vmem>> -> memref<1x128x128xf32, #tpu.memory_space<vmem>>
      %gather3A_510 = tpu.memref_squeeze %gather3A_509 : memref<1x128x128xf32, #tpu.memory_space<vmem>> -> memref<128x128xf32, #tpu.memory_space<vmem>>
      %gather3A_511 = tpu.vector_load_idx %gather3A_510[%add3A_384, %add3A_505] : memref<128x128xf32, #tpu.memory_space<vmem>>[vector<16xi32>, vector<16xi32>], vector<16xf32>,
      %add3A_512 = arith.constant 5 : i32
      %add3A_513 = vector.broadcast %add3A_512 : i32 to vector<16xi32>
      %add3A_514 = arith.addi %shift_left3A_394, %add3A_513 : vector<16xi32>
      %gather3A_515 = arith.constant 1 : i32
      %gather3A_516 = arith.constant 0 : i32
      %gather3A_517 = arith.constant 0 : i32
      %gather3A_518 = tpu.memref_slice %arg14[%gather3A_515, %gather3A_516, %gather3A_517] : memref<2x128x128xf32, #tpu.memory_space<vmem>> -> memref<1x128x128xf32, #tpu.memory_space<vmem>>
      %gather3A_519 = tpu.memref_squeeze %gather3A_518 : memref<1x128x128xf32, #tpu.memory_space<vmem>> -> memref<128x128xf32, #tpu.memory_space<vmem>>
      %gather3A_520 = tpu.vector_load_idx %gather3A_519[%add3A_384, %add3A_514] : memref<128x128xf32, #tpu.memory_space<vmem>>[vector<16xi32>, vector<16xi32>], vector<16xf32>,
      %mul3A_521 = arith.mulf %gather3A_511, %gather3A_520 : vector<16xf32>
      %add3A_522 = arith.addf %add3A_502, %mul3A_521 : vector<16xf32>
      %add3A_523 = arith.constant 6 : i32
      %add3A_524 = vector.broadcast %add3A_523 : i32 to vector<16xi32>
      %add3A_525 = arith.addi %shift_left3A_388, %add3A_524 : vector<16xi32>
      %gather3A_526 = arith.constant 1 : i32
      %gather3A_527 = arith.constant 0 : i32
      %gather3A_528 = arith.constant 0 : i32
      %gather3A_529 = tpu.memref_slice %arg13[%gather3A_526, %gather3A_527, %gather3A_528] : memref<2x128x128xf32, #tpu.memory_space<vmem>> -> memref<1x128x128xf32, #tpu.memory_space<vmem>>
      %gather3A_530 = tpu.memref_squeeze %gather3A_529 : memref<1x128x128xf32, #tpu.memory_space<vmem>> -> memref<128x128xf32, #tpu.memory_space<vmem>>
      %gather3A_531 = tpu.vector_load_idx %gather3A_530[%add3A_384, %add3A_525] : memref<128x128xf32, #tpu.memory_space<vmem>>[vector<16xi32>, vector<16xi32>], vector<16xf32>,
      %add3A_532 = arith.constant 6 : i32
      %add3A_533 = vector.broadcast %add3A_532 : i32 to vector<16xi32>
      %add3A_534 = arith.addi %shift_left3A_394, %add3A_533 : vector<16xi32>
      %gather3A_535 = arith.constant 1 : i32
      %gather3A_536 = arith.constant 0 : i32
      %gather3A_537 = arith.constant 0 : i32
      %gather3A_538 = tpu.memref_slice %arg14[%gather3A_535, %gather3A_536, %gather3A_537] : memref<2x128x128xf32, #tpu.memory_space<vmem>> -> memref<1x128x128xf32, #tpu.memory_space<vmem>>
      %gather3A_539 = tpu.memref_squeeze %gather3A_538 : memref<1x128x128xf32, #tpu.memory_space<vmem>> -> memref<128x128xf32, #tpu.memory_space<vmem>>
      %gather3A_540 = tpu.vector_load_idx %gather3A_539[%add3A_384, %add3A_534] : memref<128x128xf32, #tpu.memory_space<vmem>>[vector<16xi32>, vector<16xi32>], vector<16xf32>,
      %mul3A_541 = arith.mulf %gather3A_531, %gather3A_540 : vector<16xf32>
      %add3A_542 = arith.addf %add3A_522, %mul3A_541 : vector<16xf32>
      %add3A_543 = arith.constant 7 : i32
      %add3A_544 = vector.broadcast %add3A_543 : i32 to vector<16xi32>
      %add3A_545 = arith.addi %shift_left3A_388, %add3A_544 : vector<16xi32>
      %gather3A_546 = arith.constant 1 : i32
      %gather3A_547 = arith.constant 0 : i32
      %gather3A_548 = arith.constant 0 : i32
      %gather3A_549 = tpu.memref_slice %arg13[%gather3A_546, %gather3A_547, %gather3A_548] : memref<2x128x128xf32, #tpu.memory_space<vmem>> -> memref<1x128x128xf32, #tpu.memory_space<vmem>>
      %gather3A_550 = tpu.memref_squeeze %gather3A_549 : memref<1x128x128xf32, #tpu.memory_space<vmem>> -> memref<128x128xf32, #tpu.memory_space<vmem>>
      %gather3A_551 = tpu.vector_load_idx %gather3A_550[%add3A_384, %add3A_545] : memref<128x128xf32, #tpu.memory_space<vmem>>[vector<16xi32>, vector<16xi32>], vector<16xf32>,
      %add3A_552 = arith.constant 7 : i32
      %add3A_553 = vector.broadcast %add3A_552 : i32 to vector<16xi32>
      %add3A_554 = arith.addi %shift_left3A_394, %add3A_553 : vector<16xi32>
      %gather3A_555 = arith.constant 1 : i32
      %gather3A_556 = arith.constant 0 : i32
      %gather3A_557 = arith.constant 0 : i32
      %gather3A_558 = tpu.memref_slice %arg14[%gather3A_555, %gather3A_556, %gather3A_557] : memref<2x128x128xf32, #tpu.memory_space<vmem>> -> memref<1x128x128xf32, #tpu.memory_space<vmem>>
      %gather3A_559 = tpu.memref_squeeze %gather3A_558 : memref<1x128x128xf32, #tpu.memory_space<vmem>> -> memref<128x128xf32, #tpu.memory_space<vmem>>
      %gather3A_560 = tpu.vector_load_idx %gather3A_559[%add3A_384, %add3A_554] : memref<128x128xf32, #tpu.memory_space<vmem>>[vector<16xi32>, vector<16xi32>], vector<16xf32>,
      %mul3A_561 = arith.mulf %gather3A_551, %gather3A_560 : vector<16xf32>
      %add3A_562 = arith.addf %add3A_542, %mul3A_561 : vector<16xf32>
      %add3A_563 = arith.constant 8 : i32
      %add3A_564 = vector.broadcast %add3A_563 : i32 to vector<16xi32>
      %add3A_565 = arith.addi %shift_left3A_388, %add3A_564 : vector<16xi32>
      %gather3A_566 = arith.constant 1 : i32
      %gather3A_567 = arith.constant 0 : i32
      %gather3A_568 = arith.constant 0 : i32
      %gather3A_569 = tpu.memref_slice %arg13[%gather3A_566, %gather3A_567, %gather3A_568] : memref<2x128x128xf32, #tpu.memory_space<vmem>> -> memref<1x128x128xf32, #tpu.memory_space<vmem>>
      %gather3A_570 = tpu.memref_squeeze %gather3A_569 : memref<1x128x128xf32, #tpu.memory_space<vmem>> -> memref<128x128xf32, #tpu.memory_space<vmem>>
      %gather3A_571 = tpu.vector_load_idx %gather3A_570[%add3A_384, %add3A_565] : memref<128x128xf32, #tpu.memory_space<vmem>>[vector<16xi32>, vector<16xi32>], vector<16xf32>,
      %add3A_572 = arith.constant 8 : i32
      %add3A_573 = vector.broadcast %add3A_572 : i32 to vector<16xi32>
      %add3A_574 = arith.addi %shift_left3A_394, %add3A_573 : vector<16xi32>
      %gather3A_575 = arith.constant 1 : i32
      %gather3A_576 = arith.constant 0 : i32
      %gather3A_577 = arith.constant 0 : i32
      %gather3A_578 = tpu.memref_slice %arg14[%gather3A_575, %gather3A_576, %gather3A_577] : memref<2x128x128xf32, #tpu.memory_space<vmem>> -> memref<1x128x128xf32, #tpu.memory_space<vmem>>
      %gather3A_579 = tpu.memref_squeeze %gather3A_578 : memref<1x128x128xf32, #tpu.memory_space<vmem>> -> memref<128x128xf32, #tpu.memory_space<vmem>>
      %gather3A_580 = tpu.vector_load_idx %gather3A_579[%add3A_384, %add3A_574] : memref<128x128xf32, #tpu.memory_space<vmem>>[vector<16xi32>, vector<16xi32>], vector<16xf32>,
      %mul3A_581 = arith.mulf %gather3A_571, %gather3A_580 : vector<16xf32>
      %add3A_582 = arith.addf %add3A_562, %mul3A_581 : vector<16xf32>
      %add3A_583 = arith.constant 9 : i32
      %add3A_584 = vector.broadcast %add3A_583 : i32 to vector<16xi32>
      %add3A_585 = arith.addi %shift_left3A_388, %add3A_584 : vector<16xi32>
      %gather3A_586 = arith.constant 1 : i32
      %gather3A_587 = arith.constant 0 : i32
      %gather3A_588 = arith.constant 0 : i32
      %gather3A_589 = tpu.memref_slice %arg13[%gather3A_586, %gather3A_587, %gather3A_588] : memref<2x128x128xf32, #tpu.memory_space<vmem>> -> memref<1x128x128xf32, #tpu.memory_space<vmem>>
      %gather3A_590 = tpu.memref_squeeze %gather3A_589 : memref<1x128x128xf32, #tpu.memory_space<vmem>> -> memref<128x128xf32, #tpu.memory_space<vmem>>
      %gather3A_591 = tpu.vector_load_idx %gather3A_590[%add3A_384, %add3A_585] : memref<128x128xf32, #tpu.memory_space<vmem>>[vector<16xi32>, vector<16xi32>], vector<16xf32>,
      %add3A_592 = arith.constant 9 : i32
      %add3A_593 = vector.broadcast %add3A_592 : i32 to vector<16xi32>
      %add3A_594 = arith.addi %shift_left3A_394, %add3A_593 : vector<16xi32>
      %gather3A_595 = arith.constant 1 : i32
      %gather3A_596 = arith.constant 0 : i32
      %gather3A_597 = arith.constant 0 : i32
      %gather3A_598 = tpu.memref_slice %arg14[%gather3A_595, %gather3A_596, %gather3A_597] : memref<2x128x128xf32, #tpu.memory_space<vmem>> -> memref<1x128x128xf32, #tpu.memory_space<vmem>>
      %gather3A_599 = tpu.memref_squeeze %gather3A_598 : memref<1x128x128xf32, #tpu.memory_space<vmem>> -> memref<128x128xf32, #tpu.memory_space<vmem>>
      %gather3A_600 = tpu.vector_load_idx %gather3A_599[%add3A_384, %add3A_594] : memref<128x128xf32, #tpu.memory_space<vmem>>[vector<16xi32>, vector<16xi32>], vector<16xf32>,
      %mul3A_601 = arith.mulf %gather3A_591, %gather3A_600 : vector<16xf32>
      %add3A_602 = arith.addf %add3A_582, %mul3A_601 : vector<16xf32>
      %add3A_603 = arith.constant 10 : i32
      %add3A_604 = vector.broadcast %add3A_603 : i32 to vector<16xi32>
      %add3A_605 = arith.addi %shift_left3A_388, %add3A_604 : vector<16xi32>
      %gather3A_606 = arith.constant 1 : i32
      %gather3A_607 = arith.constant 0 : i32
      %gather3A_608 = arith.constant 0 : i32
      %gather3A_609 = tpu.memref_slice %arg13[%gather3A_606, %gather3A_607, %gather3A_608] : memref<2x128x128xf32, #tpu.memory_space<vmem>> -> memref<1x128x128xf32, #tpu.memory_space<vmem>>
      %gather3A_610 = tpu.memref_squeeze %gather3A_609 : memref<1x128x128xf32, #tpu.memory_space<vmem>> -> memref<128x128xf32, #tpu.memory_space<vmem>>
      %gather3A_611 = tpu.vector_load_idx %gather3A_610[%add3A_384, %add3A_605] : memref<128x128xf32, #tpu.memory_space<vmem>>[vector<16xi32>, vector<16xi32>], vector<16xf32>,
      %add3A_612 = arith.constant 10 : i32
      %add3A_613 = vector.broadcast %add3A_612 : i32 to vector<16xi32>
      %add3A_614 = arith.addi %shift_left3A_394, %add3A_613 : vector<16xi32>
      %gather3A_615 = arith.constant 1 : i32
      %gather3A_616 = arith.constant 0 : i32
      %gather3A_617 = arith.constant 0 : i32
      %gather3A_618 = tpu.memref_slice %arg14[%gather3A_615, %gather3A_616, %gather3A_617] : memref<2x128x128xf32, #tpu.memory_space<vmem>> -> memref<1x128x128xf32, #tpu.memory_space<vmem>>
      %gather3A_619 = tpu.memref_squeeze %gather3A_618 : memref<1x128x128xf32, #tpu.memory_space<vmem>> -> memref<128x128xf32, #tpu.memory_space<vmem>>
      %gather3A_620 = tpu.vector_load_idx %gather3A_619[%add3A_384, %add3A_614] : memref<128x128xf32, #tpu.memory_space<vmem>>[vector<16xi32>, vector<16xi32>], vector<16xf32>,
      %mul3A_621 = arith.mulf %gather3A_611, %gather3A_620 : vector<16xf32>
      %add3A_622 = arith.addf %add3A_602, %mul3A_621 : vector<16xf32>
      %add3A_623 = arith.constant 11 : i32
      %add3A_624 = vector.broadcast %add3A_623 : i32 to vector<16xi32>
      %add3A_625 = arith.addi %shift_left3A_388, %add3A_624 : vector<16xi32>
      %gather3A_626 = arith.constant 1 : i32
      %gather3A_627 = arith.constant 0 : i32
      %gather3A_628 = arith.constant 0 : i32
      %gather3A_629 = tpu.memref_slice %arg13[%gather3A_626, %gather3A_627, %gather3A_628] : memref<2x128x128xf32, #tpu.memory_space<vmem>> -> memref<1x128x128xf32, #tpu.memory_space<vmem>>
      %gather3A_630 = tpu.memref_squeeze %gather3A_629 : memref<1x128x128xf32, #tpu.memory_space<vmem>> -> memref<128x128xf32, #tpu.memory_space<vmem>>
      %gather3A_631 = tpu.vector_load_idx %gather3A_630[%add3A_384, %add3A_625] : memref<128x128xf32, #tpu.memory_space<vmem>>[vector<16xi32>, vector<16xi32>], vector<16xf32>,
      %add3A_632 = arith.constant 11 : i32
      %add3A_633 = vector.broadcast %add3A_632 : i32 to vector<16xi32>
      %add3A_634 = arith.addi %shift_left3A_394, %add3A_633 : vector<16xi32>
      %gather3A_635 = arith.constant 1 : i32
      %gather3A_636 = arith.constant 0 : i32
      %gather3A_637 = arith.constant 0 : i32
      %gather3A_638 = tpu.memref_slice %arg14[%gather3A_635, %gather3A_636, %gather3A_637] : memref<2x128x128xf32, #tpu.memory_space<vmem>> -> memref<1x128x128xf32, #tpu.memory_space<vmem>>
      %gather3A_639 = tpu.memref_squeeze %gather3A_638 : memref<1x128x128xf32, #tpu.memory_space<vmem>> -> memref<128x128xf32, #tpu.memory_space<vmem>>
      %gather3A_640 = tpu.vector_load_idx %gather3A_639[%add3A_384, %add3A_634] : memref<128x128xf32, #tpu.memory_space<vmem>>[vector<16xi32>, vector<16xi32>], vector<16xf32>,
      %mul3A_641 = arith.mulf %gather3A_631, %gather3A_640 : vector<16xf32>
      %add3A_642 = arith.addf %add3A_622, %mul3A_641 : vector<16xf32>
      %add3A_643 = arith.constant 12 : i32
      %add3A_644 = vector.broadcast %add3A_643 : i32 to vector<16xi32>
      %add3A_645 = arith.addi %shift_left3A_388, %add3A_644 : vector<16xi32>
      %gather3A_646 = arith.constant 1 : i32
      %gather3A_647 = arith.constant 0 : i32
      %gather3A_648 = arith.constant 0 : i32
      %gather3A_649 = tpu.memref_slice %arg13[%gather3A_646, %gather3A_647, %gather3A_648] : memref<2x128x128xf32, #tpu.memory_space<vmem>> -> memref<1x128x128xf32, #tpu.memory_space<vmem>>
      %gather3A_650 = tpu.memref_squeeze %gather3A_649 : memref<1x128x128xf32, #tpu.memory_space<vmem>> -> memref<128x128xf32, #tpu.memory_space<vmem>>
      %gather3A_651 = tpu.vector_load_idx %gather3A_650[%add3A_384, %add3A_645] : memref<128x128xf32, #tpu.memory_space<vmem>>[vector<16xi32>, vector<16xi32>], vector<16xf32>,
      %add3A_652 = arith.constant 12 : i32
      %add3A_653 = vector.broadcast %add3A_652 : i32 to vector<16xi32>
      %add3A_654 = arith.addi %shift_left3A_394, %add3A_653 : vector<16xi32>
      %gather3A_655 = arith.constant 1 : i32
      %gather3A_656 = arith.constant 0 : i32
      %gather3A_657 = arith.constant 0 : i32
      %gather3A_658 = tpu.memref_slice %arg14[%gather3A_655, %gather3A_656, %gather3A_657] : memref<2x128x128xf32, #tpu.memory_space<vmem>> -> memref<1x128x128xf32, #tpu.memory_space<vmem>>
      %gather3A_659 = tpu.memref_squeeze %gather3A_658 : memref<1x128x128xf32, #tpu.memory_space<vmem>> -> memref<128x128xf32, #tpu.memory_space<vmem>>
      %gather3A_660 = tpu.vector_load_idx %gather3A_659[%add3A_384, %add3A_654] : memref<128x128xf32, #tpu.memory_space<vmem>>[vector<16xi32>, vector<16xi32>], vector<16xf32>,
      %mul3A_661 = arith.mulf %gather3A_651, %gather3A_660 : vector<16xf32>
      %add3A_662 = arith.addf %add3A_642, %mul3A_661 : vector<16xf32>
      %add3A_663 = arith.constant 13 : i32
      %add3A_664 = vector.broadcast %add3A_663 : i32 to vector<16xi32>
      %add3A_665 = arith.addi %shift_left3A_388, %add3A_664 : vector<16xi32>
      %gather3A_666 = arith.constant 1 : i32
      %gather3A_667 = arith.constant 0 : i32
      %gather3A_668 = arith.constant 0 : i32
      %gather3A_669 = tpu.memref_slice %arg13[%gather3A_666, %gather3A_667, %gather3A_668] : memref<2x128x128xf32, #tpu.memory_space<vmem>> -> memref<1x128x128xf32, #tpu.memory_space<vmem>>
      %gather3A_670 = tpu.memref_squeeze %gather3A_669 : memref<1x128x128xf32, #tpu.memory_space<vmem>> -> memref<128x128xf32, #tpu.memory_space<vmem>>
      %gather3A_671 = tpu.vector_load_idx %gather3A_670[%add3A_384, %add3A_665] : memref<128x128xf32, #tpu.memory_space<vmem>>[vector<16xi32>, vector<16xi32>], vector<16xf32>,
      %add3A_672 = arith.constant 13 : i32
      %add3A_673 = vector.broadcast %add3A_672 : i32 to vector<16xi32>
      %add3A_674 = arith.addi %shift_left3A_394, %add3A_673 : vector<16xi32>
      %gather3A_675 = arith.constant 1 : i32
      %gather3A_676 = arith.constant 0 : i32
      %gather3A_677 = arith.constant 0 : i32
      %gather3A_678 = tpu.memref_slice %arg14[%gather3A_675, %gather3A_676, %gather3A_677] : memref<2x128x128xf32, #tpu.memory_space<vmem>> -> memref<1x128x128xf32, #tpu.memory_space<vmem>>
      %gather3A_679 = tpu.memref_squeeze %gather3A_678 : memref<1x128x128xf32, #tpu.memory_space<vmem>> -> memref<128x128xf32, #tpu.memory_space<vmem>>
      %gather3A_680 = tpu.vector_load_idx %gather3A_679[%add3A_384, %add3A_674] : memref<128x128xf32, #tpu.memory_space<vmem>>[vector<16xi32>, vector<16xi32>], vector<16xf32>,
      %mul3A_681 = arith.mulf %gather3A_671, %gather3A_680 : vector<16xf32>
      %add3A_682 = arith.addf %add3A_662, %mul3A_681 : vector<16xf32>
      %add3A_683 = arith.constant 14 : i32
      %add3A_684 = vector.broadcast %add3A_683 : i32 to vector<16xi32>
      %add3A_685 = arith.addi %shift_left3A_388, %add3A_684 : vector<16xi32>
      %gather3A_686 = arith.constant 1 : i32
      %gather3A_687 = arith.constant 0 : i32
      %gather3A_688 = arith.constant 0 : i32
      %gather3A_689 = tpu.memref_slice %arg13[%gather3A_686, %gather3A_687, %gather3A_688] : memref<2x128x128xf32, #tpu.memory_space<vmem>> -> memref<1x128x128xf32, #tpu.memory_space<vmem>>
      %gather3A_690 = tpu.memref_squeeze %gather3A_689 : memref<1x128x128xf32, #tpu.memory_space<vmem>> -> memref<128x128xf32, #tpu.memory_space<vmem>>
      %gather3A_691 = tpu.vector_load_idx %gather3A_690[%add3A_384, %add3A_685] : memref<128x128xf32, #tpu.memory_space<vmem>>[vector<16xi32>, vector<16xi32>], vector<16xf32>,
      %add3A_692 = arith.constant 14 : i32
      %add3A_693 = vector.broadcast %add3A_692 : i32 to vector<16xi32>
      %add3A_694 = arith.addi %shift_left3A_394, %add3A_693 : vector<16xi32>
      %gather3A_695 = arith.constant 1 : i32
      %gather3A_696 = arith.constant 0 : i32
      %gather3A_697 = arith.constant 0 : i32
      %gather3A_698 = tpu.memref_slice %arg14[%gather3A_695, %gather3A_696, %gather3A_697] : memref<2x128x128xf32, #tpu.memory_space<vmem>> -> memref<1x128x128xf32, #tpu.memory_space<vmem>>
      %gather3A_699 = tpu.memref_squeeze %gather3A_698 : memref<1x128x128xf32, #tpu.memory_space<vmem>> -> memref<128x128xf32, #tpu.memory_space<vmem>>
      %gather3A_700 = tpu.vector_load_idx %gather3A_699[%add3A_384, %add3A_694] : memref<128x128xf32, #tpu.memory_space<vmem>>[vector<16xi32>, vector<16xi32>], vector<16xf32>,
      %mul3A_701 = arith.mulf %gather3A_691, %gather3A_700 : vector<16xf32>
      %add3A_702 = arith.addf %add3A_682, %mul3A_701 : vector<16xf32>
      %add3A_703 = arith.constant 15 : i32
      %add3A_704 = vector.broadcast %add3A_703 : i32 to vector<16xi32>
      %add3A_705 = arith.addi %shift_left3A_388, %add3A_704 : vector<16xi32>
      %gather3A_706 = arith.constant 1 : i32
      %gather3A_707 = arith.constant 0 : i32
      %gather3A_708 = arith.constant 0 : i32
      %gather3A_709 = tpu.memref_slice %arg13[%gather3A_706, %gather3A_707, %gather3A_708] : memref<2x128x128xf32, #tpu.memory_space<vmem>> -> memref<1x128x128xf32, #tpu.memory_space<vmem>>
      %gather3A_710 = tpu.memref_squeeze %gather3A_709 : memref<1x128x128xf32, #tpu.memory_space<vmem>> -> memref<128x128xf32, #tpu.memory_space<vmem>>
      %gather3A_711 = tpu.vector_load_idx %gather3A_710[%add3A_384, %add3A_705] : memref<128x128xf32, #tpu.memory_space<vmem>>[vector<16xi32>, vector<16xi32>], vector<16xf32>,
      %add3A_712 = arith.constant 15 : i32
      %add3A_713 = vector.broadcast %add3A_712 : i32 to vector<16xi32>
      %add3A_714 = arith.addi %shift_left3A_394, %add3A_713 : vector<16xi32>
      %gather3A_715 = arith.constant 1 : i32
      %gather3A_716 = arith.constant 0 : i32
      %gather3A_717 = arith.constant 0 : i32
      %gather3A_718 = tpu.memref_slice %arg14[%gather3A_715, %gather3A_716, %gather3A_717] : memref<2x128x128xf32, #tpu.memory_space<vmem>> -> memref<1x128x128xf32, #tpu.memory_space<vmem>>
      %gather3A_719 = tpu.memref_squeeze %gather3A_718 : memref<1x128x128xf32, #tpu.memory_space<vmem>> -> memref<128x128xf32, #tpu.memory_space<vmem>>
      %gather3A_720 = tpu.vector_load_idx %gather3A_719[%add3A_384, %add3A_714] : memref<128x128xf32, #tpu.memory_space<vmem>>[vector<16xi32>, vector<16xi32>], vector<16xf32>,
      %mul3A_721 = arith.mulf %gather3A_711, %gather3A_720 : vector<16xf32>
      %add3A_722 = arith.addf %add3A_702, %mul3A_721 : vector<16xf32>
      %add3A_723 = arith.constant 16 : i32
      %add3A_724 = vector.broadcast %add3A_723 : i32 to vector<16xi32>
      %add3A_725 = arith.addi %shift_left3A_388, %add3A_724 : vector<16xi32>
      %gather3A_726 = arith.constant 1 : i32
      %gather3A_727 = arith.constant 0 : i32
      %gather3A_728 = arith.constant 0 : i32
      %gather3A_729 = tpu.memref_slice %arg13[%gather3A_726, %gather3A_727, %gather3A_728] : memref<2x128x128xf32, #tpu.memory_space<vmem>> -> memref<1x128x128xf32, #tpu.memory_space<vmem>>
      %gather3A_730 = tpu.memref_squeeze %gather3A_729 : memref<1x128x128xf32, #tpu.memory_space<vmem>> -> memref<128x128xf32, #tpu.memory_space<vmem>>
      %gather3A_731 = tpu.vector_load_idx %gather3A_730[%add3A_384, %add3A_725] : memref<128x128xf32, #tpu.memory_space<vmem>>[vector<16xi32>, vector<16xi32>], vector<16xf32>,
      %add3A_732 = arith.constant 16 : i32
      %add3A_733 = vector.broadcast %add3A_732 : i32 to vector<16xi32>
      %add3A_734 = arith.addi %shift_left3A_394, %add3A_733 : vector<16xi32>
      %gather3A_735 = arith.constant 1 : i32
      %gather3A_736 = arith.constant 0 : i32
      %gather3A_737 = arith.constant 0 : i32
      %gather3A_738 = tpu.memref_slice %arg14[%gather3A_735, %gather3A_736, %gather3A_737] : memref<2x128x128xf32, #tpu.memory_space<vmem>> -> memref<1x128x128xf32, #tpu.memory_space<vmem>>
      %gather3A_739 = tpu.memref_squeeze %gather3A_738 : memref<1x128x128xf32, #tpu.memory_space<vmem>> -> memref<128x128xf32, #tpu.memory_space<vmem>>
      %gather3A_740 = tpu.vector_load_idx %gather3A_739[%add3A_384, %add3A_734] : memref<128x128xf32, #tpu.memory_space<vmem>>[vector<16xi32>, vector<16xi32>], vector<16xf32>,
      %mul3A_741 = arith.mulf %gather3A_731, %gather3A_740 : vector<16xf32>
      %add3A_742 = arith.addf %add3A_722, %mul3A_741 : vector<16xf32>
      %add3A_743 = arith.constant 17 : i32
      %add3A_744 = vector.broadcast %add3A_743 : i32 to vector<16xi32>
      %add3A_745 = arith.addi %shift_left3A_388, %add3A_744 : vector<16xi32>
      %gather3A_746 = arith.constant 1 : i32
      %gather3A_747 = arith.constant 0 : i32
      %gather3A_748 = arith.constant 0 : i32
      %gather3A_749 = tpu.memref_slice %arg13[%gather3A_746, %gather3A_747, %gather3A_748] : memref<2x128x128xf32, #tpu.memory_space<vmem>> -> memref<1x128x128xf32, #tpu.memory_space<vmem>>
      %gather3A_750 = tpu.memref_squeeze %gather3A_749 : memref<1x128x128xf32, #tpu.memory_space<vmem>> -> memref<128x128xf32, #tpu.memory_space<vmem>>
      %gather3A_751 = tpu.vector_load_idx %gather3A_750[%add3A_384, %add3A_745] : memref<128x128xf32, #tpu.memory_space<vmem>>[vector<16xi32>, vector<16xi32>], vector<16xf32>,
      %add3A_752 = arith.constant 17 : i32
      %add3A_753 = vector.broadcast %add3A_752 : i32 to vector<16xi32>
      %add3A_754 = arith.addi %shift_left3A_394, %add3A_753 : vector<16xi32>
      %gather3A_755 = arith.constant 1 : i32
      %gather3A_756 = arith.constant 0 : i32
      %gather3A_757 = arith.constant 0 : i32
      %gather3A_758 = tpu.memref_slice %arg14[%gather3A_755, %gather3A_756, %gather3A_757] : memref<2x128x128xf32, #tpu.memory_space<vmem>> -> memref<1x128x128xf32, #tpu.memory_space<vmem>>
      %gather3A_759 = tpu.memref_squeeze %gather3A_758 : memref<1x128x128xf32, #tpu.memory_space<vmem>> -> memref<128x128xf32, #tpu.memory_space<vmem>>
      %gather3A_760 = tpu.vector_load_idx %gather3A_759[%add3A_384, %add3A_754] : memref<128x128xf32, #tpu.memory_space<vmem>>[vector<16xi32>, vector<16xi32>], vector<16xf32>,
      %mul3A_761 = arith.mulf %gather3A_751, %gather3A_760 : vector<16xf32>
      %add3A_762 = arith.addf %add3A_742, %mul3A_761 : vector<16xf32>
      %add3A_763 = arith.constant 18 : i32
      %add3A_764 = vector.broadcast %add3A_763 : i32 to vector<16xi32>
      %add3A_765 = arith.addi %shift_left3A_388, %add3A_764 : vector<16xi32>
      %gather3A_766 = arith.constant 1 : i32
      %gather3A_767 = arith.constant 0 : i32
      %gather3A_768 = arith.constant 0 : i32
      %gather3A_769 = tpu.memref_slice %arg13[%gather3A_766, %gather3A_767, %gather3A_768] : memref<2x128x128xf32, #tpu.memory_space<vmem>> -> memref<1x128x128xf32, #tpu.memory_space<vmem>>
      %gather3A_770 = tpu.memref_squeeze %gather3A_769 : memref<1x128x128xf32, #tpu.memory_space<vmem>> -> memref<128x128xf32, #tpu.memory_space<vmem>>
      %gather3A_771 = tpu.vector_load_idx %gather3A_770[%add3A_384, %add3A_765] : memref<128x128xf32, #tpu.memory_space<vmem>>[vector<16xi32>, vector<16xi32>], vector<16xf32>,
      %add3A_772 = arith.constant 18 : i32
      %add3A_773 = vector.broadcast %add3A_772 : i32 to vector<16xi32>
      %add3A_774 = arith.addi %shift_left3A_394, %add3A_773 : vector<16xi32>
      %gather3A_775 = arith.constant 1 : i32
      %gather3A_776 = arith.constant 0 : i32
      %gather3A_777 = arith.constant 0 : i32
      %gather3A_778 = tpu.memref_slice %arg14[%gather3A_775, %gather3A_776, %gather3A_777] : memref<2x128x128xf32, #tpu.memory_space<vmem>> -> memref<1x128x128xf32, #tpu.memory_space<vmem>>
      %gather3A_779 = tpu.memref_squeeze %gather3A_778 : memref<1x128x128xf32, #tpu.memory_space<vmem>> -> memref<128x128xf32, #tpu.memory_space<vmem>>
      %gather3A_780 = tpu.vector_load_idx %gather3A_779[%add3A_384, %add3A_774] : memref<128x128xf32, #tpu.memory_space<vmem>>[vector<16xi32>, vector<16xi32>], vector<16xf32>,
      %mul3A_781 = arith.mulf %gather3A_771, %gather3A_780 : vector<16xf32>
      %add3A_782 = arith.addf %add3A_762, %mul3A_781 : vector<16xf32>
      %add3A_783 = arith.constant 19 : i32
      %add3A_784 = vector.broadcast %add3A_783 : i32 to vector<16xi32>
      %add3A_785 = arith.addi %shift_left3A_388, %add3A_784 : vector<16xi32>
      %gather3A_786 = arith.constant 1 : i32
      %gather3A_787 = arith.constant 0 : i32
      %gather3A_788 = arith.constant 0 : i32
      %gather3A_789 = tpu.memref_slice %arg13[%gather3A_786, %gather3A_787, %gather3A_788] : memref<2x128x128xf32, #tpu.memory_space<vmem>> -> memref<1x128x128xf32, #tpu.memory_space<vmem>>
      %gather3A_790 = tpu.memref_squeeze %gather3A_789 : memref<1x128x128xf32, #tpu.memory_space<vmem>> -> memref<128x128xf32, #tpu.memory_space<vmem>>
      %gather3A_791 = tpu.vector_load_idx %gather3A_790[%add3A_384, %add3A_785] : memref<128x128xf32, #tpu.memory_space<vmem>>[vector<16xi32>, vector<16xi32>], vector<16xf32>,
      %add3A_792 = arith.constant 19 : i32
      %add3A_793 = vector.broadcast %add3A_792 : i32 to vector<16xi32>
      %add3A_794 = arith.addi %shift_left3A_394, %add3A_793 : vector<16xi32>
      %gather3A_795 = arith.constant 1 : i32
      %gather3A_796 = arith.constant 0 : i32
      %gather3A_797 = arith.constant 0 : i32
      %gather3A_798 = tpu.memref_slice %arg14[%gather3A_795, %gather3A_796, %gather3A_797] : memref<2x128x128xf32, #tpu.memory_space<vmem>> -> memref<1x128x128xf32, #tpu.memory_space<vmem>>
      %gather3A_799 = tpu.memref_squeeze %gather3A_798 : memref<1x128x128xf32, #tpu.memory_space<vmem>> -> memref<128x128xf32, #tpu.memory_space<vmem>>
      %gather3A_800 = tpu.vector_load_idx %gather3A_799[%add3A_384, %add3A_794] : memref<128x128xf32, #tpu.memory_space<vmem>>[vector<16xi32>, vector<16xi32>], vector<16xf32>,
      %mul3A_801 = arith.mulf %gather3A_791, %gather3A_800 : vector<16xf32>
      %add3A_802 = arith.addf %add3A_782, %mul3A_801 : vector<16xf32>
      %add3A_803 = arith.constant 20 : i32
      %add3A_804 = vector.broadcast %add3A_803 : i32 to vector<16xi32>
      %add3A_805 = arith.addi %shift_left3A_388, %add3A_804 : vector<16xi32>
      %gather3A_806 = arith.constant 1 : i32
      %gather3A_807 = arith.constant 0 : i32
      %gather3A_808 = arith.constant 0 : i32
      %gather3A_809 = tpu.memref_slice %arg13[%gather3A_806, %gather3A_807, %gather3A_808] : memref<2x128x128xf32, #tpu.memory_space<vmem>> -> memref<1x128x128xf32, #tpu.memory_space<vmem>>
      %gather3A_810 = tpu.memref_squeeze %gather3A_809 : memref<1x128x128xf32, #tpu.memory_space<vmem>> -> memref<128x128xf32, #tpu.memory_space<vmem>>
      %gather3A_811 = tpu.vector_load_idx %gather3A_810[%add3A_384, %add3A_805] : memref<128x128xf32, #tpu.memory_space<vmem>>[vector<16xi32>, vector<16xi32>], vector<16xf32>,
      %add3A_812 = arith.constant 20 : i32
      %add3A_813 = vector.broadcast %add3A_812 : i32 to vector<16xi32>
      %add3A_814 = arith.addi %shift_left3A_394, %add3A_813 : vector<16xi32>
      %gather3A_815 = arith.constant 1 : i32
      %gather3A_816 = arith.constant 0 : i32
      %gather3A_817 = arith.constant 0 : i32
      %gather3A_818 = tpu.memref_slice %arg14[%gather3A_815, %gather3A_816, %gather3A_817] : memref<2x128x128xf32, #tpu.memory_space<vmem>> -> memref<1x128x128xf32, #tpu.memory_space<vmem>>
      %gather3A_819 = tpu.memref_squeeze %gather3A_818 : memref<1x128x128xf32, #tpu.memory_space<vmem>> -> memref<128x128xf32, #tpu.memory_space<vmem>>
      %gather3A_820 = tpu.vector_load_idx %gather3A_819[%add3A_384, %add3A_814] : memref<128x128xf32, #tpu.memory_space<vmem>>[vector<16xi32>, vector<16xi32>], vector<16xf32>,
      %mul3A_821 = arith.mulf %gather3A_811, %gather3A_820 : vector<16xf32>
      %add3A_822 = arith.addf %add3A_802, %mul3A_821 : vector<16xf32>
      %add3A_823 = arith.constant 21 : i32
      %add3A_824 = vector.broadcast %add3A_823 : i32 to vector<16xi32>
      %add3A_825 = arith.addi %shift_left3A_388, %add3A_824 : vector<16xi32>
      %gather3A_826 = arith.constant 1 : i32
      %gather3A_827 = arith.constant 0 : i32
      %gather3A_828 = arith.constant 0 : i32
      %gather3A_829 = tpu.memref_slice %arg13[%gather3A_826, %gather3A_827, %gather3A_828] : memref<2x128x128xf32, #tpu.memory_space<vmem>> -> memref<1x128x128xf32, #tpu.memory_space<vmem>>
      %gather3A_830 = tpu.memref_squeeze %gather3A_829 : memref<1x128x128xf32, #tpu.memory_space<vmem>> -> memref<128x128xf32, #tpu.memory_space<vmem>>
      %gather3A_831 = tpu.vector_load_idx %gather3A_830[%add3A_384, %add3A_825] : memref<128x128xf32, #tpu.memory_space<vmem>>[vector<16xi32>, vector<16xi32>], vector<16xf32>,
      %add3A_832 = arith.constant 21 : i32
      %add3A_833 = vector.broadcast %add3A_832 : i32 to vector<16xi32>
      %add3A_834 = arith.addi %shift_left3A_394, %add3A_833 : vector<16xi32>
      %gather3A_835 = arith.constant 1 : i32
      %gather3A_836 = arith.constant 0 : i32
      %gather3A_837 = arith.constant 0 : i32
      %gather3A_838 = tpu.memref_slice %arg14[%gather3A_835, %gather3A_836, %gather3A_837] : memref<2x128x128xf32, #tpu.memory_space<vmem>> -> memref<1x128x128xf32, #tpu.memory_space<vmem>>
      %gather3A_839 = tpu.memref_squeeze %gather3A_838 : memref<1x128x128xf32, #tpu.memory_space<vmem>> -> memref<128x128xf32, #tpu.memory_space<vmem>>
      %gather3A_840 = tpu.vector_load_idx %gather3A_839[%add3A_384, %add3A_834] : memref<128x128xf32, #tpu.memory_space<vmem>>[vector<16xi32>, vector<16xi32>], vector<16xf32>,
      %mul3A_841 = arith.mulf %gather3A_831, %gather3A_840 : vector<16xf32>
      %add3A_842 = arith.addf %add3A_822, %mul3A_841 : vector<16xf32>
      %add3A_843 = arith.constant 22 : i32
      %add3A_844 = vector.broadcast %add3A_843 : i32 to vector<16xi32>
      %add3A_845 = arith.addi %shift_left3A_388, %add3A_844 : vector<16xi32>
      %gather3A_846 = arith.constant 1 : i32
      %gather3A_847 = arith.constant 0 : i32
      %gather3A_848 = arith.constant 0 : i32
      %gather3A_849 = tpu.memref_slice %arg13[%gather3A_846, %gather3A_847, %gather3A_848] : memref<2x128x128xf32, #tpu.memory_space<vmem>> -> memref<1x128x128xf32, #tpu.memory_space<vmem>>
      %gather3A_850 = tpu.memref_squeeze %gather3A_849 : memref<1x128x128xf32, #tpu.memory_space<vmem>> -> memref<128x128xf32, #tpu.memory_space<vmem>>
      %gather3A_851 = tpu.vector_load_idx %gather3A_850[%add3A_384, %add3A_845] : memref<128x128xf32, #tpu.memory_space<vmem>>[vector<16xi32>, vector<16xi32>], vector<16xf32>,
      %add3A_852 = arith.constant 22 : i32
      %add3A_853 = vector.broadcast %add3A_852 : i32 to vector<16xi32>
      %add3A_854 = arith.addi %shift_left3A_394, %add3A_853 : vector<16xi32>
      %gather3A_855 = arith.constant 1 : i32
      %gather3A_856 = arith.constant 0 : i32
      %gather3A_857 = arith.constant 0 : i32
      %gather3A_858 = tpu.memref_slice %arg14[%gather3A_855, %gather3A_856, %gather3A_857] : memref<2x128x128xf32, #tpu.memory_space<vmem>> -> memref<1x128x128xf32, #tpu.memory_space<vmem>>
      %gather3A_859 = tpu.memref_squeeze %gather3A_858 : memref<1x128x128xf32, #tpu.memory_space<vmem>> -> memref<128x128xf32, #tpu.memory_space<vmem>>
      %gather3A_860 = tpu.vector_load_idx %gather3A_859[%add3A_384, %add3A_854] : memref<128x128xf32, #tpu.memory_space<vmem>>[vector<16xi32>, vector<16xi32>], vector<16xf32>,
      %mul3A_861 = arith.mulf %gather3A_851, %gather3A_860 : vector<16xf32>
      %add3A_862 = arith.addf %add3A_842, %mul3A_861 : vector<16xf32>
      %add3A_863 = arith.constant 23 : i32
      %add3A_864 = vector.broadcast %add3A_863 : i32 to vector<16xi32>
      %add3A_865 = arith.addi %shift_left3A_388, %add3A_864 : vector<16xi32>
      %gather3A_866 = arith.constant 1 : i32
      %gather3A_867 = arith.constant 0 : i32
      %gather3A_868 = arith.constant 0 : i32
      %gather3A_869 = tpu.memref_slice %arg13[%gather3A_866, %gather3A_867, %gather3A_868] : memref<2x128x128xf32, #tpu.memory_space<vmem>> -> memref<1x128x128xf32, #tpu.memory_space<vmem>>
      %gather3A_870 = tpu.memref_squeeze %gather3A_869 : memref<1x128x128xf32, #tpu.memory_space<vmem>> -> memref<128x128xf32, #tpu.memory_space<vmem>>
      %gather3A_871 = tpu.vector_load_idx %gather3A_870[%add3A_384, %add3A_865] : memref<128x128xf32, #tpu.memory_space<vmem>>[vector<16xi32>, vector<16xi32>], vector<16xf32>,
      %add3A_872 = arith.constant 23 : i32
      %add3A_873 = vector.broadcast %add3A_872 : i32 to vector<16xi32>
      %add3A_874 = arith.addi %shift_left3A_394, %add3A_873 : vector<16xi32>
      %gather3A_875 = arith.constant 1 : i32
      %gather3A_876 = arith.constant 0 : i32
      %gather3A_877 = arith.constant 0 : i32
      %gather3A_878 = tpu.memref_slice %arg14[%gather3A_875, %gather3A_876, %gather3A_877] : memref<2x128x128xf32, #tpu.memory_space<vmem>> -> memref<1x128x128xf32, #tpu.memory_space<vmem>>
      %gather3A_879 = tpu.memref_squeeze %gather3A_878 : memref<1x128x128xf32, #tpu.memory_space<vmem>> -> memref<128x128xf32, #tpu.memory_space<vmem>>
      %gather3A_880 = tpu.vector_load_idx %gather3A_879[%add3A_384, %add3A_874] : memref<128x128xf32, #tpu.memory_space<vmem>>[vector<16xi32>, vector<16xi32>], vector<16xf32>,
      %mul3A_881 = arith.mulf %gather3A_871, %gather3A_880 : vector<16xf32>
      %add3A_882 = arith.addf %add3A_862, %mul3A_881 : vector<16xf32>
      %add3A_883 = arith.constant 24 : i32
      %add3A_884 = vector.broadcast %add3A_883 : i32 to vector<16xi32>
      %add3A_885 = arith.addi %shift_left3A_388, %add3A_884 : vector<16xi32>
      %gather3A_886 = arith.constant 1 : i32
      %gather3A_887 = arith.constant 0 : i32
      %gather3A_888 = arith.constant 0 : i32
      %gather3A_889 = tpu.memref_slice %arg13[%gather3A_886, %gather3A_887, %gather3A_888] : memref<2x128x128xf32, #tpu.memory_space<vmem>> -> memref<1x128x128xf32, #tpu.memory_space<vmem>>
      %gather3A_890 = tpu.memref_squeeze %gather3A_889 : memref<1x128x128xf32, #tpu.memory_space<vmem>> -> memref<128x128xf32, #tpu.memory_space<vmem>>
      %gather3A_891 = tpu.vector_load_idx %gather3A_890[%add3A_384, %add3A_885] : memref<128x128xf32, #tpu.memory_space<vmem>>[vector<16xi32>, vector<16xi32>], vector<16xf32>,
      %add3A_892 = arith.constant 24 : i32
      %add3A_893 = vector.broadcast %add3A_892 : i32 to vector<16xi32>
      %add3A_894 = arith.addi %shift_left3A_394, %add3A_893 : vector<16xi32>
      %gather3A_895 = arith.constant 1 : i32
      %gather3A_896 = arith.constant 0 : i32
      %gather3A_897 = arith.constant 0 : i32
      %gather3A_898 = tpu.memref_slice %arg14[%gather3A_895, %gather3A_896, %gather3A_897] : memref<2x128x128xf32, #tpu.memory_space<vmem>> -> memref<1x128x128xf32, #tpu.memory_space<vmem>>
      %gather3A_899 = tpu.memref_squeeze %gather3A_898 : memref<1x128x128xf32, #tpu.memory_space<vmem>> -> memref<128x128xf32, #tpu.memory_space<vmem>>
      %gather3A_900 = tpu.vector_load_idx %gather3A_899[%add3A_384, %add3A_894] : memref<128x128xf32, #tpu.memory_space<vmem>>[vector<16xi32>, vector<16xi32>], vector<16xf32>,
      %mul3A_901 = arith.mulf %gather3A_891, %gather3A_900 : vector<16xf32>
      %add3A_902 = arith.addf %add3A_882, %mul3A_901 : vector<16xf32>
      %add3A_903 = arith.constant 25 : i32
      %add3A_904 = vector.broadcast %add3A_903 : i32 to vector<16xi32>
      %add3A_905 = arith.addi %shift_left3A_388, %add3A_904 : vector<16xi32>
      %gather3A_906 = arith.constant 1 : i32
      %gather3A_907 = arith.constant 0 : i32
      %gather3A_908 = arith.constant 0 : i32
      %gather3A_909 = tpu.memref_slice %arg13[%gather3A_906, %gather3A_907, %gather3A_908] : memref<2x128x128xf32, #tpu.memory_space<vmem>> -> memref<1x128x128xf32, #tpu.memory_space<vmem>>
      %gather3A_910 = tpu.memref_squeeze %gather3A_909 : memref<1x128x128xf32, #tpu.memory_space<vmem>> -> memref<128x128xf32, #tpu.memory_space<vmem>>
      %gather3A_911 = tpu.vector_load_idx %gather3A_910[%add3A_384, %add3A_905] : memref<128x128xf32, #tpu.memory_space<vmem>>[vector<16xi32>, vector<16xi32>], vector<16xf32>,
      %add3A_912 = arith.constant 25 : i32
      %add3A_913 = vector.broadcast %add3A_912 : i32 to vector<16xi32>
      %add3A_914 = arith.addi %shift_left3A_394, %add3A_913 : vector<16xi32>
      %gather3A_915 = arith.constant 1 : i32
      %gather3A_916 = arith.constant 0 : i32
      %gather3A_917 = arith.constant 0 : i32
      %gather3A_918 = tpu.memref_slice %arg14[%gather3A_915, %gather3A_916, %gather3A_917] : memref<2x128x128xf32, #tpu.memory_space<vmem>> -> memref<1x128x128xf32, #tpu.memory_space<vmem>>
      %gather3A_919 = tpu.memref_squeeze %gather3A_918 : memref<1x128x128xf32, #tpu.memory_space<vmem>> -> memref<128x128xf32, #tpu.memory_space<vmem>>
      %gather3A_920 = tpu.vector_load_idx %gather3A_919[%add3A_384, %add3A_914] : memref<128x128xf32, #tpu.memory_space<vmem>>[vector<16xi32>, vector<16xi32>], vector<16xf32>,
      %mul3A_921 = arith.mulf %gather3A_911, %gather3A_920 : vector<16xf32>
      %add3A_922 = arith.addf %add3A_902, %mul3A_921 : vector<16xf32>
      %add3A_923 = arith.constant 26 : i32
      %add3A_924 = vector.broadcast %add3A_923 : i32 to vector<16xi32>
      %add3A_925 = arith.addi %shift_left3A_388, %add3A_924 : vector<16xi32>
      %gather3A_926 = arith.constant 1 : i32
      %gather3A_927 = arith.constant 0 : i32
      %gather3A_928 = arith.constant 0 : i32
      %gather3A_929 = tpu.memref_slice %arg13[%gather3A_926, %gather3A_927, %gather3A_928] : memref<2x128x128xf32, #tpu.memory_space<vmem>> -> memref<1x128x128xf32, #tpu.memory_space<vmem>>
      %gather3A_930 = tpu.memref_squeeze %gather3A_929 : memref<1x128x128xf32, #tpu.memory_space<vmem>> -> memref<128x128xf32, #tpu.memory_space<vmem>>
      %gather3A_931 = tpu.vector_load_idx %gather3A_930[%add3A_384, %add3A_925] : memref<128x128xf32, #tpu.memory_space<vmem>>[vector<16xi32>, vector<16xi32>], vector<16xf32>,
      %add3A_932 = arith.constant 26 : i32
      %add3A_933 = vector.broadcast %add3A_932 : i32 to vector<16xi32>
      %add3A_934 = arith.addi %shift_left3A_394, %add3A_933 : vector<16xi32>
      %gather3A_935 = arith.constant 1 : i32
      %gather3A_936 = arith.constant 0 : i32
      %gather3A_937 = arith.constant 0 : i32
      %gather3A_938 = tpu.memref_slice %arg14[%gather3A_935, %gather3A_936, %gather3A_937] : memref<2x128x128xf32, #tpu.memory_space<vmem>> -> memref<1x128x128xf32, #tpu.memory_space<vmem>>
      %gather3A_939 = tpu.memref_squeeze %gather3A_938 : memref<1x128x128xf32, #tpu.memory_space<vmem>> -> memref<128x128xf32, #tpu.memory_space<vmem>>
      %gather3A_940 = tpu.vector_load_idx %gather3A_939[%add3A_384, %add3A_934] : memref<128x128xf32, #tpu.memory_space<vmem>>[vector<16xi32>, vector<16xi32>], vector<16xf32>,
      %mul3A_941 = arith.mulf %gather3A_931, %gather3A_940 : vector<16xf32>
      %add3A_942 = arith.addf %add3A_922, %mul3A_941 : vector<16xf32>
      %add3A_943 = arith.constant 27 : i32
      %add3A_944 = vector.broadcast %add3A_943 : i32 to vector<16xi32>
      %add3A_945 = arith.addi %shift_left3A_388, %add3A_944 : vector<16xi32>
      %gather3A_946 = arith.constant 1 : i32
      %gather3A_947 = arith.constant 0 : i32
      %gather3A_948 = arith.constant 0 : i32
      %gather3A_949 = tpu.memref_slice %arg13[%gather3A_946, %gather3A_947, %gather3A_948] : memref<2x128x128xf32, #tpu.memory_space<vmem>> -> memref<1x128x128xf32, #tpu.memory_space<vmem>>
      %gather3A_950 = tpu.memref_squeeze %gather3A_949 : memref<1x128x128xf32, #tpu.memory_space<vmem>> -> memref<128x128xf32, #tpu.memory_space<vmem>>
      %gather3A_951 = tpu.vector_load_idx %gather3A_950[%add3A_384, %add3A_945] : memref<128x128xf32, #tpu.memory_space<vmem>>[vector<16xi32>, vector<16xi32>], vector<16xf32>,
      %add3A_952 = arith.constant 27 : i32
      %add3A_953 = vector.broadcast %add3A_952 : i32 to vector<16xi32>
      %add3A_954 = arith.addi %shift_left3A_394, %add3A_953 : vector<16xi32>
      %gather3A_955 = arith.constant 1 : i32
      %gather3A_956 = arith.constant 0 : i32
      %gather3A_957 = arith.constant 0 : i32
      %gather3A_958 = tpu.memref_slice %arg14[%gather3A_955, %gather3A_956, %gather3A_957] : memref<2x128x128xf32, #tpu.memory_space<vmem>> -> memref<1x128x128xf32, #tpu.memory_space<vmem>>
      %gather3A_959 = tpu.memref_squeeze %gather3A_958 : memref<1x128x128xf32, #tpu.memory_space<vmem>> -> memref<128x128xf32, #tpu.memory_space<vmem>>
      %gather3A_960 = tpu.vector_load_idx %gather3A_959[%add3A_384, %add3A_954] : memref<128x128xf32, #tpu.memory_space<vmem>>[vector<16xi32>, vector<16xi32>], vector<16xf32>,
      %mul3A_961 = arith.mulf %gather3A_951, %gather3A_960 : vector<16xf32>
      %add3A_962 = arith.addf %add3A_942, %mul3A_961 : vector<16xf32>
      %add3A_963 = arith.constant 28 : i32
      %add3A_964 = vector.broadcast %add3A_963 : i32 to vector<16xi32>
      %add3A_965 = arith.addi %shift_left3A_388, %add3A_964 : vector<16xi32>
      %gather3A_966 = arith.constant 1 : i32
      %gather3A_967 = arith.constant 0 : i32
      %gather3A_968 = arith.constant 0 : i32
      %gather3A_969 = tpu.memref_slice %arg13[%gather3A_966, %gather3A_967, %gather3A_968] : memref<2x128x128xf32, #tpu.memory_space<vmem>> -> memref<1x128x128xf32, #tpu.memory_space<vmem>>
      %gather3A_970 = tpu.memref_squeeze %gather3A_969 : memref<1x128x128xf32, #tpu.memory_space<vmem>> -> memref<128x128xf32, #tpu.memory_space<vmem>>
      %gather3A_971 = tpu.vector_load_idx %gather3A_970[%add3A_384, %add3A_965] : memref<128x128xf32, #tpu.memory_space<vmem>>[vector<16xi32>, vector<16xi32>], vector<16xf32>,
      %add3A_972 = arith.constant 28 : i32
      %add3A_973 = vector.broadcast %add3A_972 : i32 to vector<16xi32>
      %add3A_974 = arith.addi %shift_left3A_394, %add3A_973 : vector<16xi32>
      %gather3A_975 = arith.constant 1 : i32
      %gather3A_976 = arith.constant 0 : i32
      %gather3A_977 = arith.constant 0 : i32
      %gather3A_978 = tpu.memref_slice %arg14[%gather3A_975, %gather3A_976, %gather3A_977] : memref<2x128x128xf32, #tpu.memory_space<vmem>> -> memref<1x128x128xf32, #tpu.memory_space<vmem>>
      %gather3A_979 = tpu.memref_squeeze %gather3A_978 : memref<1x128x128xf32, #tpu.memory_space<vmem>> -> memref<128x128xf32, #tpu.memory_space<vmem>>
      %gather3A_980 = tpu.vector_load_idx %gather3A_979[%add3A_384, %add3A_974] : memref<128x128xf32, #tpu.memory_space<vmem>>[vector<16xi32>, vector<16xi32>], vector<16xf32>,
      %mul3A_981 = arith.mulf %gather3A_971, %gather3A_980 : vector<16xf32>
      %add3A_982 = arith.addf %add3A_962, %mul3A_981 : vector<16xf32>
      %add3A_983 = arith.constant 29 : i32
      %add3A_984 = vector.broadcast %add3A_983 : i32 to vector<16xi32>
      %add3A_985 = arith.addi %shift_left3A_388, %add3A_984 : vector<16xi32>
      %gather3A_986 = arith.constant 1 : i32
      %gather3A_987 = arith.constant 0 : i32
      %gather3A_988 = arith.constant 0 : i32
      %gather3A_989 = tpu.memref_slice %arg13[%gather3A_986, %gather3A_987, %gather3A_988] : memref<2x128x128xf32, #tpu.memory_space<vmem>> -> memref<1x128x128xf32, #tpu.memory_space<vmem>>
      %gather3A_990 = tpu.memref_squeeze %gather3A_989 : memref<1x128x128xf32, #tpu.memory_space<vmem>> -> memref<128x128xf32, #tpu.memory_space<vmem>>
      %gather3A_991 = tpu.vector_load_idx %gather3A_990[%add3A_384, %add3A_985] : memref<128x128xf32, #tpu.memory_space<vmem>>[vector<16xi32>, vector<16xi32>], vector<16xf32>,
      %add3A_992 = arith.constant 29 : i32
      %add3A_993 = vector.broadcast %add3A_992 : i32 to vector<16xi32>
      %add3A_994 = arith.addi %shift_left3A_394, %add3A_993 : vector<16xi32>
      %gather3A_995 = arith.constant 1 : i32
      %gather3A_996 = arith.constant 0 : i32
      %gather3A_997 = arith.constant 0 : i32
      %gather3A_998 = tpu.memref_slice %arg14[%gather3A_995, %gather3A_996, %gather3A_997] : memref<2x128x128xf32, #tpu.memory_space<vmem>> -> memref<1x128x128xf32, #tpu.memory_space<vmem>>
      %gather3A_999 = tpu.memref_squeeze %gather3A_998 : memref<1x128x128xf32, #tpu.memory_space<vmem>> -> memref<128x128xf32, #tpu.memory_space<vmem>>
      %gather3A_1000 = tpu.vector_load_idx %gather3A_999[%add3A_384, %add3A_994] : memref<128x128xf32, #tpu.memory_space<vmem>>[vector<16xi32>, vector<16xi32>], vector<16xf32>,
      %mul3A_1001 = arith.mulf %gather3A_991, %gather3A_1000 : vector<16xf32>
      %add3A_1002 = arith.addf %add3A_982, %mul3A_1001 : vector<16xf32>
      %add3A_1003 = arith.constant 30 : i32
      %add3A_1004 = vector.broadcast %add3A_1003 : i32 to vector<16xi32>
      %add3A_1005 = arith.addi %shift_left3A_388, %add3A_1004 : vector<16xi32>
      %gather3A_1006 = arith.constant 1 : i32
      %gather3A_1007 = arith.constant 0 : i32
      %gather3A_1008 = arith.constant 0 : i32
      %gather3A_1009 = tpu.memref_slice %arg13[%gather3A_1006, %gather3A_1007, %gather3A_1008] : memref<2x128x128xf32, #tpu.memory_space<vmem>> -> memref<1x128x128xf32, #tpu.memory_space<vmem>>
      %gather3A_1010 = tpu.memref_squeeze %gather3A_1009 : memref<1x128x128xf32, #tpu.memory_space<vmem>> -> memref<128x128xf32, #tpu.memory_space<vmem>>
      %gather3A_1011 = tpu.vector_load_idx %gather3A_1010[%add3A_384, %add3A_1005] : memref<128x128xf32, #tpu.memory_space<vmem>>[vector<16xi32>, vector<16xi32>], vector<16xf32>,
      %add3A_1012 = arith.constant 30 : i32
      %add3A_1013 = vector.broadcast %add3A_1012 : i32 to vector<16xi32>
      %add3A_1014 = arith.addi %shift_left3A_394, %add3A_1013 : vector<16xi32>
      %gather3A_1015 = arith.constant 1 : i32
      %gather3A_1016 = arith.constant 0 : i32
      %gather3A_1017 = arith.constant 0 : i32
      %gather3A_1018 = tpu.memref_slice %arg14[%gather3A_1015, %gather3A_1016, %gather3A_1017] : memref<2x128x128xf32, #tpu.memory_space<vmem>> -> memref<1x128x128xf32, #tpu.memory_space<vmem>>
      %gather3A_1019 = tpu.memref_squeeze %gather3A_1018 : memref<1x128x128xf32, #tpu.memory_space<vmem>> -> memref<128x128xf32, #tpu.memory_space<vmem>>
      %gather3A_1020 = tpu.vector_load_idx %gather3A_1019[%add3A_384, %add3A_1014] : memref<128x128xf32, #tpu.memory_space<vmem>>[vector<16xi32>, vector<16xi32>], vector<16xf32>,
      %mul3A_1021 = arith.mulf %gather3A_1011, %gather3A_1020 : vector<16xf32>
      %add3A_1022 = arith.addf %add3A_1002, %mul3A_1021 : vector<16xf32>
      %add3A_1023 = arith.constant 31 : i32
      %add3A_1024 = vector.broadcast %add3A_1023 : i32 to vector<16xi32>
      %add3A_1025 = arith.addi %shift_left3A_388, %add3A_1024 : vector<16xi32>
      %gather3A_1026 = arith.constant 1 : i32
      %gather3A_1027 = arith.constant 0 : i32
      %gather3A_1028 = arith.constant 0 : i32
      %gather3A_1029 = tpu.memref_slice %arg13[%gather3A_1026, %gather3A_1027, %gather3A_1028] : memref<2x128x128xf32, #tpu.memory_space<vmem>> -> memref<1x128x128xf32, #tpu.memory_space<vmem>>
      %gather3A_1030 = tpu.memref_squeeze %gather3A_1029 : memref<1x128x128xf32, #tpu.memory_space<vmem>> -> memref<128x128xf32, #tpu.memory_space<vmem>>
      %gather3A_1031 = tpu.vector_load_idx %gather3A_1030[%add3A_384, %add3A_1025] : memref<128x128xf32, #tpu.memory_space<vmem>>[vector<16xi32>, vector<16xi32>], vector<16xf32>,
      %add3A_1032 = arith.constant 31 : i32
      %add3A_1033 = vector.broadcast %add3A_1032 : i32 to vector<16xi32>
      %add3A_1034 = arith.addi %shift_left3A_394, %add3A_1033 : vector<16xi32>
      %gather3A_1035 = arith.constant 1 : i32
      %gather3A_1036 = arith.constant 0 : i32
      %gather3A_1037 = arith.constant 0 : i32
      %gather3A_1038 = tpu.memref_slice %arg14[%gather3A_1035, %gather3A_1036, %gather3A_1037] : memref<2x128x128xf32, #tpu.memory_space<vmem>> -> memref<1x128x128xf32, #tpu.memory_space<vmem>>
      %gather3A_1039 = tpu.memref_squeeze %gather3A_1038 : memref<1x128x128xf32, #tpu.memory_space<vmem>> -> memref<128x128xf32, #tpu.memory_space<vmem>>
      %gather3A_1040 = tpu.vector_load_idx %gather3A_1039[%add3A_384, %add3A_1034] : memref<128x128xf32, #tpu.memory_space<vmem>>[vector<16xi32>, vector<16xi32>], vector<16xf32>,
      %mul3A_1041 = arith.mulf %gather3A_1031, %gather3A_1040 : vector<16xf32>
      %add3A_1042 = arith.addf %add3A_1022, %mul3A_1041 : vector<16xf32>
      %add3A_1043 = arith.constant 384 : i32
      %add3A_1044 = arith.addi %add3A_1043, %mul3A_375 : i32
      %swap3A = arith.index_cast %add3A_1044 : i32 to index
      %swap3A_1045 = tpu.vector_load %arg17[%swap3A] {strides = array<i32>} : memref<512xf32, #tpu.memory_space<vmem>>, vector<16xf32>,
      tpu.vector_store %arg17[%swap3A], %add3A_1042 {strides = array<i32>} : memref<512xf32, #tpu.memory_space<vmem>>, vector<16xf32>,
    }
    %scan3A_372 = arith.constant 8 : i32
    "tpu.region"() ({
      %run_scoped3A_373 = tpu.sem_alloc : memref<!tpu.dma_semaphore, #tpu.memory_space<semaphore_mem>>
      %dma_start3A_374 = tpu.memref_slice %arg8[%mul3A_2] : memref<16384xf32, #tpu.memory_space<hbm>> -> memref<512xf32, #tpu.memory_space<hbm>>
      %dma_start3A_375 = tpu.memref_slice %arg8[%mul3A_2] : memref<16384xf32, #tpu.memory_space<hbm>> -> memref<512xf32, #tpu.memory_space<hbm>>
      tpu.enqueue_dma source(%arg17 : memref<512xf32, #tpu.memory_space<vmem>>) target(%dma_start3A_375 : memref<512xf32, #tpu.memory_space<hbm>>) target_semaphore(%run_scoped3A_373 : memref<!tpu.dma_semaphore, #tpu.memory_space<semaphore_mem>>)
      %dma_wait3A_376 = tpu.memref_slice %arg8[%mul3A_2] : memref<16384xf32, #tpu.memory_space<hbm>> -> memref<512xf32, #tpu.memory_space<hbm>>
      %dma_wait3A_377 = tpu.memref_slice %arg8[%mul3A_2] : memref<16384xf32, #tpu.memory_space<hbm>> -> memref<512xf32, #tpu.memory_space<hbm>>
      tpu.wait_dma2 semaphore(%run_scoped3A_373 : memref<!tpu.dma_semaphore, #tpu.memory_space<semaphore_mem>>) src(%arg17 : memref<512xf32, #tpu.memory_space<vmem>>) dst(%dma_wait3A_377 : memref<512xf32, #tpu.memory_space<hbm>>)
      tpu.yield
    }) : () -> ()
    return
  }
}

</mosaic_0001>

<sc_bundles>
// kernel: kernel.3.cloned.1.call-start
scs
__scs_entry_jumppad:
0x0: {  	(pc) =	sbr.rel $0x88, $3  }
0x1: {  	(tag) =	ssettag $0x0;
	lr =	simm.s32 $0x1  }
0x2: {  	[smem:$0x3F9B] =	sst lr;
	_ =	strace $0xD0000000  }
0x3: {  	_ = 	snop  }
0x4: {  	_ = 	snop  }
0x5: {  	_ = 	snop  }
0x6: {  	_ = 	snop  }
0x7: {  	_ = 	snop  }
__scs_overlays_trampoline_lowered:
0x8: {  	[smem:$0x3FAA] =	sst s0  }
0x9: {  	[smem:$0x3FAB] =	sst s1  }
0xa: {  	[smem:$0x3FAC] =	sst s2  }
0xb: {  	[smem:$0x3FAD] =	sst s3  }
0xc: {  	[smem:$0x3FAE] =	sst s4  }
0xd: {  	[smem:$0x3FAF] =	sst s5  }
0xe: {  	[smem:$0x3FB0] =	sst s6  }
0xf: {  	[smem:$0x3FB1] =	sst s7  }
0x10: {  	[smem:$0x3FB2] =	sst s8  }
0x11: {  	[smem:$0x3FB3] =	sst s9;
	s0 =	simm.s32 @!p0 $0x0  }
0x12: {  	s1 =	sld [smem:$0x3F99];
	s0 =	simm.s32 @p0 $0x1  }
0x13: {  	[smem:$0x3FB4] =	sst s0;
	s0 =	simm.s32 @!p1 $0x0  }
0x14: {  	s2 =	sld [smem:$0x3F98];
	s0 =	simm.s32 @p1 $0x1  }
0x15: {  	[smem:$0x3FB5] =	sst s0;
	s0 =	simm.s32 @!p2 $0x0  }
0x16: {  	s3 =	sld [smem:$0x3FDB];
	s0 =	simm.s32 @p2 $0x1  }
0x17: {  	s4 =	simm.s32 $0x1BF5;
	[smem:$0x3FB7] =	sst s0  }
0x18: {  	s0 =	sld [smem:$0x3F9A];
	_ =	swait.ge [sflag:s4], $0x0  }
0x19: {  	s7 =	sld [smem:$0x3F9B]  }
0x1a: {  	s8 =	sadd.s32 $0xFFFFE003, lr  }
0x1b: {  	s9 =	sadd.s32 $0xFFFFFEF7, lr;
	s5 =	simm.s32 $0xFFFFFFFF;
	p2 =	slt.u32 s8, $0xFFFFF086  }
0x1c: {  	p1 =	slt.u32 s9, $0xF7A;
	s5 =	simm.s32 @!p2 $0x0  }
0x1d: {  	s5 =	simm.s32 @p1 $0x1;
	p0 =	seq.s32 s7, s2  }
0x1e: {  	s7 =	smul.u32 @!p0 $0xF7A, s2;
	p2 =	seq.s32 @!p0 s5, $0x0  }
0x1f: {  	s9 =	smul.u32 $0xF7A, s1;
	s8 =	simm.s32 @!p0 $0x1BF5;
	p2 =	por !p2, p0  }
0x20: {  	[sflag:s8] =	ssyncset.s32 @!p0 $0xFFFFF086;
	s6 =	sadd.s32 @!p0 s3, s7;
	s7 =	simm.s32 @!p0 $0x108  }
0x21: {  	s3 =	sadd.s32 s3, s9;
	s6 =	sadd.s32 @!p0 $0x88, s6;
	s7 =	simm.s32 @p2 $0x1082  }
0x22: {  	[simem:s7], [sflag:s8] =	dma.local @!p0 [hbm:s6], $0xF7A  }
0x23: {  	s9 =	sor.u32 $0xD0000000, s2;
	s6 =	simm.s32 $0x108;
	_ =	swait.ge @!p0 [sflag:s8], $0x0  }
0x24: {  	s3 =	sadd.s32 $0x88, s3;
	s6 =	simm.s32 @!p1 $0x1082;
	[sflag:s4] =	ssyncset.s32 $0xFFFFF086  }
0x25: {  	[simem:s6], [sflag:s4] =	dma.local [hbm:s3], $0xF7A  }
0x26: {  	[smem:$0x3F9B] =	sst s1;
	(tag) =	ssettag s2;
	_ =	strace s9  }
0x27: {  	s1 =	sld [smem:$0x3FAB]  }
0x28: {  	s2 =	sld [smem:$0x3FAC]  }
0x29: {  	s4 =	sld [smem:$0x3FAE]  }
0x2a: {  	p0 =	seq.s32 s5, $0x0;
	s5 =	sld [smem:$0x3FAF]  }
0x2b: {  	s6 =	sld [smem:$0x3FB0]  }
0x2c: {  	s7 =	sld [smem:$0x3FB1]  }
0x2d: {  	s3 =	simm.s32 $0x108;
	s8 =	sld [smem:$0x3FB2]  }
0x2e: {  	s3 =	simm.s32 @!p0 $0x1082;
	s9 =	sld [smem:$0x3FB3]  }
0x2f: {  	lr =	sadd.s32 s0, s3;
	s0 =	sld [smem:$0x3FAA]  }
0x30: {  	s3 =	sld [smem:$0x3FAD]  }
0x31: {  	[smem:$0x3FB6] =	sst s10  }
0x32: {  	s10 =	sld [smem:$0x3FB4];
	_ =	sdelay $0x3  }
0x33: {  	p0 =	seq.s32 s10, $0x1;
	s10 =	sld [smem:$0x3FB6];
	_ =	sdelay $0x3  }
0x34: {  	[smem:$0x3FB6] =	sst s10  }
0x35: {  	s10 =	sld [smem:$0x3FB5];
	_ =	sdelay $0x3  }
0x36: {  	p1 =	seq.s32 s10, $0x1;
	s10 =	sld [smem:$0x3FB6];
	_ =	sdelay $0x3  }
0x37: {  	[smem:$0x3FB6] =	sst s10  }
0x38: {  	s10 =	sld [smem:$0x3FB7]  }
0x39: {  	_ = 	snop;
	(pc) =	sbr.ind lr, $3  }
0x3a: {  	_ = 	snop  }
0x3b: {  	_ = 	snop  }
0x3c: {  	p2 =	seq.s32 s10, $0x1;
	s10 =	sld [smem:$0x3FB6]  }
0x3d: {  	_ =	shalt  }
0x3e: {  	_ =	shalt  }
0x3f: {  	_ =	shalt  }
0x40: {  	_ =	shalt  }
0x41: {  	_ =	shalt  }
0x42: {  	_ =	shalt  }
0x43: {  	_ =	shalt  }
0x44: {  	_ =	shalt  }
0x45: {  	_ =	shalt  }
0x46: {  	_ =	shalt  }
0x47: {  	_ =	shalt  }
0x48: {  	_ =	shalt  }
0x49: {  	_ =	shalt  }
0x4a: {  	_ =	shalt  }
0x4b: {  	_ =	shalt  }
0x4c: {  	_ =	shalt  }
0x4d: {  	_ =	shalt  }
0x4e: {  	_ =	shalt  }
0x4f: {  	_ =	shalt  }
0x50: {  	_ =	shalt  }
0x51: {  	_ =	shalt  }
0x52: {  	_ =	shalt  }
0x53: {  	_ =	shalt  }
0x54: {  	_ =	shalt  }
0x55: {  	_ =	shalt  }
0x56: {  	_ =	shalt  }
0x57: {  	_ =	shalt  }
0x58: {  	_ =	shalt  }
0x59: {  	_ =	shalt  }
0x5a: {  	_ =	shalt  }
0x5b: {  	_ =	shalt  }
0x5c: {  	_ =	shalt  }
0x5d: {  	_ =	shalt  }
0x5e: {  	_ =	shalt  }
0x5f: {  	_ =	shalt  }
0x60: {  	_ =	shalt  }
0x61: {  	_ =	shalt  }
0x62: {  	_ =	shalt  }
0x63: {  	_ =	shalt  }
0x64: {  	_ =	shalt  }
0x65: {  	_ =	shalt  }
0x66: {  	_ =	shalt  }
0x67: {  	_ =	shalt  }
0x68: {  	_ =	shalt  }
0x69: {  	_ =	shalt  }
0x6a: {  	_ =	shalt  }
0x6b: {  	_ =	shalt  }
0x6c: {  	_ =	shalt  }
0x6d: {  	_ =	shalt  }
0x6e: {  	_ =	shalt  }
0x6f: {  	_ =	shalt  }
0x70: {  	_ =	shalt  }
0x71: {  	_ =	shalt  }
0x72: {  	_ =	shalt  }
0x73: {  	_ =	shalt  }
0x74: {  	_ =	shalt  }
0x75: {  	_ =	shalt  }
0x76: {  	_ =	shalt  }
0x77: {  	_ =	shalt  }
0x78: {  	_ =	shalt  }
0x79: {  	_ =	shalt  }
0x7a: {  	_ =	shalt  }
0x7b: {  	_ =	shalt  }
0x7c: {  	_ =	shalt  }
0x7d: {  	_ =	shalt  }
0x7e: {  	_ =	shalt  }
0x7f: {  	_ =	shalt  }
0x80: {  	_ =	shalt  }
0x81: {  	_ =	shalt  }
0x82: {  	_ =	shalt  }
0x83: {  	_ =	shalt  }
0x84: {  	_ =	shalt  }
0x85: {  	_ =	shalt  }
0x86: {  	_ =	shalt  }
0x87: {  	_ =	shalt  }
.Lfunc_end0:
.L_simem_size_0:
called_computation_lowered:
.L_overlay_start_0:
0x88: {  	s2 =	sld [smem:$0x3FD9]  }
0x89: {  	s3 =	sld [smem:$0x3FFE];
	_ =	sdelay $0x1  }
0x8a: {  	s1 =	srdreg.scid  }
0x8b: {  	s0 =	sand.u32 $0x1, s1  }
0x8c: {  	s17 =	sshll.u32 s0, $0xA;
	s2 =	sadd.s32 s3, s2  }
0x8d: {  	s2 =	sadd.s32 s2, s17  }
0x8e: {  	[smem:$0x3FC2] =	sst s2  }
0x8f: {  	_ = 	snop  }
0x90: {  	s2 =	sld [smem:$0x3FC9]  }
0x91: {  	s18 =	sld [smem:$0x3FC8]  }
0x92: {  	s4 =	sld [smem:$0x3FD0];
	(tm) =	ssettm $0x1  }
0x93: {  	s5 =	sld [smem:$0x3FFB];
	_ =	sdelay $0x3  }
0x94: {  	_ =	strace s5  }
0x95: {  	s5 =	sld [smem:$0x3FFC];
	_ =	sdelay $0x3  }
0x96: {  	_ =	strace s5  }
0x97: {  	s5 =	sld [smem:$0x3FFD];
	_ =	sdelay $0x3  }
0x98: {  	_ =	strace s5  }
0x99: {  	_ =	strace $0x8FFFFFFF  }
0x9a: {  	s19 =	sld [smem:$0x3FDB];
	_ =	sdelay $0x1  }
0x9b: {  	s6 =	simm.s32 $_scs_section_size  }
0x9c: {  	s7 =	simm.s32 $_size__tile_overlayer_lowered;
	s8 =	simm.s32 $_tile_overlayer_lowered  }
0x9d: {  	s22 =	simm.s32 $0x1BFF;
	s21 =	sshll.u32 s8, $0x1;
	s5 =	sadd.s32 s6, s19  }
0x9e: {  	s9 =	simm.s32 $0x0;
	s20 =	sshll.u32 s7, $0x1;
	s7 =	sadd.s32 s21, s5  }
0x9f: {  	[timem:s9], [sflag:s22] =	dma.local [hbm:s7], s20  }
0xa0: {  	_ =	swait.ge [sflag:s22], s20  }
0xa1: {  	s6 =	ssub.s32 $0x0, s20;
	[sflag:s22] =	ssyncset.done $0x0  }
0xa2: {  	[sflag:s22] =	ssyncadd.s32 s6;
	_ =	sdelay $0x1  }
0xa3: {  	s23 =	simm.s32 $0x1B8B  }
0xa4: {  	_ =	swait.ge [sflag:s23], $0x1  }
0xa5: {  	[sflag:s23] =	ssyncset.done $0x0  }
0xa6: {  	s25 =	simm.s32 $0x1B8E;
	s24 =	sld [smem:$0x3FFE];
	[sflag:s23] =	ssyncadd.s32 $0xFFFFFFFF  }
0xa7: {  	s26 =	simm.s32 $execute0_lowered;
	[smem:$0x3FD2] =	sst s25  }
0xa8: {  	s7 =	sshll.u32 s26, $0x1;
	_ =	strace $0x80000046;
	[dreg:$0x1] =	wrdreg $0xFFFFFFFF  }
0xa9: {  	s28 =	simm.s32 $_size_execute0_lowered;
	s5 =	sadd.s32 s5, s7;
	[dreg:$0x0] =	wrdreg $0x0  }
0xaa: {  	s7 =	sshll.u32 s28, $0x1;
	[dreg:$0x2] =	wrdreg s5  }
0xab: {  	[dreg:$0x3] =	wrdreg s7  }
0xac: {  	[dreg:$0x4] =	wrdreg $0xC0  }
0xad: {  	_ =	task [dreg:s9], $0x5FFFF  }
0xae: {  	[dreg:$0x1] =	wrdreg $0xFFFFFFFF  }
0xaf: {  	[dreg:$0x0] =	wrdreg $0x60  }
0xb0: {  	[dreg:$0x2] =	wrdreg s2  }
0xb1: {  	[dreg:$0x3] =	wrdreg s18  }
0xb2: {  	[dreg:$0x4] =	wrdreg s24  }
0xb3: {  	[dreg:$0x5] =	wrdreg s4  }
0xb4: {  	[dreg:$0x6] =	wrdreg $0x9  }
0xb5: {  	_ =	task.clear_ibuf [dreg:s9], $0x7FFFF;
	_ =	strace $0x90000046  }
0xb6: {  	s29 =	simm.s32 $0x9;
	_ =	strace $0x80000048  }
0xb7: {  	_ =	swait.ge [sflag:s29], $0x1  }
0xb8: {  	[sflag:s29] =	ssyncadd.s32 $0xFFFFFFFF  }
0xb9: {  	_ =	strace $0x90000048  }
0xba: {  	_ =	sfence  }
0xbb: {  	s30 =	sld [smem:$0x0];
	_ =	sdelay $0x2  }
0xbc: {  	s31 =	sshll.u32 s1, $0xD;
	s1 =	sshrl.u32 s1, $0x2  }
0xbd: {  	s3 =	sand.u32 $0x4000, s31;
	s1 =	sadd.s32 s1, s30  }
0xbe: {  	s0 =	sor.u32 s3, s0;
	s1 =	sshll.u32 s1, $0x11  }
0xbf: {  	s0 =	sor.u32 s1, s0  }
0xc0: {  	s0 =	sadd.s32 $0x8F2B, s0  }
0xc1: {  	[sflag:s0] =	ssyncadd.remote.s32 $0x1  }
0xc2: {  	_ =	sfence.sel $0xFFFF  }
0xc3: {  	[dreg:$0x0] =	wrdreg $0xFFFFFFFF;
	(pc) =	sbr.abs _section_cstart, $3  }
0xc4: {  	[dreg:$0x1] =	wrdreg $0xFFFFFFFF  }
0xc5: {  	_ =	task.clear_ibuf [dreg:s9], $0x2FFFF;
	_ =	strace $0x9FFFFFFF  }
0xc6: {  	(tm) =	ssettm $0x7FFFFFFF  }
0xc7: {  	_ =	shalt  }
tec
execute0_lowered:
.L_overlay_start_1:
0x0: {  	(tag) =	ssettag $0x1  }
0x1: {  	s0 =	rddreg [dreg:$0x0]  }
0x2: {  	s3 =	rddreg [dreg:$0x1]  }
0x3: {  	s1 =	rddreg [dreg:$0x2]  }
0x4: {  	s7 =	rddreg [dreg:$0x3];
	s2 =	simm.s32 $0x0;
	s5 =	srdreg.scid  }
0x5: {  	s6 =	stileid.u32;
	s17 =	simm.s32 $0x4;
	s18 =	simm.s32 $0x80  }
0x6: {  	s28 =	simm.s32 $0x4800;
	s30 =	simm.s32 $0xC800;
	s31 =	simm.s32 $0x2  }
0x7: {  	s29 =	simm.s32 $0x3;
	[smem:$0x7FF] =	sst s2;
	s4 =	sadd.s32 $0x1312E00, s1  }
0x8: {  	s5 =	sand.u32 $0x1, s5;
	s6 =	sshll.u32 s6, $0x7;
	_ =	strace $0x80000047  }
0x9: {  	s8 =	ssub.s32 $0x2, s5;
	s9 =	sshll.u32 s5, $0x6;
	s5 =	sadd.s32 $0xF42400, s1  }
0xa: {  	s10 =	sshrl.u32 s8, $0x1;
	s15 =	sor.u32 s9, s6;
	s6 =	sadd.s32 $0x1EA00, s1  }
0xb: {  	s16 =	ssub.s32 s8, s10;
	s23 =	sor.u32 $0x10, s15;
	s24 =	sadd.s32 s0, s15  }
0xc: {  	s25 =	sadd.s32 s3, s15;
	s12 =	sor.u32 $0x20, s15;
	[dreg:$0x5] =	wrdreg s24  }
0xd: {  	s14 =	sor.u32 $0x30, s15;
	s15 =	sadd.s32 s7, s15;
	[dreg:$0x6] =	wrdreg s25  }
0xe: {  	s26 =	sadd.s32 s0, s23;
	s10 =	sadd.s32 s3, s23;
	s11 =	sadd.s32 s0, s12  }
0xf: {  	s12 =	sadd.s32 s3, s12;
	s13 =	sadd.s32 s0, s14;
	s14 =	sadd.s32 s3, s14  }
0x10: {  	v0 =	vlaneseq.u32;
	s16 =	smax.u32 s16, $0x1;
	s0 =	simm.s32 $0x800;
	s24 =	simm.s32 $0x8800  }
0x11: {  	v0 =	vmul.u32 $0x80, v0;
	s25 =	simm.s32 $0x1;
	[dreg:$0x7] =	wrdreg s26;
	s26 =	simm.s32 $0x0  }
.LBB2_1:
0x12: {  	s3 =	rddreg [dreg:$0x5]  }
0x13: {  	[tilespmem:s2], [sflag:$0x4] =	stream.linear.gather [hbm4b:s3+s2], $0x80, $0x38;
	[tilespmem:$0x10E00] =	vst v63  }
0x14: {  	_ =	swait.ge [sflag:s17], $0x80  }
0x15: {  	[sflag:s17] =	ssyncset.done $0x0  }
0x16: {  	s3 =	simm.s32 $0x200;
	s7 =	rddreg [dreg:$0x6];
	[sflag:s17] =	ssyncadd.s32 $0xFFFFFF80  }
0x17: {  	[tilespmem:s3], [sflag:$0x4] =	stream.linear.gather [hbm4b:s7+s2], $0x80, $0x38;
	[tilespmem:$0x10E00] =	vst v63  }
0x18: {  	_ =	swait.ge [sflag:s17], $0x80  }
0x19: {  	[sflag:s17] =	ssyncset.done $0x0  }
0x1a: {  	s8 =	rddreg [dreg:$0x7];
	[sflag:s17] =	ssyncadd.s32 $0xFFFFFF80  }
0x1b: {  	[tilespmem:s18], [sflag:$0x4] =	stream.linear.gather [hbm4b:s8+s2], $0x80, $0x38;
	[tilespmem:$0x10E00] =	vst v63  }
0x1c: {  	_ =	swait.ge [sflag:s17], $0x80  }
0x1d: {  	[sflag:s17] =	ssyncset.done $0x0  }
0x1e: {  	s7 =	simm.s32 $0x280;
	[sflag:s17] =	ssyncadd.s32 $0xFFFFFF80  }
0x1f: {  	[tilespmem:s7], [sflag:$0x4] =	stream.linear.gather [hbm4b:s10+s2], $0x80, $0x38;
	[tilespmem:$0x10E00] =	vst v63  }
0x20: {  	_ =	swait.ge [sflag:s17], $0x80  }
0x21: {  	[sflag:s17] =	ssyncset.done $0x0  }
0x22: {  	s21 =	simm.s32 $0x100;
	[sflag:s17] =	ssyncadd.s32 $0xFFFFFF80  }
0x23: {  	[tilespmem:s21], [sflag:$0x4] =	stream.linear.gather [hbm4b:s11+s2], $0x80, $0x38;
	[tilespmem:$0x10E00] =	vst v63  }
0x24: {  	_ =	swait.ge [sflag:s17], $0x80  }
0x25: {  	[sflag:s17] =	ssyncset.done $0x0  }
0x26: {  	s22 =	simm.s32 $0x300;
	[sflag:s17] =	ssyncadd.s32 $0xFFFFFF80  }
0x27: {  	[tilespmem:s22], [sflag:$0x4] =	stream.linear.gather [hbm4b:s12+s2], $0x80, $0x38;
	[tilespmem:$0x10E00] =	vst v63  }
0x28: {  	_ =	swait.ge [sflag:s17], $0x80  }
0x29: {  	[sflag:s17] =	ssyncset.done $0x0  }
0x2a: {  	s23 =	simm.s32 $0x180;
	[sflag:s17] =	ssyncadd.s32 $0xFFFFFF80  }
0x2b: {  	[tilespmem:s23], [sflag:$0x4] =	stream.linear.gather [hbm4b:s13+s2], $0x80, $0x38;
	[tilespmem:$0x10E00] =	vst v63  }
0x2c: {  	_ =	swait.ge [sflag:s17], $0x80  }
0x2d: {  	[sflag:s17] =	ssyncset.done $0x0  }
0x2e: {  	s8 =	simm.s32 $0x380;
	[sflag:s17] =	ssyncadd.s32 $0xFFFFFF80  }
0x2f: {  	[tilespmem:s8], [sflag:$0x4] =	stream.linear.gather [hbm4b:s14+s2], $0x80, $0x38;
	[tilespmem:$0x10E00] =	vst v63  }
0x30: {  	_ =	swait.ge [sflag:s17], $0x80  }
0x31: {  	[sflag:s17] =	ssyncset.done $0x0  }
0x32: {  	s20 =	simm.s32 $0x10800;
	[sflag:s17] =	ssyncadd.s32 $0xFFFFFF80  }
0x33: {  	[tilespmem:s20], [sflag:$0x1] =	stream.indirect.gather [hbm4b:s6+s18], $0x1, s2, s18, $0xb8;
	[tilespmem:$0x10E00] =	vst v63  }
0x34: {  	s19 =	simm.s32 $0x10A00  }
0x35: {  	[tilespmem:s19], [sflag:$0x1] =	stream.indirect.gather [hbm4b:s1+s18], $0x1, s3, s18, $0xb8;
	[tilespmem:$0x10E00] =	vst v63  }
0x36: {  	s9 =	simm.s32 $0x10880  }
0x37: {  	[tilespmem:s9], [sflag:$0x1] =	stream.indirect.gather [hbm4b:s6+s18], $0x1, s18, s18, $0xb8;
	[tilespmem:$0x10E00] =	vst v63  }
0x38: {  	s9 =	simm.s32 $0x10A80  }
0x39: {  	[tilespmem:s9], [sflag:$0x1] =	stream.indirect.gather [hbm4b:s1+s18], $0x1, s7, s18, $0xb8;
	[tilespmem:$0x10E00] =	vst v63  }
0x3a: {  	s9 =	simm.s32 $0x10900  }
0x3b: {  	[tilespmem:s9], [sflag:$0x1] =	stream.indirect.gather [hbm4b:s6+s18], $0x1, s21, s18, $0xb8;
	[tilespmem:$0x10E00] =	vst v63  }
0x3c: {  	s21 =	simm.s32 $0x10B00  }
0x3d: {  	[tilespmem:s21], [sflag:$0x1] =	stream.indirect.gather [hbm4b:s1+s18], $0x1, s22, s18, $0xb8;
	[tilespmem:$0x10E00] =	vst v63  }
0x3e: {  	s22 =	simm.s32 $0x10980  }
0x3f: {  	[tilespmem:s22], [sflag:$0x1] =	stream.indirect.gather [hbm4b:s6+s18], $0x1, s23, s18, $0xb8;
	[tilespmem:$0x10E00] =	vst v63  }
0x40: {  	s23 =	simm.s32 $0x10B80  }
0x41: {  	[tilespmem:s23], [sflag:$0x1] =	stream.indirect.gather [hbm4b:s1+s18], $0x1, s8, s18, $0xb8;
	[tilespmem:$0x10E00] =	vst v63  }
0x42: {  	v1 =	vld [tilespmem:$0x0]  }
0x43: {  	v2 =	vld [tilespmem:$0x200]  }
0x44: {  	v3 =	vld [tilespmem:$0x80]  }
0x45: {  	v4 =	vld [tilespmem:$0x280]  }
0x46: {  	v5 =	vld [tilespmem:$0x100]  }
0x47: {  	v6 =	vld [tilespmem:$0x300];
	v1 =	vshrl.u32 v1, $0x2  }
0x48: {  	[tilespmem:$0x400] =	vst v1;
	v1 =	vshrl.u32 v2, $0x2;
	v2 =	vld [tilespmem:$0x180]  }
0x49: {  	[tilespmem:$0x600] =	vst v1;
	v1 =	vshrl.u32 v3, $0x2;
	v3 =	vld [tilespmem:$0x380]  }
0x4a: {  	v57 =	vld [tilespmem:$0x10];
	[tilespmem:$0x480] =	vst v1;
	v1 =	vshrl.u32 v4, $0x2  }
0x4b: {  	v58 =	vld [tilespmem:$0x210];
	[tilespmem:$0x680] =	vst v1;
	v1 =	vshrl.u32 v5, $0x2  }
0x4c: {  	v59 =	vld [tilespmem:$0x90];
	[tilespmem:$0x500] =	vst v1;
	v1 =	vshrl.u32 v6, $0x2  }
0x4d: {  	[tilespmem:$0x700] =	vst v1;
	v1 =	vshrl.u32 v2, $0x2;
	v2 =	vld [tilespmem:$0x290]  }
0x4e: {  	[tilespmem:$0x580] =	vst v1;
	v1 =	vshrl.u32 v3, $0x2;
	v3 =	vld [tilespmem:$0x110]  }
0x4f: {  	v60 =	vld [tilespmem:$0x310];
	[tilespmem:$0x780] =	vst v1;
	v1 =	vshrl.u32 v57, $0x2  }
0x50: {  	v61 =	vld [tilespmem:$0x190];
	[tilespmem:$0x410] =	vst v1;
	v1 =	vshrl.u32 v58, $0x2  }
0x51: {  	v62 =	vld [tilespmem:$0x390];
	[tilespmem:$0x610] =	vst v1;
	v1 =	vshrl.u32 v59, $0x2  }
0x52: {  	[tilespmem:$0x490] =	vst v1;
	v1 =	vshrl.u32 v2, $0x2;
	v2 =	vld [tilespmem:$0x20]  }
0x53: {  	[tilespmem:$0x690] =	vst v1;
	v1 =	vshrl.u32 v3, $0x2;
	v3 =	vld [tilespmem:$0x220]  }
0x54: {  	v63 =	vld [tilespmem:$0xA0];
	[tilespmem:$0x510] =	vst v1;
	v1 =	vshrl.u32 v60, $0x2  }
0x55: {  	v9 =	vld [tilespmem:$0x2A0];
	[tilespmem:$0x710] =	vst v1;
	v1 =	vshrl.u32 v61, $0x2  }
0x56: {  	v10 =	vld [tilespmem:$0x120];
	[tilespmem:$0x590] =	vst v1;
	v1 =	vshrl.u32 v62, $0x2  }
0x57: {  	[tilespmem:$0x790] =	vst v1;
	v1 =	vshrl.u32 v2, $0x2;
	v2 =	vld [tilespmem:$0x320]  }
0x58: {  	[tilespmem:$0x420] =	vst v1;
	v1 =	vshrl.u32 v3, $0x2;
	v3 =	vld [tilespmem:$0x1A0]  }
0x59: {  	v11 =	vld [tilespmem:$0x3A0];
	[tilespmem:$0x620] =	vst v1;
	v1 =	vshrl.u32 v63, $0x2  }
0x5a: {  	v12 =	vld [tilespmem:$0x30];
	[tilespmem:$0x4A0] =	vst v1;
	v1 =	vshrl.u32 v9, $0x2  }
0x5b: {  	v13 =	vld [tilespmem:$0x230];
	[tilespmem:$0x6A0] =	vst v1;
	v1 =	vshrl.u32 v10, $0x2  }
0x5c: {  	[tilespmem:$0x520] =	vst v1;
	v1 =	vshrl.u32 v2, $0x2;
	v2 =	vld [tilespmem:$0xB0]  }
0x5d: {  	[tilespmem:$0x720] =	vst v1;
	v1 =	vshrl.u32 v3, $0x2;
	v3 =	vld [tilespmem:$0x2B0]  }
0x5e: {  	v14 =	vld [tilespmem:$0x130];
	[tilespmem:$0x5A0] =	vst v1;
	v1 =	vshrl.u32 v11, $0x2  }
0x5f: {  	v15 =	vld [tilespmem:$0x330];
	[tilespmem:$0x7A0] =	vst v1;
	v1 =	vshrl.u32 v12, $0x2  }
0x60: {  	v16 =	vld [tilespmem:$0x1B0];
	[tilespmem:$0x430] =	vst v1;
	v1 =	vshrl.u32 v13, $0x2  }
0x61: {  	[tilespmem:$0x630] =	vst v1;
	v1 =	vshrl.u32 v2, $0x2;
	v2 =	vld [tilespmem:$0x3B0]  }
0x62: {  	[tilespmem:$0x4B0] =	vst v1;
	v1 =	vshrl.u32 v3, $0x2;
	v3 =	vld [tilespmem:$0x40]  }
0x63: {  	v17 =	vld [tilespmem:$0x240];
	[tilespmem:$0x6B0] =	vst v1;
	v1 =	vshrl.u32 v14, $0x2  }
0x64: {  	v18 =	vld [tilespmem:$0xC0];
	[tilespmem:$0x530] =	vst v1;
	v1 =	vshrl.u32 v15, $0x2  }
0x65: {  	v19 =	vld [tilespmem:$0x2C0];
	[tilespmem:$0x730] =	vst v1;
	v1 =	vshrl.u32 v16, $0x2  }
0x66: {  	[tilespmem:$0x5B0] =	vst v1;
	v1 =	vshrl.u32 v2, $0x2;
	v2 =	vld [tilespmem:$0x140]  }
0x67: {  	[tilespmem:$0x7B0] =	vst v1;
	v1 =	vshrl.u32 v3, $0x2;
	v3 =	vld [tilespmem:$0x340]  }
0x68: {  	v20 =	vld [tilespmem:$0x1C0];
	[tilespmem:$0x440] =	vst v1;
	v1 =	vshrl.u32 v17, $0x2  }
0x69: {  	v21 =	vld [tilespmem:$0x3C0];
	[tilespmem:$0x640] =	vst v1;
	v1 =	vshrl.u32 v18, $0x2  }
0x6a: {  	v22 =	vld [tilespmem:$0x50];
	[tilespmem:$0x4C0] =	vst v1;
	v1 =	vshrl.u32 v19, $0x2  }
0x6b: {  	[tilespmem:$0x6C0] =	vst v1;
	v1 =	vshrl.u32 v2, $0x2;
	v2 =	vld [tilespmem:$0x250]  }
0x6c: {  	[tilespmem:$0x540] =	vst v1;
	v1 =	vshrl.u32 v3, $0x2;
	v3 =	vld [tilespmem:$0xD0]  }
0x6d: {  	v23 =	vld [tilespmem:$0x2D0];
	[tilespmem:$0x740] =	vst v1;
	v1 =	vshrl.u32 v20, $0x2  }
0x6e: {  	v24 =	vld [tilespmem:$0x150];
	[tilespmem:$0x5C0] =	vst v1;
	v1 =	vshrl.u32 v21, $0x2  }
0x6f: {  	v25 =	vld [tilespmem:$0x350];
	[tilespmem:$0x7C0] =	vst v1;
	v1 =	vshrl.u32 v22, $0x2  }
0x70: {  	[tilespmem:$0x450] =	vst v1;
	v1 =	vshrl.u32 v2, $0x2;
	v2 =	vld [tilespmem:$0x1D0]  }
0x71: {  	[tilespmem:$0x650] =	vst v1;
	v1 =	vshrl.u32 v3, $0x2;
	v3 =	vld [tilespmem:$0x3D0]  }
0x72: {  	v26 =	vld [tilespmem:$0x60];
	[tilespmem:$0x4D0] =	vst v1;
	v1 =	vshrl.u32 v23, $0x2  }
0x73: {  	v27 =	vld [tilespmem:$0x260];
	[tilespmem:$0x6D0] =	vst v1;
	v1 =	vshrl.u32 v24, $0x2  }
0x74: {  	v28 =	vld [tilespmem:$0xE0];
	[tilespmem:$0x550] =	vst v1;
	v1 =	vshrl.u32 v25, $0x2  }
0x75: {  	[tilespmem:$0x750] =	vst v1;
	v1 =	vshrl.u32 v2, $0x2;
	v2 =	vld [tilespmem:$0x2E0]  }
0x76: {  	[tilespmem:$0x5D0] =	vst v1;
	v1 =	vshrl.u32 v3, $0x2;
	v3 =	vld [tilespmem:$0x160]  }
0x77: {  	v29 =	vld [tilespmem:$0x360];
	[tilespmem:$0x7D0] =	vst v1;
	v1 =	vshrl.u32 v26, $0x2  }
0x78: {  	v30 =	vld [tilespmem:$0x1E0];
	[tilespmem:$0x460] =	vst v1;
	v1 =	vshrl.u32 v27, $0x2  }
0x79: {  	v31 =	vld [tilespmem:$0x3E0];
	[tilespmem:$0x660] =	vst v1;
	v1 =	vshrl.u32 v28, $0x2  }
0x7a: {  	[tilespmem:$0x4E0] =	vst v1;
	v1 =	vshrl.u32 v2, $0x2;
	v2 =	vld [tilespmem:$0x70]  }
0x7b: {  	[tilespmem:$0x6E0] =	vst v1;
	v1 =	vshrl.u32 v3, $0x2;
	v3 =	vld [tilespmem:$0x270]  }
0x7c: {  	v32 =	vld [tilespmem:$0xF0];
	[tilespmem:$0x560] =	vst v1;
	v1 =	vshrl.u32 v29, $0x2  }
0x7d: {  	v33 =	vld [tilespmem:$0x2F0];
	[tilespmem:$0x760] =	vst v1;
	v1 =	vshrl.u32 v30, $0x2  }
0x7e: {  	v34 =	vld [tilespmem:$0x170];
	[tilespmem:$0x5E0] =	vst v1;
	v1 =	vshrl.u32 v31, $0x2  }
0x7f: {  	[tilespmem:$0x7E0] =	vst v1;
	v1 =	vshrl.u32 v2, $0x2;
	v2 =	vld [tilespmem:$0x370]  }
0x80: {  	[tilespmem:$0x470] =	vst v1;
	v1 =	vshrl.u32 v3, $0x2;
	v3 =	vld [tilespmem:$0x1F0]  }
0x81: {  	v35 =	vld [tilespmem:$0x3F0];
	[tilespmem:$0x670] =	vst v1;
	v1 =	vshrl.u32 v32, $0x2  }
0x82: {  	[tilespmem:$0x4F0] =	vst v1;
	v1 =	vshrl.u32 v33, $0x2  }
0x83: {  	[tilespmem:$0x6F0] =	vst v1;
	v1 =	vshrl.u32 v34, $0x2  }
0x84: {  	[tilespmem:$0x570] =	vst v1;
	v1 =	vshrl.u32 v2, $0x2  }
0x85: {  	[tilespmem:$0x770] =	vst v1;
	v1 =	vshrl.u32 v3, $0x2  }
0x86: {  	[tilespmem:$0x5F0] =	vst v1;
	v1 =	vshrl.u32 v35, $0x2  }
0x87: {  	s9 =	simm.s32 $0x400;
	[tilespmem:$0x7F0] =	vst v1  }
0x88: {  	[tilespmem:s0], [sflag:$0x2] =	stream.indirect.gather [hbm4b:s4+s18], $0x80, s9, s18, $0xb8;
	[tilespmem:$0x10E00] =	vst v63  }
0x89: {  	s21 =	simm.s32 $0x600  }
0x8a: {  	[tilespmem:s24], [sflag:$0x2] =	stream.indirect.gather [hbm4b:s5+s18], $0x80, s21, s18, $0xb8;
	[tilespmem:$0x10E00] =	vst v63  }
0x8b: {  	_ =	swait.ge [sflag:s25], $0x80  }
0x8c: {  	[sflag:s25] =	ssyncset.done $0x0  }
0x8d: {  	[sflag:s25] =	ssyncadd.s32 $0xFFFFFF80  }
0x8e: {  	_ =	swait.ge [sflag:s25], $0x80  }
0x8f: {  	[sflag:s25] =	ssyncset.done $0x0  }
0x90: {  	[sflag:s25] =	ssyncadd.s32 $0xFFFFFF80  }
0x91: {  	_ =	swait.ge [sflag:s25], $0x80  }
0x92: {  	[sflag:s25] =	ssyncset.done $0x0  }
0x93: {  	[sflag:s25] =	ssyncadd.s32 $0xFFFFFF80  }
0x94: {  	_ =	swait.ge [sflag:s25], $0x80  }
0x95: {  	[sflag:s25] =	ssyncset.done $0x0  }
0x96: {  	[sflag:s25] =	ssyncadd.s32 $0xFFFFFF80  }
0x97: {  	_ =	swait.ge [sflag:s25], $0x80  }
0x98: {  	[sflag:s25] =	ssyncset.done $0x0  }
0x99: {  	[sflag:s25] =	ssyncadd.s32 $0xFFFFFF80  }
0x9a: {  	_ =	swait.ge [sflag:s25], $0x80  }
0x9b: {  	[sflag:s25] =	ssyncset.done $0x0  }
0x9c: {  	[sflag:s25] =	ssyncadd.s32 $0xFFFFFF80  }
0x9d: {  	_ =	swait.ge [sflag:s25], $0x80  }
0x9e: {  	[sflag:s25] =	ssyncset.done $0x0  }
0x9f: {  	[sflag:s25] =	ssyncadd.s32 $0xFFFFFF80  }
0xa0: {  	_ =	swait.ge [sflag:s25], $0x80  }
0xa1: {  	[sflag:s25] =	ssyncset.done $0x0  }
0xa2: {  	s22 =	simm.s32 $0x480;
	[sflag:s25] =	ssyncadd.s32 $0xFFFFFF80  }
0xa3: {  	[tilespmem:s28], [sflag:$0x3] =	stream.indirect.gather [hbm4b:s4+s18], $0x80, s22, s18, $0xb8;
	[tilespmem:$0x10E00] =	vst v63  }
0xa4: {  	s23 =	simm.s32 $0x680  }
0xa5: {  	[tilespmem:s30], [sflag:$0x3] =	stream.indirect.gather [hbm4b:s5+s18], $0x80, s23, s18, $0xb8;
	[tilespmem:$0x10E00] =	vst v63  }
0xa6: {  	_ =	swait.ge [sflag:s31], $0x4000  }
0xa7: {  	[sflag:s31] =	ssyncset.done $0x0  }
0xa8: {  	[sflag:s31] =	ssyncadd.s32 $0xFFFFC000  }
0xa9: {  	_ =	swait.ge [sflag:s31], $0x4000  }
0xaa: {  	[sflag:s31] =	ssyncset.done $0x0  }
0xab: {  	[sflag:s31] =	ssyncadd.s32 $0xFFFFC000  }
0xac: {  	v1 =	vld [tilespmem:s2+$0x0]  }
0xad: {  	v2 =	vld [tilespmem:s3+$0x0];
	_ =	sdelay $0x2  }
0xae: {  	v3 =	vmov s2  }
0xaf: {  	v3 =	vshll.u32 v3, $0x7;
	v1 =	vshll.u32 v1, $0x5  }
0xb0: {  	v3 =	vor.u32 v0, v3;
	v2 =	vshll.u32 v2, $0x5;
	v1 =	vand.u32 $0x60, v1  }
0xb1: {  	v36 =	vand.u32 $0x60, v2;
	v2 =	vor.u32 v3, v1  }
0xb2: {  	v1 =	vor.u32 v3, v36  }
0xb3: {  	v3 =	vor.u32 $0x1, v2  }
0xb4: {  	v37 =	vld [tilespmem:s20+$0x0];
	v38 =	vor.u32 $0x1, v1  }
0xb5: {  	v39 =	vld [tilespmem:s19+$0x0];
	v7 =	vor.u32 $0x2, v2  }
0xb6: {  	v9 =	vor.u32 $0x2, v1;
	v8 =	vld.idx.msk [tilespmem:v2+s0+$0x0], $0xffff  }
0xb7: {  	v11 =	vor.u32 $0x3, v2;
	v10 =	vld.idx.msk [tilespmem:v1+s24+$0x0], $0xffff  }
0xb8: {  	v12 =	vor.u32 $0x3, v1;
	v3 =	vld.idx.msk [tilespmem:v3+s0+$0x0], $0xffff  }
0xb9: {  	v13 =	vor.u32 $0x4, v2;
	v5 =	vld.idx.msk [tilespmem:v38+s24+$0x0], $0xffff  }
0xba: {  	v14 =	vor.u32 $0x4, v1;
	v7 =	vld.idx.msk [tilespmem:v7+s0+$0x0], $0xffff  }
0xbb: {  	v15 =	vor.u32 $0x5, v2;
	v9 =	vld.idx.msk [tilespmem:v9+s24+$0x0], $0xffff  }
0xbc: {  	v4 =	vadd.f32 v39, v37;
	v16 =	vor.u32 $0x5, v1;
	v11 =	vld.idx.msk [tilespmem:v11+s0+$0x0], $0xffff;
	v40 =	vmul.f32 v10, v8  }
0xbd: {  	v44 =	vor.u32 $0x6, v1;
	v41 =	vld.idx.msk [tilespmem:v12+s24+$0x0], $0xffff  }
0xbe: {  	v42 =	vor.u32 $0x6, v2;
	v43 =	vld.idx.msk [tilespmem:v13+s0+$0x0], $0xffff;
	v3 =	vmul.f32 v5, v3;
	v4 =	vadd.f32 v40, v4  }
0xbf: {  	v46 =	vor.u32 $0x7, v2;
	v45 =	vld.idx.msk [tilespmem:v14+s24+$0x0], $0xffff  }
0xc0: {  	v48 =	vor.u32 $0x7, v1;
	v47 =	vld.idx.msk [tilespmem:v15+s0+$0x0], $0xffff;
	v49 =	vmul.f32 v9, v7;
	v3 =	vadd.f32 v3, v4  }
0xc1: {  	v52 =	vor.u32 $0x8, v1;
	v50 =	vld.idx.msk [tilespmem:v16+s24+$0x0], $0xffff  }
0xc2: {  	v51 =	vor.u32 $0x8, v2;
	v54 =	vld.idx.msk [tilespmem:v44+s24+$0x0], $0xffff;
	v53 =	vmul.f32 v41, v11;
	v3 =	vadd.f32 v49, v3  }
0xc3: {  	v56 =	vor.u32 $0x9, v1;
	v10 =	vld.idx.msk [tilespmem:v42+s0+$0x0], $0xffff  }
0xc4: {  	v55 =	vor.u32 $0x9, v2;
	v6 =	vld.idx.msk [tilespmem:v46+s0+$0x0], $0xffff;
	v57 =	vmul.f32 v45, v43;
	v3 =	vadd.f32 v53, v3  }
0xc5: {  	v59 =	vor.u32 $0xA, v2;
	v58 =	vld.idx.msk [tilespmem:v48+s24+$0x0], $0xffff  }
0xc6: {  	v60 =	vor.u32 $0xA, v1;
	v62 =	vld.idx.msk [tilespmem:v52+s24+$0x0], $0xffff;
	v61 =	vmul.f32 v50, v47;
	v3 =	vadd.f32 v57, v3  }
0xc7: {  	v63 =	vor.u32 $0xB, v2;
	v9 =	vld.idx.msk [tilespmem:v51+s0+$0x0], $0xffff  }
0xc8: {  	v20 =	vor.u32 $0xB, v1;
	v22 =	vld.idx.msk [tilespmem:v56+s24+$0x0], $0xffff;
	v21 =	vmul.f32 v54, v10;
	v3 =	vadd.f32 v61, v3  }
0xc9: {  	v24 =	vor.u32 $0xC, v1;
	v11 =	vld.idx.msk [tilespmem:v55+s0+$0x0], $0xffff  }
0xca: {  	v23 =	vor.u32 $0xC, v2;
	v12 =	vld.idx.msk [tilespmem:v59+s0+$0x0], $0xffff;
	v25 =	vmul.f32 v58, v6;
	v3 =	vadd.f32 v21, v3  }
0xcb: {  	v28 =	vor.u32 $0xD, v1;
	v26 =	vld.idx.msk [tilespmem:v60+s24+$0x0], $0xffff  }
0xcc: {  	v27 =	vor.u32 $0xD, v2;
	v14 =	vld.idx.msk [tilespmem:v63+s0+$0x0], $0xffff;
	v29 =	vmul.f32 v62, v9;
	v3 =	vadd.f32 v25, v3  }
0xcd: {  	v32 =	vor.u32 $0xE, v1;
	v30 =	vld.idx.msk [tilespmem:v20+s24+$0x0], $0xffff  }
0xce: {  	v31 =	vor.u32 $0xE, v2;
	v34 =	vld.idx.msk [tilespmem:v24+s24+$0x0], $0xffff;
	v33 =	vmul.f32 v22, v11;
	v3 =	vadd.f32 v29, v3  }
0xcf: {  	v36 =	vor.u32 $0xF, v1;
	v10 =	vld.idx.msk [tilespmem:v23+s0+$0x0], $0xffff  }
0xd0: {  	v35 =	vor.u32 $0xF, v2;
	v38 =	vld.idx.msk [tilespmem:v28+s24+$0x0], $0xffff;
	v37 =	vmul.f32 v26, v12;
	v3 =	vadd.f32 v33, v3  }
0xd1: {  	v39 =	vor.u32 $0x10, v2;
	v6 =	vld.idx.msk [tilespmem:v27+s0+$0x0], $0xffff  }
0xd2: {  	v42 =	vld.idx.msk [tilespmem:v32+s24+$0x0], $0xffff;
	v41 =	vmul.f32 v30, v14;
	v40 =	vor.u32 $0x10, v1;
	v3 =	vadd.f32 v37, v3  }
0xd3: {  	v44 =	vor.u32 $0x11, v1;
	v9 =	vld.idx.msk [tilespmem:v31+s0+$0x0], $0xffff  }
0xd4: {  	v46 =	vld.idx.msk [tilespmem:v36+s24+$0x0], $0xffff;
	v43 =	vor.u32 $0x11, v2;
	v45 =	vmul.f32 v34, v10;
	v3 =	vadd.f32 v41, v3  }
0xd5: {  	v48 =	vor.u32 $0x12, v1;
	v11 =	vld.idx.msk [tilespmem:v35+s0+$0x0], $0xffff  }
0xd6: {  	v47 =	vor.u32 $0x12, v2;
	v12 =	vld.idx.msk [tilespmem:v39+s0+$0x0], $0xffff;
	v49 =	vmul.f32 v38, v6;
	v3 =	vadd.f32 v45, v3  }
0xd7: {  	v51 =	vor.u32 $0x13, v2;
	v50 =	vld.idx.msk [tilespmem:v40+s24+$0x0], $0xffff  }
0xd8: {  	v52 =	vor.u32 $0x13, v1;
	v54 =	vld.idx.msk [tilespmem:v44+s24+$0x0], $0xffff;
	v53 =	vmul.f32 v42, v9;
	v3 =	vadd.f32 v49, v3  }
0xd9: {  	v56 =	vor.u32 $0x14, v1;
	v14 =	vld.idx.msk [tilespmem:v43+s0+$0x0], $0xffff  }
0xda: {  	v55 =	vor.u32 $0x14, v2;
	v58 =	vld.idx.msk [tilespmem:v48+s24+$0x0], $0xffff;
	v57 =	vmul.f32 v46, v11;
	v3 =	vadd.f32 v53, v3  }
0xdb: {  	v60 =	vor.u32 $0x15, v1;
	v10 =	vld.idx.msk [tilespmem:v47+s0+$0x0], $0xffff  }
0xdc: {  	v59 =	vor.u32 $0x15, v2;
	v6 =	vld.idx.msk [tilespmem:v51+s0+$0x0], $0xffff;
	v61 =	vmul.f32 v50, v12;
	v3 =	vadd.f32 v57, v3  }
0xdd: {  	v20 =	vor.u32 $0x16, v1;
	v62 =	vld.idx.msk [tilespmem:v52+s24+$0x0], $0xffff  }
0xde: {  	v63 =	vor.u32 $0x16, v2;
	v22 =	vld.idx.msk [tilespmem:v56+s24+$0x0], $0xffff;
	v21 =	vmul.f32 v54, v14;
	v3 =	vadd.f32 v61, v3  }
0xdf: {  	v24 =	vor.u32 $0x17, v1;
	v9 =	vld.idx.msk [tilespmem:v55+s0+$0x0], $0xffff  }
0xe0: {  	v26 =	vld.idx.msk [tilespmem:v60+s24+$0x0], $0xffff;
	v23 =	vor.u32 $0x17, v2;
	v25 =	vmul.f32 v58, v10;
	v3 =	vadd.f32 v21, v3  }
0xe1: {  	v28 =	vor.u32 $0x18, v1;
	v11 =	vld.idx.msk [tilespmem:v59+s0+$0x0], $0xffff  }
0xe2: {  	v27 =	vor.u32 $0x18, v2;
	v30 =	vld.idx.msk [tilespmem:v20+s24+$0x0], $0xffff;
	v29 =	vmul.f32 v62, v6;
	v3 =	vadd.f32 v25, v3  }
0xe3: {  	v32 =	vor.u32 $0x19, v1;
	v12 =	vld.idx.msk [tilespmem:v63+s0+$0x0], $0xffff  }
0xe4: {  	v31 =	vor.u32 $0x19, v2;
	v34 =	vld.idx.msk [tilespmem:v24+s24+$0x0], $0xffff;
	v33 =	vmul.f32 v22, v9;
	v3 =	vadd.f32 v29, v3  }
0xe5: {  	v36 =	vor.u32 $0x1A, v1;
	v14 =	vld.idx.msk [tilespmem:v23+s0+$0x0], $0xffff  }
0xe6: {  	v35 =	vor.u32 $0x1A, v2;
	v38 =	vld.idx.msk [tilespmem:v28+s24+$0x0], $0xffff;
	v37 =	vmul.f32 v26, v11;
	v3 =	vadd.f32 v33, v3  }
0xe7: {  	v40 =	vor.u32 $0x1B, v1;
	v10 =	vld.idx.msk [tilespmem:v27+s0+$0x0], $0xffff  }
0xe8: {  	v39 =	vor.u32 $0x1B, v2;
	v42 =	vld.idx.msk [tilespmem:v32+s24+$0x0], $0xffff;
	v41 =	vmul.f32 v30, v12;
	v3 =	vadd.f32 v37, v3  }
0xe9: {  	v44 =	vor.u32 $0x1C, v1;
	v6 =	vld.idx.msk [tilespmem:v31+s0+$0x0], $0xffff  }
0xea: {  	v43 =	vor.u32 $0x1C, v2;
	v46 =	vld.idx.msk [tilespmem:v36+s24+$0x0], $0xffff;
	v45 =	vmul.f32 v34, v14;
	v3 =	vadd.f32 v41, v3  }
0xeb: {  	v47 =	vor.u32 $0x1D, v2;
	v9 =	vld.idx.msk [tilespmem:v35+s0+$0x0], $0xffff  }
0xec: {  	v48 =	vor.u32 $0x1D, v1;
	v50 =	vld.idx.msk [tilespmem:v40+s24+$0x0], $0xffff;
	v49 =	vmul.f32 v38, v10;
	v3 =	vadd.f32 v45, v3  }
0xed: {  	v52 =	vor.u32 $0x1E, v1;
	v11 =	vld.idx.msk [tilespmem:v39+s0+$0x0], $0xffff  }
0xee: {  	v51 =	vor.u32 $0x1E, v2;
	v54 =	vld.idx.msk [tilespmem:v44+s24+$0x0], $0xffff;
	v53 =	vmul.f32 v42, v6;
	v3 =	vadd.f32 v49, v3  }
0xef: {  	v1 =	vor.u32 $0x1F, v1;
	v12 =	vld.idx.msk [tilespmem:v43+s0+$0x0], $0xffff  }
0xf0: {  	v2 =	vor.u32 $0x1F, v2;
	v55 =	vld.idx.msk [tilespmem:v47+s0+$0x0], $0xffff;
	v56 =	vmul.f32 v46, v9;
	v3 =	vadd.f32 v53, v3  }
0xf1: {  	v57 =	vld.idx.msk [tilespmem:v48+s24+$0x0], $0xffff  }
0xf2: {  	v60 =	vld.idx.msk [tilespmem:v52+s24+$0x0], $0xffff;
	v59 =	vmul.f32 v50, v11;
	v3 =	vadd.f32 v56, v3  }
0xf3: {  	v58 =	vld.idx.msk [tilespmem:v51+s0+$0x0], $0xffff  }
0xf4: {  	v1 =	vld.idx.msk [tilespmem:v1+s24+$0x0], $0xffff;
	v61 =	vmul.f32 v54, v12;
	v3 =	vadd.f32 v59, v3  }
0xf5: {  	v2 =	vld.idx.msk [tilespmem:v2+s0+$0x0], $0xffff  }
0xf6: {  	v62 =	vmul.f32 v57, v55;
	v3 =	vadd.f32 v61, v3;
	_ =	sdelay $0x1  }
0xf7: {  	v63 =	vmul.f32 v60, v58;
	v3 =	vadd.f32 v62, v3;
	_ =	sdelay $0x1  }
0xf8: {  	v1 =	vmul.f32 v1, v2;
	v3 =	vadd.f32 v63, v3;
	_ =	sdelay $0x1  }
0xf9: {  	v1 =	vadd.f32 v1, v3  }
0xfa: {  	s8 =	simm.s32 $0x10C00  }
0xfb: {  	s22 =	simm.s32 $0x10;
	[tilespmem:s8+$0x0] =	vst v1  }
0xfc: {  	s23 =	simm.s32 $0x210;
	v1 =	vld [tilespmem:s22+$0x0]  }
0xfd: {  	s7 =	simm.s32 $0x10;
	s21 =	simm.s32 $0x10C00;
	s3 =	simm.s32 $0x20;
	v2 =	vld [tilespmem:s23+$0x0]  }
.LBB2_2:
0xfe: {  	p0 =	sne.s32 s3, $0x70;
	_ =	sdelay $0x1  }
0xff: {  	v3 =	vmov s22;
	s22 =	smov.u32 s3  }
0x100: {  	v3 =	vshll.u32 v3, $0x7;
	v1 =	vshll.u32 v1, $0x5  }
0x101: {  	v3 =	vor.u32 v0, v3;
	v1 =	vand.u32 $0x60, v1;
	v2 =	vshll.u32 v2, $0x5  }
0x102: {  	v4 =	vand.u32 $0x60, v2;
	v2 =	vor.u32 v3, v1  }
0x103: {  	v1 =	vor.u32 v3, v4  }
0x104: {  	s20 =	sadd.s32 $0x10, s20;
	v3 =	vor.u32 $0x1, v2  }
0x105: {  	s19 =	sadd.s32 $0x10, s19;
	v5 =	vor.u32 $0x1, v1;
	v4 =	vld [tilespmem:s20+$0x0]  }
0x106: {  	v7 =	vor.u32 $0x2, v2;
	v6 =	vld [tilespmem:s19+$0x0]  }
0x107: {  	v9 =	vor.u32 $0x2, v1;
	v8 =	vld.idx.msk [tilespmem:v2+s0+$0x0], $0xffff  }
0x108: {  	v11 =	vor.u32 $0x3, v2;
	v10 =	vld.idx.msk [tilespmem:v1+s24+$0x0], $0xffff  }
0x109: {  	v12 =	vor.u32 $0x3, v1;
	v3 =	vld.idx.msk [tilespmem:v3+s0+$0x0], $0xffff  }
0x10a: {  	v13 =	vor.u32 $0x4, v2;
	v5 =	vld.idx.msk [tilespmem:v5+s24+$0x0], $0xffff  }
0x10b: {  	v14 =	vor.u32 $0x4, v1;
	v7 =	vld.idx.msk [tilespmem:v7+s0+$0x0], $0xffff  }
0x10c: {  	v15 =	vor.u32 $0x5, v2;
	v9 =	vld.idx.msk [tilespmem:v9+s24+$0x0], $0xffff  }
0x10d: {  	v16 =	vor.u32 $0x5, v1;
	v11 =	vld.idx.msk [tilespmem:v11+s0+$0x0], $0xffff  }
0x10e: {  	v4 =	vadd.f32 v6, v4;
	v6 =	vmul.f32 v10, v8;
	v10 =	vor.u32 $0x6, v2;
	v8 =	vld.idx.msk [tilespmem:v12+s24+$0x0], $0xffff  }
0x10f: {  	v12 =	vld.idx.msk [tilespmem:v13+s0+$0x0], $0xffff;
	v13 =	vor.u32 $0x6, v1  }
0x110: {  	v4 =	vadd.f32 v6, v4;
	v3 =	vmul.f32 v5, v3;
	v6 =	vor.u32 $0x7, v2;
	v5 =	vld.idx.msk [tilespmem:v14+s24+$0x0], $0xffff  }
0x111: {  	v14 =	vld.idx.msk [tilespmem:v15+s0+$0x0], $0xffff;
	v15 =	vor.u32 $0x7, v1  }
0x112: {  	v3 =	vadd.f32 v3, v4;
	v4 =	vmul.f32 v9, v7;
	v9 =	vor.u32 $0x8, v2;
	v7 =	vld.idx.msk [tilespmem:v16+s24+$0x0], $0xffff  }
0x113: {  	v16 =	vor.u32 $0x8, v1;
	v10 =	vld.idx.msk [tilespmem:v10+s0+$0x0], $0xffff  }
0x114: {  	v3 =	vadd.f32 v4, v3;
	v4 =	vmul.f32 v8, v11;
	v11 =	vor.u32 $0x9, v2;
	v8 =	vld.idx.msk [tilespmem:v13+s24+$0x0], $0xffff  }
0x115: {  	v13 =	vor.u32 $0x9, v1;
	v6 =	vld.idx.msk [tilespmem:v6+s0+$0x0], $0xffff  }
0x116: {  	v3 =	vadd.f32 v4, v3;
	v4 =	vmul.f32 v5, v12;
	v12 =	vor.u32 $0xA, v2;
	v5 =	vld.idx.msk [tilespmem:v15+s24+$0x0], $0xffff  }
0x117: {  	v15 =	vor.u32 $0xA, v1;
	v9 =	vld.idx.msk [tilespmem:v9+s0+$0x0], $0xffff  }
0x118: {  	v3 =	vadd.f32 v4, v3;
	v4 =	vmul.f32 v7, v14;
	v14 =	vor.u32 $0xB, v2;
	v7 =	vld.idx.msk [tilespmem:v16+s24+$0x0], $0xffff  }
0x119: {  	v16 =	vor.u32 $0xB, v1;
	v11 =	vld.idx.msk [tilespmem:v11+s0+$0x0], $0xffff  }
0x11a: {  	v3 =	vadd.f32 v4, v3;
	v4 =	vmul.f32 v8, v10;
	v10 =	vor.u32 $0xC, v2;
	v8 =	vld.idx.msk [tilespmem:v13+s24+$0x0], $0xffff  }
0x11b: {  	v13 =	vor.u32 $0xC, v1;
	v12 =	vld.idx.msk [tilespmem:v12+s0+$0x0], $0xffff  }
0x11c: {  	v3 =	vadd.f32 v4, v3;
	v4 =	vmul.f32 v5, v6;
	v6 =	vor.u32 $0xD, v2;
	v5 =	vld.idx.msk [tilespmem:v15+s24+$0x0], $0xffff  }
0x11d: {  	v15 =	vor.u32 $0xD, v1;
	v14 =	vld.idx.msk [tilespmem:v14+s0+$0x0], $0xffff  }
0x11e: {  	v3 =	vadd.f32 v4, v3;
	v4 =	vmul.f32 v7, v9;
	v9 =	vor.u32 $0xE, v2;
	v7 =	vld.idx.msk [tilespmem:v16+s24+$0x0], $0xffff  }
0x11f: {  	v16 =	vor.u32 $0xE, v1;
	v10 =	vld.idx.msk [tilespmem:v10+s0+$0x0], $0xffff  }
0x120: {  	v3 =	vadd.f32 v4, v3;
	v4 =	vmul.f32 v8, v11;
	v11 =	vor.u32 $0xF, v2;
	v8 =	vld.idx.msk [tilespmem:v13+s24+$0x0], $0xffff  }
0x121: {  	v13 =	vor.u32 $0xF, v1;
	v6 =	vld.idx.msk [tilespmem:v6+s0+$0x0], $0xffff  }
0x122: {  	v3 =	vadd.f32 v4, v3;
	v4 =	vmul.f32 v5, v12;
	v12 =	vor.u32 $0x10, v2;
	v5 =	vld.idx.msk [tilespmem:v15+s24+$0x0], $0xffff  }
0x123: {  	v15 =	vor.u32 $0x10, v1;
	v9 =	vld.idx.msk [tilespmem:v9+s0+$0x0], $0xffff  }
0x124: {  	v3 =	vadd.f32 v4, v3;
	v4 =	vmul.f32 v7, v14;
	v14 =	vor.u32 $0x11, v2;
	v7 =	vld.idx.msk [tilespmem:v16+s24+$0x0], $0xffff  }
0x125: {  	v16 =	vor.u32 $0x11, v1;
	v11 =	vld.idx.msk [tilespmem:v11+s0+$0x0], $0xffff  }
0x126: {  	v3 =	vadd.f32 v4, v3;
	v4 =	vmul.f32 v8, v10;
	v10 =	vor.u32 $0x12, v2;
	v8 =	vld.idx.msk [tilespmem:v13+s24+$0x0], $0xffff  }
0x127: {  	v13 =	vor.u32 $0x12, v1;
	v12 =	vld.idx.msk [tilespmem:v12+s0+$0x0], $0xffff  }
0x128: {  	v3 =	vadd.f32 v4, v3;
	v4 =	vmul.f32 v5, v6;
	v6 =	vor.u32 $0x13, v2;
	v5 =	vld.idx.msk [tilespmem:v15+s24+$0x0], $0xffff  }
0x129: {  	v15 =	vor.u32 $0x13, v1;
	v14 =	vld.idx.msk [tilespmem:v14+s0+$0x0], $0xffff  }
0x12a: {  	v3 =	vadd.f32 v4, v3;
	v4 =	vmul.f32 v7, v9;
	v9 =	vor.u32 $0x14, v2;
	v7 =	vld.idx.msk [tilespmem:v16+s24+$0x0], $0xffff  }
0x12b: {  	v16 =	vor.u32 $0x14, v1;
	v10 =	vld.idx.msk [tilespmem:v10+s0+$0x0], $0xffff  }
0x12c: {  	v3 =	vadd.f32 v4, v3;
	v4 =	vmul.f32 v8, v11;
	v11 =	vor.u32 $0x15, v2;
	v8 =	vld.idx.msk [tilespmem:v13+s24+$0x0], $0xffff  }
0x12d: {  	v13 =	vor.u32 $0x15, v1;
	v6 =	vld.idx.msk [tilespmem:v6+s0+$0x0], $0xffff  }
0x12e: {  	v3 =	vadd.f32 v4, v3;
	v4 =	vmul.f32 v5, v12;
	v12 =	vor.u32 $0x16, v2;
	v5 =	vld.idx.msk [tilespmem:v15+s24+$0x0], $0xffff  }
0x12f: {  	v15 =	vor.u32 $0x16, v1;
	v9 =	vld.idx.msk [tilespmem:v9+s0+$0x0], $0xffff  }
0x130: {  	v3 =	vadd.f32 v4, v3;
	v4 =	vmul.f32 v7, v14;
	v14 =	vor.u32 $0x17, v2;
	v7 =	vld.idx.msk [tilespmem:v16+s24+$0x0], $0xffff  }
0x131: {  	v16 =	vor.u32 $0x17, v1;
	v11 =	vld.idx.msk [tilespmem:v11+s0+$0x0], $0xffff  }
0x132: {  	v3 =	vadd.f32 v4, v3;
	v4 =	vmul.f32 v8, v10;
	v10 =	vor.u32 $0x18, v2;
	v8 =	vld.idx.msk [tilespmem:v13+s24+$0x0], $0xffff  }
0x133: {  	v13 =	vor.u32 $0x18, v1;
	v12 =	vld.idx.msk [tilespmem:v12+s0+$0x0], $0xffff  }
0x134: {  	v3 =	vadd.f32 v4, v3;
	v4 =	vmul.f32 v5, v6;
	v6 =	vor.u32 $0x19, v2;
	v5 =	vld.idx.msk [tilespmem:v15+s24+$0x0], $0xffff  }
0x135: {  	v15 =	vor.u32 $0x19, v1;
	v14 =	vld.idx.msk [tilespmem:v14+s0+$0x0], $0xffff  }
0x136: {  	v3 =	vadd.f32 v4, v3;
	v4 =	vmul.f32 v7, v9;
	v9 =	vor.u32 $0x1A, v2;
	v7 =	vld.idx.msk [tilespmem:v16+s24+$0x0], $0xffff  }
0x137: {  	v16 =	vor.u32 $0x1A, v1;
	v10 =	vld.idx.msk [tilespmem:v10+s0+$0x0], $0xffff  }
0x138: {  	v3 =	vadd.f32 v4, v3;
	v4 =	vmul.f32 v8, v11;
	v11 =	vor.u32 $0x1B, v2;
	v8 =	vld.idx.msk [tilespmem:v13+s24+$0x0], $0xffff  }
0x139: {  	v13 =	vor.u32 $0x1B, v1;
	v6 =	vld.idx.msk [tilespmem:v6+s0+$0x0], $0xffff  }
0x13a: {  	v3 =	vadd.f32 v4, v3;
	v4 =	vmul.f32 v5, v12;
	v12 =	vor.u32 $0x1C, v2;
	v5 =	vld.idx.msk [tilespmem:v15+s24+$0x0], $0xffff  }
0x13b: {  	v15 =	vor.u32 $0x1C, v1;
	v9 =	vld.idx.msk [tilespmem:v9+s0+$0x0], $0xffff  }
0x13c: {  	v3 =	vadd.f32 v4, v3;
	v4 =	vmul.f32 v7, v14;
	v14 =	vor.u32 $0x1D, v2;
	v7 =	vld.idx.msk [tilespmem:v16+s24+$0x0], $0xffff  }
0x13d: {  	v16 =	vor.u32 $0x1D, v1;
	v11 =	vld.idx.msk [tilespmem:v11+s0+$0x0], $0xffff  }
0x13e: {  	v3 =	vadd.f32 v4, v3;
	v4 =	vmul.f32 v8, v10;
	v10 =	vor.u32 $0x1E, v2;
	v8 =	vld.idx.msk [tilespmem:v13+s24+$0x0], $0xffff  }
0x13f: {  	v13 =	vor.u32 $0x1E, v1;
	v12 =	vld.idx.msk [tilespmem:v12+s0+$0x0], $0xffff  }
0x140: {  	v2 =	vor.u32 $0x1F, v2;
	v3 =	vadd.f32 v4, v3;
	v4 =	vmul.f32 v5, v6;
	v5 =	vld.idx.msk [tilespmem:v15+s24+$0x0], $0xffff  }
0x141: {  	v1 =	vor.u32 $0x1F, v1;
	v6 =	vld.idx.msk [tilespmem:v14+s0+$0x0], $0xffff  }
0x142: {  	v3 =	vadd.f32 v4, v3;
	v4 =	vmul.f32 v7, v9;
	v7 =	vld.idx.msk [tilespmem:v16+s24+$0x0], $0xffff  }
0x143: {  	v9 =	vld.idx.msk [tilespmem:v10+s0+$0x0], $0xffff  }
0x144: {  	v3 =	vadd.f32 v4, v3;
	v4 =	vmul.f32 v8, v11;
	v8 =	vld.idx.msk [tilespmem:v13+s24+$0x0], $0xffff  }
0x145: {  	v2 =	vld.idx.msk [tilespmem:v2+s0+$0x0], $0xffff  }
0x146: {  	v3 =	vadd.f32 v4, v3;
	v4 =	vmul.f32 v5, v12;
	v1 =	vld.idx.msk [tilespmem:v1+s24+$0x0], $0xffff;
	_ =	sdelay $0x1  }
0x147: {  	v3 =	vadd.f32 v4, v3;
	v4 =	vmul.f32 v7, v6;
	_ =	sdelay $0x1  }
0x148: {  	v3 =	vadd.f32 v4, v3;
	v4 =	vmul.f32 v8, v9;
	_ =	sdelay $0x1  }
0x149: {  	v3 =	vadd.f32 v4, v3;
	v1 =	vmul.f32 v1, v2;
	_ =	sdelay $0x1  }
.Ltmp0:
0x14a: {  	v1 =	vadd.f32 v1, v3;
	(pc) =	sbr.rel @p0 .LBB2_2-.Ltmp0, $4  }
0x14b: {  	s21 =	sadd.s32 $0x10, s21  }
0x14c: {  	s7 =	sadd.s32 $0x10, s7;
	[tilespmem:s21+$0x0] =	vst v1  }
0x14d: {  	s23 =	sadd.s32 $0x10, s23;
	v1 =	vld [tilespmem:s7+$0x0]  }
0x14e: {  	s3 =	sadd.s32 $0x10, s3;
	v2 =	vld [tilespmem:s23+$0x0]  }
0x14f: {  	_ =	sdelay $0x1  }
0x150: {  	v3 =	vmov s22  }
0x151: {  	v3 =	vshll.u32 v3, $0x7;
	v1 =	vshll.u32 v1, $0x5  }
0x152: {  	v3 =	vor.u32 v0, v3;
	v1 =	vand.u32 $0x60, v1;
	v2 =	vshll.u32 v2, $0x5  }
0x153: {  	v4 =	vand.u32 $0x60, v2;
	v2 =	vor.u32 v3, v1  }
0x154: {  	v1 =	vor.u32 v3, v4  }
0x155: {  	s3 =	sadd.s32 $0x10, s20;
	v3 =	vor.u32 $0x1, v2  }
0x156: {  	s9 =	sadd.s32 $0x10, s19;
	v50 =	vld [tilespmem:s3+$0x0];
	v5 =	vor.u32 $0x1, v1  }
0x157: {  	v6 =	vld [tilespmem:s9+$0x0];
	v7 =	vor.u32 $0x2, v2  }
0x158: {  	v9 =	vor.u32 $0x2, v1;
	v8 =	vld.idx.msk [tilespmem:v2+s0+$0x0], $0xffff  }
0x159: {  	v11 =	vor.u32 $0x3, v2;
	v10 =	vld.idx.msk [tilespmem:v1+s24+$0x0], $0xffff  }
0x15a: {  	v12 =	vor.u32 $0x3, v1;
	v3 =	vld.idx.msk [tilespmem:v3+s0+$0x0], $0xffff  }
0x15b: {  	v13 =	vor.u32 $0x4, v2;
	v5 =	vld.idx.msk [tilespmem:v5+s24+$0x0], $0xffff  }
0x15c: {  	v14 =	vor.u32 $0x4, v1;
	v7 =	vld.idx.msk [tilespmem:v7+s0+$0x0], $0xffff  }
0x15d: {  	v15 =	vor.u32 $0x5, v2;
	v9 =	vld.idx.msk [tilespmem:v9+s24+$0x0], $0xffff  }
0x15e: {  	v4 =	vadd.f32 v6, v50;
	v16 =	vor.u32 $0x5, v1;
	v11 =	vld.idx.msk [tilespmem:v11+s0+$0x0], $0xffff;
	v51 =	vmul.f32 v10, v8  }
0x15f: {  	v55 =	vor.u32 $0x6, v1;
	v52 =	vld.idx.msk [tilespmem:v12+s24+$0x0], $0xffff  }
0x160: {  	v53 =	vor.u32 $0x6, v2;
	v54 =	vld.idx.msk [tilespmem:v13+s0+$0x0], $0xffff;
	v3 =	vmul.f32 v5, v3;
	v4 =	vadd.f32 v51, v4  }
0x161: {  	v57 =	vor.u32 $0x7, v2;
	v56 =	vld.idx.msk [tilespmem:v14+s24+$0x0], $0xffff  }
0x162: {  	v59 =	vor.u32 $0x7, v1;
	v58 =	vld.idx.msk [tilespmem:v15+s0+$0x0], $0xffff;
	v60 =	vmul.f32 v9, v7;
	v3 =	vadd.f32 v3, v4  }
0x163: {  	v63 =	vor.u32 $0x8, v1;
	v61 =	vld.idx.msk [tilespmem:v16+s24+$0x0], $0xffff  }
0x164: {  	v62 =	vor.u32 $0x8, v2;
	v20 =	vld.idx.msk [tilespmem:v55+s24+$0x0], $0xffff;
	v19 =	vmul.f32 v52, v11;
	v3 =	vadd.f32 v60, v3  }
0x165: {  	v22 =	vor.u32 $0x9, v1;
	v10 =	vld.idx.msk [tilespmem:v53+s0+$0x0], $0xffff  }
0x166: {  	v21 =	vor.u32 $0x9, v2;
	v6 =	vld.idx.msk [tilespmem:v57+s0+$0x0], $0xffff;
	v23 =	vmul.f32 v56, v54;
	v3 =	vadd.f32 v19, v3  }
0x167: {  	v25 =	vor.u32 $0xA, v2;
	v24 =	vld.idx.msk [tilespmem:v59+s24+$0x0], $0xffff  }
0x168: {  	v26 =	vor.u32 $0xA, v1;
	v28 =	vld.idx.msk [tilespmem:v63+s24+$0x0], $0xffff;
	v27 =	vmul.f32 v61, v58;
	v3 =	vadd.f32 v23, v3  }
0x169: {  	v29 =	vor.u32 $0xB, v2;
	v9 =	vld.idx.msk [tilespmem:v62+s0+$0x0], $0xffff  }
0x16a: {  	v30 =	vor.u32 $0xB, v1;
	v32 =	vld.idx.msk [tilespmem:v22+s24+$0x0], $0xffff;
	v31 =	vmul.f32 v20, v10;
	v3 =	vadd.f32 v27, v3  }
0x16b: {  	v34 =	vor.u32 $0xC, v1;
	v11 =	vld.idx.msk [tilespmem:v21+s0+$0x0], $0xffff  }
0x16c: {  	v33 =	vor.u32 $0xC, v2;
	v12 =	vld.idx.msk [tilespmem:v25+s0+$0x0], $0xffff;
	v35 =	vmul.f32 v24, v6;
	v3 =	vadd.f32 v31, v3  }
0x16d: {  	v38 =	vor.u32 $0xD, v1;
	v36 =	vld.idx.msk [tilespmem:v26+s24+$0x0], $0xffff  }
0x16e: {  	v37 =	vor.u32 $0xD, v2;
	v14 =	vld.idx.msk [tilespmem:v29+s0+$0x0], $0xffff;
	v39 =	vmul.f32 v28, v9;
	v3 =	vadd.f32 v35, v3  }
0x16f: {  	v42 =	vor.u32 $0xE, v1;
	v40 =	vld.idx.msk [tilespmem:v30+s24+$0x0], $0xffff  }
0x170: {  	v41 =	vor.u32 $0xE, v2;
	v44 =	vld.idx.msk [tilespmem:v34+s24+$0x0], $0xffff;
	v43 =	vmul.f32 v32, v11;
	v3 =	vadd.f32 v39, v3  }
0x171: {  	v46 =	vor.u32 $0xF, v1;
	v10 =	vld.idx.msk [tilespmem:v33+s0+$0x0], $0xffff  }
0x172: {  	v45 =	vor.u32 $0xF, v2;
	v48 =	vld.idx.msk [tilespmem:v38+s24+$0x0], $0xffff;
	v47 =	vmul.f32 v36, v12;
	v3 =	vadd.f32 v43, v3  }
0x173: {  	v49 =	vor.u32 $0x10, v2;
	v6 =	vld.idx.msk [tilespmem:v37+s0+$0x0], $0xffff  }
0x174: {  	v50 =	vor.u32 $0x10, v1;
	v52 =	vld.idx.msk [tilespmem:v42+s24+$0x0], $0xffff;
	v51 =	vmul.f32 v40, v14;
	v3 =	vadd.f32 v47, v3  }
0x175: {  	v53 =	vor.u32 $0x11, v2;
	v9 =	vld.idx.msk [tilespmem:v41+s0+$0x0], $0xffff  }
0x176: {  	v54 =	vor.u32 $0x11, v1;
	v56 =	vld.idx.msk [tilespmem:v46+s24+$0x0], $0xffff;
	v55 =	vmul.f32 v44, v10;
	v3 =	vadd.f32 v51, v3  }
0x177: {  	v58 =	vor.u32 $0x12, v1;
	v11 =	vld.idx.msk [tilespmem:v45+s0+$0x0], $0xffff  }
0x178: {  	v57 =	vor.u32 $0x12, v2;
	v12 =	vld.idx.msk [tilespmem:v49+s0+$0x0], $0xffff;
	v59 =	vmul.f32 v48, v6;
	v3 =	vadd.f32 v55, v3  }
0x179: {  	v61 =	vor.u32 $0x13, v2;
	v60 =	vld.idx.msk [tilespmem:v50+s24+$0x0], $0xffff  }
0x17a: {  	v62 =	vor.u32 $0x13, v1;
	v14 =	vld.idx.msk [tilespmem:v53+s0+$0x0], $0xffff;
	v63 =	vmul.f32 v52, v9;
	v3 =	vadd.f32 v59, v3  }
0x17b: {  	v22 =	vor.u32 $0x14, v1;
	v20 =	vld.idx.msk [tilespmem:v54+s24+$0x0], $0xffff  }
0x17c: {  	v21 =	vor.u32 $0x14, v2;
	v24 =	vld.idx.msk [tilespmem:v58+s24+$0x0], $0xffff;
	v23 =	vmul.f32 v56, v11;
	v3 =	vadd.f32 v63, v3  }
0x17d: {  	v26 =	vor.u32 $0x15, v1;
	v10 =	vld.idx.msk [tilespmem:v57+s0+$0x0], $0xffff  }
0x17e: {  	v25 =	vor.u32 $0x15, v2;
	v6 =	vld.idx.msk [tilespmem:v61+s0+$0x0], $0xffff;
	v27 =	vmul.f32 v60, v12;
	v3 =	vadd.f32 v23, v3  }
0x17f: {  	v30 =	vor.u32 $0x16, v1;
	v28 =	vld.idx.msk [tilespmem:v62+s24+$0x0], $0xffff  }
0x180: {  	v29 =	vor.u32 $0x16, v2;
	v32 =	vld.idx.msk [tilespmem:v22+s24+$0x0], $0xffff;
	v31 =	vmul.f32 v20, v14;
	v3 =	vadd.f32 v27, v3  }
0x181: {  	v34 =	vor.u32 $0x17, v1;
	v9 =	vld.idx.msk [tilespmem:v21+s0+$0x0], $0xffff  }
0x182: {  	v36 =	vld.idx.msk [tilespmem:v26+s24+$0x0], $0xffff;
	v33 =	vor.u32 $0x17, v2;
	v35 =	vmul.f32 v24, v10;
	v3 =	vadd.f32 v31, v3  }
0x183: {  	v38 =	vor.u32 $0x18, v1;
	v11 =	vld.idx.msk [tilespmem:v25+s0+$0x0], $0xffff  }
0x184: {  	v37 =	vor.u32 $0x18, v2;
	v40 =	vld.idx.msk [tilespmem:v30+s24+$0x0], $0xffff;
	v39 =	vmul.f32 v28, v6;
	v3 =	vadd.f32 v35, v3  }
0x185: {  	v42 =	vor.u32 $0x19, v1;
	v12 =	vld.idx.msk [tilespmem:v29+s0+$0x0], $0xffff  }
0x186: {  	v41 =	vor.u32 $0x19, v2;
	v44 =	vld.idx.msk [tilespmem:v34+s24+$0x0], $0xffff;
	v43 =	vmul.f32 v32, v9;
	v3 =	vadd.f32 v39, v3  }
0x187: {  	v46 =	vor.u32 $0x1A, v1;
	v14 =	vld.idx.msk [tilespmem:v33+s0+$0x0], $0xffff  }
0x188: {  	v45 =	vor.u32 $0x1A, v2;
	v48 =	vld.idx.msk [tilespmem:v38+s24+$0x0], $0xffff;
	v47 =	vmul.f32 v36, v11;
	v3 =	vadd.f32 v43, v3  }
0x189: {  	v50 =	vor.u32 $0x1B, v1;
	v10 =	vld.idx.msk [tilespmem:v37+s0+$0x0], $0xffff  }
0x18a: {  	v49 =	vor.u32 $0x1B, v2;
	v52 =	vld.idx.msk [tilespmem:v42+s24+$0x0], $0xffff;
	v51 =	vmul.f32 v40, v12;
	v3 =	vadd.f32 v47, v3  }
0x18b: {  	v54 =	vor.u32 $0x1C, v1;
	v6 =	vld.idx.msk [tilespmem:v41+s0+$0x0], $0xffff  }
0x18c: {  	v53 =	vor.u32 $0x1C, v2;
	v56 =	vld.idx.msk [tilespmem:v46+s24+$0x0], $0xffff;
	v55 =	vmul.f32 v44, v14;
	v3 =	vadd.f32 v51, v3  }
0x18d: {  	v58 =	vor.u32 $0x1D, v1;
	v9 =	vld.idx.msk [tilespmem:v45+s0+$0x0], $0xffff  }
0x18e: {  	v57 =	vor.u32 $0x1D, v2;
	v60 =	vld.idx.msk [tilespmem:v50+s24+$0x0], $0xffff;
	v59 =	vmul.f32 v48, v10;
	v3 =	vadd.f32 v55, v3  }
0x18f: {  	v62 =	vor.u32 $0x1E, v1;
	v11 =	vld.idx.msk [tilespmem:v49+s0+$0x0], $0xffff  }
0x190: {  	v61 =	vor.u32 $0x1E, v2;
	v15 =	vld.idx.msk [tilespmem:v54+s24+$0x0], $0xffff;
	v63 =	vmul.f32 v52, v6;
	v3 =	vadd.f32 v59, v3  }
0x191: {  	v1 =	vor.u32 $0x1F, v1;
	v12 =	vld.idx.msk [tilespmem:v53+s0+$0x0], $0xffff  }
0x192: {  	v2 =	vor.u32 $0x1F, v2;
	v19 =	vld.idx.msk [tilespmem:v58+s24+$0x0], $0xffff;
	v18 =	vmul.f32 v56, v9;
	v3 =	vadd.f32 v63, v3  }
0x193: {  	v17 =	vld.idx.msk [tilespmem:v57+s0+$0x0], $0xffff  }
0x194: {  	v22 =	vld.idx.msk [tilespmem:v62+s24+$0x0], $0xffff;
	v21 =	vmul.f32 v60, v11;
	v3 =	vadd.f32 v18, v3  }
0x195: {  	v20 =	vld.idx.msk [tilespmem:v61+s0+$0x0], $0xffff  }
0x196: {  	v1 =	vld.idx.msk [tilespmem:v1+s24+$0x0], $0xffff;
	v23 =	vmul.f32 v15, v12;
	v3 =	vadd.f32 v21, v3  }
0x197: {  	v2 =	vld.idx.msk [tilespmem:v2+s0+$0x0], $0xffff  }
0x198: {  	v24 =	vmul.f32 v19, v17;
	v3 =	vadd.f32 v23, v3;
	_ =	sdelay $0x1  }
0x199: {  	v25 =	vmul.f32 v22, v20;
	v3 =	vadd.f32 v24, v3;
	_ =	sdelay $0x1  }
0x19a: {  	v1 =	vmul.f32 v1, v2;
	v3 =	vadd.f32 v25, v3;
	_ =	sdelay $0x1  }
0x19b: {  	v1 =	vadd.f32 v1, v3  }
0x19c: {  	s19 =	sadd.s32 $0x10, s21  }
0x19d: {  	s20 =	simm.s32 $0x80;
	s7 =	simm.s32 $0x500;
	[tilespmem:s19+$0x0] =	vst v1  }
0x19e: {  	[tilespmem:s0], [sflag:$0x2] =	stream.indirect.gather [hbm4b:s4+s20], $0x80, s7, s20, $0xb8;
	[tilespmem:$0x10E00] =	vst v63  }
0x19f: {  	s21 =	simm.s32 $0x700  }
0x1a0: {  	[tilespmem:s24], [sflag:$0x2] =	stream.indirect.gather [hbm4b:s5+s20], $0x80, s21, s20, $0xb8;
	[tilespmem:$0x10E00] =	vst v63  }
0x1a1: {  	_ =	swait.ge [sflag:s29], $0x4000  }
0x1a2: {  	[sflag:s29] =	ssyncset.done $0x0  }
0x1a3: {  	[sflag:s29] =	ssyncadd.s32 $0xFFFFC000  }
0x1a4: {  	_ =	swait.ge [sflag:s29], $0x4000  }
0x1a5: {  	[sflag:s29] =	ssyncset.done $0x0  }
0x1a6: {  	[sflag:s29] =	ssyncadd.s32 $0xFFFFC000  }
0x1a7: {  	s22 =	simm.s32 $0x280;
	v1 =	vld [tilespmem:s20+$0x0]  }
0x1a8: {  	v2 =	vld [tilespmem:s22+$0x0];
	_ =	sdelay $0x1  }
0x1a9: {  	s23 =	simm.s32 $0x0  }
0x1aa: {  	v3 =	vmov s23  }
0x1ab: {  	v3 =	vshll.u32 v3, $0x7;
	v1 =	vshll.u32 v1, $0x5  }
0x1ac: {  	v3 =	vor.u32 v0, v3;
	v2 =	vshll.u32 v2, $0x5;
	v1 =	vand.u32 $0x60, v1  }
0x1ad: {  	v26 =	vand.u32 $0x60, v2;
	v2 =	vor.u32 v3, v1  }
0x1ae: {  	v1 =	vor.u32 v3, v26  }
0x1af: {  	s19 =	simm.s32 $0x10A80;
	v3 =	vor.u32 $0x1, v2  }
0x1b0: {  	s20 =	simm.s32 $0x10880;
	v29 =	vld [tilespmem:s19+$0x0];
	v28 =	vor.u32 $0x1, v1  }
0x1b1: {  	v27 =	vld [tilespmem:s20+$0x0];
	v30 =	vor.u32 $0x2, v2  }
0x1b2: {  	v32 =	vor.u32 $0x2, v1;
	v31 =	vld.idx.msk [tilespmem:v2+s28+$0x0], $0xffff  }
0x1b3: {  	v34 =	vor.u32 $0x3, v2;
	v33 =	vld.idx.msk [tilespmem:v1+s30+$0x0], $0xffff  }
0x1b4: {  	v35 =	vor.u32 $0x3, v1;
	v3 =	vld.idx.msk [tilespmem:v3+s28+$0x0], $0xffff  }
0x1b5: {  	v36 =	vor.u32 $0x4, v2;
	v5 =	vld.idx.msk [tilespmem:v28+s30+$0x0], $0xffff  }
0x1b6: {  	v37 =	vor.u32 $0x4, v1;
	v7 =	vld.idx.msk [tilespmem:v30+s28+$0x0], $0xffff  }
0x1b7: {  	v38 =	vor.u32 $0x5, v2;
	v9 =	vld.idx.msk [tilespmem:v32+s30+$0x0], $0xffff  }
0x1b8: {  	v4 =	vadd.f32 v29, v27;
	v39 =	vor.u32 $0x5, v1;
	v11 =	vld.idx.msk [tilespmem:v34+s28+$0x0], $0xffff;
	v40 =	vmul.f32 v33, v31  }
0x1b9: {  	v42 =	vor.u32 $0x6, v2;
	v41 =	vld.idx.msk [tilespmem:v35+s30+$0x0], $0xffff  }
0x1ba: {  	v44 =	vor.u32 $0x6, v1;
	v43 =	vld.idx.msk [tilespmem:v36+s28+$0x0], $0xffff;
	v3 =	vmul.f32 v5, v3;
	v4 =	vadd.f32 v40, v4  }
0x1bb: {  	v46 =	vor.u32 $0x7, v2;
	v45 =	vld.idx.msk [tilespmem:v37+s30+$0x0], $0xffff  }
0x1bc: {  	v48 =	vor.u32 $0x7, v1;
	v47 =	vld.idx.msk [tilespmem:v38+s28+$0x0], $0xffff;
	v49 =	vmul.f32 v9, v7;
	v3 =	vadd.f32 v3, v4  }
0x1bd: {  	v52 =	vor.u32 $0x8, v1;
	v50 =	vld.idx.msk [tilespmem:v39+s30+$0x0], $0xffff  }
0x1be: {  	v51 =	vor.u32 $0x8, v2;
	v10 =	vld.idx.msk [tilespmem:v42+s28+$0x0], $0xffff;
	v53 =	vmul.f32 v41, v11;
	v3 =	vadd.f32 v49, v3  }
0x1bf: {  	v56 =	vor.u32 $0x9, v1;
	v54 =	vld.idx.msk [tilespmem:v44+s30+$0x0], $0xffff  }
0x1c0: {  	v55 =	vor.u32 $0x9, v2;
	v6 =	vld.idx.msk [tilespmem:v46+s28+$0x0], $0xffff;
	v57 =	vmul.f32 v45, v43;
	v3 =	vadd.f32 v53, v3  }
0x1c1: {  	v59 =	vor.u32 $0xA, v2;
	v58 =	vld.idx.msk [tilespmem:v48+s30+$0x0], $0xffff  }
0x1c2: {  	v60 =	vor.u32 $0xA, v1;
	v62 =	vld.idx.msk [tilespmem:v52+s30+$0x0], $0xffff;
	v61 =	vmul.f32 v50, v47;
	v3 =	vadd.f32 v57, v3  }
0x1c3: {  	v63 =	vor.u32 $0xB, v2;
	v9 =	vld.idx.msk [tilespmem:v51+s28+$0x0], $0xffff  }
0x1c4: {  	v20 =	vor.u32 $0xB, v1;
	v22 =	vld.idx.msk [tilespmem:v56+s30+$0x0], $0xffff;
	v21 =	vmul.f32 v54, v10;
	v3 =	vadd.f32 v61, v3  }
0x1c5: {  	v24 =	vor.u32 $0xC, v1;
	v11 =	vld.idx.msk [tilespmem:v55+s28+$0x0], $0xffff  }
0x1c6: {  	v23 =	vor.u32 $0xC, v2;
	v12 =	vld.idx.msk [tilespmem:v59+s28+$0x0], $0xffff;
	v25 =	vmul.f32 v58, v6;
	v3 =	vadd.f32 v21, v3  }
0x1c7: {  	v27 =	vor.u32 $0xD, v2;
	v26 =	vld.idx.msk [tilespmem:v60+s30+$0x0], $0xffff  }
0x1c8: {  	v14 =	vld.idx.msk [tilespmem:v63+s28+$0x0], $0xffff;
	v28 =	vor.u32 $0xD, v1;
	v29 =	vmul.f32 v62, v9;
	v3 =	vadd.f32 v25, v3  }
0x1c9: {  	v30 =	vld.idx.msk [tilespmem:v20+s30+$0x0], $0xffff;
	v32 =	vor.u32 $0xE, v1  }
0x1ca: {  	v34 =	vld.idx.msk [tilespmem:v24+s30+$0x0], $0xffff;
	v31 =	vor.u32 $0xE, v2;
	v33 =	vmul.f32 v22, v11;
	v3 =	vadd.f32 v29, v3  }
0x1cb: {  	v36 =	vor.u32 $0xF, v1;
	v10 =	vld.idx.msk [tilespmem:v23+s28+$0x0], $0xffff  }
0x1cc: {  	v35 =	vor.u32 $0xF, v2;
	v6 =	vld.idx.msk [tilespmem:v27+s28+$0x0], $0xffff;
	v37 =	vmul.f32 v26, v12;
	v3 =	vadd.f32 v33, v3  }
0x1cd: {  	v39 =	vor.u32 $0x10, v2;
	v38 =	vld.idx.msk [tilespmem:v28+s30+$0x0], $0xffff  }
0x1ce: {  	v41 =	vmul.f32 v30, v14;
	v42 =	vld.idx.msk [tilespmem:v32+s30+$0x0], $0xffff;
	v40 =	vor.u32 $0x10, v1;
	v3 =	vadd.f32 v37, v3  }
0x1cf: {  	v44 =	vor.u32 $0x11, v1;
	v9 =	vld.idx.msk [tilespmem:v31+s28+$0x0], $0xffff  }
0x1d0: {  	v43 =	vor.u32 $0x11, v2;
	v46 =	vld.idx.msk [tilespmem:v36+s30+$0x0], $0xffff;
	v45 =	vmul.f32 v34, v10;
	v3 =	vadd.f32 v41, v3  }
0x1d1: {  	v48 =	vor.u32 $0x12, v1;
	v11 =	vld.idx.msk [tilespmem:v35+s28+$0x0], $0xffff  }
0x1d2: {  	v47 =	vor.u32 $0x12, v2;
	v12 =	vld.idx.msk [tilespmem:v39+s28+$0x0], $0xffff;
	v49 =	vmul.f32 v38, v6;
	v3 =	vadd.f32 v45, v3  }
0x1d3: {  	v51 =	vor.u32 $0x13, v2;
	v50 =	vld.idx.msk [tilespmem:v40+s30+$0x0], $0xffff  }
0x1d4: {  	v52 =	vor.u32 $0x13, v1;
	v54 =	vld.idx.msk [tilespmem:v44+s30+$0x0], $0xffff;
	v53 =	vmul.f32 v42, v9;
	v3 =	vadd.f32 v49, v3  }
0x1d5: {  	v56 =	vor.u32 $0x14, v1;
	v14 =	vld.idx.msk [tilespmem:v43+s28+$0x0], $0xffff  }
0x1d6: {  	v55 =	vor.u32 $0x14, v2;
	v58 =	vld.idx.msk [tilespmem:v48+s30+$0x0], $0xffff;
	v57 =	vmul.f32 v46, v11;
	v3 =	vadd.f32 v53, v3  }
0x1d7: {  	v60 =	vor.u32 $0x15, v1;
	v10 =	vld.idx.msk [tilespmem:v47+s28+$0x0], $0xffff  }
0x1d8: {  	v59 =	vor.u32 $0x15, v2;
	v6 =	vld.idx.msk [tilespmem:v51+s28+$0x0], $0xffff;
	v61 =	vmul.f32 v50, v12;
	v3 =	vadd.f32 v57, v3  }
0x1d9: {  	v20 =	vor.u32 $0x16, v1;
	v62 =	vld.idx.msk [tilespmem:v52+s30+$0x0], $0xffff  }
0x1da: {  	v63 =	vor.u32 $0x16, v2;
	v22 =	vld.idx.msk [tilespmem:v56+s30+$0x0], $0xffff;
	v21 =	vmul.f32 v54, v14;
	v3 =	vadd.f32 v61, v3  }
0x1db: {  	v24 =	vor.u32 $0x17, v1;
	v9 =	vld.idx.msk [tilespmem:v55+s28+$0x0], $0xffff  }
0x1dc: {  	v23 =	vor.u32 $0x17, v2;
	v26 =	vld.idx.msk [tilespmem:v60+s30+$0x0], $0xffff;
	v25 =	vmul.f32 v58, v10;
	v3 =	vadd.f32 v21, v3  }
0x1dd: {  	v28 =	vor.u32 $0x18, v1;
	v11 =	vld.idx.msk [tilespmem:v59+s28+$0x0], $0xffff  }
0x1de: {  	v27 =	vor.u32 $0x18, v2;
	v30 =	vld.idx.msk [tilespmem:v20+s30+$0x0], $0xffff;
	v29 =	vmul.f32 v62, v6;
	v3 =	vadd.f32 v25, v3  }
0x1df: {  	v32 =	vor.u32 $0x19, v1;
	v12 =	vld.idx.msk [tilespmem:v63+s28+$0x0], $0xffff  }
0x1e0: {  	v31 =	vor.u32 $0x19, v2;
	v34 =	vld.idx.msk [tilespmem:v24+s30+$0x0], $0xffff;
	v33 =	vmul.f32 v22, v9;
	v3 =	vadd.f32 v29, v3  }
0x1e1: {  	v36 =	vor.u32 $0x1A, v1;
	v14 =	vld.idx.msk [tilespmem:v23+s28+$0x0], $0xffff  }
0x1e2: {  	v35 =	vor.u32 $0x1A, v2;
	v38 =	vld.idx.msk [tilespmem:v28+s30+$0x0], $0xffff;
	v37 =	vmul.f32 v26, v11;
	v3 =	vadd.f32 v33, v3  }
0x1e3: {  	v40 =	vor.u32 $0x1B, v1;
	v10 =	vld.idx.msk [tilespmem:v27+s28+$0x0], $0xffff  }
0x1e4: {  	v39 =	vor.u32 $0x1B, v2;
	v42 =	vld.idx.msk [tilespmem:v32+s30+$0x0], $0xffff;
	v41 =	vmul.f32 v30, v12;
	v3 =	vadd.f32 v37, v3  }
0x1e5: {  	v44 =	vor.u32 $0x1C, v1;
	v6 =	vld.idx.msk [tilespmem:v31+s28+$0x0], $0xffff  }
0x1e6: {  	v43 =	vor.u32 $0x1C, v2;
	v46 =	vld.idx.msk [tilespmem:v36+s30+$0x0], $0xffff;
	v45 =	vmul.f32 v34, v14;
	v3 =	vadd.f32 v41, v3  }
0x1e7: {  	v47 =	vor.u32 $0x1D, v2;
	v9 =	vld.idx.msk [tilespmem:v35+s28+$0x0], $0xffff  }
0x1e8: {  	v48 =	vor.u32 $0x1D, v1;
	v50 =	vld.idx.msk [tilespmem:v40+s30+$0x0], $0xffff;
	v49 =	vmul.f32 v38, v10;
	v3 =	vadd.f32 v45, v3  }
0x1e9: {  	v52 =	vor.u32 $0x1E, v1;
	v11 =	vld.idx.msk [tilespmem:v39+s28+$0x0], $0xffff  }
0x1ea: {  	v51 =	vor.u32 $0x1E, v2;
	v54 =	vld.idx.msk [tilespmem:v44+s30+$0x0], $0xffff;
	v53 =	vmul.f32 v42, v6;
	v3 =	vadd.f32 v49, v3  }
0x1eb: {  	v2 =	vor.u32 $0x1F, v2;
	v12 =	vld.idx.msk [tilespmem:v43+s28+$0x0], $0xffff  }
0x1ec: {  	v1 =	vor.u32 $0x1F, v1;
	v55 =	vld.idx.msk [tilespmem:v47+s28+$0x0], $0xffff;
	v56 =	vmul.f32 v46, v9;
	v3 =	vadd.f32 v53, v3  }
0x1ed: {  	v57 =	vld.idx.msk [tilespmem:v48+s30+$0x0], $0xffff  }
0x1ee: {  	v60 =	vld.idx.msk [tilespmem:v52+s30+$0x0], $0xffff;
	v59 =	vmul.f32 v50, v11;
	v3 =	vadd.f32 v56, v3  }
0x1ef: {  	v58 =	vld.idx.msk [tilespmem:v51+s28+$0x0], $0xffff  }
0x1f0: {  	v2 =	vld.idx.msk [tilespmem:v2+s28+$0x0], $0xffff;
	v61 =	vmul.f32 v54, v12;
	v3 =	vadd.f32 v59, v3  }
0x1f1: {  	v1 =	vld.idx.msk [tilespmem:v1+s30+$0x0], $0xffff  }
0x1f2: {  	v62 =	vmul.f32 v57, v55;
	v3 =	vadd.f32 v61, v3;
	_ =	sdelay $0x1  }
0x1f3: {  	v63 =	vmul.f32 v60, v58;
	v3 =	vadd.f32 v62, v3;
	_ =	sdelay $0x1  }
0x1f4: {  	v1 =	vmul.f32 v1, v2;
	v3 =	vadd.f32 v63, v3;
	_ =	sdelay $0x1  }
0x1f5: {  	v1 =	vadd.f32 v1, v3  }
0x1f6: {  	s21 =	simm.s32 $0x10C80  }
0x1f7: {  	s22 =	simm.s32 $0x90;
	[tilespmem:s21+$0x0] =	vst v1  }
0x1f8: {  	s23 =	simm.s32 $0x290;
	v1 =	vld [tilespmem:s22+$0x0]  }
0x1f9: {  	s3 =	simm.s32 $0x10;
	s7 =	simm.s32 $0x20;
	v2 =	vld [tilespmem:s23+$0x0]  }
.LBB2_4:
0x1fa: {  	p0 =	sne.s32 s7, $0x70;
	_ =	sdelay $0x1  }
0x1fb: {  	v3 =	vmov s3;
	s3 =	smov.u32 s7  }
0x1fc: {  	v3 =	vshll.u32 v3, $0x7;
	v1 =	vshll.u32 v1, $0x5  }
0x1fd: {  	v3 =	vor.u32 v0, v3;
	v1 =	vand.u32 $0x60, v1;
	v2 =	vshll.u32 v2, $0x5  }
0x1fe: {  	v4 =	vand.u32 $0x60, v2;
	v2 =	vor.u32 v3, v1  }
0x1ff: {  	v1 =	vor.u32 v3, v4  }
0x200: {  	s20 =	sadd.s32 $0x10, s20;
	v3 =	vor.u32 $0x1, v2  }
0x201: {  	s19 =	sadd.s32 $0x10, s19;
	v5 =	vor.u32 $0x1, v1;
	v4 =	vld [tilespmem:s20+$0x0]  }
0x202: {  	v7 =	vor.u32 $0x2, v2;
	v6 =	vld [tilespmem:s19+$0x0]  }
0x203: {  	v9 =	vor.u32 $0x2, v1;
	v8 =	vld.idx.msk [tilespmem:v2+s28+$0x0], $0xffff  }
0x204: {  	v11 =	vor.u32 $0x3, v2;
	v10 =	vld.idx.msk [tilespmem:v1+s30+$0x0], $0xffff  }
0x205: {  	v12 =	vor.u32 $0x3, v1;
	v3 =	vld.idx.msk [tilespmem:v3+s28+$0x0], $0xffff  }
0x206: {  	v13 =	vor.u32 $0x4, v2;
	v5 =	vld.idx.msk [tilespmem:v5+s30+$0x0], $0xffff  }
0x207: {  	v14 =	vor.u32 $0x4, v1;
	v7 =	vld.idx.msk [tilespmem:v7+s28+$0x0], $0xffff  }
0x208: {  	v15 =	vor.u32 $0x5, v2;
	v9 =	vld.idx.msk [tilespmem:v9+s30+$0x0], $0xffff  }
0x209: {  	v16 =	vor.u32 $0x5, v1;
	v11 =	vld.idx.msk [tilespmem:v11+s28+$0x0], $0xffff  }
0x20a: {  	v4 =	vadd.f32 v6, v4;
	v6 =	vmul.f32 v10, v8;
	v10 =	vor.u32 $0x6, v2;
	v8 =	vld.idx.msk [tilespmem:v12+s30+$0x0], $0xffff  }
0x20b: {  	v12 =	vld.idx.msk [tilespmem:v13+s28+$0x0], $0xffff;
	v13 =	vor.u32 $0x6, v1  }
0x20c: {  	v4 =	vadd.f32 v6, v4;
	v3 =	vmul.f32 v5, v3;
	v6 =	vor.u32 $0x7, v2;
	v5 =	vld.idx.msk [tilespmem:v14+s30+$0x0], $0xffff  }
0x20d: {  	v14 =	vld.idx.msk [tilespmem:v15+s28+$0x0], $0xffff;
	v15 =	vor.u32 $0x7, v1  }
0x20e: {  	v3 =	vadd.f32 v3, v4;
	v4 =	vmul.f32 v9, v7;
	v9 =	vor.u32 $0x8, v2;
	v7 =	vld.idx.msk [tilespmem:v16+s30+$0x0], $0xffff  }
0x20f: {  	v16 =	vor.u32 $0x8, v1;
	v10 =	vld.idx.msk [tilespmem:v10+s28+$0x0], $0xffff  }
0x210: {  	v3 =	vadd.f32 v4, v3;
	v4 =	vmul.f32 v8, v11;
	v11 =	vor.u32 $0x9, v2;
	v8 =	vld.idx.msk [tilespmem:v13+s30+$0x0], $0xffff  }
0x211: {  	v13 =	vor.u32 $0x9, v1;
	v6 =	vld.idx.msk [tilespmem:v6+s28+$0x0], $0xffff  }
0x212: {  	v3 =	vadd.f32 v4, v3;
	v4 =	vmul.f32 v5, v12;
	v12 =	vor.u32 $0xA, v2;
	v5 =	vld.idx.msk [tilespmem:v15+s30+$0x0], $0xffff  }
0x213: {  	v15 =	vor.u32 $0xA, v1;
	v9 =	vld.idx.msk [tilespmem:v9+s28+$0x0], $0xffff  }
0x214: {  	v3 =	vadd.f32 v4, v3;
	v4 =	vmul.f32 v7, v14;
	v14 =	vor.u32 $0xB, v2;
	v7 =	vld.idx.msk [tilespmem:v16+s30+$0x0], $0xffff  }
0x215: {  	v16 =	vor.u32 $0xB, v1;
	v11 =	vld.idx.msk [tilespmem:v11+s28+$0x0], $0xffff  }
0x216: {  	v3 =	vadd.f32 v4, v3;
	v4 =	vmul.f32 v8, v10;
	v10 =	vor.u32 $0xC, v2;
	v8 =	vld.idx.msk [tilespmem:v13+s30+$0x0], $0xffff  }
0x217: {  	v13 =	vor.u32 $0xC, v1;
	v12 =	vld.idx.msk [tilespmem:v12+s28+$0x0], $0xffff  }
0x218: {  	v3 =	vadd.f32 v4, v3;
	v4 =	vmul.f32 v5, v6;
	v6 =	vor.u32 $0xD, v2;
	v5 =	vld.idx.msk [tilespmem:v15+s30+$0x0], $0xffff  }
0x219: {  	v15 =	vor.u32 $0xD, v1;
	v14 =	vld.idx.msk [tilespmem:v14+s28+$0x0], $0xffff  }
0x21a: {  	v3 =	vadd.f32 v4, v3;
	v4 =	vmul.f32 v7, v9;
	v9 =	vor.u32 $0xE, v2;
	v7 =	vld.idx.msk [tilespmem:v16+s30+$0x0], $0xffff  }
0x21b: {  	v16 =	vor.u32 $0xE, v1;
	v10 =	vld.idx.msk [tilespmem:v10+s28+$0x0], $0xffff  }
0x21c: {  	v3 =	vadd.f32 v4, v3;
	v4 =	vmul.f32 v8, v11;
	v11 =	vor.u32 $0xF, v2;
	v8 =	vld.idx.msk [tilespmem:v13+s30+$0x0], $0xffff  }
0x21d: {  	v13 =	vor.u32 $0xF, v1;
	v6 =	vld.idx.msk [tilespmem:v6+s28+$0x0], $0xffff  }
0x21e: {  	v3 =	vadd.f32 v4, v3;
	v4 =	vmul.f32 v5, v12;
	v12 =	vor.u32 $0x10, v2;
	v5 =	vld.idx.msk [tilespmem:v15+s30+$0x0], $0xffff  }
0x21f: {  	v15 =	vor.u32 $0x10, v1;
	v9 =	vld.idx.msk [tilespmem:v9+s28+$0x0], $0xffff  }
0x220: {  	v3 =	vadd.f32 v4, v3;
	v4 =	vmul.f32 v7, v14;
	v14 =	vor.u32 $0x11, v2;
	v7 =	vld.idx.msk [tilespmem:v16+s30+$0x0], $0xffff  }
0x221: {  	v16 =	vor.u32 $0x11, v1;
	v11 =	vld.idx.msk [tilespmem:v11+s28+$0x0], $0xffff  }
0x222: {  	v3 =	vadd.f32 v4, v3;
	v4 =	vmul.f32 v8, v10;
	v10 =	vor.u32 $0x12, v2;
	v8 =	vld.idx.msk [tilespmem:v13+s30+$0x0], $0xffff  }
0x223: {  	v13 =	vor.u32 $0x12, v1;
	v12 =	vld.idx.msk [tilespmem:v12+s28+$0x0], $0xffff  }
0x224: {  	v3 =	vadd.f32 v4, v3;
	v4 =	vmul.f32 v5, v6;
	v6 =	vor.u32 $0x13, v2;
	v5 =	vld.idx.msk [tilespmem:v15+s30+$0x0], $0xffff  }
0x225: {  	v15 =	vor.u32 $0x13, v1;
	v14 =	vld.idx.msk [tilespmem:v14+s28+$0x0], $0xffff  }
0x226: {  	v3 =	vadd.f32 v4, v3;
	v4 =	vmul.f32 v7, v9;
	v9 =	vor.u32 $0x14, v2;
	v7 =	vld.idx.msk [tilespmem:v16+s30+$0x0], $0xffff  }
0x227: {  	v16 =	vor.u32 $0x14, v1;
	v10 =	vld.idx.msk [tilespmem:v10+s28+$0x0], $0xffff  }
0x228: {  	v3 =	vadd.f32 v4, v3;
	v4 =	vmul.f32 v8, v11;
	v11 =	vor.u32 $0x15, v2;
	v8 =	vld.idx.msk [tilespmem:v13+s30+$0x0], $0xffff  }
0x229: {  	v13 =	vor.u32 $0x15, v1;
	v6 =	vld.idx.msk [tilespmem:v6+s28+$0x0], $0xffff  }
0x22a: {  	v3 =	vadd.f32 v4, v3;
	v4 =	vmul.f32 v5, v12;
	v12 =	vor.u32 $0x16, v2;
	v5 =	vld.idx.msk [tilespmem:v15+s30+$0x0], $0xffff  }
0x22b: {  	v15 =	vor.u32 $0x16, v1;
	v9 =	vld.idx.msk [tilespmem:v9+s28+$0x0], $0xffff  }
0x22c: {  	v3 =	vadd.f32 v4, v3;
	v4 =	vmul.f32 v7, v14;
	v14 =	vor.u32 $0x17, v2;
	v7 =	vld.idx.msk [tilespmem:v16+s30+$0x0], $0xffff  }
0x22d: {  	v16 =	vor.u32 $0x17, v1;
	v11 =	vld.idx.msk [tilespmem:v11+s28+$0x0], $0xffff  }
0x22e: {  	v3 =	vadd.f32 v4, v3;
	v4 =	vmul.f32 v8, v10;
	v10 =	vor.u32 $0x18, v2;
	v8 =	vld.idx.msk [tilespmem:v13+s30+$0x0], $0xffff  }
0x22f: {  	v13 =	vor.u32 $0x18, v1;
	v12 =	vld.idx.msk [tilespmem:v12+s28+$0x0], $0xffff  }
0x230: {  	v3 =	vadd.f32 v4, v3;
	v4 =	vmul.f32 v5, v6;
	v6 =	vor.u32 $0x19, v2;
	v5 =	vld.idx.msk [tilespmem:v15+s30+$0x0], $0xffff  }
0x231: {  	v15 =	vor.u32 $0x19, v1;
	v14 =	vld.idx.msk [tilespmem:v14+s28+$0x0], $0xffff  }
0x232: {  	v3 =	vadd.f32 v4, v3;
	v4 =	vmul.f32 v7, v9;
	v9 =	vor.u32 $0x1A, v2;
	v7 =	vld.idx.msk [tilespmem:v16+s30+$0x0], $0xffff  }
0x233: {  	v16 =	vor.u32 $0x1A, v1;
	v10 =	vld.idx.msk [tilespmem:v10+s28+$0x0], $0xffff  }
0x234: {  	v3 =	vadd.f32 v4, v3;
	v4 =	vmul.f32 v8, v11;
	v11 =	vor.u32 $0x1B, v2;
	v8 =	vld.idx.msk [tilespmem:v13+s30+$0x0], $0xffff  }
0x235: {  	v13 =	vor.u32 $0x1B, v1;
	v6 =	vld.idx.msk [tilespmem:v6+s28+$0x0], $0xffff  }
0x236: {  	v3 =	vadd.f32 v4, v3;
	v4 =	vmul.f32 v5, v12;
	v12 =	vor.u32 $0x1C, v2;
	v5 =	vld.idx.msk [tilespmem:v15+s30+$0x0], $0xffff  }
0x237: {  	v15 =	vor.u32 $0x1C, v1;
	v9 =	vld.idx.msk [tilespmem:v9+s28+$0x0], $0xffff  }
0x238: {  	v3 =	vadd.f32 v4, v3;
	v4 =	vmul.f32 v7, v14;
	v14 =	vor.u32 $0x1D, v2;
	v7 =	vld.idx.msk [tilespmem:v16+s30+$0x0], $0xffff  }
0x239: {  	v16 =	vor.u32 $0x1D, v1;
	v11 =	vld.idx.msk [tilespmem:v11+s28+$0x0], $0xffff  }
0x23a: {  	v3 =	vadd.f32 v4, v3;
	v4 =	vmul.f32 v8, v10;
	v10 =	vor.u32 $0x1E, v2;
	v8 =	vld.idx.msk [tilespmem:v13+s30+$0x0], $0xffff  }
0x23b: {  	v13 =	vor.u32 $0x1E, v1;
	v12 =	vld.idx.msk [tilespmem:v12+s28+$0x0], $0xffff  }
0x23c: {  	v2 =	vor.u32 $0x1F, v2;
	v3 =	vadd.f32 v4, v3;
	v4 =	vmul.f32 v5, v6;
	v5 =	vld.idx.msk [tilespmem:v15+s30+$0x0], $0xffff  }
0x23d: {  	v1 =	vor.u32 $0x1F, v1;
	v6 =	vld.idx.msk [tilespmem:v14+s28+$0x0], $0xffff  }
0x23e: {  	v3 =	vadd.f32 v4, v3;
	v4 =	vmul.f32 v7, v9;
	v7 =	vld.idx.msk [tilespmem:v16+s30+$0x0], $0xffff  }
0x23f: {  	v9 =	vld.idx.msk [tilespmem:v10+s28+$0x0], $0xffff  }
0x240: {  	v3 =	vadd.f32 v4, v3;
	v4 =	vmul.f32 v8, v11;
	v8 =	vld.idx.msk [tilespmem:v13+s30+$0x0], $0xffff  }
0x241: {  	v2 =	vld.idx.msk [tilespmem:v2+s28+$0x0], $0xffff  }
0x242: {  	v3 =	vadd.f32 v4, v3;
	v4 =	vmul.f32 v5, v12;
	v1 =	vld.idx.msk [tilespmem:v1+s30+$0x0], $0xffff;
	_ =	sdelay $0x1  }
0x243: {  	v3 =	vadd.f32 v4, v3;
	v4 =	vmul.f32 v7, v6;
	_ =	sdelay $0x1  }
0x244: {  	v3 =	vadd.f32 v4, v3;
	v4 =	vmul.f32 v8, v9;
	_ =	sdelay $0x1  }
0x245: {  	v3 =	vadd.f32 v4, v3;
	v1 =	vmul.f32 v1, v2;
	_ =	sdelay $0x1  }
.Ltmp1:
0x246: {  	v1 =	vadd.f32 v1, v3;
	(pc) =	sbr.rel @p0 .LBB2_4-.Ltmp1, $4  }
0x247: {  	s21 =	sadd.s32 $0x10, s21  }
0x248: {  	s22 =	sadd.s32 $0x10, s22;
	[tilespmem:s21+$0x0] =	vst v1  }
0x249: {  	s23 =	sadd.s32 $0x10, s23;
	v1 =	vld [tilespmem:s22+$0x0]  }
0x24a: {  	s7 =	sadd.s32 $0x10, s7;
	v2 =	vld [tilespmem:s23+$0x0]  }
0x24b: {  	_ =	sdelay $0x1  }
0x24c: {  	v3 =	vmov s3  }
0x24d: {  	v3 =	vshll.u32 v3, $0x7;
	v1 =	vshll.u32 v1, $0x5  }
0x24e: {  	v3 =	vor.u32 v0, v3;
	v1 =	vand.u32 $0x60, v1;
	v2 =	vshll.u32 v2, $0x5  }
0x24f: {  	v4 =	vand.u32 $0x60, v2;
	v2 =	vor.u32 v3, v1  }
0x250: {  	v1 =	vor.u32 v3, v4  }
0x251: {  	s7 =	sadd.s32 $0x10, s20;
	v3 =	vor.u32 $0x1, v2  }
0x252: {  	s9 =	sadd.s32 $0x10, s19;
	v50 =	vld [tilespmem:s7+$0x0];
	v5 =	vor.u32 $0x1, v1  }
0x253: {  	v6 =	vld [tilespmem:s9+$0x0];
	v7 =	vor.u32 $0x2, v2  }
0x254: {  	v9 =	vor.u32 $0x2, v1;
	v8 =	vld.idx.msk [tilespmem:v2+s28+$0x0], $0xffff  }
0x255: {  	v11 =	vor.u32 $0x3, v2;
	v10 =	vld.idx.msk [tilespmem:v1+s30+$0x0], $0xffff  }
0x256: {  	v12 =	vor.u32 $0x3, v1;
	v3 =	vld.idx.msk [tilespmem:v3+s28+$0x0], $0xffff  }
0x257: {  	v13 =	vor.u32 $0x4, v2;
	v5 =	vld.idx.msk [tilespmem:v5+s30+$0x0], $0xffff  }
0x258: {  	v14 =	vor.u32 $0x4, v1;
	v7 =	vld.idx.msk [tilespmem:v7+s28+$0x0], $0xffff  }
0x259: {  	v15 =	vor.u32 $0x5, v2;
	v9 =	vld.idx.msk [tilespmem:v9+s30+$0x0], $0xffff  }
0x25a: {  	v4 =	vadd.f32 v6, v50;
	v16 =	vor.u32 $0x5, v1;
	v11 =	vld.idx.msk [tilespmem:v11+s28+$0x0], $0xffff;
	v51 =	vmul.f32 v10, v8  }
0x25b: {  	v55 =	vor.u32 $0x6, v1;
	v52 =	vld.idx.msk [tilespmem:v12+s30+$0x0], $0xffff  }
0x25c: {  	v53 =	vor.u32 $0x6, v2;
	v54 =	vld.idx.msk [tilespmem:v13+s28+$0x0], $0xffff;
	v3 =	vmul.f32 v5, v3;
	v4 =	vadd.f32 v51, v4  }
0x25d: {  	v57 =	vor.u32 $0x7, v2;
	v56 =	vld.idx.msk [tilespmem:v14+s30+$0x0], $0xffff  }
0x25e: {  	v59 =	vor.u32 $0x7, v1;
	v58 =	vld.idx.msk [tilespmem:v15+s28+$0x0], $0xffff;
	v60 =	vmul.f32 v9, v7;
	v3 =	vadd.f32 v3, v4  }
0x25f: {  	v63 =	vor.u32 $0x8, v1;
	v61 =	vld.idx.msk [tilespmem:v16+s30+$0x0], $0xffff  }
0x260: {  	v62 =	vor.u32 $0x8, v2;
	v20 =	vld.idx.msk [tilespmem:v55+s30+$0x0], $0xffff;
	v19 =	vmul.f32 v52, v11;
	v3 =	vadd.f32 v60, v3  }
0x261: {  	v22 =	vor.u32 $0x9, v1;
	v10 =	vld.idx.msk [tilespmem:v53+s28+$0x0], $0xffff  }
0x262: {  	v21 =	vor.u32 $0x9, v2;
	v6 =	vld.idx.msk [tilespmem:v57+s28+$0x0], $0xffff;
	v23 =	vmul.f32 v56, v54;
	v3 =	vadd.f32 v19, v3  }
0x263: {  	v25 =	vor.u32 $0xA, v2;
	v24 =	vld.idx.msk [tilespmem:v59+s30+$0x0], $0xffff  }
0x264: {  	v26 =	vor.u32 $0xA, v1;
	v28 =	vld.idx.msk [tilespmem:v63+s30+$0x0], $0xffff;
	v27 =	vmul.f32 v61, v58;
	v3 =	vadd.f32 v23, v3  }
0x265: {  	v29 =	vor.u32 $0xB, v2;
	v9 =	vld.idx.msk [tilespmem:v62+s28+$0x0], $0xffff  }
0x266: {  	v30 =	vor.u32 $0xB, v1;
	v32 =	vld.idx.msk [tilespmem:v22+s30+$0x0], $0xffff;
	v31 =	vmul.f32 v20, v10;
	v3 =	vadd.f32 v27, v3  }
0x267: {  	v34 =	vor.u32 $0xC, v1;
	v11 =	vld.idx.msk [tilespmem:v21+s28+$0x0], $0xffff  }
0x268: {  	v33 =	vor.u32 $0xC, v2;
	v12 =	vld.idx.msk [tilespmem:v25+s28+$0x0], $0xffff;
	v35 =	vmul.f32 v24, v6;
	v3 =	vadd.f32 v31, v3  }
0x269: {  	v38 =	vor.u32 $0xD, v1;
	v36 =	vld.idx.msk [tilespmem:v26+s30+$0x0], $0xffff  }
0x26a: {  	v37 =	vor.u32 $0xD, v2;
	v14 =	vld.idx.msk [tilespmem:v29+s28+$0x0], $0xffff;
	v39 =	vmul.f32 v28, v9;
	v3 =	vadd.f32 v35, v3  }
0x26b: {  	v42 =	vor.u32 $0xE, v1;
	v40 =	vld.idx.msk [tilespmem:v30+s30+$0x0], $0xffff  }
0x26c: {  	v41 =	vor.u32 $0xE, v2;
	v44 =	vld.idx.msk [tilespmem:v34+s30+$0x0], $0xffff;
	v43 =	vmul.f32 v32, v11;
	v3 =	vadd.f32 v39, v3  }
0x26d: {  	v46 =	vor.u32 $0xF, v1;
	v10 =	vld.idx.msk [tilespmem:v33+s28+$0x0], $0xffff  }
0x26e: {  	v45 =	vor.u32 $0xF, v2;
	v48 =	vld.idx.msk [tilespmem:v38+s30+$0x0], $0xffff;
	v47 =	vmul.f32 v36, v12;
	v3 =	vadd.f32 v43, v3  }
0x26f: {  	v49 =	vor.u32 $0x10, v2;
	v6 =	vld.idx.msk [tilespmem:v37+s28+$0x0], $0xffff  }
0x270: {  	v50 =	vor.u32 $0x10, v1;
	v52 =	vld.idx.msk [tilespmem:v42+s30+$0x0], $0xffff;
	v51 =	vmul.f32 v40, v14;
	v3 =	vadd.f32 v47, v3  }
0x271: {  	v53 =	vor.u32 $0x11, v2;
	v9 =	vld.idx.msk [tilespmem:v41+s28+$0x0], $0xffff  }
0x272: {  	v54 =	vor.u32 $0x11, v1;
	v56 =	vld.idx.msk [tilespmem:v46+s30+$0x0], $0xffff;
	v55 =	vmul.f32 v44, v10;
	v3 =	vadd.f32 v51, v3  }
0x273: {  	v58 =	vor.u32 $0x12, v1;
	v11 =	vld.idx.msk [tilespmem:v45+s28+$0x0], $0xffff  }
0x274: {  	v57 =	vor.u32 $0x12, v2;
	v12 =	vld.idx.msk [tilespmem:v49+s28+$0x0], $0xffff;
	v59 =	vmul.f32 v48, v6;
	v3 =	vadd.f32 v55, v3  }
0x275: {  	v61 =	vor.u32 $0x13, v2;
	v60 =	vld.idx.msk [tilespmem:v50+s30+$0x0], $0xffff  }
0x276: {  	v62 =	vor.u32 $0x13, v1;
	v14 =	vld.idx.msk [tilespmem:v53+s28+$0x0], $0xffff;
	v63 =	vmul.f32 v52, v9;
	v3 =	vadd.f32 v59, v3  }
0x277: {  	v22 =	vor.u32 $0x14, v1;
	v20 =	vld.idx.msk [tilespmem:v54+s30+$0x0], $0xffff  }
0x278: {  	v21 =	vor.u32 $0x14, v2;
	v24 =	vld.idx.msk [tilespmem:v58+s30+$0x0], $0xffff;
	v23 =	vmul.f32 v56, v11;
	v3 =	vadd.f32 v63, v3  }
0x279: {  	v26 =	vor.u32 $0x15, v1;
	v10 =	vld.idx.msk [tilespmem:v57+s28+$0x0], $0xffff  }
0x27a: {  	v25 =	vor.u32 $0x15, v2;
	v6 =	vld.idx.msk [tilespmem:v61+s28+$0x0], $0xffff;
	v27 =	vmul.f32 v60, v12;
	v3 =	vadd.f32 v23, v3  }
0x27b: {  	v30 =	vor.u32 $0x16, v1;
	v28 =	vld.idx.msk [tilespmem:v62+s30+$0x0], $0xffff  }
0x27c: {  	v29 =	vor.u32 $0x16, v2;
	v32 =	vld.idx.msk [tilespmem:v22+s30+$0x0], $0xffff;
	v31 =	vmul.f32 v20, v14;
	v3 =	vadd.f32 v27, v3  }
0x27d: {  	v34 =	vor.u32 $0x17, v1;
	v9 =	vld.idx.msk [tilespmem:v21+s28+$0x0], $0xffff  }
0x27e: {  	v36 =	vld.idx.msk [tilespmem:v26+s30+$0x0], $0xffff;
	v33 =	vor.u32 $0x17, v2;
	v35 =	vmul.f32 v24, v10;
	v3 =	vadd.f32 v31, v3  }
0x27f: {  	v38 =	vor.u32 $0x18, v1;
	v11 =	vld.idx.msk [tilespmem:v25+s28+$0x0], $0xffff  }
0x280: {  	v37 =	vor.u32 $0x18, v2;
	v40 =	vld.idx.msk [tilespmem:v30+s30+$0x0], $0xffff;
	v39 =	vmul.f32 v28, v6;
	v3 =	vadd.f32 v35, v3  }
0x281: {  	v42 =	vor.u32 $0x19, v1;
	v12 =	vld.idx.msk [tilespmem:v29+s28+$0x0], $0xffff  }
0x282: {  	v41 =	vor.u32 $0x19, v2;
	v44 =	vld.idx.msk [tilespmem:v34+s30+$0x0], $0xffff;
	v43 =	vmul.f32 v32, v9;
	v3 =	vadd.f32 v39, v3  }
0x283: {  	v46 =	vor.u32 $0x1A, v1;
	v14 =	vld.idx.msk [tilespmem:v33+s28+$0x0], $0xffff  }
0x284: {  	v45 =	vor.u32 $0x1A, v2;
	v48 =	vld.idx.msk [tilespmem:v38+s30+$0x0], $0xffff;
	v47 =	vmul.f32 v36, v11;
	v3 =	vadd.f32 v43, v3  }
0x285: {  	v50 =	vor.u32 $0x1B, v1;
	v10 =	vld.idx.msk [tilespmem:v37+s28+$0x0], $0xffff  }
0x286: {  	v49 =	vor.u32 $0x1B, v2;
	v52 =	vld.idx.msk [tilespmem:v42+s30+$0x0], $0xffff;
	v51 =	vmul.f32 v40, v12;
	v3 =	vadd.f32 v47, v3  }
0x287: {  	v54 =	vor.u32 $0x1C, v1;
	v6 =	vld.idx.msk [tilespmem:v41+s28+$0x0], $0xffff  }
0x288: {  	v53 =	vor.u32 $0x1C, v2;
	v56 =	vld.idx.msk [tilespmem:v46+s30+$0x0], $0xffff;
	v55 =	vmul.f32 v44, v14;
	v3 =	vadd.f32 v51, v3  }
0x289: {  	v58 =	vor.u32 $0x1D, v1;
	v9 =	vld.idx.msk [tilespmem:v45+s28+$0x0], $0xffff  }
0x28a: {  	v57 =	vor.u32 $0x1D, v2;
	v60 =	vld.idx.msk [tilespmem:v50+s30+$0x0], $0xffff;
	v59 =	vmul.f32 v48, v10;
	v3 =	vadd.f32 v55, v3  }
0x28b: {  	v62 =	vor.u32 $0x1E, v1;
	v11 =	vld.idx.msk [tilespmem:v49+s28+$0x0], $0xffff  }
0x28c: {  	v61 =	vor.u32 $0x1E, v2;
	v15 =	vld.idx.msk [tilespmem:v54+s30+$0x0], $0xffff;
	v63 =	vmul.f32 v52, v6;
	v3 =	vadd.f32 v59, v3  }
0x28d: {  	v1 =	vor.u32 $0x1F, v1;
	v12 =	vld.idx.msk [tilespmem:v53+s28+$0x0], $0xffff  }
0x28e: {  	v2 =	vor.u32 $0x1F, v2;
	v19 =	vld.idx.msk [tilespmem:v58+s30+$0x0], $0xffff;
	v18 =	vmul.f32 v56, v9;
	v3 =	vadd.f32 v63, v3  }
0x28f: {  	v17 =	vld.idx.msk [tilespmem:v57+s28+$0x0], $0xffff  }
0x290: {  	v22 =	vld.idx.msk [tilespmem:v62+s30+$0x0], $0xffff;
	v21 =	vmul.f32 v60, v11;
	v3 =	vadd.f32 v18, v3  }
0x291: {  	v20 =	vld.idx.msk [tilespmem:v61+s28+$0x0], $0xffff  }
0x292: {  	v1 =	vld.idx.msk [tilespmem:v1+s30+$0x0], $0xffff;
	v23 =	vmul.f32 v15, v12;
	v3 =	vadd.f32 v21, v3  }
0x293: {  	v2 =	vld.idx.msk [tilespmem:v2+s28+$0x0], $0xffff  }
0x294: {  	v24 =	vmul.f32 v19, v17;
	v3 =	vadd.f32 v23, v3;
	_ =	sdelay $0x1  }
0x295: {  	v25 =	vmul.f32 v22, v20;
	v3 =	vadd.f32 v24, v3;
	_ =	sdelay $0x1  }
0x296: {  	v1 =	vmul.f32 v1, v2;
	v3 =	vadd.f32 v25, v3;
	_ =	sdelay $0x1  }
0x297: {  	v1 =	vadd.f32 v1, v3  }
0x298: {  	s19 =	sadd.s32 $0x10, s21  }
0x299: {  	s20 =	simm.s32 $0x580;
	[tilespmem:s19+$0x0] =	vst v1  }
0x29a: {  	[tilespmem:s28], [sflag:$0x3] =	stream.indirect.gather [hbm4b:s4+s18], $0x80, s20, s18, $0xb8;
	[tilespmem:$0x10E00] =	vst v63  }
0x29b: {  	s21 =	simm.s32 $0x780  }
0x29c: {  	[tilespmem:s30], [sflag:$0x3] =	stream.indirect.gather [hbm4b:s5+s18], $0x80, s21, s18, $0xb8;
	[tilespmem:$0x10E00] =	vst v63  }
0x29d: {  	_ =	swait.ge [sflag:s31], $0x4000  }
0x29e: {  	[sflag:s31] =	ssyncset.done $0x0  }
0x29f: {  	[sflag:s31] =	ssyncadd.s32 $0xFFFFC000  }
0x2a0: {  	_ =	swait.ge [sflag:s31], $0x4000  }
0x2a1: {  	[sflag:s31] =	ssyncset.done $0x0  }
0x2a2: {  	s22 =	simm.s32 $0x100;
	[sflag:s31] =	ssyncadd.s32 $0xFFFFC000  }
0x2a3: {  	s7 =	simm.s32 $0x300;
	v1 =	vld [tilespmem:s22+$0x0]  }
0x2a4: {  	v2 =	vld [tilespmem:s7+$0x0];
	_ =	sdelay $0x1  }
0x2a5: {  	s23 =	simm.s32 $0x0  }
0x2a6: {  	v3 =	vmov s23  }
0x2a7: {  	v3 =	vshll.u32 v3, $0x7;
	v1 =	vshll.u32 v1, $0x5  }
0x2a8: {  	v3 =	vor.u32 v0, v3;
	v2 =	vshll.u32 v2, $0x5;
	v1 =	vand.u32 $0x60, v1  }
0x2a9: {  	v26 =	vand.u32 $0x60, v2;
	v2 =	vor.u32 v3, v1  }
0x2aa: {  	v1 =	vor.u32 v3, v26  }
0x2ab: {  	s20 =	simm.s32 $0x10900;
	v3 =	vor.u32 $0x1, v2  }
0x2ac: {  	s19 =	simm.s32 $0x10B00;
	v27 =	vld [tilespmem:s20+$0x0];
	v28 =	vor.u32 $0x1, v1  }
0x2ad: {  	v29 =	vld [tilespmem:s19+$0x0];
	v30 =	vor.u32 $0x2, v2  }
0x2ae: {  	v32 =	vor.u32 $0x2, v1;
	v31 =	vld.idx.msk [tilespmem:v2+s0+$0x0], $0xffff  }
0x2af: {  	v34 =	vor.u32 $0x3, v2;
	v33 =	vld.idx.msk [tilespmem:v1+s24+$0x0], $0xffff  }
0x2b0: {  	v35 =	vor.u32 $0x3, v1;
	v3 =	vld.idx.msk [tilespmem:v3+s0+$0x0], $0xffff  }
0x2b1: {  	v36 =	vor.u32 $0x4, v2;
	v5 =	vld.idx.msk [tilespmem:v28+s24+$0x0], $0xffff  }
0x2b2: {  	v37 =	vor.u32 $0x4, v1;
	v7 =	vld.idx.msk [tilespmem:v30+s0+$0x0], $0xffff  }
0x2b3: {  	v38 =	vor.u32 $0x5, v2;
	v9 =	vld.idx.msk [tilespmem:v32+s24+$0x0], $0xffff  }
0x2b4: {  	v4 =	vadd.f32 v29, v27;
	v39 =	vor.u32 $0x5, v1;
	v11 =	vld.idx.msk [tilespmem:v34+s0+$0x0], $0xffff;
	v40 =	vmul.f32 v33, v31  }
0x2b5: {  	v42 =	vor.u32 $0x6, v2;
	v41 =	vld.idx.msk [tilespmem:v35+s24+$0x0], $0xffff  }
0x2b6: {  	v44 =	vor.u32 $0x6, v1;
	v43 =	vld.idx.msk [tilespmem:v36+s0+$0x0], $0xffff;
	v3 =	vmul.f32 v5, v3;
	v4 =	vadd.f32 v40, v4  }
0x2b7: {  	v46 =	vor.u32 $0x7, v2;
	v45 =	vld.idx.msk [tilespmem:v37+s24+$0x0], $0xffff  }
0x2b8: {  	v48 =	vor.u32 $0x7, v1;
	v47 =	vld.idx.msk [tilespmem:v38+s0+$0x0], $0xffff;
	v49 =	vmul.f32 v9, v7;
	v3 =	vadd.f32 v3, v4  }
0x2b9: {  	v52 =	vor.u32 $0x8, v1;
	v50 =	vld.idx.msk [tilespmem:v39+s24+$0x0], $0xffff  }
0x2ba: {  	v51 =	vor.u32 $0x8, v2;
	v10 =	vld.idx.msk [tilespmem:v42+s0+$0x0], $0xffff;
	v53 =	vmul.f32 v41, v11;
	v3 =	vadd.f32 v49, v3  }
0x2bb: {  	v56 =	vor.u32 $0x9, v1;
	v54 =	vld.idx.msk [tilespmem:v44+s24+$0x0], $0xffff  }
0x2bc: {  	v55 =	vor.u32 $0x9, v2;
	v6 =	vld.idx.msk [tilespmem:v46+s0+$0x0], $0xffff;
	v57 =	vmul.f32 v45, v43;
	v3 =	vadd.f32 v53, v3  }
0x2bd: {  	v59 =	vor.u32 $0xA, v2;
	v58 =	vld.idx.msk [tilespmem:v48+s24+$0x0], $0xffff  }
0x2be: {  	v60 =	vor.u32 $0xA, v1;
	v62 =	vld.idx.msk [tilespmem:v52+s24+$0x0], $0xffff;
	v61 =	vmul.f32 v50, v47;
	v3 =	vadd.f32 v57, v3  }
0x2bf: {  	v63 =	vor.u32 $0xB, v2;
	v9 =	vld.idx.msk [tilespmem:v51+s0+$0x0], $0xffff  }
0x2c0: {  	v20 =	vor.u32 $0xB, v1;
	v22 =	vld.idx.msk [tilespmem:v56+s24+$0x0], $0xffff;
	v21 =	vmul.f32 v54, v10;
	v3 =	vadd.f32 v61, v3  }
0x2c1: {  	v24 =	vor.u32 $0xC, v1;
	v11 =	vld.idx.msk [tilespmem:v55+s0+$0x0], $0xffff  }
0x2c2: {  	v23 =	vor.u32 $0xC, v2;
	v12 =	vld.idx.msk [tilespmem:v59+s0+$0x0], $0xffff;
	v25 =	vmul.f32 v58, v6;
	v3 =	vadd.f32 v21, v3  }
0x2c3: {  	v27 =	vor.u32 $0xD, v2;
	v26 =	vld.idx.msk [tilespmem:v60+s24+$0x0], $0xffff  }
0x2c4: {  	v14 =	vld.idx.msk [tilespmem:v63+s0+$0x0], $0xffff;
	v28 =	vor.u32 $0xD, v1;
	v29 =	vmul.f32 v62, v9;
	v3 =	vadd.f32 v25, v3  }
0x2c5: {  	v30 =	vld.idx.msk [tilespmem:v20+s24+$0x0], $0xffff;
	v32 =	vor.u32 $0xE, v1  }
0x2c6: {  	v34 =	vld.idx.msk [tilespmem:v24+s24+$0x0], $0xffff;
	v31 =	vor.u32 $0xE, v2;
	v33 =	vmul.f32 v22, v11;
	v3 =	vadd.f32 v29, v3  }
0x2c7: {  	v36 =	vor.u32 $0xF, v1;
	v10 =	vld.idx.msk [tilespmem:v23+s0+$0x0], $0xffff  }
0x2c8: {  	v35 =	vor.u32 $0xF, v2;
	v6 =	vld.idx.msk [tilespmem:v27+s0+$0x0], $0xffff;
	v37 =	vmul.f32 v26, v12;
	v3 =	vadd.f32 v33, v3  }
0x2c9: {  	v39 =	vor.u32 $0x10, v2;
	v38 =	vld.idx.msk [tilespmem:v28+s24+$0x0], $0xffff  }
0x2ca: {  	v41 =	vmul.f32 v30, v14;
	v42 =	vld.idx.msk [tilespmem:v32+s24+$0x0], $0xffff;
	v40 =	vor.u32 $0x10, v1;
	v3 =	vadd.f32 v37, v3  }
0x2cb: {  	v44 =	vor.u32 $0x11, v1;
	v9 =	vld.idx.msk [tilespmem:v31+s0+$0x0], $0xffff  }
0x2cc: {  	v43 =	vor.u32 $0x11, v2;
	v46 =	vld.idx.msk [tilespmem:v36+s24+$0x0], $0xffff;
	v45 =	vmul.f32 v34, v10;
	v3 =	vadd.f32 v41, v3  }
0x2cd: {  	v48 =	vor.u32 $0x12, v1;
	v11 =	vld.idx.msk [tilespmem:v35+s0+$0x0], $0xffff  }
0x2ce: {  	v47 =	vor.u32 $0x12, v2;
	v12 =	vld.idx.msk [tilespmem:v39+s0+$0x0], $0xffff;
	v49 =	vmul.f32 v38, v6;
	v3 =	vadd.f32 v45, v3  }
0x2cf: {  	v51 =	vor.u32 $0x13, v2;
	v50 =	vld.idx.msk [tilespmem:v40+s24+$0x0], $0xffff  }
0x2d0: {  	v52 =	vor.u32 $0x13, v1;
	v54 =	vld.idx.msk [tilespmem:v44+s24+$0x0], $0xffff;
	v53 =	vmul.f32 v42, v9;
	v3 =	vadd.f32 v49, v3  }
0x2d1: {  	v56 =	vor.u32 $0x14, v1;
	v14 =	vld.idx.msk [tilespmem:v43+s0+$0x0], $0xffff  }
0x2d2: {  	v55 =	vor.u32 $0x14, v2;
	v58 =	vld.idx.msk [tilespmem:v48+s24+$0x0], $0xffff;
	v57 =	vmul.f32 v46, v11;
	v3 =	vadd.f32 v53, v3  }
0x2d3: {  	v60 =	vor.u32 $0x15, v1;
	v10 =	vld.idx.msk [tilespmem:v47+s0+$0x0], $0xffff  }
0x2d4: {  	v59 =	vor.u32 $0x15, v2;
	v6 =	vld.idx.msk [tilespmem:v51+s0+$0x0], $0xffff;
	v61 =	vmul.f32 v50, v12;
	v3 =	vadd.f32 v57, v3  }
0x2d5: {  	v20 =	vor.u32 $0x16, v1;
	v62 =	vld.idx.msk [tilespmem:v52+s24+$0x0], $0xffff  }
0x2d6: {  	v63 =	vor.u32 $0x16, v2;
	v22 =	vld.idx.msk [tilespmem:v56+s24+$0x0], $0xffff;
	v21 =	vmul.f32 v54, v14;
	v3 =	vadd.f32 v61, v3  }
0x2d7: {  	v24 =	vor.u32 $0x17, v1;
	v9 =	vld.idx.msk [tilespmem:v55+s0+$0x0], $0xffff  }
0x2d8: {  	v23 =	vor.u32 $0x17, v2;
	v26 =	vld.idx.msk [tilespmem:v60+s24+$0x0], $0xffff;
	v25 =	vmul.f32 v58, v10;
	v3 =	vadd.f32 v21, v3  }
0x2d9: {  	v28 =	vor.u32 $0x18, v1;
	v11 =	vld.idx.msk [tilespmem:v59+s0+$0x0], $0xffff  }
0x2da: {  	v27 =	vor.u32 $0x18, v2;
	v30 =	vld.idx.msk [tilespmem:v20+s24+$0x0], $0xffff;
	v29 =	vmul.f32 v62, v6;
	v3 =	vadd.f32 v25, v3  }
0x2db: {  	v32 =	vor.u32 $0x19, v1;
	v12 =	vld.idx.msk [tilespmem:v63+s0+$0x0], $0xffff  }
0x2dc: {  	v31 =	vor.u32 $0x19, v2;
	v34 =	vld.idx.msk [tilespmem:v24+s24+$0x0], $0xffff;
	v33 =	vmul.f32 v22, v9;
	v3 =	vadd.f32 v29, v3  }
0x2dd: {  	v36 =	vor.u32 $0x1A, v1;
	v14 =	vld.idx.msk [tilespmem:v23+s0+$0x0], $0xffff  }
0x2de: {  	v35 =	vor.u32 $0x1A, v2;
	v38 =	vld.idx.msk [tilespmem:v28+s24+$0x0], $0xffff;
	v37 =	vmul.f32 v26, v11;
	v3 =	vadd.f32 v33, v3  }
0x2df: {  	v40 =	vor.u32 $0x1B, v1;
	v10 =	vld.idx.msk [tilespmem:v27+s0+$0x0], $0xffff  }
0x2e0: {  	v39 =	vor.u32 $0x1B, v2;
	v42 =	vld.idx.msk [tilespmem:v32+s24+$0x0], $0xffff;
	v41 =	vmul.f32 v30, v12;
	v3 =	vadd.f32 v37, v3  }
0x2e1: {  	v44 =	vor.u32 $0x1C, v1;
	v6 =	vld.idx.msk [tilespmem:v31+s0+$0x0], $0xffff  }
0x2e2: {  	v43 =	vor.u32 $0x1C, v2;
	v46 =	vld.idx.msk [tilespmem:v36+s24+$0x0], $0xffff;
	v45 =	vmul.f32 v34, v14;
	v3 =	vadd.f32 v41, v3  }
0x2e3: {  	v47 =	vor.u32 $0x1D, v2;
	v9 =	vld.idx.msk [tilespmem:v35+s0+$0x0], $0xffff  }
0x2e4: {  	v48 =	vor.u32 $0x1D, v1;
	v50 =	vld.idx.msk [tilespmem:v40+s24+$0x0], $0xffff;
	v49 =	vmul.f32 v38, v10;
	v3 =	vadd.f32 v45, v3  }
0x2e5: {  	v52 =	vor.u32 $0x1E, v1;
	v11 =	vld.idx.msk [tilespmem:v39+s0+$0x0], $0xffff  }
0x2e6: {  	v51 =	vor.u32 $0x1E, v2;
	v54 =	vld.idx.msk [tilespmem:v44+s24+$0x0], $0xffff;
	v53 =	vmul.f32 v42, v6;
	v3 =	vadd.f32 v49, v3  }
0x2e7: {  	v2 =	vor.u32 $0x1F, v2;
	v12 =	vld.idx.msk [tilespmem:v43+s0+$0x0], $0xffff  }
0x2e8: {  	v1 =	vor.u32 $0x1F, v1;
	v55 =	vld.idx.msk [tilespmem:v47+s0+$0x0], $0xffff;
	v56 =	vmul.f32 v46, v9;
	v3 =	vadd.f32 v53, v3  }
0x2e9: {  	v57 =	vld.idx.msk [tilespmem:v48+s24+$0x0], $0xffff  }
0x2ea: {  	v60 =	vld.idx.msk [tilespmem:v52+s24+$0x0], $0xffff;
	v59 =	vmul.f32 v50, v11;
	v3 =	vadd.f32 v56, v3  }
0x2eb: {  	v58 =	vld.idx.msk [tilespmem:v51+s0+$0x0], $0xffff  }
0x2ec: {  	v2 =	vld.idx.msk [tilespmem:v2+s0+$0x0], $0xffff;
	v61 =	vmul.f32 v54, v12;
	v3 =	vadd.f32 v59, v3  }
0x2ed: {  	v1 =	vld.idx.msk [tilespmem:v1+s24+$0x0], $0xffff  }
0x2ee: {  	v62 =	vmul.f32 v57, v55;
	v3 =	vadd.f32 v61, v3;
	_ =	sdelay $0x1  }
0x2ef: {  	v63 =	vmul.f32 v60, v58;
	v3 =	vadd.f32 v62, v3;
	_ =	sdelay $0x1  }
0x2f0: {  	v1 =	vmul.f32 v1, v2;
	v3 =	vadd.f32 v63, v3;
	_ =	sdelay $0x1  }
0x2f1: {  	v1 =	vadd.f32 v1, v3  }
0x2f2: {  	s21 =	simm.s32 $0x10D00  }
0x2f3: {  	s22 =	simm.s32 $0x110;
	[tilespmem:s21+$0x0] =	vst v1  }
0x2f4: {  	s23 =	simm.s32 $0x310;
	v1 =	vld [tilespmem:s22+$0x0]  }
0x2f5: {  	s3 =	simm.s32 $0x10;
	s7 =	simm.s32 $0x20;
	v2 =	vld [tilespmem:s23+$0x0]  }
.LBB2_6:
0x2f6: {  	p0 =	sne.s32 s7, $0x70;
	_ =	sdelay $0x1  }
0x2f7: {  	v3 =	vmov s3;
	s3 =	smov.u32 s7  }
0x2f8: {  	v3 =	vshll.u32 v3, $0x7;
	v1 =	vshll.u32 v1, $0x5  }
0x2f9: {  	v3 =	vor.u32 v0, v3;
	v1 =	vand.u32 $0x60, v1;
	v2 =	vshll.u32 v2, $0x5  }
0x2fa: {  	v4 =	vand.u32 $0x60, v2;
	v2 =	vor.u32 v3, v1  }
0x2fb: {  	v1 =	vor.u32 v3, v4  }
0x2fc: {  	s20 =	sadd.s32 $0x10, s20;
	v3 =	vor.u32 $0x1, v2  }
0x2fd: {  	s19 =	sadd.s32 $0x10, s19;
	v5 =	vor.u32 $0x1, v1;
	v4 =	vld [tilespmem:s20+$0x0]  }
0x2fe: {  	v7 =	vor.u32 $0x2, v2;
	v6 =	vld [tilespmem:s19+$0x0]  }
0x2ff: {  	v9 =	vor.u32 $0x2, v1;
	v8 =	vld.idx.msk [tilespmem:v2+s0+$0x0], $0xffff  }
0x300: {  	v11 =	vor.u32 $0x3, v2;
	v10 =	vld.idx.msk [tilespmem:v1+s24+$0x0], $0xffff  }
0x301: {  	v12 =	vor.u32 $0x3, v1;
	v3 =	vld.idx.msk [tilespmem:v3+s0+$0x0], $0xffff  }
0x302: {  	v13 =	vor.u32 $0x4, v2;
	v5 =	vld.idx.msk [tilespmem:v5+s24+$0x0], $0xffff  }
0x303: {  	v14 =	vor.u32 $0x4, v1;
	v7 =	vld.idx.msk [tilespmem:v7+s0+$0x0], $0xffff  }
0x304: {  	v15 =	vor.u32 $0x5, v2;
	v9 =	vld.idx.msk [tilespmem:v9+s24+$0x0], $0xffff  }
0x305: {  	v16 =	vor.u32 $0x5, v1;
	v11 =	vld.idx.msk [tilespmem:v11+s0+$0x0], $0xffff  }
0x306: {  	v4 =	vadd.f32 v6, v4;
	v6 =	vmul.f32 v10, v8;
	v10 =	vor.u32 $0x6, v2;
	v8 =	vld.idx.msk [tilespmem:v12+s24+$0x0], $0xffff  }
0x307: {  	v12 =	vld.idx.msk [tilespmem:v13+s0+$0x0], $0xffff;
	v13 =	vor.u32 $0x6, v1  }
0x308: {  	v4 =	vadd.f32 v6, v4;
	v3 =	vmul.f32 v5, v3;
	v6 =	vor.u32 $0x7, v2;
	v5 =	vld.idx.msk [tilespmem:v14+s24+$0x0], $0xffff  }
0x309: {  	v14 =	vld.idx.msk [tilespmem:v15+s0+$0x0], $0xffff;
	v15 =	vor.u32 $0x7, v1  }
0x30a: {  	v3 =	vadd.f32 v3, v4;
	v4 =	vmul.f32 v9, v7;
	v9 =	vor.u32 $0x8, v2;
	v7 =	vld.idx.msk [tilespmem:v16+s24+$0x0], $0xffff  }
0x30b: {  	v16 =	vor.u32 $0x8, v1;
	v10 =	vld.idx.msk [tilespmem:v10+s0+$0x0], $0xffff  }
0x30c: {  	v3 =	vadd.f32 v4, v3;
	v4 =	vmul.f32 v8, v11;
	v11 =	vor.u32 $0x9, v2;
	v8 =	vld.idx.msk [tilespmem:v13+s24+$0x0], $0xffff  }
0x30d: {  	v13 =	vor.u32 $0x9, v1;
	v6 =	vld.idx.msk [tilespmem:v6+s0+$0x0], $0xffff  }
0x30e: {  	v3 =	vadd.f32 v4, v3;
	v4 =	vmul.f32 v5, v12;
	v12 =	vor.u32 $0xA, v2;
	v5 =	vld.idx.msk [tilespmem:v15+s24+$0x0], $0xffff  }
0x30f: {  	v15 =	vor.u32 $0xA, v1;
	v9 =	vld.idx.msk [tilespmem:v9+s0+$0x0], $0xffff  }
0x310: {  	v3 =	vadd.f32 v4, v3;
	v4 =	vmul.f32 v7, v14;
	v14 =	vor.u32 $0xB, v2;
	v7 =	vld.idx.msk [tilespmem:v16+s24+$0x0], $0xffff  }
0x311: {  	v16 =	vor.u32 $0xB, v1;
	v11 =	vld.idx.msk [tilespmem:v11+s0+$0x0], $0xffff  }
0x312: {  	v3 =	vadd.f32 v4, v3;
	v4 =	vmul.f32 v8, v10;
	v10 =	vor.u32 $0xC, v2;
	v8 =	vld.idx.msk [tilespmem:v13+s24+$0x0], $0xffff  }
0x313: {  	v13 =	vor.u32 $0xC, v1;
	v12 =	vld.idx.msk [tilespmem:v12+s0+$0x0], $0xffff  }
0x314: {  	v3 =	vadd.f32 v4, v3;
	v4 =	vmul.f32 v5, v6;
	v6 =	vor.u32 $0xD, v2;
	v5 =	vld.idx.msk [tilespmem:v15+s24+$0x0], $0xffff  }
0x315: {  	v15 =	vor.u32 $0xD, v1;
	v14 =	vld.idx.msk [tilespmem:v14+s0+$0x0], $0xffff  }
0x316: {  	v3 =	vadd.f32 v4, v3;
	v4 =	vmul.f32 v7, v9;
	v9 =	vor.u32 $0xE, v2;
	v7 =	vld.idx.msk [tilespmem:v16+s24+$0x0], $0xffff  }
0x317: {  	v16 =	vor.u32 $0xE, v1;
	v10 =	vld.idx.msk [tilespmem:v10+s0+$0x0], $0xffff  }
0x318: {  	v3 =	vadd.f32 v4, v3;
	v4 =	vmul.f32 v8, v11;
	v11 =	vor.u32 $0xF, v2;
	v8 =	vld.idx.msk [tilespmem:v13+s24+$0x0], $0xffff  }
0x319: {  	v13 =	vor.u32 $0xF, v1;
	v6 =	vld.idx.msk [tilespmem:v6+s0+$0x0], $0xffff  }
0x31a: {  	v3 =	vadd.f32 v4, v3;
	v4 =	vmul.f32 v5, v12;
	v12 =	vor.u32 $0x10, v2;
	v5 =	vld.idx.msk [tilespmem:v15+s24+$0x0], $0xffff  }
0x31b: {  	v15 =	vor.u32 $0x10, v1;
	v9 =	vld.idx.msk [tilespmem:v9+s0+$0x0], $0xffff  }
0x31c: {  	v3 =	vadd.f32 v4, v3;
	v4 =	vmul.f32 v7, v14;
	v14 =	vor.u32 $0x11, v2;
	v7 =	vld.idx.msk [tilespmem:v16+s24+$0x0], $0xffff  }
0x31d: {  	v16 =	vor.u32 $0x11, v1;
	v11 =	vld.idx.msk [tilespmem:v11+s0+$0x0], $0xffff  }
0x31e: {  	v3 =	vadd.f32 v4, v3;
	v4 =	vmul.f32 v8, v10;
	v10 =	vor.u32 $0x12, v2;
	v8 =	vld.idx.msk [tilespmem:v13+s24+$0x0], $0xffff  }
0x31f: {  	v13 =	vor.u32 $0x12, v1;
	v12 =	vld.idx.msk [tilespmem:v12+s0+$0x0], $0xffff  }
0x320: {  	v3 =	vadd.f32 v4, v3;
	v4 =	vmul.f32 v5, v6;
	v6 =	vor.u32 $0x13, v2;
	v5 =	vld.idx.msk [tilespmem:v15+s24+$0x0], $0xffff  }
0x321: {  	v15 =	vor.u32 $0x13, v1;
	v14 =	vld.idx.msk [tilespmem:v14+s0+$0x0], $0xffff  }
0x322: {  	v3 =	vadd.f32 v4, v3;
	v4 =	vmul.f32 v7, v9;
	v9 =	vor.u32 $0x14, v2;
	v7 =	vld.idx.msk [tilespmem:v16+s24+$0x0], $0xffff  }
0x323: {  	v16 =	vor.u32 $0x14, v1;
	v10 =	vld.idx.msk [tilespmem:v10+s0+$0x0], $0xffff  }
0x324: {  	v3 =	vadd.f32 v4, v3;
	v4 =	vmul.f32 v8, v11;
	v11 =	vor.u32 $0x15, v2;
	v8 =	vld.idx.msk [tilespmem:v13+s24+$0x0], $0xffff  }
0x325: {  	v13 =	vor.u32 $0x15, v1;
	v6 =	vld.idx.msk [tilespmem:v6+s0+$0x0], $0xffff  }
0x326: {  	v3 =	vadd.f32 v4, v3;
	v4 =	vmul.f32 v5, v12;
	v12 =	vor.u32 $0x16, v2;
	v5 =	vld.idx.msk [tilespmem:v15+s24+$0x0], $0xffff  }
0x327: {  	v15 =	vor.u32 $0x16, v1;
	v9 =	vld.idx.msk [tilespmem:v9+s0+$0x0], $0xffff  }
0x328: {  	v3 =	vadd.f32 v4, v3;
	v4 =	vmul.f32 v7, v14;
	v14 =	vor.u32 $0x17, v2;
	v7 =	vld.idx.msk [tilespmem:v16+s24+$0x0], $0xffff  }
0x329: {  	v16 =	vor.u32 $0x17, v1;
	v11 =	vld.idx.msk [tilespmem:v11+s0+$0x0], $0xffff  }
0x32a: {  	v3 =	vadd.f32 v4, v3;
	v4 =	vmul.f32 v8, v10;
	v10 =	vor.u32 $0x18, v2;
	v8 =	vld.idx.msk [tilespmem:v13+s24+$0x0], $0xffff  }
0x32b: {  	v13 =	vor.u32 $0x18, v1;
	v12 =	vld.idx.msk [tilespmem:v12+s0+$0x0], $0xffff  }
0x32c: {  	v3 =	vadd.f32 v4, v3;
	v4 =	vmul.f32 v5, v6;
	v6 =	vor.u32 $0x19, v2;
	v5 =	vld.idx.msk [tilespmem:v15+s24+$0x0], $0xffff  }
0x32d: {  	v15 =	vor.u32 $0x19, v1;
	v14 =	vld.idx.msk [tilespmem:v14+s0+$0x0], $0xffff  }
0x32e: {  	v3 =	vadd.f32 v4, v3;
	v4 =	vmul.f32 v7, v9;
	v9 =	vor.u32 $0x1A, v2;
	v7 =	vld.idx.msk [tilespmem:v16+s24+$0x0], $0xffff  }
0x32f: {  	v16 =	vor.u32 $0x1A, v1;
	v10 =	vld.idx.msk [tilespmem:v10+s0+$0x0], $0xffff  }
0x330: {  	v3 =	vadd.f32 v4, v3;
	v4 =	vmul.f32 v8, v11;
	v11 =	vor.u32 $0x1B, v2;
	v8 =	vld.idx.msk [tilespmem:v13+s24+$0x0], $0xffff  }
0x331: {  	v13 =	vor.u32 $0x1B, v1;
	v6 =	vld.idx.msk [tilespmem:v6+s0+$0x0], $0xffff  }
0x332: {  	v3 =	vadd.f32 v4, v3;
	v4 =	vmul.f32 v5, v12;
	v12 =	vor.u32 $0x1C, v2;
	v5 =	vld.idx.msk [tilespmem:v15+s24+$0x0], $0xffff  }
0x333: {  	v15 =	vor.u32 $0x1C, v1;
	v9 =	vld.idx.msk [tilespmem:v9+s0+$0x0], $0xffff  }
0x334: {  	v3 =	vadd.f32 v4, v3;
	v4 =	vmul.f32 v7, v14;
	v14 =	vor.u32 $0x1D, v2;
	v7 =	vld.idx.msk [tilespmem:v16+s24+$0x0], $0xffff  }
0x335: {  	v16 =	vor.u32 $0x1D, v1;
	v11 =	vld.idx.msk [tilespmem:v11+s0+$0x0], $0xffff  }
0x336: {  	v3 =	vadd.f32 v4, v3;
	v4 =	vmul.f32 v8, v10;
	v10 =	vor.u32 $0x1E, v2;
	v8 =	vld.idx.msk [tilespmem:v13+s24+$0x0], $0xffff  }
0x337: {  	v13 =	vor.u32 $0x1E, v1;
	v12 =	vld.idx.msk [tilespmem:v12+s0+$0x0], $0xffff  }
0x338: {  	v2 =	vor.u32 $0x1F, v2;
	v3 =	vadd.f32 v4, v3;
	v4 =	vmul.f32 v5, v6;
	v5 =	vld.idx.msk [tilespmem:v15+s24+$0x0], $0xffff  }
0x339: {  	v1 =	vor.u32 $0x1F, v1;
	v6 =	vld.idx.msk [tilespmem:v14+s0+$0x0], $0xffff  }
0x33a: {  	v3 =	vadd.f32 v4, v3;
	v4 =	vmul.f32 v7, v9;
	v7 =	vld.idx.msk [tilespmem:v16+s24+$0x0], $0xffff  }
0x33b: {  	v9 =	vld.idx.msk [tilespmem:v10+s0+$0x0], $0xffff  }
0x33c: {  	v3 =	vadd.f32 v4, v3;
	v4 =	vmul.f32 v8, v11;
	v8 =	vld.idx.msk [tilespmem:v13+s24+$0x0], $0xffff  }
0x33d: {  	v2 =	vld.idx.msk [tilespmem:v2+s0+$0x0], $0xffff  }
0x33e: {  	v3 =	vadd.f32 v4, v3;
	v4 =	vmul.f32 v5, v12;
	v1 =	vld.idx.msk [tilespmem:v1+s24+$0x0], $0xffff;
	_ =	sdelay $0x1  }
0x33f: {  	v3 =	vadd.f32 v4, v3;
	v4 =	vmul.f32 v7, v6;
	_ =	sdelay $0x1  }
0x340: {  	v3 =	vadd.f32 v4, v3;
	v4 =	vmul.f32 v8, v9;
	_ =	sdelay $0x1  }
0x341: {  	v3 =	vadd.f32 v4, v3;
	v1 =	vmul.f32 v1, v2;
	_ =	sdelay $0x1  }
.Ltmp2:
0x342: {  	v1 =	vadd.f32 v1, v3;
	(pc) =	sbr.rel @p0 .LBB2_6-.Ltmp2, $4  }
0x343: {  	s21 =	sadd.s32 $0x10, s21  }
0x344: {  	s22 =	sadd.s32 $0x10, s22;
	[tilespmem:s21+$0x0] =	vst v1  }
0x345: {  	s23 =	sadd.s32 $0x10, s23;
	v1 =	vld [tilespmem:s22+$0x0]  }
0x346: {  	s7 =	sadd.s32 $0x10, s7;
	v2 =	vld [tilespmem:s23+$0x0]  }
0x347: {  	_ =	sdelay $0x1  }
0x348: {  	v3 =	vmov s3  }
0x349: {  	v3 =	vshll.u32 v3, $0x7;
	v1 =	vshll.u32 v1, $0x5  }
0x34a: {  	v3 =	vor.u32 v0, v3;
	v1 =	vand.u32 $0x60, v1;
	v2 =	vshll.u32 v2, $0x5  }
0x34b: {  	v4 =	vand.u32 $0x60, v2;
	v2 =	vor.u32 v3, v1  }
0x34c: {  	v1 =	vor.u32 v3, v4  }
0x34d: {  	s9 =	sadd.s32 $0x10, s20;
	v3 =	vor.u32 $0x1, v2  }
0x34e: {  	s20 =	sadd.s32 $0x10, s19;
	v50 =	vld [tilespmem:s9+$0x0];
	v5 =	vor.u32 $0x1, v1  }
0x34f: {  	v6 =	vld [tilespmem:s20+$0x0];
	v7 =	vor.u32 $0x2, v2  }
0x350: {  	v9 =	vor.u32 $0x2, v1;
	v8 =	vld.idx.msk [tilespmem:v2+s0+$0x0], $0xffff  }
0x351: {  	v11 =	vor.u32 $0x3, v2;
	v10 =	vld.idx.msk [tilespmem:v1+s24+$0x0], $0xffff  }
0x352: {  	v12 =	vor.u32 $0x3, v1;
	v3 =	vld.idx.msk [tilespmem:v3+s0+$0x0], $0xffff  }
0x353: {  	v13 =	vor.u32 $0x4, v2;
	v5 =	vld.idx.msk [tilespmem:v5+s24+$0x0], $0xffff  }
0x354: {  	v14 =	vor.u32 $0x4, v1;
	v7 =	vld.idx.msk [tilespmem:v7+s0+$0x0], $0xffff  }
0x355: {  	v15 =	vor.u32 $0x5, v2;
	v9 =	vld.idx.msk [tilespmem:v9+s24+$0x0], $0xffff  }
0x356: {  	v4 =	vadd.f32 v6, v50;
	v16 =	vor.u32 $0x5, v1;
	v11 =	vld.idx.msk [tilespmem:v11+s0+$0x0], $0xffff;
	v51 =	vmul.f32 v10, v8  }
0x357: {  	v55 =	vor.u32 $0x6, v1;
	v52 =	vld.idx.msk [tilespmem:v12+s24+$0x0], $0xffff  }
0x358: {  	v53 =	vor.u32 $0x6, v2;
	v54 =	vld.idx.msk [tilespmem:v13+s0+$0x0], $0xffff;
	v3 =	vmul.f32 v5, v3;
	v4 =	vadd.f32 v51, v4  }
0x359: {  	v57 =	vor.u32 $0x7, v2;
	v56 =	vld.idx.msk [tilespmem:v14+s24+$0x0], $0xffff  }
0x35a: {  	v59 =	vor.u32 $0x7, v1;
	v58 =	vld.idx.msk [tilespmem:v15+s0+$0x0], $0xffff;
	v60 =	vmul.f32 v9, v7;
	v3 =	vadd.f32 v3, v4  }
0x35b: {  	v63 =	vor.u32 $0x8, v1;
	v61 =	vld.idx.msk [tilespmem:v16+s24+$0x0], $0xffff  }
0x35c: {  	v62 =	vor.u32 $0x8, v2;
	v20 =	vld.idx.msk [tilespmem:v55+s24+$0x0], $0xffff;
	v19 =	vmul.f32 v52, v11;
	v3 =	vadd.f32 v60, v3  }
0x35d: {  	v22 =	vor.u32 $0x9, v1;
	v10 =	vld.idx.msk [tilespmem:v53+s0+$0x0], $0xffff  }
0x35e: {  	v21 =	vor.u32 $0x9, v2;
	v6 =	vld.idx.msk [tilespmem:v57+s0+$0x0], $0xffff;
	v23 =	vmul.f32 v56, v54;
	v3 =	vadd.f32 v19, v3  }
0x35f: {  	v25 =	vor.u32 $0xA, v2;
	v24 =	vld.idx.msk [tilespmem:v59+s24+$0x0], $0xffff  }
0x360: {  	v26 =	vor.u32 $0xA, v1;
	v28 =	vld.idx.msk [tilespmem:v63+s24+$0x0], $0xffff;
	v27 =	vmul.f32 v61, v58;
	v3 =	vadd.f32 v23, v3  }
0x361: {  	v29 =	vor.u32 $0xB, v2;
	v9 =	vld.idx.msk [tilespmem:v62+s0+$0x0], $0xffff  }
0x362: {  	v30 =	vor.u32 $0xB, v1;
	v32 =	vld.idx.msk [tilespmem:v22+s24+$0x0], $0xffff;
	v31 =	vmul.f32 v20, v10;
	v3 =	vadd.f32 v27, v3  }
0x363: {  	v34 =	vor.u32 $0xC, v1;
	v11 =	vld.idx.msk [tilespmem:v21+s0+$0x0], $0xffff  }
0x364: {  	v33 =	vor.u32 $0xC, v2;
	v12 =	vld.idx.msk [tilespmem:v25+s0+$0x0], $0xffff;
	v35 =	vmul.f32 v24, v6;
	v3 =	vadd.f32 v31, v3  }
0x365: {  	v38 =	vor.u32 $0xD, v1;
	v36 =	vld.idx.msk [tilespmem:v26+s24+$0x0], $0xffff  }
0x366: {  	v37 =	vor.u32 $0xD, v2;
	v14 =	vld.idx.msk [tilespmem:v29+s0+$0x0], $0xffff;
	v39 =	vmul.f32 v28, v9;
	v3 =	vadd.f32 v35, v3  }
0x367: {  	v42 =	vor.u32 $0xE, v1;
	v40 =	vld.idx.msk [tilespmem:v30+s24+$0x0], $0xffff  }
0x368: {  	v41 =	vor.u32 $0xE, v2;
	v44 =	vld.idx.msk [tilespmem:v34+s24+$0x0], $0xffff;
	v43 =	vmul.f32 v32, v11;
	v3 =	vadd.f32 v39, v3  }
0x369: {  	v46 =	vor.u32 $0xF, v1;
	v10 =	vld.idx.msk [tilespmem:v33+s0+$0x0], $0xffff  }
0x36a: {  	v45 =	vor.u32 $0xF, v2;
	v48 =	vld.idx.msk [tilespmem:v38+s24+$0x0], $0xffff;
	v47 =	vmul.f32 v36, v12;
	v3 =	vadd.f32 v43, v3  }
0x36b: {  	v49 =	vor.u32 $0x10, v2;
	v6 =	vld.idx.msk [tilespmem:v37+s0+$0x0], $0xffff  }
0x36c: {  	v50 =	vor.u32 $0x10, v1;
	v52 =	vld.idx.msk [tilespmem:v42+s24+$0x0], $0xffff;
	v51 =	vmul.f32 v40, v14;
	v3 =	vadd.f32 v47, v3  }
0x36d: {  	v53 =	vor.u32 $0x11, v2;
	v9 =	vld.idx.msk [tilespmem:v41+s0+$0x0], $0xffff  }
0x36e: {  	v54 =	vor.u32 $0x11, v1;
	v56 =	vld.idx.msk [tilespmem:v46+s24+$0x0], $0xffff;
	v55 =	vmul.f32 v44, v10;
	v3 =	vadd.f32 v51, v3  }
0x36f: {  	v58 =	vor.u32 $0x12, v1;
	v11 =	vld.idx.msk [tilespmem:v45+s0+$0x0], $0xffff  }
0x370: {  	v57 =	vor.u32 $0x12, v2;
	v12 =	vld.idx.msk [tilespmem:v49+s0+$0x0], $0xffff;
	v59 =	vmul.f32 v48, v6;
	v3 =	vadd.f32 v55, v3  }
0x371: {  	v61 =	vor.u32 $0x13, v2;
	v60 =	vld.idx.msk [tilespmem:v50+s24+$0x0], $0xffff  }
0x372: {  	v62 =	vor.u32 $0x13, v1;
	v14 =	vld.idx.msk [tilespmem:v53+s0+$0x0], $0xffff;
	v63 =	vmul.f32 v52, v9;
	v3 =	vadd.f32 v59, v3  }
0x373: {  	v22 =	vor.u32 $0x14, v1;
	v20 =	vld.idx.msk [tilespmem:v54+s24+$0x0], $0xffff  }
0x374: {  	v21 =	vor.u32 $0x14, v2;
	v24 =	vld.idx.msk [tilespmem:v58+s24+$0x0], $0xffff;
	v23 =	vmul.f32 v56, v11;
	v3 =	vadd.f32 v63, v3  }
0x375: {  	v26 =	vor.u32 $0x15, v1;
	v10 =	vld.idx.msk [tilespmem:v57+s0+$0x0], $0xffff  }
0x376: {  	v25 =	vor.u32 $0x15, v2;
	v6 =	vld.idx.msk [tilespmem:v61+s0+$0x0], $0xffff;
	v27 =	vmul.f32 v60, v12;
	v3 =	vadd.f32 v23, v3  }
0x377: {  	v30 =	vor.u32 $0x16, v1;
	v28 =	vld.idx.msk [tilespmem:v62+s24+$0x0], $0xffff  }
0x378: {  	v29 =	vor.u32 $0x16, v2;
	v32 =	vld.idx.msk [tilespmem:v22+s24+$0x0], $0xffff;
	v31 =	vmul.f32 v20, v14;
	v3 =	vadd.f32 v27, v3  }
0x379: {  	v34 =	vor.u32 $0x17, v1;
	v9 =	vld.idx.msk [tilespmem:v21+s0+$0x0], $0xffff  }
0x37a: {  	v36 =	vld.idx.msk [tilespmem:v26+s24+$0x0], $0xffff;
	v33 =	vor.u32 $0x17, v2;
	v35 =	vmul.f32 v24, v10;
	v3 =	vadd.f32 v31, v3  }
0x37b: {  	v38 =	vor.u32 $0x18, v1;
	v11 =	vld.idx.msk [tilespmem:v25+s0+$0x0], $0xffff  }
0x37c: {  	v37 =	vor.u32 $0x18, v2;
	v40 =	vld.idx.msk [tilespmem:v30+s24+$0x0], $0xffff;
	v39 =	vmul.f32 v28, v6;
	v3 =	vadd.f32 v35, v3  }
0x37d: {  	v42 =	vor.u32 $0x19, v1;
	v12 =	vld.idx.msk [tilespmem:v29+s0+$0x0], $0xffff  }
0x37e: {  	v41 =	vor.u32 $0x19, v2;
	v44 =	vld.idx.msk [tilespmem:v34+s24+$0x0], $0xffff;
	v43 =	vmul.f32 v32, v9;
	v3 =	vadd.f32 v39, v3  }
0x37f: {  	v46 =	vor.u32 $0x1A, v1;
	v14 =	vld.idx.msk [tilespmem:v33+s0+$0x0], $0xffff  }
0x380: {  	v45 =	vor.u32 $0x1A, v2;
	v48 =	vld.idx.msk [tilespmem:v38+s24+$0x0], $0xffff;
	v47 =	vmul.f32 v36, v11;
	v3 =	vadd.f32 v43, v3  }
0x381: {  	v50 =	vor.u32 $0x1B, v1;
	v10 =	vld.idx.msk [tilespmem:v37+s0+$0x0], $0xffff  }
0x382: {  	v49 =	vor.u32 $0x1B, v2;
	v52 =	vld.idx.msk [tilespmem:v42+s24+$0x0], $0xffff;
	v51 =	vmul.f32 v40, v12;
	v3 =	vadd.f32 v47, v3  }
0x383: {  	v54 =	vor.u32 $0x1C, v1;
	v6 =	vld.idx.msk [tilespmem:v41+s0+$0x0], $0xffff  }
0x384: {  	v53 =	vor.u32 $0x1C, v2;
	v56 =	vld.idx.msk [tilespmem:v46+s24+$0x0], $0xffff;
	v55 =	vmul.f32 v44, v14;
	v3 =	vadd.f32 v51, v3  }
0x385: {  	v58 =	vor.u32 $0x1D, v1;
	v9 =	vld.idx.msk [tilespmem:v45+s0+$0x0], $0xffff  }
0x386: {  	v57 =	vor.u32 $0x1D, v2;
	v60 =	vld.idx.msk [tilespmem:v50+s24+$0x0], $0xffff;
	v59 =	vmul.f32 v48, v10;
	v3 =	vadd.f32 v55, v3  }
0x387: {  	v62 =	vor.u32 $0x1E, v1;
	v11 =	vld.idx.msk [tilespmem:v49+s0+$0x0], $0xffff  }
0x388: {  	v61 =	vor.u32 $0x1E, v2;
	v15 =	vld.idx.msk [tilespmem:v54+s24+$0x0], $0xffff;
	v63 =	vmul.f32 v52, v6;
	v3 =	vadd.f32 v59, v3  }
0x389: {  	v1 =	vor.u32 $0x1F, v1;
	v12 =	vld.idx.msk [tilespmem:v53+s0+$0x0], $0xffff  }
0x38a: {  	v2 =	vor.u32 $0x1F, v2;
	v19 =	vld.idx.msk [tilespmem:v58+s24+$0x0], $0xffff;
	v18 =	vmul.f32 v56, v9;
	v3 =	vadd.f32 v63, v3  }
0x38b: {  	v17 =	vld.idx.msk [tilespmem:v57+s0+$0x0], $0xffff  }
0x38c: {  	v22 =	vld.idx.msk [tilespmem:v62+s24+$0x0], $0xffff;
	v21 =	vmul.f32 v60, v11;
	v3 =	vadd.f32 v18, v3  }
0x38d: {  	v20 =	vld.idx.msk [tilespmem:v61+s0+$0x0], $0xffff  }
0x38e: {  	v1 =	vld.idx.msk [tilespmem:v1+s24+$0x0], $0xffff;
	v23 =	vmul.f32 v15, v12;
	v3 =	vadd.f32 v21, v3  }
0x38f: {  	v2 =	vld.idx.msk [tilespmem:v2+s0+$0x0], $0xffff  }
0x390: {  	v24 =	vmul.f32 v19, v17;
	v3 =	vadd.f32 v23, v3;
	_ =	sdelay $0x1  }
0x391: {  	v25 =	vmul.f32 v22, v20;
	v3 =	vadd.f32 v24, v3;
	_ =	sdelay $0x1  }
0x392: {  	v1 =	vmul.f32 v1, v2;
	v3 =	vadd.f32 v25, v3;
	_ =	sdelay $0x1  }
0x393: {  	v1 =	vadd.f32 v1, v3  }
0x394: {  	s21 =	sadd.s32 $0x10, s21  }
0x395: {  	[tilespmem:s21+$0x0] =	vst v1  }
0x396: {  	_ =	swait.ge [sflag:s29], $0x4000  }
0x397: {  	[sflag:s29] =	ssyncset.done $0x0  }
0x398: {  	[sflag:s29] =	ssyncadd.s32 $0xFFFFC000  }
0x399: {  	_ =	swait.ge [sflag:s29], $0x4000  }
0x39a: {  	[sflag:s29] =	ssyncset.done $0x0  }
0x39b: {  	s22 =	simm.s32 $0x180;
	[sflag:s29] =	ssyncadd.s32 $0xFFFFC000  }
0x39c: {  	s7 =	simm.s32 $0x380;
	v1 =	vld [tilespmem:s22+$0x0]  }
0x39d: {  	v2 =	vld [tilespmem:s7+$0x0];
	_ =	sdelay $0x1  }
0x39e: {  	s23 =	simm.s32 $0x0  }
0x39f: {  	v3 =	vmov s23  }
0x3a0: {  	v3 =	vshll.u32 v3, $0x7;
	v1 =	vshll.u32 v1, $0x5  }
0x3a1: {  	v3 =	vor.u32 v0, v3;
	v2 =	vshll.u32 v2, $0x5;
	v1 =	vand.u32 $0x60, v1  }
0x3a2: {  	v26 =	vand.u32 $0x60, v2;
	v2 =	vor.u32 v3, v1  }
0x3a3: {  	v1 =	vor.u32 v3, v26  }
0x3a4: {  	s20 =	simm.s32 $0x10980;
	v3 =	vor.u32 $0x1, v2  }
0x3a5: {  	s19 =	simm.s32 $0x10B80;
	v27 =	vld [tilespmem:s20+$0x0];
	v28 =	vor.u32 $0x1, v1  }
0x3a6: {  	v29 =	vld [tilespmem:s19+$0x0];
	v30 =	vor.u32 $0x2, v2  }
0x3a7: {  	v32 =	vor.u32 $0x2, v1;
	v31 =	vld.idx.msk [tilespmem:v2+s28+$0x0], $0xffff  }
0x3a8: {  	v34 =	vor.u32 $0x3, v2;
	v33 =	vld.idx.msk [tilespmem:v1+s30+$0x0], $0xffff  }
0x3a9: {  	v35 =	vor.u32 $0x3, v1;
	v3 =	vld.idx.msk [tilespmem:v3+s28+$0x0], $0xffff  }
0x3aa: {  	v36 =	vor.u32 $0x4, v2;
	v5 =	vld.idx.msk [tilespmem:v28+s30+$0x0], $0xffff  }
0x3ab: {  	v37 =	vor.u32 $0x4, v1;
	v7 =	vld.idx.msk [tilespmem:v30+s28+$0x0], $0xffff  }
0x3ac: {  	v38 =	vor.u32 $0x5, v2;
	v9 =	vld.idx.msk [tilespmem:v32+s30+$0x0], $0xffff  }
0x3ad: {  	v4 =	vadd.f32 v29, v27;
	v39 =	vor.u32 $0x5, v1;
	v11 =	vld.idx.msk [tilespmem:v34+s28+$0x0], $0xffff;
	v40 =	vmul.f32 v33, v31  }
0x3ae: {  	v42 =	vor.u32 $0x6, v2;
	v41 =	vld.idx.msk [tilespmem:v35+s30+$0x0], $0xffff  }
0x3af: {  	v44 =	vor.u32 $0x6, v1;
	v43 =	vld.idx.msk [tilespmem:v36+s28+$0x0], $0xffff;
	v3 =	vmul.f32 v5, v3;
	v4 =	vadd.f32 v40, v4  }
0x3b0: {  	v46 =	vor.u32 $0x7, v2;
	v45 =	vld.idx.msk [tilespmem:v37+s30+$0x0], $0xffff  }
0x3b1: {  	v48 =	vor.u32 $0x7, v1;
	v47 =	vld.idx.msk [tilespmem:v38+s28+$0x0], $0xffff;
	v49 =	vmul.f32 v9, v7;
	v3 =	vadd.f32 v3, v4  }
0x3b2: {  	v52 =	vor.u32 $0x8, v1;
	v50 =	vld.idx.msk [tilespmem:v39+s30+$0x0], $0xffff  }
0x3b3: {  	v51 =	vor.u32 $0x8, v2;
	v10 =	vld.idx.msk [tilespmem:v42+s28+$0x0], $0xffff;
	v53 =	vmul.f32 v41, v11;
	v3 =	vadd.f32 v49, v3  }
0x3b4: {  	v56 =	vor.u32 $0x9, v1;
	v54 =	vld.idx.msk [tilespmem:v44+s30+$0x0], $0xffff  }
0x3b5: {  	v55 =	vor.u32 $0x9, v2;
	v6 =	vld.idx.msk [tilespmem:v46+s28+$0x0], $0xffff;
	v57 =	vmul.f32 v45, v43;
	v3 =	vadd.f32 v53, v3  }
0x3b6: {  	v59 =	vor.u32 $0xA, v2;
	v58 =	vld.idx.msk [tilespmem:v48+s30+$0x0], $0xffff  }
0x3b7: {  	v60 =	vor.u32 $0xA, v1;
	v62 =	vld.idx.msk [tilespmem:v52+s30+$0x0], $0xffff;
	v61 =	vmul.f32 v50, v47;
	v3 =	vadd.f32 v57, v3  }
0x3b8: {  	v63 =	vor.u32 $0xB, v2;
	v9 =	vld.idx.msk [tilespmem:v51+s28+$0x0], $0xffff  }
0x3b9: {  	v20 =	vor.u32 $0xB, v1;
	v22 =	vld.idx.msk [tilespmem:v56+s30+$0x0], $0xffff;
	v21 =	vmul.f32 v54, v10;
	v3 =	vadd.f32 v61, v3  }
0x3ba: {  	v24 =	vor.u32 $0xC, v1;
	v11 =	vld.idx.msk [tilespmem:v55+s28+$0x0], $0xffff  }
0x3bb: {  	v23 =	vor.u32 $0xC, v2;
	v12 =	vld.idx.msk [tilespmem:v59+s28+$0x0], $0xffff;
	v25 =	vmul.f32 v58, v6;
	v3 =	vadd.f32 v21, v3  }
0x3bc: {  	v27 =	vor.u32 $0xD, v2;
	v26 =	vld.idx.msk [tilespmem:v60+s30+$0x0], $0xffff  }
0x3bd: {  	v14 =	vld.idx.msk [tilespmem:v63+s28+$0x0], $0xffff;
	v28 =	vor.u32 $0xD, v1;
	v29 =	vmul.f32 v62, v9;
	v3 =	vadd.f32 v25, v3  }
0x3be: {  	v30 =	vld.idx.msk [tilespmem:v20+s30+$0x0], $0xffff;
	v32 =	vor.u32 $0xE, v1  }
0x3bf: {  	v34 =	vld.idx.msk [tilespmem:v24+s30+$0x0], $0xffff;
	v31 =	vor.u32 $0xE, v2;
	v33 =	vmul.f32 v22, v11;
	v3 =	vadd.f32 v29, v3  }
0x3c0: {  	v36 =	vor.u32 $0xF, v1;
	v10 =	vld.idx.msk [tilespmem:v23+s28+$0x0], $0xffff  }
0x3c1: {  	v35 =	vor.u32 $0xF, v2;
	v6 =	vld.idx.msk [tilespmem:v27+s28+$0x0], $0xffff;
	v37 =	vmul.f32 v26, v12;
	v3 =	vadd.f32 v33, v3  }
0x3c2: {  	v39 =	vor.u32 $0x10, v2;
	v38 =	vld.idx.msk [tilespmem:v28+s30+$0x0], $0xffff  }
0x3c3: {  	v41 =	vmul.f32 v30, v14;
	v42 =	vld.idx.msk [tilespmem:v32+s30+$0x0], $0xffff;
	v40 =	vor.u32 $0x10, v1;
	v3 =	vadd.f32 v37, v3  }
0x3c4: {  	v44 =	vor.u32 $0x11, v1;
	v9 =	vld.idx.msk [tilespmem:v31+s28+$0x0], $0xffff  }
0x3c5: {  	v43 =	vor.u32 $0x11, v2;
	v46 =	vld.idx.msk [tilespmem:v36+s30+$0x0], $0xffff;
	v45 =	vmul.f32 v34, v10;
	v3 =	vadd.f32 v41, v3  }
0x3c6: {  	v48 =	vor.u32 $0x12, v1;
	v11 =	vld.idx.msk [tilespmem:v35+s28+$0x0], $0xffff  }
0x3c7: {  	v47 =	vor.u32 $0x12, v2;
	v12 =	vld.idx.msk [tilespmem:v39+s28+$0x0], $0xffff;
	v49 =	vmul.f32 v38, v6;
	v3 =	vadd.f32 v45, v3  }
0x3c8: {  	v51 =	vor.u32 $0x13, v2;
	v50 =	vld.idx.msk [tilespmem:v40+s30+$0x0], $0xffff  }
0x3c9: {  	v52 =	vor.u32 $0x13, v1;
	v54 =	vld.idx.msk [tilespmem:v44+s30+$0x0], $0xffff;
	v53 =	vmul.f32 v42, v9;
	v3 =	vadd.f32 v49, v3  }
0x3ca: {  	v56 =	vor.u32 $0x14, v1;
	v14 =	vld.idx.msk [tilespmem:v43+s28+$0x0], $0xffff  }
0x3cb: {  	v55 =	vor.u32 $0x14, v2;
	v58 =	vld.idx.msk [tilespmem:v48+s30+$0x0], $0xffff;
	v57 =	vmul.f32 v46, v11;
	v3 =	vadd.f32 v53, v3  }
0x3cc: {  	v60 =	vor.u32 $0x15, v1;
	v10 =	vld.idx.msk [tilespmem:v47+s28+$0x0], $0xffff  }
0x3cd: {  	v59 =	vor.u32 $0x15, v2;
	v6 =	vld.idx.msk [tilespmem:v51+s28+$0x0], $0xffff;
	v61 =	vmul.f32 v50, v12;
	v3 =	vadd.f32 v57, v3  }
0x3ce: {  	v20 =	vor.u32 $0x16, v1;
	v62 =	vld.idx.msk [tilespmem:v52+s30+$0x0], $0xffff  }
0x3cf: {  	v63 =	vor.u32 $0x16, v2;
	v22 =	vld.idx.msk [tilespmem:v56+s30+$0x0], $0xffff;
	v21 =	vmul.f32 v54, v14;
	v3 =	vadd.f32 v61, v3  }
0x3d0: {  	v24 =	vor.u32 $0x17, v1;
	v9 =	vld.idx.msk [tilespmem:v55+s28+$0x0], $0xffff  }
0x3d1: {  	v23 =	vor.u32 $0x17, v2;
	v26 =	vld.idx.msk [tilespmem:v60+s30+$0x0], $0xffff;
	v25 =	vmul.f32 v58, v10;
	v3 =	vadd.f32 v21, v3  }
0x3d2: {  	v28 =	vor.u32 $0x18, v1;
	v11 =	vld.idx.msk [tilespmem:v59+s28+$0x0], $0xffff  }
0x3d3: {  	v27 =	vor.u32 $0x18, v2;
	v30 =	vld.idx.msk [tilespmem:v20+s30+$0x0], $0xffff;
	v29 =	vmul.f32 v62, v6;
	v3 =	vadd.f32 v25, v3  }
0x3d4: {  	v32 =	vor.u32 $0x19, v1;
	v12 =	vld.idx.msk [tilespmem:v63+s28+$0x0], $0xffff  }
0x3d5: {  	v31 =	vor.u32 $0x19, v2;
	v34 =	vld.idx.msk [tilespmem:v24+s30+$0x0], $0xffff;
	v33 =	vmul.f32 v22, v9;
	v3 =	vadd.f32 v29, v3  }
0x3d6: {  	v36 =	vor.u32 $0x1A, v1;
	v14 =	vld.idx.msk [tilespmem:v23+s28+$0x0], $0xffff  }
0x3d7: {  	v35 =	vor.u32 $0x1A, v2;
	v38 =	vld.idx.msk [tilespmem:v28+s30+$0x0], $0xffff;
	v37 =	vmul.f32 v26, v11;
	v3 =	vadd.f32 v33, v3  }
0x3d8: {  	v40 =	vor.u32 $0x1B, v1;
	v10 =	vld.idx.msk [tilespmem:v27+s28+$0x0], $0xffff  }
0x3d9: {  	v39 =	vor.u32 $0x1B, v2;
	v42 =	vld.idx.msk [tilespmem:v32+s30+$0x0], $0xffff;
	v41 =	vmul.f32 v30, v12;
	v3 =	vadd.f32 v37, v3  }
0x3da: {  	v44 =	vor.u32 $0x1C, v1;
	v6 =	vld.idx.msk [tilespmem:v31+s28+$0x0], $0xffff  }
0x3db: {  	v43 =	vor.u32 $0x1C, v2;
	v46 =	vld.idx.msk [tilespmem:v36+s30+$0x0], $0xffff;
	v45 =	vmul.f32 v34, v14;
	v3 =	vadd.f32 v41, v3  }
0x3dc: {  	v47 =	vor.u32 $0x1D, v2;
	v9 =	vld.idx.msk [tilespmem:v35+s28+$0x0], $0xffff  }
0x3dd: {  	v48 =	vor.u32 $0x1D, v1;
	v50 =	vld.idx.msk [tilespmem:v40+s30+$0x0], $0xffff;
	v49 =	vmul.f32 v38, v10;
	v3 =	vadd.f32 v45, v3  }
0x3de: {  	v52 =	vor.u32 $0x1E, v1;
	v11 =	vld.idx.msk [tilespmem:v39+s28+$0x0], $0xffff  }
0x3df: {  	v51 =	vor.u32 $0x1E, v2;
	v54 =	vld.idx.msk [tilespmem:v44+s30+$0x0], $0xffff;
	v53 =	vmul.f32 v42, v6;
	v3 =	vadd.f32 v49, v3  }
0x3e0: {  	v2 =	vor.u32 $0x1F, v2;
	v12 =	vld.idx.msk [tilespmem:v43+s28+$0x0], $0xffff  }
0x3e1: {  	v1 =	vor.u32 $0x1F, v1;
	v55 =	vld.idx.msk [tilespmem:v47+s28+$0x0], $0xffff;
	v56 =	vmul.f32 v46, v9;
	v3 =	vadd.f32 v53, v3  }
0x3e2: {  	v57 =	vld.idx.msk [tilespmem:v48+s30+$0x0], $0xffff  }
0x3e3: {  	v60 =	vld.idx.msk [tilespmem:v52+s30+$0x0], $0xffff;
	v59 =	vmul.f32 v50, v11;
	v3 =	vadd.f32 v56, v3  }
0x3e4: {  	v58 =	vld.idx.msk [tilespmem:v51+s28+$0x0], $0xffff  }
0x3e5: {  	v2 =	vld.idx.msk [tilespmem:v2+s28+$0x0], $0xffff;
	v61 =	vmul.f32 v54, v12;
	v3 =	vadd.f32 v59, v3  }
0x3e6: {  	v1 =	vld.idx.msk [tilespmem:v1+s30+$0x0], $0xffff  }
0x3e7: {  	v62 =	vmul.f32 v57, v55;
	v3 =	vadd.f32 v61, v3;
	_ =	sdelay $0x1  }
0x3e8: {  	v63 =	vmul.f32 v60, v58;
	v3 =	vadd.f32 v62, v3;
	_ =	sdelay $0x1  }
0x3e9: {  	v1 =	vmul.f32 v1, v2;
	v3 =	vadd.f32 v63, v3;
	_ =	sdelay $0x1  }
0x3ea: {  	v1 =	vadd.f32 v1, v3  }
0x3eb: {  	s21 =	simm.s32 $0x10D80  }
0x3ec: {  	s22 =	simm.s32 $0x190;
	[tilespmem:s21+$0x0] =	vst v1  }
0x3ed: {  	s23 =	simm.s32 $0x390;
	v1 =	vld [tilespmem:s22+$0x0]  }
0x3ee: {  	s3 =	simm.s32 $0x10;
	s7 =	simm.s32 $0x20;
	v2 =	vld [tilespmem:s23+$0x0]  }
.LBB2_8:
0x3ef: {  	p0 =	sne.s32 s7, $0x70;
	_ =	sdelay $0x1  }
0x3f0: {  	v3 =	vmov s3;
	s3 =	smov.u32 s7  }
0x3f1: {  	v3 =	vshll.u32 v3, $0x7;
	v1 =	vshll.u32 v1, $0x5  }
0x3f2: {  	v3 =	vor.u32 v0, v3;
	v1 =	vand.u32 $0x60, v1;
	v2 =	vshll.u32 v2, $0x5  }
0x3f3: {  	v4 =	vand.u32 $0x60, v2;
	v2 =	vor.u32 v3, v1  }
0x3f4: {  	v1 =	vor.u32 v3, v4  }
0x3f5: {  	s20 =	sadd.s32 $0x10, s20;
	v3 =	vor.u32 $0x1, v2  }
0x3f6: {  	s19 =	sadd.s32 $0x10, s19;
	v5 =	vor.u32 $0x1, v1;
	v4 =	vld [tilespmem:s20+$0x0]  }
0x3f7: {  	v7 =	vor.u32 $0x2, v2;
	v6 =	vld [tilespmem:s19+$0x0]  }
0x3f8: {  	v9 =	vor.u32 $0x2, v1;
	v8 =	vld.idx.msk [tilespmem:v2+s28+$0x0], $0xffff  }
0x3f9: {  	v11 =	vor.u32 $0x3, v2;
	v10 =	vld.idx.msk [tilespmem:v1+s30+$0x0], $0xffff  }
0x3fa: {  	v12 =	vor.u32 $0x3, v1;
	v3 =	vld.idx.msk [tilespmem:v3+s28+$0x0], $0xffff  }
0x3fb: {  	v13 =	vor.u32 $0x4, v2;
	v5 =	vld.idx.msk [tilespmem:v5+s30+$0x0], $0xffff  }
0x3fc: {  	v14 =	vor.u32 $0x4, v1;
	v7 =	vld.idx.msk [tilespmem:v7+s28+$0x0], $0xffff  }
0x3fd: {  	v15 =	vor.u32 $0x5, v2;
	v9 =	vld.idx.msk [tilespmem:v9+s30+$0x0], $0xffff  }
0x3fe: {  	v16 =	vor.u32 $0x5, v1;
	v11 =	vld.idx.msk [tilespmem:v11+s28+$0x0], $0xffff  }
0x3ff: {  	v4 =	vadd.f32 v6, v4;
	v6 =	vmul.f32 v10, v8;
	v10 =	vor.u32 $0x6, v2;
	v8 =	vld.idx.msk [tilespmem:v12+s30+$0x0], $0xffff  }
0x400: {  	v12 =	vld.idx.msk [tilespmem:v13+s28+$0x0], $0xffff;
	v13 =	vor.u32 $0x6, v1  }
0x401: {  	v4 =	vadd.f32 v6, v4;
	v3 =	vmul.f32 v5, v3;
	v6 =	vor.u32 $0x7, v2;
	v5 =	vld.idx.msk [tilespmem:v14+s30+$0x0], $0xffff  }
0x402: {  	v14 =	vld.idx.msk [tilespmem:v15+s28+$0x0], $0xffff;
	v15 =	vor.u32 $0x7, v1  }
0x403: {  	v3 =	vadd.f32 v3, v4;
	v4 =	vmul.f32 v9, v7;
	v9 =	vor.u32 $0x8, v2;
	v7 =	vld.idx.msk [tilespmem:v16+s30+$0x0], $0xffff  }
0x404: {  	v16 =	vor.u32 $0x8, v1;
	v10 =	vld.idx.msk [tilespmem:v10+s28+$0x0], $0xffff  }
0x405: {  	v3 =	vadd.f32 v4, v3;
	v4 =	vmul.f32 v8, v11;
	v11 =	vor.u32 $0x9, v2;
	v8 =	vld.idx.msk [tilespmem:v13+s30+$0x0], $0xffff  }
0x406: {  	v13 =	vor.u32 $0x9, v1;
	v6 =	vld.idx.msk [tilespmem:v6+s28+$0x0], $0xffff  }
0x407: {  	v3 =	vadd.f32 v4, v3;
	v4 =	vmul.f32 v5, v12;
	v12 =	vor.u32 $0xA, v2;
	v5 =	vld.idx.msk [tilespmem:v15+s30+$0x0], $0xffff  }
0x408: {  	v15 =	vor.u32 $0xA, v1;
	v9 =	vld.idx.msk [tilespmem:v9+s28+$0x0], $0xffff  }
0x409: {  	v3 =	vadd.f32 v4, v3;
	v4 =	vmul.f32 v7, v14;
	v14 =	vor.u32 $0xB, v2;
	v7 =	vld.idx.msk [tilespmem:v16+s30+$0x0], $0xffff  }
0x40a: {  	v16 =	vor.u32 $0xB, v1;
	v11 =	vld.idx.msk [tilespmem:v11+s28+$0x0], $0xffff  }
0x40b: {  	v3 =	vadd.f32 v4, v3;
	v4 =	vmul.f32 v8, v10;
	v10 =	vor.u32 $0xC, v2;
	v8 =	vld.idx.msk [tilespmem:v13+s30+$0x0], $0xffff  }
0x40c: {  	v13 =	vor.u32 $0xC, v1;
	v12 =	vld.idx.msk [tilespmem:v12+s28+$0x0], $0xffff  }
0x40d: {  	v3 =	vadd.f32 v4, v3;
	v4 =	vmul.f32 v5, v6;
	v6 =	vor.u32 $0xD, v2;
	v5 =	vld.idx.msk [tilespmem:v15+s30+$0x0], $0xffff  }
0x40e: {  	v15 =	vor.u32 $0xD, v1;
	v14 =	vld.idx.msk [tilespmem:v14+s28+$0x0], $0xffff  }
0x40f: {  	v3 =	vadd.f32 v4, v3;
	v4 =	vmul.f32 v7, v9;
	v9 =	vor.u32 $0xE, v2;
	v7 =	vld.idx.msk [tilespmem:v16+s30+$0x0], $0xffff  }
0x410: {  	v16 =	vor.u32 $0xE, v1;
	v10 =	vld.idx.msk [tilespmem:v10+s28+$0x0], $0xffff  }
0x411: {  	v3 =	vadd.f32 v4, v3;
	v4 =	vmul.f32 v8, v11;
	v11 =	vor.u32 $0xF, v2;
	v8 =	vld.idx.msk [tilespmem:v13+s30+$0x0], $0xffff  }
0x412: {  	v13 =	vor.u32 $0xF, v1;
	v6 =	vld.idx.msk [tilespmem:v6+s28+$0x0], $0xffff  }
0x413: {  	v3 =	vadd.f32 v4, v3;
	v4 =	vmul.f32 v5, v12;
	v12 =	vor.u32 $0x10, v2;
	v5 =	vld.idx.msk [tilespmem:v15+s30+$0x0], $0xffff  }
0x414: {  	v15 =	vor.u32 $0x10, v1;
	v9 =	vld.idx.msk [tilespmem:v9+s28+$0x0], $0xffff  }
0x415: {  	v3 =	vadd.f32 v4, v3;
	v4 =	vmul.f32 v7, v14;
	v14 =	vor.u32 $0x11, v2;
	v7 =	vld.idx.msk [tilespmem:v16+s30+$0x0], $0xffff  }
0x416: {  	v16 =	vor.u32 $0x11, v1;
	v11 =	vld.idx.msk [tilespmem:v11+s28+$0x0], $0xffff  }
0x417: {  	v3 =	vadd.f32 v4, v3;
	v4 =	vmul.f32 v8, v10;
	v10 =	vor.u32 $0x12, v2;
	v8 =	vld.idx.msk [tilespmem:v13+s30+$0x0], $0xffff  }
0x418: {  	v13 =	vor.u32 $0x12, v1;
	v12 =	vld.idx.msk [tilespmem:v12+s28+$0x0], $0xffff  }
0x419: {  	v3 =	vadd.f32 v4, v3;
	v4 =	vmul.f32 v5, v6;
	v6 =	vor.u32 $0x13, v2;
	v5 =	vld.idx.msk [tilespmem:v15+s30+$0x0], $0xffff  }
0x41a: {  	v15 =	vor.u32 $0x13, v1;
	v14 =	vld.idx.msk [tilespmem:v14+s28+$0x0], $0xffff  }
0x41b: {  	v3 =	vadd.f32 v4, v3;
	v4 =	vmul.f32 v7, v9;
	v9 =	vor.u32 $0x14, v2;
	v7 =	vld.idx.msk [tilespmem:v16+s30+$0x0], $0xffff  }
0x41c: {  	v16 =	vor.u32 $0x14, v1;
	v10 =	vld.idx.msk [tilespmem:v10+s28+$0x0], $0xffff  }
0x41d: {  	v3 =	vadd.f32 v4, v3;
	v4 =	vmul.f32 v8, v11;
	v11 =	vor.u32 $0x15, v2;
	v8 =	vld.idx.msk [tilespmem:v13+s30+$0x0], $0xffff  }
0x41e: {  	v13 =	vor.u32 $0x15, v1;
	v6 =	vld.idx.msk [tilespmem:v6+s28+$0x0], $0xffff  }
0x41f: {  	v3 =	vadd.f32 v4, v3;
	v4 =	vmul.f32 v5, v12;
	v12 =	vor.u32 $0x16, v2;
	v5 =	vld.idx.msk [tilespmem:v15+s30+$0x0], $0xffff  }
0x420: {  	v15 =	vor.u32 $0x16, v1;
	v9 =	vld.idx.msk [tilespmem:v9+s28+$0x0], $0xffff  }
0x421: {  	v3 =	vadd.f32 v4, v3;
	v4 =	vmul.f32 v7, v14;
	v14 =	vor.u32 $0x17, v2;
	v7 =	vld.idx.msk [tilespmem:v16+s30+$0x0], $0xffff  }
0x422: {  	v16 =	vor.u32 $0x17, v1;
	v11 =	vld.idx.msk [tilespmem:v11+s28+$0x0], $0xffff  }
0x423: {  	v3 =	vadd.f32 v4, v3;
	v4 =	vmul.f32 v8, v10;
	v10 =	vor.u32 $0x18, v2;
	v8 =	vld.idx.msk [tilespmem:v13+s30+$0x0], $0xffff  }
0x424: {  	v13 =	vor.u32 $0x18, v1;
	v12 =	vld.idx.msk [tilespmem:v12+s28+$0x0], $0xffff  }
0x425: {  	v3 =	vadd.f32 v4, v3;
	v4 =	vmul.f32 v5, v6;
	v6 =	vor.u32 $0x19, v2;
	v5 =	vld.idx.msk [tilespmem:v15+s30+$0x0], $0xffff  }
0x426: {  	v15 =	vor.u32 $0x19, v1;
	v14 =	vld.idx.msk [tilespmem:v14+s28+$0x0], $0xffff  }
0x427: {  	v3 =	vadd.f32 v4, v3;
	v4 =	vmul.f32 v7, v9;
	v9 =	vor.u32 $0x1A, v2;
	v7 =	vld.idx.msk [tilespmem:v16+s30+$0x0], $0xffff  }
0x428: {  	v16 =	vor.u32 $0x1A, v1;
	v10 =	vld.idx.msk [tilespmem:v10+s28+$0x0], $0xffff  }
0x429: {  	v3 =	vadd.f32 v4, v3;
	v4 =	vmul.f32 v8, v11;
	v11 =	vor.u32 $0x1B, v2;
	v8 =	vld.idx.msk [tilespmem:v13+s30+$0x0], $0xffff  }
0x42a: {  	v13 =	vor.u32 $0x1B, v1;
	v6 =	vld.idx.msk [tilespmem:v6+s28+$0x0], $0xffff  }
0x42b: {  	v3 =	vadd.f32 v4, v3;
	v4 =	vmul.f32 v5, v12;
	v12 =	vor.u32 $0x1C, v2;
	v5 =	vld.idx.msk [tilespmem:v15+s30+$0x0], $0xffff  }
0x42c: {  	v15 =	vor.u32 $0x1C, v1;
	v9 =	vld.idx.msk [tilespmem:v9+s28+$0x0], $0xffff  }
0x42d: {  	v3 =	vadd.f32 v4, v3;
	v4 =	vmul.f32 v7, v14;
	v14 =	vor.u32 $0x1D, v2;
	v7 =	vld.idx.msk [tilespmem:v16+s30+$0x0], $0xffff  }
0x42e: {  	v16 =	vor.u32 $0x1D, v1;
	v11 =	vld.idx.msk [tilespmem:v11+s28+$0x0], $0xffff  }
0x42f: {  	v3 =	vadd.f32 v4, v3;
	v4 =	vmul.f32 v8, v10;
	v10 =	vor.u32 $0x1E, v2;
	v8 =	vld.idx.msk [tilespmem:v13+s30+$0x0], $0xffff  }
0x430: {  	v13 =	vor.u32 $0x1E, v1;
	v12 =	vld.idx.msk [tilespmem:v12+s28+$0x0], $0xffff  }
0x431: {  	v2 =	vor.u32 $0x1F, v2;
	v3 =	vadd.f32 v4, v3;
	v4 =	vmul.f32 v5, v6;
	v5 =	vld.idx.msk [tilespmem:v15+s30+$0x0], $0xffff  }
0x432: {  	v1 =	vor.u32 $0x1F, v1;
	v6 =	vld.idx.msk [tilespmem:v14+s28+$0x0], $0xffff  }
0x433: {  	v3 =	vadd.f32 v4, v3;
	v4 =	vmul.f32 v7, v9;
	v7 =	vld.idx.msk [tilespmem:v16+s30+$0x0], $0xffff  }
0x434: {  	v9 =	vld.idx.msk [tilespmem:v10+s28+$0x0], $0xffff  }
0x435: {  	v3 =	vadd.f32 v4, v3;
	v4 =	vmul.f32 v8, v11;
	v8 =	vld.idx.msk [tilespmem:v13+s30+$0x0], $0xffff  }
0x436: {  	v2 =	vld.idx.msk [tilespmem:v2+s28+$0x0], $0xffff  }
0x437: {  	v3 =	vadd.f32 v4, v3;
	v4 =	vmul.f32 v5, v12;
	v1 =	vld.idx.msk [tilespmem:v1+s30+$0x0], $0xffff;
	_ =	sdelay $0x1  }
0x438: {  	v3 =	vadd.f32 v4, v3;
	v4 =	vmul.f32 v7, v6;
	_ =	sdelay $0x1  }
0x439: {  	v3 =	vadd.f32 v4, v3;
	v4 =	vmul.f32 v8, v9;
	_ =	sdelay $0x1  }
0x43a: {  	v3 =	vadd.f32 v4, v3;
	v1 =	vmul.f32 v1, v2;
	_ =	sdelay $0x1  }
.Ltmp3:
0x43b: {  	v1 =	vadd.f32 v1, v3;
	(pc) =	sbr.rel @p0 .LBB2_8-.Ltmp3, $4  }
0x43c: {  	s21 =	sadd.s32 $0x10, s21  }
0x43d: {  	s22 =	sadd.s32 $0x10, s22;
	[tilespmem:s21+$0x0] =	vst v1  }
0x43e: {  	s23 =	sadd.s32 $0x10, s23;
	v1 =	vld [tilespmem:s22+$0x0]  }
0x43f: {  	s7 =	sadd.s32 $0x10, s7;
	v2 =	vld [tilespmem:s23+$0x0]  }
0x440: {  	_ =	sdelay $0x1  }
0x441: {  	v3 =	vmov s3  }
0x442: {  	v3 =	vshll.u32 v3, $0x7;
	v1 =	vshll.u32 v1, $0x5  }
0x443: {  	v3 =	vor.u32 v0, v3;
	v1 =	vand.u32 $0x60, v1;
	v2 =	vshll.u32 v2, $0x5  }
0x444: {  	v4 =	vand.u32 $0x60, v2;
	v2 =	vor.u32 v3, v1  }
0x445: {  	v1 =	vor.u32 v3, v4  }
0x446: {  	s20 =	sadd.s32 $0x10, s20;
	v3 =	vor.u32 $0x1, v2  }
0x447: {  	s22 =	sadd.s32 $0x10, s19;
	v39 =	vld [tilespmem:s20+$0x0];
	v5 =	vor.u32 $0x1, v1  }
0x448: {  	v6 =	vld [tilespmem:s22+$0x0];
	v7 =	vor.u32 $0x2, v2  }
0x449: {  	v9 =	vor.u32 $0x2, v1;
	v8 =	vld.idx.msk [tilespmem:v2+s28+$0x0], $0xffff  }
0x44a: {  	v11 =	vor.u32 $0x3, v2;
	v10 =	vld.idx.msk [tilespmem:v1+s30+$0x0], $0xffff  }
0x44b: {  	v12 =	vor.u32 $0x3, v1;
	v3 =	vld.idx.msk [tilespmem:v3+s28+$0x0], $0xffff  }
0x44c: {  	v13 =	vor.u32 $0x4, v2;
	v5 =	vld.idx.msk [tilespmem:v5+s30+$0x0], $0xffff  }
0x44d: {  	v14 =	vor.u32 $0x4, v1;
	v7 =	vld.idx.msk [tilespmem:v7+s28+$0x0], $0xffff  }
0x44e: {  	v15 =	vor.u32 $0x5, v2;
	v9 =	vld.idx.msk [tilespmem:v9+s30+$0x0], $0xffff  }
0x44f: {  	v4 =	vadd.f32 v6, v39;
	v16 =	vor.u32 $0x5, v1;
	v11 =	vld.idx.msk [tilespmem:v11+s28+$0x0], $0xffff;
	v40 =	vmul.f32 v10, v8  }
0x450: {  	v44 =	vor.u32 $0x6, v1;
	v41 =	vld.idx.msk [tilespmem:v12+s30+$0x0], $0xffff  }
0x451: {  	v42 =	vor.u32 $0x6, v2;
	v43 =	vld.idx.msk [tilespmem:v13+s28+$0x0], $0xffff;
	v3 =	vmul.f32 v5, v3;
	v4 =	vadd.f32 v40, v4  }
0x452: {  	v46 =	vor.u32 $0x7, v2;
	v45 =	vld.idx.msk [tilespmem:v14+s30+$0x0], $0xffff  }
0x453: {  	v48 =	vor.u32 $0x7, v1;
	v47 =	vld.idx.msk [tilespmem:v15+s28+$0x0], $0xffff;
	v49 =	vmul.f32 v9, v7;
	v3 =	vadd.f32 v3, v4  }
0x454: {  	v52 =	vor.u32 $0x8, v1;
	v50 =	vld.idx.msk [tilespmem:v16+s30+$0x0], $0xffff  }
0x455: {  	v51 =	vor.u32 $0x8, v2;
	v54 =	vld.idx.msk [tilespmem:v44+s30+$0x0], $0xffff;
	v53 =	vmul.f32 v41, v11;
	v3 =	vadd.f32 v49, v3  }
0x456: {  	v56 =	vor.u32 $0x9, v1;
	v10 =	vld.idx.msk [tilespmem:v42+s28+$0x0], $0xffff  }
0x457: {  	v55 =	vor.u32 $0x9, v2;
	v6 =	vld.idx.msk [tilespmem:v46+s28+$0x0], $0xffff;
	v57 =	vmul.f32 v45, v43;
	v3 =	vadd.f32 v53, v3  }
0x458: {  	v59 =	vor.u32 $0xA, v2;
	v58 =	vld.idx.msk [tilespmem:v48+s30+$0x0], $0xffff  }
0x459: {  	v60 =	vor.u32 $0xA, v1;
	v62 =	vld.idx.msk [tilespmem:v52+s30+$0x0], $0xffff;
	v61 =	vmul.f32 v50, v47;
	v3 =	vadd.f32 v57, v3  }
0x45a: {  	v63 =	vor.u32 $0xB, v2;
	v9 =	vld.idx.msk [tilespmem:v51+s28+$0x0], $0xffff  }
0x45b: {  	v20 =	vor.u32 $0xB, v1;
	v22 =	vld.idx.msk [tilespmem:v56+s30+$0x0], $0xffff;
	v21 =	vmul.f32 v54, v10;
	v3 =	vadd.f32 v61, v3  }
0x45c: {  	v24 =	vor.u32 $0xC, v1;
	v11 =	vld.idx.msk [tilespmem:v55+s28+$0x0], $0xffff  }
0x45d: {  	v23 =	vor.u32 $0xC, v2;
	v12 =	vld.idx.msk [tilespmem:v59+s28+$0x0], $0xffff;
	v25 =	vmul.f32 v58, v6;
	v3 =	vadd.f32 v21, v3  }
0x45e: {  	v28 =	vor.u32 $0xD, v1;
	v26 =	vld.idx.msk [tilespmem:v60+s30+$0x0], $0xffff  }
0x45f: {  	v27 =	vor.u32 $0xD, v2;
	v14 =	vld.idx.msk [tilespmem:v63+s28+$0x0], $0xffff;
	v29 =	vmul.f32 v62, v9;
	v3 =	vadd.f32 v25, v3  }
0x460: {  	v32 =	vor.u32 $0xE, v1;
	v30 =	vld.idx.msk [tilespmem:v20+s30+$0x0], $0xffff  }
0x461: {  	v31 =	vor.u32 $0xE, v2;
	v34 =	vld.idx.msk [tilespmem:v24+s30+$0x0], $0xffff;
	v33 =	vmul.f32 v22, v11;
	v3 =	vadd.f32 v29, v3  }
0x462: {  	v36 =	vor.u32 $0xF, v1;
	v10 =	vld.idx.msk [tilespmem:v23+s28+$0x0], $0xffff  }
0x463: {  	v35 =	vor.u32 $0xF, v2;
	v38 =	vld.idx.msk [tilespmem:v28+s30+$0x0], $0xffff;
	v37 =	vmul.f32 v26, v12;
	v3 =	vadd.f32 v33, v3  }
0x464: {  	v39 =	vor.u32 $0x10, v2;
	v6 =	vld.idx.msk [tilespmem:v27+s28+$0x0], $0xffff  }
0x465: {  	v42 =	vld.idx.msk [tilespmem:v32+s30+$0x0], $0xffff;
	v41 =	vmul.f32 v30, v14;
	v40 =	vor.u32 $0x10, v1;
	v3 =	vadd.f32 v37, v3  }
0x466: {  	v44 =	vor.u32 $0x11, v1;
	v9 =	vld.idx.msk [tilespmem:v31+s28+$0x0], $0xffff  }
0x467: {  	v46 =	vld.idx.msk [tilespmem:v36+s30+$0x0], $0xffff;
	v43 =	vor.u32 $0x11, v2;
	v45 =	vmul.f32 v34, v10;
	v3 =	vadd.f32 v41, v3  }
0x468: {  	v48 =	vor.u32 $0x12, v1;
	v11 =	vld.idx.msk [tilespmem:v35+s28+$0x0], $0xffff  }
0x469: {  	v47 =	vor.u32 $0x12, v2;
	v12 =	vld.idx.msk [tilespmem:v39+s28+$0x0], $0xffff;
	v49 =	vmul.f32 v38, v6;
	v3 =	vadd.f32 v45, v3  }
0x46a: {  	v51 =	vor.u32 $0x13, v2;
	v50 =	vld.idx.msk [tilespmem:v40+s30+$0x0], $0xffff  }
0x46b: {  	v52 =	vor.u32 $0x13, v1;
	v54 =	vld.idx.msk [tilespmem:v44+s30+$0x0], $0xffff;
	v53 =	vmul.f32 v42, v9;
	v3 =	vadd.f32 v49, v3  }
0x46c: {  	v56 =	vor.u32 $0x14, v1;
	v14 =	vld.idx.msk [tilespmem:v43+s28+$0x0], $0xffff  }
0x46d: {  	v55 =	vor.u32 $0x14, v2;
	v58 =	vld.idx.msk [tilespmem:v48+s30+$0x0], $0xffff;
	v57 =	vmul.f32 v46, v11;
	v3 =	vadd.f32 v53, v3  }
0x46e: {  	v60 =	vor.u32 $0x15, v1;
	v10 =	vld.idx.msk [tilespmem:v47+s28+$0x0], $0xffff  }
0x46f: {  	v59 =	vor.u32 $0x15, v2;
	v6 =	vld.idx.msk [tilespmem:v51+s28+$0x0], $0xffff;
	v61 =	vmul.f32 v50, v12;
	v3 =	vadd.f32 v57, v3  }
0x470: {  	v20 =	vor.u32 $0x16, v1;
	v62 =	vld.idx.msk [tilespmem:v52+s30+$0x0], $0xffff  }
0x471: {  	v63 =	vor.u32 $0x16, v2;
	v22 =	vld.idx.msk [tilespmem:v56+s30+$0x0], $0xffff;
	v21 =	vmul.f32 v54, v14;
	v3 =	vadd.f32 v61, v3  }
0x472: {  	v24 =	vor.u32 $0x17, v1;
	v9 =	vld.idx.msk [tilespmem:v55+s28+$0x0], $0xffff  }
0x473: {  	v26 =	vld.idx.msk [tilespmem:v60+s30+$0x0], $0xffff;
	v23 =	vor.u32 $0x17, v2;
	v25 =	vmul.f32 v58, v10;
	v3 =	vadd.f32 v21, v3  }
0x474: {  	v28 =	vor.u32 $0x18, v1;
	v11 =	vld.idx.msk [tilespmem:v59+s28+$0x0], $0xffff  }
0x475: {  	v27 =	vor.u32 $0x18, v2;
	v30 =	vld.idx.msk [tilespmem:v20+s30+$0x0], $0xffff;
	v29 =	vmul.f32 v62, v6;
	v3 =	vadd.f32 v25, v3  }
0x476: {  	v32 =	vor.u32 $0x19, v1;
	v12 =	vld.idx.msk [tilespmem:v63+s28+$0x0], $0xffff  }
0x477: {  	v31 =	vor.u32 $0x19, v2;
	v34 =	vld.idx.msk [tilespmem:v24+s30+$0x0], $0xffff;
	v33 =	vmul.f32 v22, v9;
	v3 =	vadd.f32 v29, v3  }
0x478: {  	v36 =	vor.u32 $0x1A, v1;
	v14 =	vld.idx.msk [tilespmem:v23+s28+$0x0], $0xffff  }
0x479: {  	v35 =	vor.u32 $0x1A, v2;
	v38 =	vld.idx.msk [tilespmem:v28+s30+$0x0], $0xffff;
	v37 =	vmul.f32 v26, v11;
	v3 =	vadd.f32 v33, v3  }
0x47a: {  	v40 =	vor.u32 $0x1B, v1;
	v10 =	vld.idx.msk [tilespmem:v27+s28+$0x0], $0xffff  }
0x47b: {  	v39 =	vor.u32 $0x1B, v2;
	v42 =	vld.idx.msk [tilespmem:v32+s30+$0x0], $0xffff;
	v41 =	vmul.f32 v30, v12;
	v3 =	vadd.f32 v37, v3  }
0x47c: {  	v44 =	vor.u32 $0x1C, v1;
	v6 =	vld.idx.msk [tilespmem:v31+s28+$0x0], $0xffff  }
0x47d: {  	v43 =	vor.u32 $0x1C, v2;
	v46 =	vld.idx.msk [tilespmem:v36+s30+$0x0], $0xffff;
	v45 =	vmul.f32 v34, v14;
	v3 =	vadd.f32 v41, v3  }
0x47e: {  	v47 =	vor.u32 $0x1D, v2;
	v9 =	vld.idx.msk [tilespmem:v35+s28+$0x0], $0xffff  }
0x47f: {  	v48 =	vor.u32 $0x1D, v1;
	v50 =	vld.idx.msk [tilespmem:v40+s30+$0x0], $0xffff;
	v49 =	vmul.f32 v38, v10;
	v3 =	vadd.f32 v45, v3  }
0x480: {  	v52 =	vor.u32 $0x1E, v1;
	v11 =	vld.idx.msk [tilespmem:v39+s28+$0x0], $0xffff  }
0x481: {  	v51 =	vor.u32 $0x1E, v2;
	v54 =	vld.idx.msk [tilespmem:v44+s30+$0x0], $0xffff;
	v53 =	vmul.f32 v42, v6;
	v3 =	vadd.f32 v49, v3  }
0x482: {  	v1 =	vor.u32 $0x1F, v1;
	v12 =	vld.idx.msk [tilespmem:v43+s28+$0x0], $0xffff  }
0x483: {  	v2 =	vor.u32 $0x1F, v2;
	v55 =	vld.idx.msk [tilespmem:v47+s28+$0x0], $0xffff;
	v56 =	vmul.f32 v46, v9;
	v3 =	vadd.f32 v53, v3  }
0x484: {  	v57 =	vld.idx.msk [tilespmem:v48+s30+$0x0], $0xffff  }
0x485: {  	v60 =	vld.idx.msk [tilespmem:v52+s30+$0x0], $0xffff;
	v59 =	vmul.f32 v50, v11;
	v3 =	vadd.f32 v56, v3  }
0x486: {  	v58 =	vld.idx.msk [tilespmem:v51+s28+$0x0], $0xffff  }
0x487: {  	v1 =	vld.idx.msk [tilespmem:v1+s30+$0x0], $0xffff;
	v61 =	vmul.f32 v54, v12;
	v3 =	vadd.f32 v59, v3  }
0x488: {  	v2 =	vld.idx.msk [tilespmem:v2+s28+$0x0], $0xffff  }
0x489: {  	v62 =	vmul.f32 v57, v55;
	v3 =	vadd.f32 v61, v3;
	_ =	sdelay $0x1  }
0x48a: {  	v63 =	vmul.f32 v60, v58;
	v3 =	vadd.f32 v62, v3;
	_ =	sdelay $0x1  }
0x48b: {  	v1 =	vmul.f32 v1, v2;
	v3 =	vadd.f32 v63, v3;
	_ =	sdelay $0x1  }
0x48c: {  	s26 =	sadd.s32 $0x1, s26;
	v1 =	vadd.f32 v1, v3  }
0x48d: {  	s23 =	sadd.s32 $0x10, s21;
	p0 =	sne.s32 s26, s16  }
.Ltmp4:
0x48e: {  	[tilespmem:s23+$0x0] =	vst v1;
	(pc) =	sbr.rel @p0 .LBB2_1-.Ltmp4, $4  }
0x48f: {  	[hbm4b:s15+s2] =	stream.linear.scatter [tilespmem:s8], [sflag:$0x4], $0x200, $0x38;
	[tilespmem:$0x10E00] =	vst v63  }
0x490: {  	_ =	swait.ge [sflag:s17], $0x200  }
0x491: {  	[sflag:s17] =	ssyncset.done $0x0  }
0x492: {  	[sflag:s17] =	ssyncadd.s32 $0xFFFFFE00  }
0x493: {  	_ =	sfence.sel $0x180000  }
0x494: {  	[bflag:$0x0] =	sbarrier.arrive $0xFFFF  }
0x495: {  	_ =	strace $0x90000047  }
0x496: {  	s0 =	stileid.u32;
	[bflag:$0x2] =	sbarrier.arrive $0xFFFF  }
0x497: {  	p0 =	sne.s32 s0, $0x0;
	s0 =	rddreg [dreg:$0x4]  }
0x498: {  	s0 =	sadd.s32 @!p0 $0x100000, s0  }
0x499: {  	[sflag:s0] =	ssyncadd.tile.s32 @!p0 $0x1;
	_ =	shalt  }
.Lfunc_end2:
_tile_overlayer_lowered:
.L_overlay_start_2:
0x49a: {  	(tag) =	ssettag $0x2  }
0x49b: {  	s0 =	rddreg [dreg:$0x0];
	s2 =	stileid.u32  }
0x49c: {  	s1 =	rddreg [dreg:$0x1];
	p0 =	sne.s32 s2, $0x0  }
0x49d: {  	s3 =	rddreg [dreg:$0x2];
	[bflag:$0x3] =	sbarrier.arrive $0xFFFF;
	s2 =	simm.s32 @!p0 $0x1C04  }
0x49e: {  	[timem:s3], [sflag:s2] =	dma.local @!p0 [hbm:s0], s1  }
0x49f: {  	s0 =	simm.s32 @!p0 $0x4  }
0x4a0: {  	_ =	swait.ge @!p0 [sflag:s0], s1  }
0x4a1: {  	s1 =	ssub.s32 @!p0 $0x0, s1;
	[sflag:s0] =	ssyncset.done @!p0 $0x0  }
0x4a2: {  	[sflag:s0] =	ssyncadd.s32 @!p0 s1  }
0x4a3: {  	[bflag:$0x3] =	sbarrier.arrive $0xFFFF  }
0x4a4: {  	_ =	shalt  }

</sc_bundles>
